<compile_context>
chip_gen: v7x
topology: tpu7x:2x2x1
jax: 0.10.2.dev20260603
libtpu: 0.0.44.dev20260713+nightly
codegen_flags: <defaults>
</compile_context>

<pallas_src>
import functools

import jax
import jax.numpy as jnp
from jax import lax
from jax.experimental import pallas as pl
from jax.experimental.pallas import tpu as pltpu
from jax.experimental.pallas import tpu_sc as plsc

N = 10000
E = 320000
IN_FEAT = 128
H1, H2 = 4, 1
D = 32

NUM_CORES = 2
NUM_SUBCORES = 16
NUM_TILES = NUM_CORES * NUM_SUBCORES
CHUNK = 128
NCHUNK = 80
E_PAD = NUM_TILES * NCHUNK * CHUNK
N_PAD = N + 8
ROW_A = 624
ROW_TAIL = N - NUM_SUBCORES * ROW_A

_F32 = jnp.float32
_I32 = jnp.int32


def _iota16():
    return lax.iota(_I32, 16)


def _full16(v):
    return jnp.full((16,), v, _I32)


def _sc_edge_layer(num_heads, er_base):
    HD = num_heads * D

    mesh = plsc.VectorSubcoreMesh(core_axis_name="c", subcore_axis_name="s")

    @functools.partial(
        pl.kernel,
        out_type=(
            jax.ShapeDtypeStruct((NUM_CORES, N, HD), _F32),
            jax.ShapeDtypeStruct((NUM_CORES, N, 8), _F32),
        ),
        mesh=mesh,
        scratch_types=[
            pltpu.VMEM((NCHUNK, CHUNK), _I32),
            pltpu.VMEM((NCHUNK, CHUNK), _I32),
            pltpu.VMEM((CHUNK, HD), _F32),
            pltpu.VMEM((CHUNK, 8), _F32),
            pltpu.VMEM((CHUNK, 8), _F32),
            pltpu.VMEM((CHUNK, 8), _F32),
            pltpu.VMEM((CHUNK * 8 + 8,), _F32),
            pltpu.VMEM_SHARED((N_PAD, HD), _F32),
            pltpu.VMEM_SHARED((N_PAD, 8), _F32),
            pltpu.SemaphoreType.DMA,
            pltpu.SemaphoreType.DMA,
        ],
        compiler_params=pltpu.CompilerParams(
            needs_layout_passes=False, use_tc_tiling_on_sc=False),
    )
    def edge_kernel(feat, elr, src_r, dst_r, z_agg, z8,
                    aggp, denp, srcv, dstv, rows, elrow, errow, eep, eef,
                    aggs, dens, sem, sem2):
        cid = lax.axis_index("c")
        sid = lax.axis_index("s")
        base_row = (cid * NUM_SUBCORES + sid) * NCHUNK
        r0 = sid * ROW_A

        pltpu.sync_copy(z_agg.at[pl.ds(0, CHUNK)], rows)
        pltpu.sync_copy(z8.at[pl.ds(0, CHUNK)], eep)
        for k in range(ROW_A // CHUNK):
            pltpu.sync_copy(rows, aggs.at[pl.ds(r0 + k * CHUNK, CHUNK)])
            pltpu.sync_copy(eep, dens.at[pl.ds(r0 + k * CHUNK, CHUNK)])
        _rem = ROW_A % CHUNK
        if _rem:
            _o = r0 + (ROW_A // CHUNK) * CHUNK
            pltpu.sync_copy(rows.at[pl.ds(0, _rem)], aggs.at[pl.ds(_o, _rem)])
            pltpu.sync_copy(eep.at[pl.ds(0, _rem)], dens.at[pl.ds(_o, _rem)])

        @pl.when(sid == NUM_SUBCORES - 1)
        def _():
            t0 = NUM_SUBCORES * ROW_A
            pltpu.sync_copy(rows.at[pl.ds(0, ROW_TAIL)],
                            aggs.at[pl.ds(t0, ROW_TAIL)])
            pltpu.sync_copy(eep.at[pl.ds(0, ROW_TAIL)],
                            dens.at[pl.ds(t0, ROW_TAIL)])

        pltpu.sync_copy(src_r.at[pl.ds(base_row, NCHUNK)], srcv)
        pltpu.sync_copy(dst_r.at[pl.ds(base_row, NCHUNK)], dstv)
        plsc.subcore_barrier()

        def chunk_body(j, carry):
            d1 = pltpu.async_copy(elr.at[srcv.at[j]], elrow, sem)
            d2 = pltpu.async_copy(elr.at[dstv.at[j]], errow, sem)
            d3 = pltpu.async_copy(feat.at[srcv.at[j]], rows, sem2)
            d1.wait()
            d2.wait()
            for g in range(CHUNK // 16):
                ev = _iota16() + g * 16
                for h in range(num_heads):
                    el = plsc.load_gather(elrow, [ev, _full16(h)])
                    er = plsc.load_gather(errow, [ev, _full16(er_base + h)])
                    e = el + er
                    e = jnp.where(e >= 0.0, e, e * jnp.float32(0.2))
                    ee = jnp.exp(e)
                    plsc.store_scatter(eep, [ev, _full16(h)], ee)
                    plsc.store_scatter(eef, [ev * 8 + h], ee)
            d3.wait()
            def scale_body(i, c2):
                wv = eef[pl.ds(i * 8, 16)]
                for h in range(num_heads):
                    w = wv[h]
                    for q in range(D // 16):
                        col = h * D + q * 16
                        cv = _iota16() + col
                        iv = _full16(i)
                        r = plsc.load_gather(rows, [iv, cv])
                        plsc.store_scatter(rows, [iv, cv], r * w)
                return c2
            lax.fori_loop(0, CHUNK, scale_body, 0, unroll=4)
            pltpu.sync_copy(rows, aggs.at[dstv.at[j]], add=True)
            pltpu.sync_copy(eep, dens.at[dstv.at[j]], add=True)
            return carry

        lax.fori_loop(0, NCHUNK, chunk_body, 0)
        plsc.subcore_barrier()
        for k in range(ROW_A // CHUNK):
            _o = r0 + k * CHUNK
            pltpu.sync_copy(aggs.at[pl.ds(_o, CHUNK)], rows)
            pltpu.sync_copy(rows, aggp.at[cid, pl.ds(_o, CHUNK)])
            pltpu.sync_copy(dens.at[pl.ds(_o, CHUNK)], eep)
            pltpu.sync_copy(eep, denp.at[cid, pl.ds(_o, CHUNK)])
        if _rem:
            _o = r0 + (ROW_A // CHUNK) * CHUNK
            pltpu.sync_copy(aggs.at[pl.ds(_o, _rem)], rows.at[pl.ds(0, _rem)])
            pltpu.sync_copy(rows.at[pl.ds(0, _rem)],
                            aggp.at[cid, pl.ds(_o, _rem)])
            pltpu.sync_copy(dens.at[pl.ds(_o, _rem)], eep.at[pl.ds(0, _rem)])
            pltpu.sync_copy(eep.at[pl.ds(0, _rem)],
                            denp.at[cid, pl.ds(_o, _rem)])

        @pl.when(sid == NUM_SUBCORES - 1)
        def _():
            t0 = NUM_SUBCORES * ROW_A
            pltpu.sync_copy(aggs.at[pl.ds(t0, ROW_TAIL)],
                            rows.at[pl.ds(0, ROW_TAIL)])
            pltpu.sync_copy(rows.at[pl.ds(0, ROW_TAIL)],
                            aggp.at[cid, pl.ds(t0, ROW_TAIL)])
            pltpu.sync_copy(dens.at[pl.ds(t0, ROW_TAIL)],
                            eep.at[pl.ds(0, ROW_TAIL)])
            pltpu.sync_copy(eep.at[pl.ds(0, ROW_TAIL)],
                            denp.at[cid, pl.ds(t0, ROW_TAIL)])

    return edge_kernel


_ROW_BLK = 1000
_GRID = N // _ROW_BLK
_HIGHEST = lax.Precision.HIGHEST


def _tc_layer1(x, W1, Alr1):
    def body(x_ref, w_ref, a_ref, f_ref, e_ref):
        f = jnp.dot(x_ref[...], w_ref[...], precision=_HIGHEST,
                    preferred_element_type=_F32)
        f_ref[...] = f
        e_ref[...] = jnp.dot(f, a_ref[...], precision=_HIGHEST,
                             preferred_element_type=_F32)

    return pl.pallas_call(
        body,
        grid=(_GRID,),
        in_specs=[
            pl.BlockSpec((_ROW_BLK, IN_FEAT), lambda i: (i, 0)),
            pl.BlockSpec((IN_FEAT, H1 * D), lambda i: (0, 0)),
            pl.BlockSpec((H1 * D, 8), lambda i: (0, 0)),
        ],
        out_specs=[
            pl.BlockSpec((_ROW_BLK, H1 * D), lambda i: (i, 0)),
            pl.BlockSpec((_ROW_BLK, 8), lambda i: (i, 0)),
        ],
        out_shape=[
            jax.ShapeDtypeStruct((N, H1 * D), _F32),
            jax.ShapeDtypeStruct((N, 8), _F32),
        ],
    )(x, W1, Alr1)


def _tc_mid(aggp, denp, b1r, W2, Alr2, E8):
    def body(a_ref, d_ref, b_ref, w_ref, al_ref, e8_ref, f_ref, e_ref):
        agg = a_ref[0] + a_ref[1]
        den = d_ref[0] + d_ref[1]
        den_exp = jnp.dot(den, e8_ref[...], precision=_HIGHEST,
                          preferred_element_type=_F32)
        h1 = agg / (den_exp + jnp.float32(1e-9)) + b_ref[...]
        f2 = jnp.dot(h1, w_ref[...], precision=_HIGHEST,
                     preferred_element_type=_F32)
        f_ref[...] = f2
        e_ref[...] = jnp.dot(f2, al_ref[...], precision=_HIGHEST,
                             preferred_element_type=_F32)

    HD1 = H1 * D
    return pl.pallas_call(
        body,
        grid=(_GRID,),
        in_specs=[
            pl.BlockSpec((2, _ROW_BLK, HD1), lambda i: (0, i, 0)),
            pl.BlockSpec((2, _ROW_BLK, 8), lambda i: (0, i, 0)),
            pl.BlockSpec((1, HD1), lambda i: (0, 0)),
            pl.BlockSpec((HD1, H2 * D), lambda i: (0, 0)),
            pl.BlockSpec((H2 * D, 8), lambda i: (0, 0)),
            pl.BlockSpec((8, HD1), lambda i: (0, 0)),
        ],
        out_specs=[
            pl.BlockSpec((_ROW_BLK, H2 * D), lambda i: (i, 0)),
            pl.BlockSpec((_ROW_BLK, 8), lambda i: (i, 0)),
        ],
        out_shape=[
            jax.ShapeDtypeStruct((N, H2 * D), _F32),
            jax.ShapeDtypeStruct((N, 8), _F32),
        ],
    )(aggp, denp, b1r, W2, Alr2, E8)


def _tc_final(aggp, denp, b2r, Eb):
    def body(a_ref, d_ref, b_ref, eb_ref, o_ref):
        agg = a_ref[0] + a_ref[1]
        den = d_ref[0] + d_ref[1]
        den_exp = jnp.dot(den, eb_ref[...], precision=_HIGHEST,
                          preferred_element_type=_F32)
        o_ref[...] = agg / (den_exp + jnp.float32(1e-9)) + b_ref[...]

    HD2 = H2 * D
    return pl.pallas_call(
        body,
        grid=(_GRID,),
        in_specs=[
            pl.BlockSpec((2, _ROW_BLK, HD2), lambda i: (0, i, 0)),
            pl.BlockSpec((2, _ROW_BLK, 8), lambda i: (0, i, 0)),
            pl.BlockSpec((1, HD2), lambda i: (0, 0)),
            pl.BlockSpec((8, HD2), lambda i: (0, 0)),
        ],
        out_specs=pl.BlockSpec((_ROW_BLK, HD2), lambda i: (i, 0)),
        out_shape=jax.ShapeDtypeStruct((N, HD2), _F32),
    )(aggp, denp, b2r, Eb)


_edge_l1 = _sc_edge_layer(H1, er_base=4)
_edge_l2 = _sc_edge_layer(H2, er_base=1)


def kernel(x, edge_index, dst_node_ids, W1, al1, ar1, b1, W2, al2, ar2, b2):
    f32 = _F32
    x = x.astype(f32)

    eye1 = jnp.eye(H1, dtype=f32)
    Al1 = (al1[:, :, None] * eye1[:, None, :]).reshape(H1 * D, H1)
    Ar1 = (ar1[:, :, None] * eye1[:, None, :]).reshape(H1 * D, H1)
    Alr1 = jnp.concatenate([Al1, Ar1], axis=1)

    Al2 = al2.reshape(H2 * D, H2)
    Ar2 = ar2.reshape(H2 * D, H2)
    Alr2 = jnp.concatenate(
        [Al2, Ar2, jnp.zeros((H2 * D, 8 - 2 * H2), f32)], axis=1)

    E8 = jnp.concatenate(
        [jnp.repeat(jnp.eye(H1, dtype=f32), D, axis=1),
         jnp.zeros((8 - H1, H1 * D), f32)], axis=0)
    Eb = jnp.concatenate(
        [jnp.repeat(jnp.eye(H2, dtype=f32), D, axis=1),
         jnp.zeros((8 - H2, H2 * D), f32)], axis=0)

    pad = E_PAD - E
    src_r = jnp.concatenate(
        [edge_index[0], jnp.zeros((pad,), _I32)]).reshape(E_PAD // CHUNK, CHUNK)
    dst_r = jnp.concatenate(
        [edge_index[1], jnp.full((pad,), N, _I32)]).reshape(E_PAD // CHUNK, CHUNK)

    z128 = jnp.zeros((N, H1 * D), f32)
    z32 = jnp.zeros((N, H2 * D), f32)
    z8 = jnp.zeros((N, 8), f32)

    neg = jnp.full((N_PAD - N, 8), -1e30, f32)

    feat1, elr1 = _tc_layer1(x, W1, Alr1)
    elr1p = jnp.concatenate([elr1, neg], axis=0)
    aggp1, denp1 = _edge_l1(feat1, elr1p, src_r, dst_r, z128, z8)
    feat2, elr2 = _tc_mid(aggp1, denp1, b1.reshape(1, H1 * D), W2, Alr2, E8)
    elr2p = jnp.concatenate([elr2, neg], axis=0)
    aggp2, denp2 = _edge_l2(feat2, elr2p, src_r, dst_r, z32, z8)
    h2 = _tc_final(aggp2, denp2, b2.reshape(1, H2 * D), Eb)
    return (h2, dst_node_ids)

# --- scband reference (transcript-rebuilt; emitter-appended) ---
"""Pipeline reference for scband-gat-80470507257934 (READ-ONLY COPY).

The authoritative reference and input builder live on the scoring server;
editing this copy changes nothing except your own understanding.
"""

import jax, jax.numpy as jnp
import numpy as np

N = 10000
E = 320000
IN_FEAT = 128
HEADS = [4, 1]
N_HIDDEN = 32


def setup_inputs(seed: int = 0):
    key = jax.random.key(seed)
    ks = jax.random.split(key, 12)
    x = jax.random.normal(ks[0], (N, IN_FEAT), dtype=jnp.float32)
    edge_index = jax.random.randint(ks[1], (2, E), 0, N, dtype=jnp.int32)
    dst_node_ids = jax.random.randint(ks[2], (1024,), 0, N, dtype=jnp.int32)
    W1 = jax.random.normal(ks[3], (IN_FEAT, HEADS[0] * N_HIDDEN), dtype=jnp.float32) * 0.1
    al1 = jax.random.normal(ks[4], (HEADS[0], N_HIDDEN), dtype=jnp.float32) * 0.1
    ar1 = jax.random.normal(ks[5], (HEADS[0], N_HIDDEN), dtype=jnp.float32) * 0.1
    b1 = jnp.zeros((HEADS[0] * N_HIDDEN,), dtype=jnp.float32)
    W2 = jax.random.normal(ks[6], (HEADS[0] * N_HIDDEN, HEADS[1] * N_HIDDEN), dtype=jnp.float32) * 0.1
    al2 = jax.random.normal(ks[7], (HEADS[1], N_HIDDEN), dtype=jnp.float32) * 0.1
    ar2 = jax.random.normal(ks[8], (HEADS[1], N_HIDDEN), dtype=jnp.float32) * 0.1
    b2 = jnp.zeros((HEADS[1] * N_HIDDEN,), dtype=jnp.float32)
    return {"x": x, "edge_index": edge_index, "dst_node_ids": dst_node_ids,
            "W1": W1, "al1": al1, "ar1": ar1, "b1": b1,
            "W2": W2, "al2": al2, "ar2": ar2, "b2": b2}


def gat_conv(h, src, dst, W, al, ar, b, num_heads, out_dim):
    # DGL GATConv semantics: fc -> per-head attention logits -> leaky_relu ->
    # edge softmax over incoming edges per dst node -> weighted sum -> bias
    n = h.shape[0]
    feat = (h @ W).reshape(n, num_heads, out_dim)
    el = jnp.sum(feat * al[None, :, :], axis=-1)  # [N, H]
    er = jnp.sum(feat * ar[None, :, :], axis=-1)  # [N, H]
    e = el[src] + er[dst]                          # [E, H]
    e = jax.nn.leaky_relu(e, negative_slope=0.2)
    e_max = jax.ops.segment_max(e, dst, num_segments=n)
    e_max = jnp.where(jnp.isfinite(e_max), e_max, 0.0)
    ee = jnp.exp(e - e_max[dst])
    denom = jax.ops.segment_sum(ee, dst, num_segments=n)
    alpha = ee / (denom[dst] + 1e-9)               # [E, H]
    msg = feat[src] * alpha[:, :, None]            # [E, H, D]
    out = jax.ops.segment_sum(msg, dst, num_segments=n)  # [N, H, D]
    out = out + b.reshape(1, num_heads, out_dim)
    return out


def reference(x, edge_index, dst_node_ids, W1, al1, ar1, b1, W2, al2, ar2, b2):
    h = x.astype(jnp.float32)
    src, dst = edge_index[0], edge_index[1]
    h = gat_conv(h, src, dst, W1, al1, ar1, b1, HEADS[0], N_HIDDEN)
    h = h.reshape(-1, h.shape[1] * h.shape[2])
    h = gat_conv(h, src, dst, W2, al2, ar2, b2, HEADS[1], N_HIDDEN)
    h = h.reshape(-1, h.shape[1] * h.shape[2])
    return (h, dst_node_ids)

if __name__ == "__main__":
    import jax
    _d = setup_inputs()
    print(jax.jit(kernel)(*tuple(_d.values())))

</pallas_src>

<mosaic_0001>
#map = affine_map<(d0, d1) -> (0, 0)>
#map1 = affine_map<(d0, d1) -> (0, 0, 0)>
module attributes {stable_mosaic.version = 14 : i64} {
  func.func @edge_kernel(%arg0: i32, %arg1: i32, %arg2: memref<10000x128xf32, #tpu.memory_space<hbm>>, %arg3: memref<10008x8xf32, #tpu.memory_space<hbm>>, %arg4: memref<2560x128xi32, #tpu.memory_space<hbm>>, %arg5: memref<2560x128xi32, #tpu.memory_space<hbm>>, %arg6: memref<10000x128xf32, #tpu.memory_space<hbm>>, %arg7: memref<10000x8xf32, #tpu.memory_space<hbm>>, %arg8: memref<2x10000x128xf32, #tpu.memory_space<hbm>>, %arg9: memref<2x10000x8xf32, #tpu.memory_space<hbm>>, %arg10: memref<80x128xi32, #tpu.memory_space<vmem>>, %arg11: memref<80x128xi32, #tpu.memory_space<vmem>>, %arg12: memref<128x128xf32, #tpu.memory_space<vmem>>, %arg13: memref<128x8xf32, #tpu.memory_space<vmem>>, %arg14: memref<128x8xf32, #tpu.memory_space<vmem>>, %arg15: memref<128x8xf32, #tpu.memory_space<vmem>>, %arg16: memref<1032xf32, #tpu.memory_space<vmem>>, %arg17: memref<10008x128xf32, #tpu.memory_space<vmem_shared>>, %arg18: memref<10008x8xf32, #tpu.memory_space<vmem_shared>>, %arg19: memref<!tpu.dma_semaphore, #tpu.memory_space<semaphore_mem>>, %arg20: memref<!tpu.dma_semaphore, #tpu.memory_space<semaphore_mem>>) attributes {dimension_semantics = [#tpu.dimension_semantics<core_parallel>, #tpu.dimension_semantics<subcore_parallel>], iteration_bounds = array<i64: 2, 16>, scalar_prefetch = 0 : i64, scratch_operands = 11 : i64, tpu.core_type = #tpu.core_type<sc_vector_subcore>, window_params = [{transform_indices = #map}, {transform_indices = #map}, {transform_indices = #map}, {transform_indices = #map}, {transform_indices = #map}, {transform_indices = #map}, {transform_indices = #map1}, {transform_indices = #map1}]} {
    %mul3A = arith.constant 16 : i32
    %mul3A_0 = arith.muli %arg0, %mul3A : i32
    %add3A = arith.addi %mul3A_0, %arg1 : i32
    %mul3A_1 = arith.constant 80 : i32
    %mul3A_2 = arith.muli %add3A, %mul3A_1 : i32
    %mul3A_3 = arith.constant 624 : i32
    %mul3A_4 = arith.muli %arg1, %mul3A_3 : i32
    "tpu.region"() ({
      %run_scoped3A = tpu.sem_alloc : memref<!tpu.dma_semaphore, #tpu.memory_space<semaphore_mem>>
      %dma_start3A = arith.constant 0 : i32
      %dma_start3A_46 = arith.constant 0 : i32
      %dma_start3A_47 = tpu.memref_slice %arg6[%dma_start3A, %dma_start3A_46] : memref<10000x128xf32, #tpu.memory_space<hbm>> -> memref<128x128xf32, #tpu.memory_space<hbm>>
      %dma_start3A_48 = arith.constant 0 : i32
      %dma_start3A_49 = arith.constant 0 : i32
      %dma_start3A_50 = tpu.memref_slice %arg6[%dma_start3A_48, %dma_start3A_49] : memref<10000x128xf32, #tpu.memory_space<hbm>> -> memref<128x128xf32, #tpu.memory_space<hbm>>
      tpu.enqueue_dma source(%dma_start3A_50 : memref<128x128xf32, #tpu.memory_space<hbm>>) target(%arg12 : memref<128x128xf32, #tpu.memory_space<vmem>>) target_semaphore(%run_scoped3A : memref<!tpu.dma_semaphore, #tpu.memory_space<semaphore_mem>>)
      %dma_wait3A = arith.constant 0 : i32
      %dma_wait3A_51 = arith.constant 0 : i32
      %dma_wait3A_52 = tpu.memref_slice %arg6[%dma_wait3A, %dma_wait3A_51] : memref<10000x128xf32, #tpu.memory_space<hbm>> -> memref<128x128xf32, #tpu.memory_space<hbm>>
      %dma_wait3A_53 = arith.constant 0 : i32
      %dma_wait3A_54 = arith.constant 0 : i32
      %dma_wait3A_55 = tpu.memref_slice %arg6[%dma_wait3A_53, %dma_wait3A_54] : memref<10000x128xf32, #tpu.memory_space<hbm>> -> memref<128x128xf32, #tpu.memory_space<hbm>>
      tpu.wait_dma2 semaphore(%run_scoped3A : memref<!tpu.dma_semaphore, #tpu.memory_space<semaphore_mem>>) src(%dma_wait3A_55 : memref<128x128xf32, #tpu.memory_space<hbm>>) dst(%arg12 : memref<128x128xf32, #tpu.memory_space<vmem>>)
      tpu.yield
    }) : () -> ()
    "tpu.region"() ({
      %run_scoped3A = tpu.sem_alloc : memref<!tpu.dma_semaphore, #tpu.memory_space<semaphore_mem>>
      %dma_start3A = arith.constant 0 : i32
      %dma_start3A_46 = arith.constant 0 : i32
      %dma_start3A_47 = tpu.memref_slice %arg7[%dma_start3A, %dma_start3A_46] : memref<10000x8xf32, #tpu.memory_space<hbm>> -> memref<128x8xf32, #tpu.memory_space<hbm>>
      %dma_start3A_48 = arith.constant 0 : i32
      %dma_start3A_49 = arith.constant 0 : i32
      %dma_start3A_50 = tpu.memref_slice %arg7[%dma_start3A_48, %dma_start3A_49] : memref<10000x8xf32, #tpu.memory_space<hbm>> -> memref<128x8xf32, #tpu.memory_space<hbm>>
      tpu.enqueue_dma source(%dma_start3A_50 : memref<128x8xf32, #tpu.memory_space<hbm>>) target(%arg15 : memref<128x8xf32, #tpu.memory_space<vmem>>) target_semaphore(%run_scoped3A : memref<!tpu.dma_semaphore, #tpu.memory_space<semaphore_mem>>)
      %dma_wait3A = arith.constant 0 : i32
      %dma_wait3A_51 = arith.constant 0 : i32
      %dma_wait3A_52 = tpu.memref_slice %arg7[%dma_wait3A, %dma_wait3A_51] : memref<10000x8xf32, #tpu.memory_space<hbm>> -> memref<128x8xf32, #tpu.memory_space<hbm>>
      %dma_wait3A_53 = arith.constant 0 : i32
      %dma_wait3A_54 = arith.constant 0 : i32
      %dma_wait3A_55 = tpu.memref_slice %arg7[%dma_wait3A_53, %dma_wait3A_54] : memref<10000x8xf32, #tpu.memory_space<hbm>> -> memref<128x8xf32, #tpu.memory_space<hbm>>
      tpu.wait_dma2 semaphore(%run_scoped3A : memref<!tpu.dma_semaphore, #tpu.memory_space<semaphore_mem>>) src(%dma_wait3A_55 : memref<128x8xf32, #tpu.memory_space<hbm>>) dst(%arg15 : memref<128x8xf32, #tpu.memory_space<vmem>>)
      tpu.yield
    }) : () -> ()
    %add3A_5 = arith.constant 0 : i32
    %add3A_6 = arith.addi %mul3A_4, %add3A_5 : i32
    "tpu.region"() ({
      %run_scoped3A = tpu.sem_alloc : memref<!tpu.dma_semaphore, #tpu.memory_space<semaphore_mem>>
      %dma_start3A = arith.constant 0 : i32
      %dma_start3A_46 = tpu.memref_slice %arg17[%add3A_6, %dma_start3A] : memref<10008x128xf32, #tpu.memory_space<vmem_shared>> -> memref<128x128xf32, #tpu.memory_space<vmem_shared>>
      %dma_start3A_47 = arith.constant 0 : i32
      %dma_start3A_48 = tpu.memref_slice %arg17[%add3A_6, %dma_start3A_47] : memref<10008x128xf32, #tpu.memory_space<vmem_shared>> -> memref<128x128xf32, #tpu.memory_space<vmem_shared>>
      tpu.enqueue_dma source(%arg12 : memref<128x128xf32, #tpu.memory_space<vmem>>) target(%dma_start3A_48 : memref<128x128xf32, #tpu.memory_space<vmem_shared>>) target_semaphore(%run_scoped3A : memref<!tpu.dma_semaphore, #tpu.memory_space<semaphore_mem>>)
      %dma_wait3A = arith.constant 0 : i32
      %dma_wait3A_49 = tpu.memref_slice %arg17[%add3A_6, %dma_wait3A] : memref<10008x128xf32, #tpu.memory_space<vmem_shared>> -> memref<128x128xf32, #tpu.memory_space<vmem_shared>>
      %dma_wait3A_50 = arith.constant 0 : i32
      %dma_wait3A_51 = tpu.memref_slice %arg17[%add3A_6, %dma_wait3A_50] : memref<10008x128xf32, #tpu.memory_space<vmem_shared>> -> memref<128x128xf32, #tpu.memory_space<vmem_shared>>
      tpu.wait_dma2 semaphore(%run_scoped3A : memref<!tpu.dma_semaphore, #tpu.memory_space<semaphore_mem>>) src(%arg12 : memref<128x128xf32, #tpu.memory_space<vmem>>) dst(%dma_wait3A_51 : memref<128x128xf32, #tpu.memory_space<vmem_shared>>)
      tpu.yield
    }) : () -> ()
    %add3A_7 = arith.constant 0 : i32
    %add3A_8 = arith.addi %mul3A_4, %add3A_7 : i32
    "tpu.region"() ({
      %run_scoped3A = tpu.sem_alloc : memref<!tpu.dma_semaphore, #tpu.memory_space<semaphore_mem>>
      %dma_start3A = arith.constant 0 : i32
      %dma_start3A_46 = tpu.memref_slice %arg18[%add3A_8, %dma_start3A] : memref<10008x8xf32, #tpu.memory_space<vmem_shared>> -> memref<128x8xf32, #tpu.memory_space<vmem_shared>>
      %dma_start3A_47 = arith.constant 0 : i32
      %dma_start3A_48 = tpu.memref_slice %arg18[%add3A_8, %dma_start3A_47] : memref<10008x8xf32, #tpu.memory_space<vmem_shared>> -> memref<128x8xf32, #tpu.memory_space<vmem_shared>>
      tpu.enqueue_dma source(%arg15 : memref<128x8xf32, #tpu.memory_space<vmem>>) target(%dma_start3A_48 : memref<128x8xf32, #tpu.memory_space<vmem_shared>>) target_semaphore(%run_scoped3A : memref<!tpu.dma_semaphore, #tpu.memory_space<semaphore_mem>>)
      %dma_wait3A = arith.constant 0 : i32
      %dma_wait3A_49 = tpu.memref_slice %arg18[%add3A_8, %dma_wait3A] : memref<10008x8xf32, #tpu.memory_space<vmem_shared>> -> memref<128x8xf32, #tpu.memory_space<vmem_shared>>
      %dma_wait3A_50 = arith.constant 0 : i32
      %dma_wait3A_51 = tpu.memref_slice %arg18[%add3A_8, %dma_wait3A_50] : memref<10008x8xf32, #tpu.memory_space<vmem_shared>> -> memref<128x8xf32, #tpu.memory_space<vmem_shared>>
      tpu.wait_dma2 semaphore(%run_scoped3A : memref<!tpu.dma_semaphore, #tpu.memory_space<semaphore_mem>>) src(%arg15 : memref<128x8xf32, #tpu.memory_space<vmem>>) dst(%dma_wait3A_51 : memref<128x8xf32, #tpu.memory_space<vmem_shared>>)
      tpu.yield
    }) : () -> ()
    %add3A_9 = arith.constant 128 : i32
    %add3A_10 = arith.addi %mul3A_4, %add3A_9 : i32
    "tpu.region"() ({
      %run_scoped3A = tpu.sem_alloc : memref<!tpu.dma_semaphore, #tpu.memory_space<semaphore_mem>>
      %dma_start3A = arith.constant 0 : i32
      %dma_start3A_46 = tpu.memref_slice %arg17[%add3A_10, %dma_start3A] : memref<10008x128xf32, #tpu.memory_space<vmem_shared>> -> memref<128x128xf32, #tpu.memory_space<vmem_shared>>
      %dma_start3A_47 = arith.constant 0 : i32
      %dma_start3A_48 = tpu.memref_slice %arg17[%add3A_10, %dma_start3A_47] : memref<10008x128xf32, #tpu.memory_space<vmem_shared>> -> memref<128x128xf32, #tpu.memory_space<vmem_shared>>
      tpu.enqueue_dma source(%arg12 : memref<128x128xf32, #tpu.memory_space<vmem>>) target(%dma_start3A_48 : memref<128x128xf32, #tpu.memory_space<vmem_shared>>) target_semaphore(%run_scoped3A : memref<!tpu.dma_semaphore, #tpu.memory_space<semaphore_mem>>)
      %dma_wait3A = arith.constant 0 : i32
      %dma_wait3A_49 = tpu.memref_slice %arg17[%add3A_10, %dma_wait3A] : memref<10008x128xf32, #tpu.memory_space<vmem_shared>> -> memref<128x128xf32, #tpu.memory_space<vmem_shared>>
      %dma_wait3A_50 = arith.constant 0 : i32
      %dma_wait3A_51 = tpu.memref_slice %arg17[%add3A_10, %dma_wait3A_50] : memref<10008x128xf32, #tpu.memory_space<vmem_shared>> -> memref<128x128xf32, #tpu.memory_space<vmem_shared>>
      tpu.wait_dma2 semaphore(%run_scoped3A : memref<!tpu.dma_semaphore, #tpu.memory_space<semaphore_mem>>) src(%arg12 : memref<128x128xf32, #tpu.memory_space<vmem>>) dst(%dma_wait3A_51 : memref<128x128xf32, #tpu.memory_space<vmem_shared>>)
      tpu.yield
    }) : () -> ()
    %add3A_11 = arith.constant 128 : i32
    %add3A_12 = arith.addi %mul3A_4, %add3A_11 : i32
    "tpu.region"() ({
      %run_scoped3A = tpu.sem_alloc : memref<!tpu.dma_semaphore, #tpu.memory_space<semaphore_mem>>
      %dma_start3A = arith.constant 0 : i32
      %dma_start3A_46 = tpu.memref_slice %arg18[%add3A_12, %dma_start3A] : memref<10008x8xf32, #tpu.memory_space<vmem_shared>> -> memref<128x8xf32, #tpu.memory_space<vmem_shared>>
      %dma_start3A_47 = arith.constant 0 : i32
      %dma_start3A_48 = tpu.memref_slice %arg18[%add3A_12, %dma_start3A_47] : memref<10008x8xf32, #tpu.memory_space<vmem_shared>> -> memref<128x8xf32, #tpu.memory_space<vmem_shared>>
      tpu.enqueue_dma source(%arg15 : memref<128x8xf32, #tpu.memory_space<vmem>>) target(%dma_start3A_48 : memref<128x8xf32, #tpu.memory_space<vmem_shared>>) target_semaphore(%run_scoped3A : memref<!tpu.dma_semaphore, #tpu.memory_space<semaphore_mem>>)
      %dma_wait3A = arith.constant 0 : i32
      %dma_wait3A_49 = tpu.memref_slice %arg18[%add3A_12, %dma_wait3A] : memref<10008x8xf32, #tpu.memory_space<vmem_shared>> -> memref<128x8xf32, #tpu.memory_space<vmem_shared>>
      %dma_wait3A_50 = arith.constant 0 : i32
      %dma_wait3A_51 = tpu.memref_slice %arg18[%add3A_12, %dma_wait3A_50] : memref<10008x8xf32, #tpu.memory_space<vmem_shared>> -> memref<128x8xf32, #tpu.memory_space<vmem_shared>>
      tpu.wait_dma2 semaphore(%run_scoped3A : memref<!tpu.dma_semaphore, #tpu.memory_space<semaphore_mem>>) src(%arg15 : memref<128x8xf32, #tpu.memory_space<vmem>>) dst(%dma_wait3A_51 : memref<128x8xf32, #tpu.memory_space<vmem_shared>>)
      tpu.yield
    }) : () -> ()
    %add3A_13 = arith.constant 256 : i32
    %add3A_14 = arith.addi %mul3A_4, %add3A_13 : i32
    "tpu.region"() ({
      %run_scoped3A = tpu.sem_alloc : memref<!tpu.dma_semaphore, #tpu.memory_space<semaphore_mem>>
      %dma_start3A = arith.constant 0 : i32
      %dma_start3A_46 = tpu.memref_slice %arg17[%add3A_14, %dma_start3A] : memref<10008x128xf32, #tpu.memory_space<vmem_shared>> -> memref<128x128xf32, #tpu.memory_space<vmem_shared>>
      %dma_start3A_47 = arith.constant 0 : i32
      %dma_start3A_48 = tpu.memref_slice %arg17[%add3A_14, %dma_start3A_47] : memref<10008x128xf32, #tpu.memory_space<vmem_shared>> -> memref<128x128xf32, #tpu.memory_space<vmem_shared>>
      tpu.enqueue_dma source(%arg12 : memref<128x128xf32, #tpu.memory_space<vmem>>) target(%dma_start3A_48 : memref<128x128xf32, #tpu.memory_space<vmem_shared>>) target_semaphore(%run_scoped3A : memref<!tpu.dma_semaphore, #tpu.memory_space<semaphore_mem>>)
      %dma_wait3A = arith.constant 0 : i32
      %dma_wait3A_49 = tpu.memref_slice %arg17[%add3A_14, %dma_wait3A] : memref<10008x128xf32, #tpu.memory_space<vmem_shared>> -> memref<128x128xf32, #tpu.memory_space<vmem_shared>>
      %dma_wait3A_50 = arith.constant 0 : i32
      %dma_wait3A_51 = tpu.memref_slice %arg17[%add3A_14, %dma_wait3A_50] : memref<10008x128xf32, #tpu.memory_space<vmem_shared>> -> memref<128x128xf32, #tpu.memory_space<vmem_shared>>
      tpu.wait_dma2 semaphore(%run_scoped3A : memref<!tpu.dma_semaphore, #tpu.memory_space<semaphore_mem>>) src(%arg12 : memref<128x128xf32, #tpu.memory_space<vmem>>) dst(%dma_wait3A_51 : memref<128x128xf32, #tpu.memory_space<vmem_shared>>)
      tpu.yield
    }) : () -> ()
    %add3A_15 = arith.constant 256 : i32
    %add3A_16 = arith.addi %mul3A_4, %add3A_15 : i32
    "tpu.region"() ({
      %run_scoped3A = tpu.sem_alloc : memref<!tpu.dma_semaphore, #tpu.memory_space<semaphore_mem>>
      %dma_start3A = arith.constant 0 : i32
      %dma_start3A_46 = tpu.memref_slice %arg18[%add3A_16, %dma_start3A] : memref<10008x8xf32, #tpu.memory_space<vmem_shared>> -> memref<128x8xf32, #tpu.memory_space<vmem_shared>>
      %dma_start3A_47 = arith.constant 0 : i32
      %dma_start3A_48 = tpu.memref_slice %arg18[%add3A_16, %dma_start3A_47] : memref<10008x8xf32, #tpu.memory_space<vmem_shared>> -> memref<128x8xf32, #tpu.memory_space<vmem_shared>>
      tpu.enqueue_dma source(%arg15 : memref<128x8xf32, #tpu.memory_space<vmem>>) target(%dma_start3A_48 : memref<128x8xf32, #tpu.memory_space<vmem_shared>>) target_semaphore(%run_scoped3A : memref<!tpu.dma_semaphore, #tpu.memory_space<semaphore_mem>>)
      %dma_wait3A = arith.constant 0 : i32
      %dma_wait3A_49 = tpu.memref_slice %arg18[%add3A_16, %dma_wait3A] : memref<10008x8xf32, #tpu.memory_space<vmem_shared>> -> memref<128x8xf32, #tpu.memory_space<vmem_shared>>
      %dma_wait3A_50 = arith.constant 0 : i32
      %dma_wait3A_51 = tpu.memref_slice %arg18[%add3A_16, %dma_wait3A_50] : memref<10008x8xf32, #tpu.memory_space<vmem_shared>> -> memref<128x8xf32, #tpu.memory_space<vmem_shared>>
      tpu.wait_dma2 semaphore(%run_scoped3A : memref<!tpu.dma_semaphore, #tpu.memory_space<semaphore_mem>>) src(%arg15 : memref<128x8xf32, #tpu.memory_space<vmem>>) dst(%dma_wait3A_51 : memref<128x8xf32, #tpu.memory_space<vmem_shared>>)
      tpu.yield
    }) : () -> ()
    %add3A_17 = arith.constant 384 : i32
    %add3A_18 = arith.addi %mul3A_4, %add3A_17 : i32
    "tpu.region"() ({
      %run_scoped3A = tpu.sem_alloc : memref<!tpu.dma_semaphore, #tpu.memory_space<semaphore_mem>>
      %dma_start3A = arith.constant 0 : i32
      %dma_start3A_46 = tpu.memref_slice %arg17[%add3A_18, %dma_start3A] : memref<10008x128xf32, #tpu.memory_space<vmem_shared>> -> memref<128x128xf32, #tpu.memory_space<vmem_shared>>
      %dma_start3A_47 = arith.constant 0 : i32
      %dma_start3A_48 = tpu.memref_slice %arg17[%add3A_18, %dma_start3A_47] : memref<10008x128xf32, #tpu.memory_space<vmem_shared>> -> memref<128x128xf32, #tpu.memory_space<vmem_shared>>
      tpu.enqueue_dma source(%arg12 : memref<128x128xf32, #tpu.memory_space<vmem>>) target(%dma_start3A_48 : memref<128x128xf32, #tpu.memory_space<vmem_shared>>) target_semaphore(%run_scoped3A : memref<!tpu.dma_semaphore, #tpu.memory_space<semaphore_mem>>)
      %dma_wait3A = arith.constant 0 : i32
      %dma_wait3A_49 = tpu.memref_slice %arg17[%add3A_18, %dma_wait3A] : memref<10008x128xf32, #tpu.memory_space<vmem_shared>> -> memref<128x128xf32, #tpu.memory_space<vmem_shared>>
      %dma_wait3A_50 = arith.constant 0 : i32
      %dma_wait3A_51 = tpu.memref_slice %arg17[%add3A_18, %dma_wait3A_50] : memref<10008x128xf32, #tpu.memory_space<vmem_shared>> -> memref<128x128xf32, #tpu.memory_space<vmem_shared>>
      tpu.wait_dma2 semaphore(%run_scoped3A : memref<!tpu.dma_semaphore, #tpu.memory_space<semaphore_mem>>) src(%arg12 : memref<128x128xf32, #tpu.memory_space<vmem>>) dst(%dma_wait3A_51 : memref<128x128xf32, #tpu.memory_space<vmem_shared>>)
      tpu.yield
    }) : () -> ()
    %add3A_19 = arith.constant 384 : i32
    %add3A_20 = arith.addi %mul3A_4, %add3A_19 : i32
    "tpu.region"() ({
      %run_scoped3A = tpu.sem_alloc : memref<!tpu.dma_semaphore, #tpu.memory_space<semaphore_mem>>
      %dma_start3A = arith.constant 0 : i32
      %dma_start3A_46 = tpu.memref_slice %arg18[%add3A_20, %dma_start3A] : memref<10008x8xf32, #tpu.memory_space<vmem_shared>> -> memref<128x8xf32, #tpu.memory_space<vmem_shared>>
      %dma_start3A_47 = arith.constant 0 : i32
      %dma_start3A_48 = tpu.memref_slice %arg18[%add3A_20, %dma_start3A_47] : memref<10008x8xf32, #tpu.memory_space<vmem_shared>> -> memref<128x8xf32, #tpu.memory_space<vmem_shared>>
      tpu.enqueue_dma source(%arg15 : memref<128x8xf32, #tpu.memory_space<vmem>>) target(%dma_start3A_48 : memref<128x8xf32, #tpu.memory_space<vmem_shared>>) target_semaphore(%run_scoped3A : memref<!tpu.dma_semaphore, #tpu.memory_space<semaphore_mem>>)
      %dma_wait3A = arith.constant 0 : i32
      %dma_wait3A_49 = tpu.memref_slice %arg18[%add3A_20, %dma_wait3A] : memref<10008x8xf32, #tpu.memory_space<vmem_shared>> -> memref<128x8xf32, #tpu.memory_space<vmem_shared>>
      %dma_wait3A_50 = arith.constant 0 : i32
      %dma_wait3A_51 = tpu.memref_slice %arg18[%add3A_20, %dma_wait3A_50] : memref<10008x8xf32, #tpu.memory_space<vmem_shared>> -> memref<128x8xf32, #tpu.memory_space<vmem_shared>>
      tpu.wait_dma2 semaphore(%run_scoped3A : memref<!tpu.dma_semaphore, #tpu.memory_space<semaphore_mem>>) src(%arg15 : memref<128x8xf32, #tpu.memory_space<vmem>>) dst(%dma_wait3A_51 : memref<128x8xf32, #tpu.memory_space<vmem_shared>>)
      tpu.yield
    }) : () -> ()
    %add3A_21 = arith.constant 512 : i32
    %add3A_22 = arith.addi %mul3A_4, %add3A_21 : i32
    "tpu.region"() ({
      %run_scoped3A = tpu.sem_alloc : memref<!tpu.dma_semaphore, #tpu.memory_space<semaphore_mem>>
      %dma_start3A = arith.constant 0 : i32
      %dma_start3A_46 = arith.constant 0 : i32
      %dma_start3A_47 = tpu.memref_slice %arg12[%dma_start3A, %dma_start3A_46] : memref<128x128xf32, #tpu.memory_space<vmem>> -> memref<112x128xf32, #tpu.memory_space<vmem>>
      %dma_start3A_48 = arith.constant 0 : i32
      %dma_start3A_49 = tpu.memref_slice %arg17[%add3A_22, %dma_start3A_48] : memref<10008x128xf32, #tpu.memory_space<vmem_shared>> -> memref<112x128xf32, #tpu.memory_space<vmem_shared>>
      %dma_start3A_50 = arith.constant 0 : i32
      %dma_start3A_51 = tpu.memref_slice %arg17[%add3A_22, %dma_start3A_50] : memref<10008x128xf32, #tpu.memory_space<vmem_shared>> -> memref<112x128xf32, #tpu.memory_space<vmem_shared>>
      %dma_start3A_52 = arith.constant 0 : i32
      %dma_start3A_53 = arith.constant 0 : i32
      %dma_start3A_54 = tpu.memref_slice %arg12[%dma_start3A_52, %dma_start3A_53] : memref<128x128xf32, #tpu.memory_space<vmem>> -> memref<112x128xf32, #tpu.memory_space<vmem>>
      tpu.enqueue_dma source(%dma_start3A_54 : memref<112x128xf32, #tpu.memory_space<vmem>>) target(%dma_start3A_51 : memref<112x128xf32, #tpu.memory_space<vmem_shared>>) target_semaphore(%run_scoped3A : memref<!tpu.dma_semaphore, #tpu.memory_space<semaphore_mem>>)
      %dma_wait3A = arith.constant 0 : i32
      %dma_wait3A_55 = arith.constant 0 : i32
      %dma_wait3A_56 = tpu.memref_slice %arg12[%dma_wait3A, %dma_wait3A_55] : memref<128x128xf32, #tpu.memory_space<vmem>> -> memref<112x128xf32, #tpu.memory_space<vmem>>
      %dma_wait3A_57 = arith.constant 0 : i32
      %dma_wait3A_58 = tpu.memref_slice %arg17[%add3A_22, %dma_wait3A_57] : memref<10008x128xf32, #tpu.memory_space<vmem_shared>> -> memref<112x128xf32, #tpu.memory_space<vmem_shared>>
      %dma_wait3A_59 = arith.constant 0 : i32
      %dma_wait3A_60 = tpu.memref_slice %arg17[%add3A_22, %dma_wait3A_59] : memref<10008x128xf32, #tpu.memory_space<vmem_shared>> -> memref<112x128xf32, #tpu.memory_space<vmem_shared>>
      %dma_wait3A_61 = arith.constant 0 : i32
      %dma_wait3A_62 = arith.constant 0 : i32
      %dma_wait3A_63 = tpu.memref_slice %arg12[%dma_wait3A_61, %dma_wait3A_62] : memref<128x128xf32, #tpu.memory_space<vmem>> -> memref<112x128xf32, #tpu.memory_space<vmem>>
      tpu.wait_dma2 semaphore(%run_scoped3A : memref<!tpu.dma_semaphore, #tpu.memory_space<semaphore_mem>>) src(%dma_wait3A_63 : memref<112x128xf32, #tpu.memory_space<vmem>>) dst(%dma_wait3A_60 : memref<112x128xf32, #tpu.memory_space<vmem_shared>>)
      tpu.yield
    }) : () -> ()
    "tpu.region"() ({
      %run_scoped3A = tpu.sem_alloc : memref<!tpu.dma_semaphore, #tpu.memory_space<semaphore_mem>>
      %dma_start3A = arith.constant 0 : i32
      %dma_start3A_46 = arith.constant 0 : i32
      %dma_start3A_47 = tpu.memref_slice %arg15[%dma_start3A, %dma_start3A_46] : memref<128x8xf32, #tpu.memory_space<vmem>> -> memref<112x8xf32, #tpu.memory_space<vmem>>
      %dma_start3A_48 = arith.constant 0 : i32
      %dma_start3A_49 = tpu.memref_slice %arg18[%add3A_22, %dma_start3A_48] : memref<10008x8xf32, #tpu.memory_space<vmem_shared>> -> memref<112x8xf32, #tpu.memory_space<vmem_shared>>
      %dma_start3A_50 = arith.constant 0 : i32
      %dma_start3A_51 = tpu.memref_slice %arg18[%add3A_22, %dma_start3A_50] : memref<10008x8xf32, #tpu.memory_space<vmem_shared>> -> memref<112x8xf32, #tpu.memory_space<vmem_shared>>
      %dma_start3A_52 = arith.constant 0 : i32
      %dma_start3A_53 = arith.constant 0 : i32
      %dma_start3A_54 = tpu.memref_slice %arg15[%dma_start3A_52, %dma_start3A_53] : memref<128x8xf32, #tpu.memory_space<vmem>> -> memref<112x8xf32, #tpu.memory_space<vmem>>
      tpu.enqueue_dma source(%dma_start3A_54 : memref<112x8xf32, #tpu.memory_space<vmem>>) target(%dma_start3A_51 : memref<112x8xf32, #tpu.memory_space<vmem_shared>>) target_semaphore(%run_scoped3A : memref<!tpu.dma_semaphore, #tpu.memory_space<semaphore_mem>>)
      %dma_wait3A = arith.constant 0 : i32
      %dma_wait3A_55 = arith.constant 0 : i32
      %dma_wait3A_56 = tpu.memref_slice %arg15[%dma_wait3A, %dma_wait3A_55] : memref<128x8xf32, #tpu.memory_space<vmem>> -> memref<112x8xf32, #tpu.memory_space<vmem>>
      %dma_wait3A_57 = arith.constant 0 : i32
      %dma_wait3A_58 = tpu.memref_slice %arg18[%add3A_22, %dma_wait3A_57] : memref<10008x8xf32, #tpu.memory_space<vmem_shared>> -> memref<112x8xf32, #tpu.memory_space<vmem_shared>>
      %dma_wait3A_59 = arith.constant 0 : i32
      %dma_wait3A_60 = tpu.memref_slice %arg18[%add3A_22, %dma_wait3A_59] : memref<10008x8xf32, #tpu.memory_space<vmem_shared>> -> memref<112x8xf32, #tpu.memory_space<vmem_shared>>
      %dma_wait3A_61 = arith.constant 0 : i32
      %dma_wait3A_62 = arith.constant 0 : i32
      %dma_wait3A_63 = tpu.memref_slice %arg15[%dma_wait3A_61, %dma_wait3A_62] : memref<128x8xf32, #tpu.memory_space<vmem>> -> memref<112x8xf32, #tpu.memory_space<vmem>>
      tpu.wait_dma2 semaphore(%run_scoped3A : memref<!tpu.dma_semaphore, #tpu.memory_space<semaphore_mem>>) src(%dma_wait3A_63 : memref<112x8xf32, #tpu.memory_space<vmem>>) dst(%dma_wait3A_60 : memref<112x8xf32, #tpu.memory_space<vmem_shared>>)
      tpu.yield
    }) : () -> ()
    %eq3A = arith.constant 15 : i32
    %eq3A_23 = arith.cmpi eq, %arg1, %eq3A : i32
    %convert_element_type3A = arith.extui %eq3A_23 : i1 to i32
    %cond3A = arith.constant 0 : i32
    %cond3A_24 = arith.cmpi ne, %convert_element_type3A, %cond3A : i32
    scf.if %cond3A_24 {
      "tpu.region"() ({
        %run_scoped3A = tpu.sem_alloc : memref<!tpu.dma_semaphore, #tpu.memory_space<semaphore_mem>>
        %dma_start3A = arith.constant 0 : i32
        %dma_start3A_46 = arith.constant 0 : i32
        %dma_start3A_47 = tpu.memref_slice %arg12[%dma_start3A, %dma_start3A_46] : memref<128x128xf32, #tpu.memory_space<vmem>> -> memref<16x128xf32, #tpu.memory_space<vmem>>
        %dma_start3A_48 = arith.constant 9984 : i32
        %dma_start3A_49 = arith.constant 0 : i32
        %dma_start3A_50 = tpu.memref_slice %arg17[%dma_start3A_48, %dma_start3A_49] : memref<10008x128xf32, #tpu.memory_space<vmem_shared>> -> memref<16x128xf32, #tpu.memory_space<vmem_shared>>
        %dma_start3A_51 = arith.constant 9984 : i32
        %dma_start3A_52 = arith.constant 0 : i32
        %dma_start3A_53 = tpu.memref_slice %arg17[%dma_start3A_51, %dma_start3A_52] : memref<10008x128xf32, #tpu.memory_space<vmem_shared>> -> memref<16x128xf32, #tpu.memory_space<vmem_shared>>
        %dma_start3A_54 = arith.constant 0 : i32
        %dma_start3A_55 = arith.constant 0 : i32
        %dma_start3A_56 = tpu.memref_slice %arg12[%dma_start3A_54, %dma_start3A_55] : memref<128x128xf32, #tpu.memory_space<vmem>> -> memref<16x128xf32, #tpu.memory_space<vmem>>
        tpu.enqueue_dma source(%dma_start3A_56 : memref<16x128xf32, #tpu.memory_space<vmem>>) target(%dma_start3A_53 : memref<16x128xf32, #tpu.memory_space<vmem_shared>>) target_semaphore(%run_scoped3A : memref<!tpu.dma_semaphore, #tpu.memory_space<semaphore_mem>>)
        %dma_wait3A = arith.constant 0 : i32
        %dma_wait3A_57 = arith.constant 0 : i32
        %dma_wait3A_58 = tpu.memref_slice %arg12[%dma_wait3A, %dma_wait3A_57] : memref<128x128xf32, #tpu.memory_space<vmem>> -> memref<16x128xf32, #tpu.memory_space<vmem>>
        %dma_wait3A_59 = arith.constant 9984 : i32
        %dma_wait3A_60 = arith.constant 0 : i32
        %dma_wait3A_61 = tpu.memref_slice %arg17[%dma_wait3A_59, %dma_wait3A_60] : memref<10008x128xf32, #tpu.memory_space<vmem_shared>> -> memref<16x128xf32, #tpu.memory_space<vmem_shared>>
        %dma_wait3A_62 = arith.constant 9984 : i32
        %dma_wait3A_63 = arith.constant 0 : i32
        %dma_wait3A_64 = tpu.memref_slice %arg17[%dma_wait3A_62, %dma_wait3A_63] : memref<10008x128xf32, #tpu.memory_space<vmem_shared>> -> memref<16x128xf32, #tpu.memory_space<vmem_shared>>
        %dma_wait3A_65 = arith.constant 0 : i32
        %dma_wait3A_66 = arith.constant 0 : i32
        %dma_wait3A_67 = tpu.memref_slice %arg12[%dma_wait3A_65, %dma_wait3A_66] : memref<128x128xf32, #tpu.memory_space<vmem>> -> memref<16x128xf32, #tpu.memory_space<vmem>>
        tpu.wait_dma2 semaphore(%run_scoped3A : memref<!tpu.dma_semaphore, #tpu.memory_space<semaphore_mem>>) src(%dma_wait3A_67 : memref<16x128xf32, #tpu.memory_space<vmem>>) dst(%dma_wait3A_64 : memref<16x128xf32, #tpu.memory_space<vmem_shared>>)
        tpu.yield
      }) : () -> ()
      "tpu.region"() ({
        %run_scoped3A = tpu.sem_alloc : memref<!tpu.dma_semaphore, #tpu.memory_space<semaphore_mem>>
        %dma_start3A = arith.constant 0 : i32
        %dma_start3A_46 = arith.constant 0 : i32
        %dma_start3A_47 = tpu.memref_slice %arg15[%dma_start3A, %dma_start3A_46] : memref<128x8xf32, #tpu.memory_space<vmem>> -> memref<16x8xf32, #tpu.memory_space<vmem>>
        %dma_start3A_48 = arith.constant 9984 : i32
        %dma_start3A_49 = arith.constant 0 : i32
        %dma_start3A_50 = tpu.memref_slice %arg18[%dma_start3A_48, %dma_start3A_49] : memref<10008x8xf32, #tpu.memory_space<vmem_shared>> -> memref<16x8xf32, #tpu.memory_space<vmem_shared>>
        %dma_start3A_51 = arith.constant 9984 : i32
        %dma_start3A_52 = arith.constant 0 : i32
        %dma_start3A_53 = tpu.memref_slice %arg18[%dma_start3A_51, %dma_start3A_52] : memref<10008x8xf32, #tpu.memory_space<vmem_shared>> -> memref<16x8xf32, #tpu.memory_space<vmem_shared>>
        %dma_start3A_54 = arith.constant 0 : i32
        %dma_start3A_55 = arith.constant 0 : i32
        %dma_start3A_56 = tpu.memref_slice %arg15[%dma_start3A_54, %dma_start3A_55] : memref<128x8xf32, #tpu.memory_space<vmem>> -> memref<16x8xf32, #tpu.memory_space<vmem>>
        tpu.enqueue_dma source(%dma_start3A_56 : memref<16x8xf32, #tpu.memory_space<vmem>>) target(%dma_start3A_53 : memref<16x8xf32, #tpu.memory_space<vmem_shared>>) target_semaphore(%run_scoped3A : memref<!tpu.dma_semaphore, #tpu.memory_space<semaphore_mem>>)
        %dma_wait3A = arith.constant 0 : i32
        %dma_wait3A_57 = arith.constant 0 : i32
        %dma_wait3A_58 = tpu.memref_slice %arg15[%dma_wait3A, %dma_wait3A_57] : memref<128x8xf32, #tpu.memory_space<vmem>> -> memref<16x8xf32, #tpu.memory_space<vmem>>
        %dma_wait3A_59 = arith.constant 9984 : i32
        %dma_wait3A_60 = arith.constant 0 : i32
        %dma_wait3A_61 = tpu.memref_slice %arg18[%dma_wait3A_59, %dma_wait3A_60] : memref<10008x8xf32, #tpu.memory_space<vmem_shared>> -> memref<16x8xf32, #tpu.memory_space<vmem_shared>>
        %dma_wait3A_62 = arith.constant 9984 : i32
        %dma_wait3A_63 = arith.constant 0 : i32
        %dma_wait3A_64 = tpu.memref_slice %arg18[%dma_wait3A_62, %dma_wait3A_63] : memref<10008x8xf32, #tpu.memory_space<vmem_shared>> -> memref<16x8xf32, #tpu.memory_space<vmem_shared>>
        %dma_wait3A_65 = arith.constant 0 : i32
        %dma_wait3A_66 = arith.constant 0 : i32
        %dma_wait3A_67 = tpu.memref_slice %arg15[%dma_wait3A_65, %dma_wait3A_66] : memref<128x8xf32, #tpu.memory_space<vmem>> -> memref<16x8xf32, #tpu.memory_space<vmem>>
        tpu.wait_dma2 semaphore(%run_scoped3A : memref<!tpu.dma_semaphore, #tpu.memory_space<semaphore_mem>>) src(%dma_wait3A_67 : memref<16x8xf32, #tpu.memory_space<vmem>>) dst(%dma_wait3A_64 : memref<16x8xf32, #tpu.memory_space<vmem_shared>>)
        tpu.yield
      }) : () -> ()
    } else {
    }
    "tpu.region"() ({
      %run_scoped3A = tpu.sem_alloc : memref<!tpu.dma_semaphore, #tpu.memory_space<semaphore_mem>>
      %dma_start3A = arith.constant 0 : i32
      %dma_start3A_46 = tpu.memref_slice %arg4[%mul3A_2, %dma_start3A] : memref<2560x128xi32, #tpu.memory_space<hbm>> -> memref<80x128xi32, #tpu.memory_space<hbm>>
      %dma_start3A_47 = arith.constant 0 : i32
      %dma_start3A_48 = tpu.memref_slice %arg4[%mul3A_2, %dma_start3A_47] : memref<2560x128xi32, #tpu.memory_space<hbm>> -> memref<80x128xi32, #tpu.memory_space<hbm>>
      tpu.enqueue_dma source(%dma_start3A_48 : memref<80x128xi32, #tpu.memory_space<hbm>>) target(%arg10 : memref<80x128xi32, #tpu.memory_space<vmem>>) target_semaphore(%run_scoped3A : memref<!tpu.dma_semaphore, #tpu.memory_space<semaphore_mem>>)
      %dma_wait3A = arith.constant 0 : i32
      %dma_wait3A_49 = tpu.memref_slice %arg4[%mul3A_2, %dma_wait3A] : memref<2560x128xi32, #tpu.memory_space<hbm>> -> memref<80x128xi32, #tpu.memory_space<hbm>>
      %dma_wait3A_50 = arith.constant 0 : i32
      %dma_wait3A_51 = tpu.memref_slice %arg4[%mul3A_2, %dma_wait3A_50] : memref<2560x128xi32, #tpu.memory_space<hbm>> -> memref<80x128xi32, #tpu.memory_space<hbm>>
      tpu.wait_dma2 semaphore(%run_scoped3A : memref<!tpu.dma_semaphore, #tpu.memory_space<semaphore_mem>>) src(%dma_wait3A_51 : memref<80x128xi32, #tpu.memory_space<hbm>>) dst(%arg10 : memref<80x128xi32, #tpu.memory_space<vmem>>)
      tpu.yield
    }) : () -> ()
    "tpu.region"() ({
      %run_scoped3A = tpu.sem_alloc : memref<!tpu.dma_semaphore, #tpu.memory_space<semaphore_mem>>
      %dma_start3A = arith.constant 0 : i32
      %dma_start3A_46 = tpu.memref_slice %arg5[%mul3A_2, %dma_start3A] : memref<2560x128xi32, #tpu.memory_space<hbm>> -> memref<80x128xi32, #tpu.memory_space<hbm>>
      %dma_start3A_47 = arith.constant 0 : i32
      %dma_start3A_48 = tpu.memref_slice %arg5[%mul3A_2, %dma_start3A_47] : memref<2560x128xi32, #tpu.memory_space<hbm>> -> memref<80x128xi32, #tpu.memory_space<hbm>>
      tpu.enqueue_dma source(%dma_start3A_48 : memref<80x128xi32, #tpu.memory_space<hbm>>) target(%arg11 : memref<80x128xi32, #tpu.memory_space<vmem>>) target_semaphore(%run_scoped3A : memref<!tpu.dma_semaphore, #tpu.memory_space<semaphore_mem>>)
      %dma_wait3A = arith.constant 0 : i32
      %dma_wait3A_49 = tpu.memref_slice %arg5[%mul3A_2, %dma_wait3A] : memref<2560x128xi32, #tpu.memory_space<hbm>> -> memref<80x128xi32, #tpu.memory_space<hbm>>
      %dma_wait3A_50 = arith.constant 0 : i32
      %dma_wait3A_51 = tpu.memref_slice %arg5[%mul3A_2, %dma_wait3A_50] : memref<2560x128xi32, #tpu.memory_space<hbm>> -> memref<80x128xi32, #tpu.memory_space<hbm>>
      tpu.wait_dma2 semaphore(%run_scoped3A : memref<!tpu.dma_semaphore, #tpu.memory_space<semaphore_mem>>) src(%dma_wait3A_51 : memref<80x128xi32, #tpu.memory_space<hbm>>) dst(%arg11 : memref<80x128xi32, #tpu.memory_space<vmem>>)
      tpu.yield
    }) : () -> ()
    %barrier3A = arith.constant 0 : index
    tpu.barrier barrier_id(%barrier3A)
    %scan3A = arith.constant 0 : i32
    %scan3A_25 = arith.constant 0 : i32
    %scan3A_26 = arith.constant 80 : i32
    %scan3A_27 = arith.addi %scan3A_25, %scan3A_26 : i32
    %scan3A_28 = arith.constant 1 : i32
    scf.for %scan3A_46 = %scan3A_25 to %scan3A_27 step %scan3A_28  : i32 {
      %dma_start3A = arith.constant 0 : i32
      %dma_start3A_47 = tpu.memref_slice %arg10[%scan3A_46, %dma_start3A] : memref<80x128xi32, #tpu.memory_space<vmem>> -> memref<1x128xi32, #tpu.memory_space<vmem>>
      %dma_start3A_48 = tpu.memref_squeeze %dma_start3A_47 : memref<1x128xi32, #tpu.memory_space<vmem>> -> memref<128xi32, #tpu.memory_space<vmem>>
      %dma_start3A_49 = arith.constant 0 : i32
      %dma_start3A_50 = arith.constant 0 : i32
      %dma_start3A_51 = tpu.memref_slice %arg3[%dma_start3A_49, %dma_start3A_50] : memref<10008x8xf32, #tpu.memory_space<hbm>> -> memref<10008x8xf32, #tpu.memory_space<hbm>>
      tpu.enqueue_indirect_dma source(%dma_start3A_51 : memref<10008x8xf32, #tpu.memory_space<hbm>>) target(%arg13 : memref<128x8xf32, #tpu.memory_space<vmem>>) offsets(%dma_start3A_48 : memref<128xi32, #tpu.memory_space<vmem>>) semaphore(%arg19 : memref<!tpu.dma_semaphore, #tpu.memory_space<semaphore_mem>>)
      %dma_start3A_52 = arith.constant 0 : i32
      %dma_start3A_53 = tpu.memref_slice %arg11[%scan3A_46, %dma_start3A_52] : memref<80x128xi32, #tpu.memory_space<vmem>> -> memref<1x128xi32, #tpu.memory_space<vmem>>
      %dma_start3A_54 = tpu.memref_squeeze %dma_start3A_53 : memref<1x128xi32, #tpu.memory_space<vmem>> -> memref<128xi32, #tpu.memory_space<vmem>>
      %dma_start3A_55 = arith.constant 0 : i32
      %dma_start3A_56 = arith.constant 0 : i32
      %dma_start3A_57 = tpu.memref_slice %arg3[%dma_start3A_55, %dma_start3A_56] : memref<10008x8xf32, #tpu.memory_space<hbm>> -> memref<10008x8xf32, #tpu.memory_space<hbm>>
      tpu.enqueue_indirect_dma source(%dma_start3A_57 : memref<10008x8xf32, #tpu.memory_space<hbm>>) target(%arg14 : memref<128x8xf32, #tpu.memory_space<vmem>>) offsets(%dma_start3A_54 : memref<128xi32, #tpu.memory_space<vmem>>) semaphore(%arg19 : memref<!tpu.dma_semaphore, #tpu.memory_space<semaphore_mem>>)
      %dma_start3A_58 = arith.constant 0 : i32
      %dma_start3A_59 = tpu.memref_slice %arg10[%scan3A_46, %dma_start3A_58] : memref<80x128xi32, #tpu.memory_space<vmem>> -> memref<1x128xi32, #tpu.memory_space<vmem>>
      %dma_start3A_60 = tpu.memref_squeeze %dma_start3A_59 : memref<1x128xi32, #tpu.memory_space<vmem>> -> memref<128xi32, #tpu.memory_space<vmem>>
      %dma_start3A_61 = arith.constant 0 : i32
      %dma_start3A_62 = arith.constant 0 : i32
      %dma_start3A_63 = tpu.memref_slice %arg2[%dma_start3A_61, %dma_start3A_62] : memref<10000x128xf32, #tpu.memory_space<hbm>> -> memref<10000x128xf32, #tpu.memory_space<hbm>>
      tpu.enqueue_indirect_dma source(%dma_start3A_63 : memref<10000x128xf32, #tpu.memory_space<hbm>>) target(%arg12 : memref<128x128xf32, #tpu.memory_space<vmem>>) offsets(%dma_start3A_60 : memref<128xi32, #tpu.memory_space<vmem>>) semaphore(%arg20 : memref<!tpu.dma_semaphore, #tpu.memory_space<semaphore_mem>>)
      %dma_wait3A = arith.constant 0 : i32
      %dma_wait3A_64 = tpu.memref_slice %arg10[%scan3A_46, %dma_wait3A] : memref<80x128xi32, #tpu.memory_space<vmem>> -> memref<1x128xi32, #tpu.memory_space<vmem>>
      %dma_wait3A_65 = tpu.memref_squeeze %dma_wait3A_64 : memref<1x128xi32, #tpu.memory_space<vmem>> -> memref<128xi32, #tpu.memory_space<vmem>>
      %dma_wait3A_66 = arith.constant 0 : i32
      %dma_wait3A_67 = arith.constant 0 : i32
      %dma_wait3A_68 = tpu.memref_slice %arg3[%dma_wait3A_66, %dma_wait3A_67] : memref<10008x8xf32, #tpu.memory_space<hbm>> -> memref<10008x8xf32, #tpu.memory_space<hbm>>
      tpu.wait_indirect_dma semaphore(%arg19 : memref<!tpu.dma_semaphore, #tpu.memory_space<semaphore_mem>>) src(%dma_wait3A_68 : memref<10008x8xf32, #tpu.memory_space<hbm>>) dst(%arg13 : memref<128x8xf32, #tpu.memory_space<vmem>>)
      %dma_wait3A_69 = arith.constant 0 : i32
      %dma_wait3A_70 = tpu.memref_slice %arg11[%scan3A_46, %dma_wait3A_69] : memref<80x128xi32, #tpu.memory_space<vmem>> -> memref<1x128xi32, #tpu.memory_space<vmem>>
      %dma_wait3A_71 = tpu.memref_squeeze %dma_wait3A_70 : memref<1x128xi32, #tpu.memory_space<vmem>> -> memref<128xi32, #tpu.memory_space<vmem>>
      %dma_wait3A_72 = arith.constant 0 : i32
      %dma_wait3A_73 = arith.constant 0 : i32
      %dma_wait3A_74 = tpu.memref_slice %arg3[%dma_wait3A_72, %dma_wait3A_73] : memref<10008x8xf32, #tpu.memory_space<hbm>> -> memref<10008x8xf32, #tpu.memory_space<hbm>>
      tpu.wait_indirect_dma semaphore(%arg19 : memref<!tpu.dma_semaphore, #tpu.memory_space<semaphore_mem>>) src(%dma_wait3A_74 : memref<10008x8xf32, #tpu.memory_space<hbm>>) dst(%arg14 : memref<128x8xf32, #tpu.memory_space<vmem>>)
      %iota3A = tpu.iota {dimensions = array<i32: 0>} : vector<16xi32>
      %add3A_75 = arith.constant 0 : i32
      %add3A_76 = vector.broadcast %add3A_75 : i32 to vector<16xi32>
      %add3A_77 = arith.addi %iota3A, %add3A_76 : vector<16xi32>
      %broadcast_in_dim3A = arith.constant 0 : i32
      %broadcast_in_dim3A_78 = vector.broadcast %broadcast_in_dim3A : i32 to vector<16xi32>
      %gather3A = tpu.vector_load_idx %arg13[%add3A_77, %broadcast_in_dim3A_78] : memref<128x8xf32, #tpu.memory_space<vmem>>[vector<16xi32>, vector<16xi32>], vector<16xf32>,
      %broadcast_in_dim3A_79 = arith.constant 4 : i32
      %broadcast_in_dim3A_80 = vector.broadcast %broadcast_in_dim3A_79 : i32 to vector<16xi32>
      %gather3A_81 = tpu.vector_load_idx %arg14[%add3A_77, %broadcast_in_dim3A_80] : memref<128x8xf32, #tpu.memory_space<vmem>>[vector<16xi32>, vector<16xi32>], vector<16xf32>,
      %add3A_82 = arith.addf %gather3A, %gather3A_81 : vector<16xf32>
      %ge3A = arith.constant 0.000000e+00 : f32
      %ge3A_83 = vector.broadcast %ge3A : f32 to vector<16xf32>
      %ge3A_84 = arith.cmpf oge, %add3A_82, %ge3A_83 : vector<16xf32>
      %mul3A_85 = arith.constant 2.000000e-01 : f32
      %mul3A_86 = vector.broadcast %mul3A_85 : f32 to vector<16xf32>
      %mul3A_87 = arith.mulf %add3A_82, %mul3A_86 : vector<16xf32>
      %select_n3A = arith.select %ge3A_84, %add3A_82, %mul3A_87 : vector<16xi1>, vector<16xf32>
      %exp3A = math.exp %select_n3A : vector<16xf32>
      %broadcast_in_dim3A_88 = arith.constant 0 : i32
      %broadcast_in_dim3A_89 = vector.broadcast %broadcast_in_dim3A_88 : i32 to vector<16xi32>
      tpu.vector_store_idx %arg15[%add3A_77, %broadcast_in_dim3A_89], %exp3A : memref<128x8xf32, #tpu.memory_space<vmem>>[vector<16xi32>, vector<16xi32>], vector<16xf32>,
      %mul3A_90 = arith.constant 8 : i32
      %mul3A_91 = vector.broadcast %mul3A_90 : i32 to vector<16xi32>
      %mul3A_92 = arith.muli %add3A_77, %mul3A_91 : vector<16xi32>
      %add3A_93 = arith.constant 0 : i32
      %add3A_94 = vector.broadcast %add3A_93 : i32 to vector<16xi32>
      %add3A_95 = arith.addi %mul3A_92, %add3A_94 : vector<16xi32>
      tpu.vector_store_idx %arg16[%add3A_95], %exp3A : memref<1032xf32, #tpu.memory_space<vmem>>[vector<16xi32>], vector<16xf32>,
      %broadcast_in_dim3A_96 = arith.constant 1 : i32
      %broadcast_in_dim3A_97 = vector.broadcast %broadcast_in_dim3A_96 : i32 to vector<16xi32>
      %gather3A_98 = tpu.vector_load_idx %arg13[%add3A_77, %broadcast_in_dim3A_97] : memref<128x8xf32, #tpu.memory_space<vmem>>[vector<16xi32>, vector<16xi32>], vector<16xf32>,
      %broadcast_in_dim3A_99 = arith.constant 5 : i32
      %broadcast_in_dim3A_100 = vector.broadcast %broadcast_in_dim3A_99 : i32 to vector<16xi32>
      %gather3A_101 = tpu.vector_load_idx %arg14[%add3A_77, %broadcast_in_dim3A_100] : memref<128x8xf32, #tpu.memory_space<vmem>>[vector<16xi32>, vector<16xi32>], vector<16xf32>,
      %add3A_102 = arith.addf %gather3A_98, %gather3A_101 : vector<16xf32>
      %ge3A_103 = arith.constant 0.000000e+00 : f32
      %ge3A_104 = vector.broadcast %ge3A_103 : f32 to vector<16xf32>
      %ge3A_105 = arith.cmpf oge, %add3A_102, %ge3A_104 : vector<16xf32>
      %mul3A_106 = arith.constant 2.000000e-01 : f32
      %mul3A_107 = vector.broadcast %mul3A_106 : f32 to vector<16xf32>
      %mul3A_108 = arith.mulf %add3A_102, %mul3A_107 : vector<16xf32>
      %select_n3A_109 = arith.select %ge3A_105, %add3A_102, %mul3A_108 : vector<16xi1>, vector<16xf32>
      %exp3A_110 = math.exp %select_n3A_109 : vector<16xf32>
      %broadcast_in_dim3A_111 = arith.constant 1 : i32
      %broadcast_in_dim3A_112 = vector.broadcast %broadcast_in_dim3A_111 : i32 to vector<16xi32>
      tpu.vector_store_idx %arg15[%add3A_77, %broadcast_in_dim3A_112], %exp3A_110 : memref<128x8xf32, #tpu.memory_space<vmem>>[vector<16xi32>, vector<16xi32>], vector<16xf32>,
      %mul3A_113 = arith.constant 8 : i32
      %mul3A_114 = vector.broadcast %mul3A_113 : i32 to vector<16xi32>
      %mul3A_115 = arith.muli %add3A_77, %mul3A_114 : vector<16xi32>
      %add3A_116 = arith.constant 1 : i32
      %add3A_117 = vector.broadcast %add3A_116 : i32 to vector<16xi32>
      %add3A_118 = arith.addi %mul3A_115, %add3A_117 : vector<16xi32>
      tpu.vector_store_idx %arg16[%add3A_118], %exp3A_110 : memref<1032xf32, #tpu.memory_space<vmem>>[vector<16xi32>], vector<16xf32>,
      %broadcast_in_dim3A_119 = arith.constant 2 : i32
      %broadcast_in_dim3A_120 = vector.broadcast %broadcast_in_dim3A_119 : i32 to vector<16xi32>
      %gather3A_121 = tpu.vector_load_idx %arg13[%add3A_77, %broadcast_in_dim3A_120] : memref<128x8xf32, #tpu.memory_space<vmem>>[vector<16xi32>, vector<16xi32>], vector<16xf32>,
      %broadcast_in_dim3A_122 = arith.constant 6 : i32
      %broadcast_in_dim3A_123 = vector.broadcast %broadcast_in_dim3A_122 : i32 to vector<16xi32>
      %gather3A_124 = tpu.vector_load_idx %arg14[%add3A_77, %broadcast_in_dim3A_123] : memref<128x8xf32, #tpu.memory_space<vmem>>[vector<16xi32>, vector<16xi32>], vector<16xf32>,
      %add3A_125 = arith.addf %gather3A_121, %gather3A_124 : vector<16xf32>
      %ge3A_126 = arith.constant 0.000000e+00 : f32
      %ge3A_127 = vector.broadcast %ge3A_126 : f32 to vector<16xf32>
      %ge3A_128 = arith.cmpf oge, %add3A_125, %ge3A_127 : vector<16xf32>
      %mul3A_129 = arith.constant 2.000000e-01 : f32
      %mul3A_130 = vector.broadcast %mul3A_129 : f32 to vector<16xf32>
      %mul3A_131 = arith.mulf %add3A_125, %mul3A_130 : vector<16xf32>
      %select_n3A_132 = arith.select %ge3A_128, %add3A_125, %mul3A_131 : vector<16xi1>, vector<16xf32>
      %exp3A_133 = math.exp %select_n3A_132 : vector<16xf32>
      %broadcast_in_dim3A_134 = arith.constant 2 : i32
      %broadcast_in_dim3A_135 = vector.broadcast %broadcast_in_dim3A_134 : i32 to vector<16xi32>
      tpu.vector_store_idx %arg15[%add3A_77, %broadcast_in_dim3A_135], %exp3A_133 : memref<128x8xf32, #tpu.memory_space<vmem>>[vector<16xi32>, vector<16xi32>], vector<16xf32>,
      %mul3A_136 = arith.constant 8 : i32
      %mul3A_137 = vector.broadcast %mul3A_136 : i32 to vector<16xi32>
      %mul3A_138 = arith.muli %add3A_77, %mul3A_137 : vector<16xi32>
      %add3A_139 = arith.constant 2 : i32
      %add3A_140 = vector.broadcast %add3A_139 : i32 to vector<16xi32>
      %add3A_141 = arith.addi %mul3A_138, %add3A_140 : vector<16xi32>
      tpu.vector_store_idx %arg16[%add3A_141], %exp3A_133 : memref<1032xf32, #tpu.memory_space<vmem>>[vector<16xi32>], vector<16xf32>,
      %broadcast_in_dim3A_142 = arith.constant 3 : i32
      %broadcast_in_dim3A_143 = vector.broadcast %broadcast_in_dim3A_142 : i32 to vector<16xi32>
      %gather3A_144 = tpu.vector_load_idx %arg13[%add3A_77, %broadcast_in_dim3A_143] : memref<128x8xf32, #tpu.memory_space<vmem>>[vector<16xi32>, vector<16xi32>], vector<16xf32>,
      %broadcast_in_dim3A_145 = arith.constant 7 : i32
      %broadcast_in_dim3A_146 = vector.broadcast %broadcast_in_dim3A_145 : i32 to vector<16xi32>
      %gather3A_147 = tpu.vector_load_idx %arg14[%add3A_77, %broadcast_in_dim3A_146] : memref<128x8xf32, #tpu.memory_space<vmem>>[vector<16xi32>, vector<16xi32>], vector<16xf32>,
      %add3A_148 = arith.addf %gather3A_144, %gather3A_147 : vector<16xf32>
      %ge3A_149 = arith.constant 0.000000e+00 : f32
      %ge3A_150 = vector.broadcast %ge3A_149 : f32 to vector<16xf32>
      %ge3A_151 = arith.cmpf oge, %add3A_148, %ge3A_150 : vector<16xf32>
      %mul3A_152 = arith.constant 2.000000e-01 : f32
      %mul3A_153 = vector.broadcast %mul3A_152 : f32 to vector<16xf32>
      %mul3A_154 = arith.mulf %add3A_148, %mul3A_153 : vector<16xf32>
      %select_n3A_155 = arith.select %ge3A_151, %add3A_148, %mul3A_154 : vector<16xi1>, vector<16xf32>
      %exp3A_156 = math.exp %select_n3A_155 : vector<16xf32>
      %broadcast_in_dim3A_157 = arith.constant 3 : i32
      %broadcast_in_dim3A_158 = vector.broadcast %broadcast_in_dim3A_157 : i32 to vector<16xi32>
      tpu.vector_store_idx %arg15[%add3A_77, %broadcast_in_dim3A_158], %exp3A_156 : memref<128x8xf32, #tpu.memory_space<vmem>>[vector<16xi32>, vector<16xi32>], vector<16xf32>,
      %mul3A_159 = arith.constant 8 : i32
      %mul3A_160 = vector.broadcast %mul3A_159 : i32 to vector<16xi32>
      %mul3A_161 = arith.muli %add3A_77, %mul3A_160 : vector<16xi32>
      %add3A_162 = arith.constant 3 : i32
      %add3A_163 = vector.broadcast %add3A_162 : i32 to vector<16xi32>
      %add3A_164 = arith.addi %mul3A_161, %add3A_163 : vector<16xi32>
      tpu.vector_store_idx %arg16[%add3A_164], %exp3A_156 : memref<1032xf32, #tpu.memory_space<vmem>>[vector<16xi32>], vector<16xf32>,
      %iota3A_165 = tpu.iota {dimensions = array<i32: 0>} : vector<16xi32>
      %add3A_166 = arith.constant 16 : i32
      %add3A_167 = vector.broadcast %add3A_166 : i32 to vector<16xi32>
      %add3A_168 = arith.addi %iota3A_165, %add3A_167 : vector<16xi32>
      %broadcast_in_dim3A_169 = arith.constant 0 : i32
      %broadcast_in_dim3A_170 = vector.broadcast %broadcast_in_dim3A_169 : i32 to vector<16xi32>
      %gather3A_171 = tpu.vector_load_idx %arg13[%add3A_168, %broadcast_in_dim3A_170] : memref<128x8xf32, #tpu.memory_space<vmem>>[vector<16xi32>, vector<16xi32>], vector<16xf32>,
      %broadcast_in_dim3A_172 = arith.constant 4 : i32
      %broadcast_in_dim3A_173 = vector.broadcast %broadcast_in_dim3A_172 : i32 to vector<16xi32>
      %gather3A_174 = tpu.vector_load_idx %arg14[%add3A_168, %broadcast_in_dim3A_173] : memref<128x8xf32, #tpu.memory_space<vmem>>[vector<16xi32>, vector<16xi32>], vector<16xf32>,
      %add3A_175 = arith.addf %gather3A_171, %gather3A_174 : vector<16xf32>
      %ge3A_176 = arith.constant 0.000000e+00 : f32
      %ge3A_177 = vector.broadcast %ge3A_176 : f32 to vector<16xf32>
      %ge3A_178 = arith.cmpf oge, %add3A_175, %ge3A_177 : vector<16xf32>
      %mul3A_179 = arith.constant 2.000000e-01 : f32
      %mul3A_180 = vector.broadcast %mul3A_179 : f32 to vector<16xf32>
      %mul3A_181 = arith.mulf %add3A_175, %mul3A_180 : vector<16xf32>
      %select_n3A_182 = arith.select %ge3A_178, %add3A_175, %mul3A_181 : vector<16xi1>, vector<16xf32>
      %exp3A_183 = math.exp %select_n3A_182 : vector<16xf32>
      %broadcast_in_dim3A_184 = arith.constant 0 : i32
      %broadcast_in_dim3A_185 = vector.broadcast %broadcast_in_dim3A_184 : i32 to vector<16xi32>
      tpu.vector_store_idx %arg15[%add3A_168, %broadcast_in_dim3A_185], %exp3A_183 : memref<128x8xf32, #tpu.memory_space<vmem>>[vector<16xi32>, vector<16xi32>], vector<16xf32>,
      %mul3A_186 = arith.constant 8 : i32
      %mul3A_187 = vector.broadcast %mul3A_186 : i32 to vector<16xi32>
      %mul3A_188 = arith.muli %add3A_168, %mul3A_187 : vector<16xi32>
      %add3A_189 = arith.constant 0 : i32
      %add3A_190 = vector.broadcast %add3A_189 : i32 to vector<16xi32>
      %add3A_191 = arith.addi %mul3A_188, %add3A_190 : vector<16xi32>
      tpu.vector_store_idx %arg16[%add3A_191], %exp3A_183 : memref<1032xf32, #tpu.memory_space<vmem>>[vector<16xi32>], vector<16xf32>,
      %broadcast_in_dim3A_192 = arith.constant 1 : i32
      %broadcast_in_dim3A_193 = vector.broadcast %broadcast_in_dim3A_192 : i32 to vector<16xi32>
      %gather3A_194 = tpu.vector_load_idx %arg13[%add3A_168, %broadcast_in_dim3A_193] : memref<128x8xf32, #tpu.memory_space<vmem>>[vector<16xi32>, vector<16xi32>], vector<16xf32>,
      %broadcast_in_dim3A_195 = arith.constant 5 : i32
      %broadcast_in_dim3A_196 = vector.broadcast %broadcast_in_dim3A_195 : i32 to vector<16xi32>
      %gather3A_197 = tpu.vector_load_idx %arg14[%add3A_168, %broadcast_in_dim3A_196] : memref<128x8xf32, #tpu.memory_space<vmem>>[vector<16xi32>, vector<16xi32>], vector<16xf32>,
      %add3A_198 = arith.addf %gather3A_194, %gather3A_197 : vector<16xf32>
      %ge3A_199 = arith.constant 0.000000e+00 : f32
      %ge3A_200 = vector.broadcast %ge3A_199 : f32 to vector<16xf32>
      %ge3A_201 = arith.cmpf oge, %add3A_198, %ge3A_200 : vector<16xf32>
      %mul3A_202 = arith.constant 2.000000e-01 : f32
      %mul3A_203 = vector.broadcast %mul3A_202 : f32 to vector<16xf32>
      %mul3A_204 = arith.mulf %add3A_198, %mul3A_203 : vector<16xf32>
      %select_n3A_205 = arith.select %ge3A_201, %add3A_198, %mul3A_204 : vector<16xi1>, vector<16xf32>
      %exp3A_206 = math.exp %select_n3A_205 : vector<16xf32>
      %broadcast_in_dim3A_207 = arith.constant 1 : i32
      %broadcast_in_dim3A_208 = vector.broadcast %broadcast_in_dim3A_207 : i32 to vector<16xi32>
      tpu.vector_store_idx %arg15[%add3A_168, %broadcast_in_dim3A_208], %exp3A_206 : memref<128x8xf32, #tpu.memory_space<vmem>>[vector<16xi32>, vector<16xi32>], vector<16xf32>,
      %mul3A_209 = arith.constant 8 : i32
      %mul3A_210 = vector.broadcast %mul3A_209 : i32 to vector<16xi32>
      %mul3A_211 = arith.muli %add3A_168, %mul3A_210 : vector<16xi32>
      %add3A_212 = arith.constant 1 : i32
      %add3A_213 = vector.broadcast %add3A_212 : i32 to vector<16xi32>
      %add3A_214 = arith.addi %mul3A_211, %add3A_213 : vector<16xi32>
      tpu.vector_store_idx %arg16[%add3A_214], %exp3A_206 : memref<1032xf32, #tpu.memory_space<vmem>>[vector<16xi32>], vector<16xf32>,
      %broadcast_in_dim3A_215 = arith.constant 2 : i32
      %broadcast_in_dim3A_216 = vector.broadcast %broadcast_in_dim3A_215 : i32 to vector<16xi32>
      %gather3A_217 = tpu.vector_load_idx %arg13[%add3A_168, %broadcast_in_dim3A_216] : memref<128x8xf32, #tpu.memory_space<vmem>>[vector<16xi32>, vector<16xi32>], vector<16xf32>,
      %broadcast_in_dim3A_218 = arith.constant 6 : i32
      %broadcast_in_dim3A_219 = vector.broadcast %broadcast_in_dim3A_218 : i32 to vector<16xi32>
      %gather3A_220 = tpu.vector_load_idx %arg14[%add3A_168, %broadcast_in_dim3A_219] : memref<128x8xf32, #tpu.memory_space<vmem>>[vector<16xi32>, vector<16xi32>], vector<16xf32>,
      %add3A_221 = arith.addf %gather3A_217, %gather3A_220 : vector<16xf32>
      %ge3A_222 = arith.constant 0.000000e+00 : f32
      %ge3A_223 = vector.broadcast %ge3A_222 : f32 to vector<16xf32>
      %ge3A_224 = arith.cmpf oge, %add3A_221, %ge3A_223 : vector<16xf32>
      %mul3A_225 = arith.constant 2.000000e-01 : f32
      %mul3A_226 = vector.broadcast %mul3A_225 : f32 to vector<16xf32>
      %mul3A_227 = arith.mulf %add3A_221, %mul3A_226 : vector<16xf32>
      %select_n3A_228 = arith.select %ge3A_224, %add3A_221, %mul3A_227 : vector<16xi1>, vector<16xf32>
      %exp3A_229 = math.exp %select_n3A_228 : vector<16xf32>
      %broadcast_in_dim3A_230 = arith.constant 2 : i32
      %broadcast_in_dim3A_231 = vector.broadcast %broadcast_in_dim3A_230 : i32 to vector<16xi32>
      tpu.vector_store_idx %arg15[%add3A_168, %broadcast_in_dim3A_231], %exp3A_229 : memref<128x8xf32, #tpu.memory_space<vmem>>[vector<16xi32>, vector<16xi32>], vector<16xf32>,
      %mul3A_232 = arith.constant 8 : i32
      %mul3A_233 = vector.broadcast %mul3A_232 : i32 to vector<16xi32>
      %mul3A_234 = arith.muli %add3A_168, %mul3A_233 : vector<16xi32>
      %add3A_235 = arith.constant 2 : i32
      %add3A_236 = vector.broadcast %add3A_235 : i32 to vector<16xi32>
      %add3A_237 = arith.addi %mul3A_234, %add3A_236 : vector<16xi32>
      tpu.vector_store_idx %arg16[%add3A_237], %exp3A_229 : memref<1032xf32, #tpu.memory_space<vmem>>[vector<16xi32>], vector<16xf32>,
      %broadcast_in_dim3A_238 = arith.constant 3 : i32
      %broadcast_in_dim3A_239 = vector.broadcast %broadcast_in_dim3A_238 : i32 to vector<16xi32>
      %gather3A_240 = tpu.vector_load_idx %arg13[%add3A_168, %broadcast_in_dim3A_239] : memref<128x8xf32, #tpu.memory_space<vmem>>[vector<16xi32>, vector<16xi32>], vector<16xf32>,
      %broadcast_in_dim3A_241 = arith.constant 7 : i32
      %broadcast_in_dim3A_242 = vector.broadcast %broadcast_in_dim3A_241 : i32 to vector<16xi32>
      %gather3A_243 = tpu.vector_load_idx %arg14[%add3A_168, %broadcast_in_dim3A_242] : memref<128x8xf32, #tpu.memory_space<vmem>>[vector<16xi32>, vector<16xi32>], vector<16xf32>,
      %add3A_244 = arith.addf %gather3A_240, %gather3A_243 : vector<16xf32>
      %ge3A_245 = arith.constant 0.000000e+00 : f32
      %ge3A_246 = vector.broadcast %ge3A_245 : f32 to vector<16xf32>
      %ge3A_247 = arith.cmpf oge, %add3A_244, %ge3A_246 : vector<16xf32>
      %mul3A_248 = arith.constant 2.000000e-01 : f32
      %mul3A_249 = vector.broadcast %mul3A_248 : f32 to vector<16xf32>
      %mul3A_250 = arith.mulf %add3A_244, %mul3A_249 : vector<16xf32>
      %select_n3A_251 = arith.select %ge3A_247, %add3A_244, %mul3A_250 : vector<16xi1>, vector<16xf32>
      %exp3A_252 = math.exp %select_n3A_251 : vector<16xf32>
      %broadcast_in_dim3A_253 = arith.constant 3 : i32
      %broadcast_in_dim3A_254 = vector.broadcast %broadcast_in_dim3A_253 : i32 to vector<16xi32>
      tpu.vector_store_idx %arg15[%add3A_168, %broadcast_in_dim3A_254], %exp3A_252 : memref<128x8xf32, #tpu.memory_space<vmem>>[vector<16xi32>, vector<16xi32>], vector<16xf32>,
      %mul3A_255 = arith.constant 8 : i32
      %mul3A_256 = vector.broadcast %mul3A_255 : i32 to vector<16xi32>
      %mul3A_257 = arith.muli %add3A_168, %mul3A_256 : vector<16xi32>
      %add3A_258 = arith.constant 3 : i32
      %add3A_259 = vector.broadcast %add3A_258 : i32 to vector<16xi32>
      %add3A_260 = arith.addi %mul3A_257, %add3A_259 : vector<16xi32>
      tpu.vector_store_idx %arg16[%add3A_260], %exp3A_252 : memref<1032xf32, #tpu.memory_space<vmem>>[vector<16xi32>], vector<16xf32>,
      %iota3A_261 = tpu.iota {dimensions = array<i32: 0>} : vector<16xi32>
      %add3A_262 = arith.constant 32 : i32
      %add3A_263 = vector.broadcast %add3A_262 : i32 to vector<16xi32>
      %add3A_264 = arith.addi %iota3A_261, %add3A_263 : vector<16xi32>
      %broadcast_in_dim3A_265 = arith.constant 0 : i32
      %broadcast_in_dim3A_266 = vector.broadcast %broadcast_in_dim3A_265 : i32 to vector<16xi32>
      %gather3A_267 = tpu.vector_load_idx %arg13[%add3A_264, %broadcast_in_dim3A_266] : memref<128x8xf32, #tpu.memory_space<vmem>>[vector<16xi32>, vector<16xi32>], vector<16xf32>,
      %broadcast_in_dim3A_268 = arith.constant 4 : i32
      %broadcast_in_dim3A_269 = vector.broadcast %broadcast_in_dim3A_268 : i32 to vector<16xi32>
      %gather3A_270 = tpu.vector_load_idx %arg14[%add3A_264, %broadcast_in_dim3A_269] : memref<128x8xf32, #tpu.memory_space<vmem>>[vector<16xi32>, vector<16xi32>], vector<16xf32>,
      %add3A_271 = arith.addf %gather3A_267, %gather3A_270 : vector<16xf32>
      %ge3A_272 = arith.constant 0.000000e+00 : f32
      %ge3A_273 = vector.broadcast %ge3A_272 : f32 to vector<16xf32>
      %ge3A_274 = arith.cmpf oge, %add3A_271, %ge3A_273 : vector<16xf32>
      %mul3A_275 = arith.constant 2.000000e-01 : f32
      %mul3A_276 = vector.broadcast %mul3A_275 : f32 to vector<16xf32>
      %mul3A_277 = arith.mulf %add3A_271, %mul3A_276 : vector<16xf32>
      %select_n3A_278 = arith.select %ge3A_274, %add3A_271, %mul3A_277 : vector<16xi1>, vector<16xf32>
      %exp3A_279 = math.exp %select_n3A_278 : vector<16xf32>
      %broadcast_in_dim3A_280 = arith.constant 0 : i32
      %broadcast_in_dim3A_281 = vector.broadcast %broadcast_in_dim3A_280 : i32 to vector<16xi32>
      tpu.vector_store_idx %arg15[%add3A_264, %broadcast_in_dim3A_281], %exp3A_279 : memref<128x8xf32, #tpu.memory_space<vmem>>[vector<16xi32>, vector<16xi32>], vector<16xf32>,
      %mul3A_282 = arith.constant 8 : i32
      %mul3A_283 = vector.broadcast %mul3A_282 : i32 to vector<16xi32>
      %mul3A_284 = arith.muli %add3A_264, %mul3A_283 : vector<16xi32>
      %add3A_285 = arith.constant 0 : i32
      %add3A_286 = vector.broadcast %add3A_285 : i32 to vector<16xi32>
      %add3A_287 = arith.addi %mul3A_284, %add3A_286 : vector<16xi32>
      tpu.vector_store_idx %arg16[%add3A_287], %exp3A_279 : memref<1032xf32, #tpu.memory_space<vmem>>[vector<16xi32>], vector<16xf32>,
      %broadcast_in_dim3A_288 = arith.constant 1 : i32
      %broadcast_in_dim3A_289 = vector.broadcast %broadcast_in_dim3A_288 : i32 to vector<16xi32>
      %gather3A_290 = tpu.vector_load_idx %arg13[%add3A_264, %broadcast_in_dim3A_289] : memref<128x8xf32, #tpu.memory_space<vmem>>[vector<16xi32>, vector<16xi32>], vector<16xf32>,
      %broadcast_in_dim3A_291 = arith.constant 5 : i32
      %broadcast_in_dim3A_292 = vector.broadcast %broadcast_in_dim3A_291 : i32 to vector<16xi32>
      %gather3A_293 = tpu.vector_load_idx %arg14[%add3A_264, %broadcast_in_dim3A_292] : memref<128x8xf32, #tpu.memory_space<vmem>>[vector<16xi32>, vector<16xi32>], vector<16xf32>,
      %add3A_294 = arith.addf %gather3A_290, %gather3A_293 : vector<16xf32>
      %ge3A_295 = arith.constant 0.000000e+00 : f32
      %ge3A_296 = vector.broadcast %ge3A_295 : f32 to vector<16xf32>
      %ge3A_297 = arith.cmpf oge, %add3A_294, %ge3A_296 : vector<16xf32>
      %mul3A_298 = arith.constant 2.000000e-01 : f32
      %mul3A_299 = vector.broadcast %mul3A_298 : f32 to vector<16xf32>
      %mul3A_300 = arith.mulf %add3A_294, %mul3A_299 : vector<16xf32>
      %select_n3A_301 = arith.select %ge3A_297, %add3A_294, %mul3A_300 : vector<16xi1>, vector<16xf32>
      %exp3A_302 = math.exp %select_n3A_301 : vector<16xf32>
      %broadcast_in_dim3A_303 = arith.constant 1 : i32
      %broadcast_in_dim3A_304 = vector.broadcast %broadcast_in_dim3A_303 : i32 to vector<16xi32>
      tpu.vector_store_idx %arg15[%add3A_264, %broadcast_in_dim3A_304], %exp3A_302 : memref<128x8xf32, #tpu.memory_space<vmem>>[vector<16xi32>, vector<16xi32>], vector<16xf32>,
      %mul3A_305 = arith.constant 8 : i32
      %mul3A_306 = vector.broadcast %mul3A_305 : i32 to vector<16xi32>
      %mul3A_307 = arith.muli %add3A_264, %mul3A_306 : vector<16xi32>
      %add3A_308 = arith.constant 1 : i32
      %add3A_309 = vector.broadcast %add3A_308 : i32 to vector<16xi32>
      %add3A_310 = arith.addi %mul3A_307, %add3A_309 : vector<16xi32>
      tpu.vector_store_idx %arg16[%add3A_310], %exp3A_302 : memref<1032xf32, #tpu.memory_space<vmem>>[vector<16xi32>], vector<16xf32>,
      %broadcast_in_dim3A_311 = arith.constant 2 : i32
      %broadcast_in_dim3A_312 = vector.broadcast %broadcast_in_dim3A_311 : i32 to vector<16xi32>
      %gather3A_313 = tpu.vector_load_idx %arg13[%add3A_264, %broadcast_in_dim3A_312] : memref<128x8xf32, #tpu.memory_space<vmem>>[vector<16xi32>, vector<16xi32>], vector<16xf32>,
      %broadcast_in_dim3A_314 = arith.constant 6 : i32
      %broadcast_in_dim3A_315 = vector.broadcast %broadcast_in_dim3A_314 : i32 to vector<16xi32>
      %gather3A_316 = tpu.vector_load_idx %arg14[%add3A_264, %broadcast_in_dim3A_315] : memref<128x8xf32, #tpu.memory_space<vmem>>[vector<16xi32>, vector<16xi32>], vector<16xf32>,
      %add3A_317 = arith.addf %gather3A_313, %gather3A_316 : vector<16xf32>
      %ge3A_318 = arith.constant 0.000000e+00 : f32
      %ge3A_319 = vector.broadcast %ge3A_318 : f32 to vector<16xf32>
      %ge3A_320 = arith.cmpf oge, %add3A_317, %ge3A_319 : vector<16xf32>
      %mul3A_321 = arith.constant 2.000000e-01 : f32
      %mul3A_322 = vector.broadcast %mul3A_321 : f32 to vector<16xf32>
      %mul3A_323 = arith.mulf %add3A_317, %mul3A_322 : vector<16xf32>
      %select_n3A_324 = arith.select %ge3A_320, %add3A_317, %mul3A_323 : vector<16xi1>, vector<16xf32>
      %exp3A_325 = math.exp %select_n3A_324 : vector<16xf32>
      %broadcast_in_dim3A_326 = arith.constant 2 : i32
      %broadcast_in_dim3A_327 = vector.broadcast %broadcast_in_dim3A_326 : i32 to vector<16xi32>
      tpu.vector_store_idx %arg15[%add3A_264, %broadcast_in_dim3A_327], %exp3A_325 : memref<128x8xf32, #tpu.memory_space<vmem>>[vector<16xi32>, vector<16xi32>], vector<16xf32>,
      %mul3A_328 = arith.constant 8 : i32
      %mul3A_329 = vector.broadcast %mul3A_328 : i32 to vector<16xi32>
      %mul3A_330 = arith.muli %add3A_264, %mul3A_329 : vector<16xi32>
      %add3A_331 = arith.constant 2 : i32
      %add3A_332 = vector.broadcast %add3A_331 : i32 to vector<16xi32>
      %add3A_333 = arith.addi %mul3A_330, %add3A_332 : vector<16xi32>
      tpu.vector_store_idx %arg16[%add3A_333], %exp3A_325 : memref<1032xf32, #tpu.memory_space<vmem>>[vector<16xi32>], vector<16xf32>,
      %broadcast_in_dim3A_334 = arith.constant 3 : i32
      %broadcast_in_dim3A_335 = vector.broadcast %broadcast_in_dim3A_334 : i32 to vector<16xi32>
      %gather3A_336 = tpu.vector_load_idx %arg13[%add3A_264, %broadcast_in_dim3A_335] : memref<128x8xf32, #tpu.memory_space<vmem>>[vector<16xi32>, vector<16xi32>], vector<16xf32>,
      %broadcast_in_dim3A_337 = arith.constant 7 : i32
      %broadcast_in_dim3A_338 = vector.broadcast %broadcast_in_dim3A_337 : i32 to vector<16xi32>
      %gather3A_339 = tpu.vector_load_idx %arg14[%add3A_264, %broadcast_in_dim3A_338] : memref<128x8xf32, #tpu.memory_space<vmem>>[vector<16xi32>, vector<16xi32>], vector<16xf32>,
      %add3A_340 = arith.addf %gather3A_336, %gather3A_339 : vector<16xf32>
      %ge3A_341 = arith.constant 0.000000e+00 : f32
      %ge3A_342 = vector.broadcast %ge3A_341 : f32 to vector<16xf32>
      %ge3A_343 = arith.cmpf oge, %add3A_340, %ge3A_342 : vector<16xf32>
      %mul3A_344 = arith.constant 2.000000e-01 : f32
      %mul3A_345 = vector.broadcast %mul3A_344 : f32 to vector<16xf32>
      %mul3A_346 = arith.mulf %add3A_340, %mul3A_345 : vector<16xf32>
      %select_n3A_347 = arith.select %ge3A_343, %add3A_340, %mul3A_346 : vector<16xi1>, vector<16xf32>
      %exp3A_348 = math.exp %select_n3A_347 : vector<16xf32>
      %broadcast_in_dim3A_349 = arith.constant 3 : i32
      %broadcast_in_dim3A_350 = vector.broadcast %broadcast_in_dim3A_349 : i32 to vector<16xi32>
      tpu.vector_store_idx %arg15[%add3A_264, %broadcast_in_dim3A_350], %exp3A_348 : memref<128x8xf32, #tpu.memory_space<vmem>>[vector<16xi32>, vector<16xi32>], vector<16xf32>,
      %mul3A_351 = arith.constant 8 : i32
      %mul3A_352 = vector.broadcast %mul3A_351 : i32 to vector<16xi32>
      %mul3A_353 = arith.muli %add3A_264, %mul3A_352 : vector<16xi32>
      %add3A_354 = arith.constant 3 : i32
      %add3A_355 = vector.broadcast %add3A_354 : i32 to vector<16xi32>
      %add3A_356 = arith.addi %mul3A_353, %add3A_355 : vector<16xi32>
      tpu.vector_store_idx %arg16[%add3A_356], %exp3A_348 : memref<1032xf32, #tpu.memory_space<vmem>>[vector<16xi32>], vector<16xf32>,
      %iota3A_357 = tpu.iota {dimensions = array<i32: 0>} : vector<16xi32>
      %add3A_358 = arith.constant 48 : i32
      %add3A_359 = vector.broadcast %add3A_358 : i32 to vector<16xi32>
      %add3A_360 = arith.addi %iota3A_357, %add3A_359 : vector<16xi32>
      %broadcast_in_dim3A_361 = arith.constant 0 : i32
      %broadcast_in_dim3A_362 = vector.broadcast %broadcast_in_dim3A_361 : i32 to vector<16xi32>
      %gather3A_363 = tpu.vector_load_idx %arg13[%add3A_360, %broadcast_in_dim3A_362] : memref<128x8xf32, #tpu.memory_space<vmem>>[vector<16xi32>, vector<16xi32>], vector<16xf32>,
      %broadcast_in_dim3A_364 = arith.constant 4 : i32
      %broadcast_in_dim3A_365 = vector.broadcast %broadcast_in_dim3A_364 : i32 to vector<16xi32>
      %gather3A_366 = tpu.vector_load_idx %arg14[%add3A_360, %broadcast_in_dim3A_365] : memref<128x8xf32, #tpu.memory_space<vmem>>[vector<16xi32>, vector<16xi32>], vector<16xf32>,
      %add3A_367 = arith.addf %gather3A_363, %gather3A_366 : vector<16xf32>
      %ge3A_368 = arith.constant 0.000000e+00 : f32
      %ge3A_369 = vector.broadcast %ge3A_368 : f32 to vector<16xf32>
      %ge3A_370 = arith.cmpf oge, %add3A_367, %ge3A_369 : vector<16xf32>
      %mul3A_371 = arith.constant 2.000000e-01 : f32
      %mul3A_372 = vector.broadcast %mul3A_371 : f32 to vector<16xf32>
      %mul3A_373 = arith.mulf %add3A_367, %mul3A_372 : vector<16xf32>
      %select_n3A_374 = arith.select %ge3A_370, %add3A_367, %mul3A_373 : vector<16xi1>, vector<16xf32>
      %exp3A_375 = math.exp %select_n3A_374 : vector<16xf32>
      %broadcast_in_dim3A_376 = arith.constant 0 : i32
      %broadcast_in_dim3A_377 = vector.broadcast %broadcast_in_dim3A_376 : i32 to vector<16xi32>
      tpu.vector_store_idx %arg15[%add3A_360, %broadcast_in_dim3A_377], %exp3A_375 : memref<128x8xf32, #tpu.memory_space<vmem>>[vector<16xi32>, vector<16xi32>], vector<16xf32>,
      %mul3A_378 = arith.constant 8 : i32
      %mul3A_379 = vector.broadcast %mul3A_378 : i32 to vector<16xi32>
      %mul3A_380 = arith.muli %add3A_360, %mul3A_379 : vector<16xi32>
      %add3A_381 = arith.constant 0 : i32
      %add3A_382 = vector.broadcast %add3A_381 : i32 to vector<16xi32>
      %add3A_383 = arith.addi %mul3A_380, %add3A_382 : vector<16xi32>
      tpu.vector_store_idx %arg16[%add3A_383], %exp3A_375 : memref<1032xf32, #tpu.memory_space<vmem>>[vector<16xi32>], vector<16xf32>,
      %broadcast_in_dim3A_384 = arith.constant 1 : i32
      %broadcast_in_dim3A_385 = vector.broadcast %broadcast_in_dim3A_384 : i32 to vector<16xi32>
      %gather3A_386 = tpu.vector_load_idx %arg13[%add3A_360, %broadcast_in_dim3A_385] : memref<128x8xf32, #tpu.memory_space<vmem>>[vector<16xi32>, vector<16xi32>], vector<16xf32>,
      %broadcast_in_dim3A_387 = arith.constant 5 : i32
      %broadcast_in_dim3A_388 = vector.broadcast %broadcast_in_dim3A_387 : i32 to vector<16xi32>
      %gather3A_389 = tpu.vector_load_idx %arg14[%add3A_360, %broadcast_in_dim3A_388] : memref<128x8xf32, #tpu.memory_space<vmem>>[vector<16xi32>, vector<16xi32>], vector<16xf32>,
      %add3A_390 = arith.addf %gather3A_386, %gather3A_389 : vector<16xf32>
      %ge3A_391 = arith.constant 0.000000e+00 : f32
      %ge3A_392 = vector.broadcast %ge3A_391 : f32 to vector<16xf32>
      %ge3A_393 = arith.cmpf oge, %add3A_390, %ge3A_392 : vector<16xf32>
      %mul3A_394 = arith.constant 2.000000e-01 : f32
      %mul3A_395 = vector.broadcast %mul3A_394 : f32 to vector<16xf32>
      %mul3A_396 = arith.mulf %add3A_390, %mul3A_395 : vector<16xf32>
      %select_n3A_397 = arith.select %ge3A_393, %add3A_390, %mul3A_396 : vector<16xi1>, vector<16xf32>
      %exp3A_398 = math.exp %select_n3A_397 : vector<16xf32>
      %broadcast_in_dim3A_399 = arith.constant 1 : i32
      %broadcast_in_dim3A_400 = vector.broadcast %broadcast_in_dim3A_399 : i32 to vector<16xi32>
      tpu.vector_store_idx %arg15[%add3A_360, %broadcast_in_dim3A_400], %exp3A_398 : memref<128x8xf32, #tpu.memory_space<vmem>>[vector<16xi32>, vector<16xi32>], vector<16xf32>,
      %mul3A_401 = arith.constant 8 : i32
      %mul3A_402 = vector.broadcast %mul3A_401 : i32 to vector<16xi32>
      %mul3A_403 = arith.muli %add3A_360, %mul3A_402 : vector<16xi32>
      %add3A_404 = arith.constant 1 : i32
      %add3A_405 = vector.broadcast %add3A_404 : i32 to vector<16xi32>
      %add3A_406 = arith.addi %mul3A_403, %add3A_405 : vector<16xi32>
      tpu.vector_store_idx %arg16[%add3A_406], %exp3A_398 : memref<1032xf32, #tpu.memory_space<vmem>>[vector<16xi32>], vector<16xf32>,
      %broadcast_in_dim3A_407 = arith.constant 2 : i32
      %broadcast_in_dim3A_408 = vector.broadcast %broadcast_in_dim3A_407 : i32 to vector<16xi32>
      %gather3A_409 = tpu.vector_load_idx %arg13[%add3A_360, %broadcast_in_dim3A_408] : memref<128x8xf32, #tpu.memory_space<vmem>>[vector<16xi32>, vector<16xi32>], vector<16xf32>,
      %broadcast_in_dim3A_410 = arith.constant 6 : i32
      %broadcast_in_dim3A_411 = vector.broadcast %broadcast_in_dim3A_410 : i32 to vector<16xi32>
      %gather3A_412 = tpu.vector_load_idx %arg14[%add3A_360, %broadcast_in_dim3A_411] : memref<128x8xf32, #tpu.memory_space<vmem>>[vector<16xi32>, vector<16xi32>], vector<16xf32>,
      %add3A_413 = arith.addf %gather3A_409, %gather3A_412 : vector<16xf32>
      %ge3A_414 = arith.constant 0.000000e+00 : f32
      %ge3A_415 = vector.broadcast %ge3A_414 : f32 to vector<16xf32>
      %ge3A_416 = arith.cmpf oge, %add3A_413, %ge3A_415 : vector<16xf32>
      %mul3A_417 = arith.constant 2.000000e-01 : f32
      %mul3A_418 = vector.broadcast %mul3A_417 : f32 to vector<16xf32>
      %mul3A_419 = arith.mulf %add3A_413, %mul3A_418 : vector<16xf32>
      %select_n3A_420 = arith.select %ge3A_416, %add3A_413, %mul3A_419 : vector<16xi1>, vector<16xf32>
      %exp3A_421 = math.exp %select_n3A_420 : vector<16xf32>
      %broadcast_in_dim3A_422 = arith.constant 2 : i32
      %broadcast_in_dim3A_423 = vector.broadcast %broadcast_in_dim3A_422 : i32 to vector<16xi32>
      tpu.vector_store_idx %arg15[%add3A_360, %broadcast_in_dim3A_423], %exp3A_421 : memref<128x8xf32, #tpu.memory_space<vmem>>[vector<16xi32>, vector<16xi32>], vector<16xf32>,
      %mul3A_424 = arith.constant 8 : i32
      %mul3A_425 = vector.broadcast %mul3A_424 : i32 to vector<16xi32>
      %mul3A_426 = arith.muli %add3A_360, %mul3A_425 : vector<16xi32>
      %add3A_427 = arith.constant 2 : i32
      %add3A_428 = vector.broadcast %add3A_427 : i32 to vector<16xi32>
      %add3A_429 = arith.addi %mul3A_426, %add3A_428 : vector<16xi32>
      tpu.vector_store_idx %arg16[%add3A_429], %exp3A_421 : memref<1032xf32, #tpu.memory_space<vmem>>[vector<16xi32>], vector<16xf32>,
      %broadcast_in_dim3A_430 = arith.constant 3 : i32
      %broadcast_in_dim3A_431 = vector.broadcast %broadcast_in_dim3A_430 : i32 to vector<16xi32>
      %gather3A_432 = tpu.vector_load_idx %arg13[%add3A_360, %broadcast_in_dim3A_431] : memref<128x8xf32, #tpu.memory_space<vmem>>[vector<16xi32>, vector<16xi32>], vector<16xf32>,
      %broadcast_in_dim3A_433 = arith.constant 7 : i32
      %broadcast_in_dim3A_434 = vector.broadcast %broadcast_in_dim3A_433 : i32 to vector<16xi32>
      %gather3A_435 = tpu.vector_load_idx %arg14[%add3A_360, %broadcast_in_dim3A_434] : memref<128x8xf32, #tpu.memory_space<vmem>>[vector<16xi32>, vector<16xi32>], vector<16xf32>,
      %add3A_436 = arith.addf %gather3A_432, %gather3A_435 : vector<16xf32>
      %ge3A_437 = arith.constant 0.000000e+00 : f32
      %ge3A_438 = vector.broadcast %ge3A_437 : f32 to vector<16xf32>
      %ge3A_439 = arith.cmpf oge, %add3A_436, %ge3A_438 : vector<16xf32>
      %mul3A_440 = arith.constant 2.000000e-01 : f32
      %mul3A_441 = vector.broadcast %mul3A_440 : f32 to vector<16xf32>
      %mul3A_442 = arith.mulf %add3A_436, %mul3A_441 : vector<16xf32>
      %select_n3A_443 = arith.select %ge3A_439, %add3A_436, %mul3A_442 : vector<16xi1>, vector<16xf32>
      %exp3A_444 = math.exp %select_n3A_443 : vector<16xf32>
      %broadcast_in_dim3A_445 = arith.constant 3 : i32
      %broadcast_in_dim3A_446 = vector.broadcast %broadcast_in_dim3A_445 : i32 to vector<16xi32>
      tpu.vector_store_idx %arg15[%add3A_360, %broadcast_in_dim3A_446], %exp3A_444 : memref<128x8xf32, #tpu.memory_space<vmem>>[vector<16xi32>, vector<16xi32>], vector<16xf32>,
      %mul3A_447 = arith.constant 8 : i32
      %mul3A_448 = vector.broadcast %mul3A_447 : i32 to vector<16xi32>
      %mul3A_449 = arith.muli %add3A_360, %mul3A_448 : vector<16xi32>
      %add3A_450 = arith.constant 3 : i32
      %add3A_451 = vector.broadcast %add3A_450 : i32 to vector<16xi32>
      %add3A_452 = arith.addi %mul3A_449, %add3A_451 : vector<16xi32>
      tpu.vector_store_idx %arg16[%add3A_452], %exp3A_444 : memref<1032xf32, #tpu.memory_space<vmem>>[vector<16xi32>], vector<16xf32>,
      %iota3A_453 = tpu.iota {dimensions = array<i32: 0>} : vector<16xi32>
      %add3A_454 = arith.constant 64 : i32
      %add3A_455 = vector.broadcast %add3A_454 : i32 to vector<16xi32>
      %add3A_456 = arith.addi %iota3A_453, %add3A_455 : vector<16xi32>
      %broadcast_in_dim3A_457 = arith.constant 0 : i32
      %broadcast_in_dim3A_458 = vector.broadcast %broadcast_in_dim3A_457 : i32 to vector<16xi32>
      %gather3A_459 = tpu.vector_load_idx %arg13[%add3A_456, %broadcast_in_dim3A_458] : memref<128x8xf32, #tpu.memory_space<vmem>>[vector<16xi32>, vector<16xi32>], vector<16xf32>,
      %broadcast_in_dim3A_460 = arith.constant 4 : i32
      %broadcast_in_dim3A_461 = vector.broadcast %broadcast_in_dim3A_460 : i32 to vector<16xi32>
      %gather3A_462 = tpu.vector_load_idx %arg14[%add3A_456, %broadcast_in_dim3A_461] : memref<128x8xf32, #tpu.memory_space<vmem>>[vector<16xi32>, vector<16xi32>], vector<16xf32>,
      %add3A_463 = arith.addf %gather3A_459, %gather3A_462 : vector<16xf32>
      %ge3A_464 = arith.constant 0.000000e+00 : f32
      %ge3A_465 = vector.broadcast %ge3A_464 : f32 to vector<16xf32>
      %ge3A_466 = arith.cmpf oge, %add3A_463, %ge3A_465 : vector<16xf32>
      %mul3A_467 = arith.constant 2.000000e-01 : f32
      %mul3A_468 = vector.broadcast %mul3A_467 : f32 to vector<16xf32>
      %mul3A_469 = arith.mulf %add3A_463, %mul3A_468 : vector<16xf32>
      %select_n3A_470 = arith.select %ge3A_466, %add3A_463, %mul3A_469 : vector<16xi1>, vector<16xf32>
      %exp3A_471 = math.exp %select_n3A_470 : vector<16xf32>
      %broadcast_in_dim3A_472 = arith.constant 0 : i32
      %broadcast_in_dim3A_473 = vector.broadcast %broadcast_in_dim3A_472 : i32 to vector<16xi32>
      tpu.vector_store_idx %arg15[%add3A_456, %broadcast_in_dim3A_473], %exp3A_471 : memref<128x8xf32, #tpu.memory_space<vmem>>[vector<16xi32>, vector<16xi32>], vector<16xf32>,
      %mul3A_474 = arith.constant 8 : i32
      %mul3A_475 = vector.broadcast %mul3A_474 : i32 to vector<16xi32>
      %mul3A_476 = arith.muli %add3A_456, %mul3A_475 : vector<16xi32>
      %add3A_477 = arith.constant 0 : i32
      %add3A_478 = vector.broadcast %add3A_477 : i32 to vector<16xi32>
      %add3A_479 = arith.addi %mul3A_476, %add3A_478 : vector<16xi32>
      tpu.vector_store_idx %arg16[%add3A_479], %exp3A_471 : memref<1032xf32, #tpu.memory_space<vmem>>[vector<16xi32>], vector<16xf32>,
      %broadcast_in_dim3A_480 = arith.constant 1 : i32
      %broadcast_in_dim3A_481 = vector.broadcast %broadcast_in_dim3A_480 : i32 to vector<16xi32>
      %gather3A_482 = tpu.vector_load_idx %arg13[%add3A_456, %broadcast_in_dim3A_481] : memref<128x8xf32, #tpu.memory_space<vmem>>[vector<16xi32>, vector<16xi32>], vector<16xf32>,
      %broadcast_in_dim3A_483 = arith.constant 5 : i32
      %broadcast_in_dim3A_484 = vector.broadcast %broadcast_in_dim3A_483 : i32 to vector<16xi32>
      %gather3A_485 = tpu.vector_load_idx %arg14[%add3A_456, %broadcast_in_dim3A_484] : memref<128x8xf32, #tpu.memory_space<vmem>>[vector<16xi32>, vector<16xi32>], vector<16xf32>,
      %add3A_486 = arith.addf %gather3A_482, %gather3A_485 : vector<16xf32>
      %ge3A_487 = arith.constant 0.000000e+00 : f32
      %ge3A_488 = vector.broadcast %ge3A_487 : f32 to vector<16xf32>
      %ge3A_489 = arith.cmpf oge, %add3A_486, %ge3A_488 : vector<16xf32>
      %mul3A_490 = arith.constant 2.000000e-01 : f32
      %mul3A_491 = vector.broadcast %mul3A_490 : f32 to vector<16xf32>
      %mul3A_492 = arith.mulf %add3A_486, %mul3A_491 : vector<16xf32>
      %select_n3A_493 = arith.select %ge3A_489, %add3A_486, %mul3A_492 : vector<16xi1>, vector<16xf32>
      %exp3A_494 = math.exp %select_n3A_493 : vector<16xf32>
      %broadcast_in_dim3A_495 = arith.constant 1 : i32
      %broadcast_in_dim3A_496 = vector.broadcast %broadcast_in_dim3A_495 : i32 to vector<16xi32>
      tpu.vector_store_idx %arg15[%add3A_456, %broadcast_in_dim3A_496], %exp3A_494 : memref<128x8xf32, #tpu.memory_space<vmem>>[vector<16xi32>, vector<16xi32>], vector<16xf32>,
      %mul3A_497 = arith.constant 8 : i32
      %mul3A_498 = vector.broadcast %mul3A_497 : i32 to vector<16xi32>
      %mul3A_499 = arith.muli %add3A_456, %mul3A_498 : vector<16xi32>
      %add3A_500 = arith.constant 1 : i32
      %add3A_501 = vector.broadcast %add3A_500 : i32 to vector<16xi32>
      %add3A_502 = arith.addi %mul3A_499, %add3A_501 : vector<16xi32>
      tpu.vector_store_idx %arg16[%add3A_502], %exp3A_494 : memref<1032xf32, #tpu.memory_space<vmem>>[vector<16xi32>], vector<16xf32>,
      %broadcast_in_dim3A_503 = arith.constant 2 : i32
      %broadcast_in_dim3A_504 = vector.broadcast %broadcast_in_dim3A_503 : i32 to vector<16xi32>
      %gather3A_505 = tpu.vector_load_idx %arg13[%add3A_456, %broadcast_in_dim3A_504] : memref<128x8xf32, #tpu.memory_space<vmem>>[vector<16xi32>, vector<16xi32>], vector<16xf32>,
      %broadcast_in_dim3A_506 = arith.constant 6 : i32
      %broadcast_in_dim3A_507 = vector.broadcast %broadcast_in_dim3A_506 : i32 to vector<16xi32>
      %gather3A_508 = tpu.vector_load_idx %arg14[%add3A_456, %broadcast_in_dim3A_507] : memref<128x8xf32, #tpu.memory_space<vmem>>[vector<16xi32>, vector<16xi32>], vector<16xf32>,
      %add3A_509 = arith.addf %gather3A_505, %gather3A_508 : vector<16xf32>
      %ge3A_510 = arith.constant 0.000000e+00 : f32
      %ge3A_511 = vector.broadcast %ge3A_510 : f32 to vector<16xf32>
      %ge3A_512 = arith.cmpf oge, %add3A_509, %ge3A_511 : vector<16xf32>
      %mul3A_513 = arith.constant 2.000000e-01 : f32
      %mul3A_514 = vector.broadcast %mul3A_513 : f32 to vector<16xf32>
      %mul3A_515 = arith.mulf %add3A_509, %mul3A_514 : vector<16xf32>
      %select_n3A_516 = arith.select %ge3A_512, %add3A_509, %mul3A_515 : vector<16xi1>, vector<16xf32>
      %exp3A_517 = math.exp %select_n3A_516 : vector<16xf32>
      %broadcast_in_dim3A_518 = arith.constant 2 : i32
      %broadcast_in_dim3A_519 = vector.broadcast %broadcast_in_dim3A_518 : i32 to vector<16xi32>
      tpu.vector_store_idx %arg15[%add3A_456, %broadcast_in_dim3A_519], %exp3A_517 : memref<128x8xf32, #tpu.memory_space<vmem>>[vector<16xi32>, vector<16xi32>], vector<16xf32>,
      %mul3A_520 = arith.constant 8 : i32
      %mul3A_521 = vector.broadcast %mul3A_520 : i32 to vector<16xi32>
      %mul3A_522 = arith.muli %add3A_456, %mul3A_521 : vector<16xi32>
      %add3A_523 = arith.constant 2 : i32
      %add3A_524 = vector.broadcast %add3A_523 : i32 to vector<16xi32>
      %add3A_525 = arith.addi %mul3A_522, %add3A_524 : vector<16xi32>
      tpu.vector_store_idx %arg16[%add3A_525], %exp3A_517 : memref<1032xf32, #tpu.memory_space<vmem>>[vector<16xi32>], vector<16xf32>,
      %broadcast_in_dim3A_526 = arith.constant 3 : i32
      %broadcast_in_dim3A_527 = vector.broadcast %broadcast_in_dim3A_526 : i32 to vector<16xi32>
      %gather3A_528 = tpu.vector_load_idx %arg13[%add3A_456, %broadcast_in_dim3A_527] : memref<128x8xf32, #tpu.memory_space<vmem>>[vector<16xi32>, vector<16xi32>], vector<16xf32>,
      %broadcast_in_dim3A_529 = arith.constant 7 : i32
      %broadcast_in_dim3A_530 = vector.broadcast %broadcast_in_dim3A_529 : i32 to vector<16xi32>
      %gather3A_531 = tpu.vector_load_idx %arg14[%add3A_456, %broadcast_in_dim3A_530] : memref<128x8xf32, #tpu.memory_space<vmem>>[vector<16xi32>, vector<16xi32>], vector<16xf32>,
      %add3A_532 = arith.addf %gather3A_528, %gather3A_531 : vector<16xf32>
      %ge3A_533 = arith.constant 0.000000e+00 : f32
      %ge3A_534 = vector.broadcast %ge3A_533 : f32 to vector<16xf32>
      %ge3A_535 = arith.cmpf oge, %add3A_532, %ge3A_534 : vector<16xf32>
      %mul3A_536 = arith.constant 2.000000e-01 : f32
      %mul3A_537 = vector.broadcast %mul3A_536 : f32 to vector<16xf32>
      %mul3A_538 = arith.mulf %add3A_532, %mul3A_537 : vector<16xf32>
      %select_n3A_539 = arith.select %ge3A_535, %add3A_532, %mul3A_538 : vector<16xi1>, vector<16xf32>
      %exp3A_540 = math.exp %select_n3A_539 : vector<16xf32>
      %broadcast_in_dim3A_541 = arith.constant 3 : i32
      %broadcast_in_dim3A_542 = vector.broadcast %broadcast_in_dim3A_541 : i32 to vector<16xi32>
      tpu.vector_store_idx %arg15[%add3A_456, %broadcast_in_dim3A_542], %exp3A_540 : memref<128x8xf32, #tpu.memory_space<vmem>>[vector<16xi32>, vector<16xi32>], vector<16xf32>,
      %mul3A_543 = arith.constant 8 : i32
      %mul3A_544 = vector.broadcast %mul3A_543 : i32 to vector<16xi32>
      %mul3A_545 = arith.muli %add3A_456, %mul3A_544 : vector<16xi32>
      %add3A_546 = arith.constant 3 : i32
      %add3A_547 = vector.broadcast %add3A_546 : i32 to vector<16xi32>
      %add3A_548 = arith.addi %mul3A_545, %add3A_547 : vector<16xi32>
      tpu.vector_store_idx %arg16[%add3A_548], %exp3A_540 : memref<1032xf32, #tpu.memory_space<vmem>>[vector<16xi32>], vector<16xf32>,
      %iota3A_549 = tpu.iota {dimensions = array<i32: 0>} : vector<16xi32>
      %add3A_550 = arith.constant 80 : i32
      %add3A_551 = vector.broadcast %add3A_550 : i32 to vector<16xi32>
      %add3A_552 = arith.addi %iota3A_549, %add3A_551 : vector<16xi32>
      %broadcast_in_dim3A_553 = arith.constant 0 : i32
      %broadcast_in_dim3A_554 = vector.broadcast %broadcast_in_dim3A_553 : i32 to vector<16xi32>
      %gather3A_555 = tpu.vector_load_idx %arg13[%add3A_552, %broadcast_in_dim3A_554] : memref<128x8xf32, #tpu.memory_space<vmem>>[vector<16xi32>, vector<16xi32>], vector<16xf32>,
      %broadcast_in_dim3A_556 = arith.constant 4 : i32
      %broadcast_in_dim3A_557 = vector.broadcast %broadcast_in_dim3A_556 : i32 to vector<16xi32>
      %gather3A_558 = tpu.vector_load_idx %arg14[%add3A_552, %broadcast_in_dim3A_557] : memref<128x8xf32, #tpu.memory_space<vmem>>[vector<16xi32>, vector<16xi32>], vector<16xf32>,
      %add3A_559 = arith.addf %gather3A_555, %gather3A_558 : vector<16xf32>
      %ge3A_560 = arith.constant 0.000000e+00 : f32
      %ge3A_561 = vector.broadcast %ge3A_560 : f32 to vector<16xf32>
      %ge3A_562 = arith.cmpf oge, %add3A_559, %ge3A_561 : vector<16xf32>
      %mul3A_563 = arith.constant 2.000000e-01 : f32
      %mul3A_564 = vector.broadcast %mul3A_563 : f32 to vector<16xf32>
      %mul3A_565 = arith.mulf %add3A_559, %mul3A_564 : vector<16xf32>
      %select_n3A_566 = arith.select %ge3A_562, %add3A_559, %mul3A_565 : vector<16xi1>, vector<16xf32>
      %exp3A_567 = math.exp %select_n3A_566 : vector<16xf32>
      %broadcast_in_dim3A_568 = arith.constant 0 : i32
      %broadcast_in_dim3A_569 = vector.broadcast %broadcast_in_dim3A_568 : i32 to vector<16xi32>
      tpu.vector_store_idx %arg15[%add3A_552, %broadcast_in_dim3A_569], %exp3A_567 : memref<128x8xf32, #tpu.memory_space<vmem>>[vector<16xi32>, vector<16xi32>], vector<16xf32>,
      %mul3A_570 = arith.constant 8 : i32
      %mul3A_571 = vector.broadcast %mul3A_570 : i32 to vector<16xi32>
      %mul3A_572 = arith.muli %add3A_552, %mul3A_571 : vector<16xi32>
      %add3A_573 = arith.constant 0 : i32
      %add3A_574 = vector.broadcast %add3A_573 : i32 to vector<16xi32>
      %add3A_575 = arith.addi %mul3A_572, %add3A_574 : vector<16xi32>
      tpu.vector_store_idx %arg16[%add3A_575], %exp3A_567 : memref<1032xf32, #tpu.memory_space<vmem>>[vector<16xi32>], vector<16xf32>,
      %broadcast_in_dim3A_576 = arith.constant 1 : i32
      %broadcast_in_dim3A_577 = vector.broadcast %broadcast_in_dim3A_576 : i32 to vector<16xi32>
      %gather3A_578 = tpu.vector_load_idx %arg13[%add3A_552, %broadcast_in_dim3A_577] : memref<128x8xf32, #tpu.memory_space<vmem>>[vector<16xi32>, vector<16xi32>], vector<16xf32>,
      %broadcast_in_dim3A_579 = arith.constant 5 : i32
      %broadcast_in_dim3A_580 = vector.broadcast %broadcast_in_dim3A_579 : i32 to vector<16xi32>
      %gather3A_581 = tpu.vector_load_idx %arg14[%add3A_552, %broadcast_in_dim3A_580] : memref<128x8xf32, #tpu.memory_space<vmem>>[vector<16xi32>, vector<16xi32>], vector<16xf32>,
      %add3A_582 = arith.addf %gather3A_578, %gather3A_581 : vector<16xf32>
      %ge3A_583 = arith.constant 0.000000e+00 : f32
      %ge3A_584 = vector.broadcast %ge3A_583 : f32 to vector<16xf32>
      %ge3A_585 = arith.cmpf oge, %add3A_582, %ge3A_584 : vector<16xf32>
      %mul3A_586 = arith.constant 2.000000e-01 : f32
      %mul3A_587 = vector.broadcast %mul3A_586 : f32 to vector<16xf32>
      %mul3A_588 = arith.mulf %add3A_582, %mul3A_587 : vector<16xf32>
      %select_n3A_589 = arith.select %ge3A_585, %add3A_582, %mul3A_588 : vector<16xi1>, vector<16xf32>
      %exp3A_590 = math.exp %select_n3A_589 : vector<16xf32>
      %broadcast_in_dim3A_591 = arith.constant 1 : i32
      %broadcast_in_dim3A_592 = vector.broadcast %broadcast_in_dim3A_591 : i32 to vector<16xi32>
      tpu.vector_store_idx %arg15[%add3A_552, %broadcast_in_dim3A_592], %exp3A_590 : memref<128x8xf32, #tpu.memory_space<vmem>>[vector<16xi32>, vector<16xi32>], vector<16xf32>,
      %mul3A_593 = arith.constant 8 : i32
      %mul3A_594 = vector.broadcast %mul3A_593 : i32 to vector<16xi32>
      %mul3A_595 = arith.muli %add3A_552, %mul3A_594 : vector<16xi32>
      %add3A_596 = arith.constant 1 : i32
      %add3A_597 = vector.broadcast %add3A_596 : i32 to vector<16xi32>
      %add3A_598 = arith.addi %mul3A_595, %add3A_597 : vector<16xi32>
      tpu.vector_store_idx %arg16[%add3A_598], %exp3A_590 : memref<1032xf32, #tpu.memory_space<vmem>>[vector<16xi32>], vector<16xf32>,
      %broadcast_in_dim3A_599 = arith.constant 2 : i32
      %broadcast_in_dim3A_600 = vector.broadcast %broadcast_in_dim3A_599 : i32 to vector<16xi32>
      %gather3A_601 = tpu.vector_load_idx %arg13[%add3A_552, %broadcast_in_dim3A_600] : memref<128x8xf32, #tpu.memory_space<vmem>>[vector<16xi32>, vector<16xi32>], vector<16xf32>,
      %broadcast_in_dim3A_602 = arith.constant 6 : i32
      %broadcast_in_dim3A_603 = vector.broadcast %broadcast_in_dim3A_602 : i32 to vector<16xi32>
      %gather3A_604 = tpu.vector_load_idx %arg14[%add3A_552, %broadcast_in_dim3A_603] : memref<128x8xf32, #tpu.memory_space<vmem>>[vector<16xi32>, vector<16xi32>], vector<16xf32>,
      %add3A_605 = arith.addf %gather3A_601, %gather3A_604 : vector<16xf32>
      %ge3A_606 = arith.constant 0.000000e+00 : f32
      %ge3A_607 = vector.broadcast %ge3A_606 : f32 to vector<16xf32>
      %ge3A_608 = arith.cmpf oge, %add3A_605, %ge3A_607 : vector<16xf32>
      %mul3A_609 = arith.constant 2.000000e-01 : f32
      %mul3A_610 = vector.broadcast %mul3A_609 : f32 to vector<16xf32>
      %mul3A_611 = arith.mulf %add3A_605, %mul3A_610 : vector<16xf32>
      %select_n3A_612 = arith.select %ge3A_608, %add3A_605, %mul3A_611 : vector<16xi1>, vector<16xf32>
      %exp3A_613 = math.exp %select_n3A_612 : vector<16xf32>
      %broadcast_in_dim3A_614 = arith.constant 2 : i32
      %broadcast_in_dim3A_615 = vector.broadcast %broadcast_in_dim3A_614 : i32 to vector<16xi32>
      tpu.vector_store_idx %arg15[%add3A_552, %broadcast_in_dim3A_615], %exp3A_613 : memref<128x8xf32, #tpu.memory_space<vmem>>[vector<16xi32>, vector<16xi32>], vector<16xf32>,
      %mul3A_616 = arith.constant 8 : i32
      %mul3A_617 = vector.broadcast %mul3A_616 : i32 to vector<16xi32>
      %mul3A_618 = arith.muli %add3A_552, %mul3A_617 : vector<16xi32>
      %add3A_619 = arith.constant 2 : i32
      %add3A_620 = vector.broadcast %add3A_619 : i32 to vector<16xi32>
      %add3A_621 = arith.addi %mul3A_618, %add3A_620 : vector<16xi32>
      tpu.vector_store_idx %arg16[%add3A_621], %exp3A_613 : memref<1032xf32, #tpu.memory_space<vmem>>[vector<16xi32>], vector<16xf32>,
      %broadcast_in_dim3A_622 = arith.constant 3 : i32
      %broadcast_in_dim3A_623 = vector.broadcast %broadcast_in_dim3A_622 : i32 to vector<16xi32>
      %gather3A_624 = tpu.vector_load_idx %arg13[%add3A_552, %broadcast_in_dim3A_623] : memref<128x8xf32, #tpu.memory_space<vmem>>[vector<16xi32>, vector<16xi32>], vector<16xf32>,
      %broadcast_in_dim3A_625 = arith.constant 7 : i32
      %broadcast_in_dim3A_626 = vector.broadcast %broadcast_in_dim3A_625 : i32 to vector<16xi32>
      %gather3A_627 = tpu.vector_load_idx %arg14[%add3A_552, %broadcast_in_dim3A_626] : memref<128x8xf32, #tpu.memory_space<vmem>>[vector<16xi32>, vector<16xi32>], vector<16xf32>,
      %add3A_628 = arith.addf %gather3A_624, %gather3A_627 : vector<16xf32>
      %ge3A_629 = arith.constant 0.000000e+00 : f32
      %ge3A_630 = vector.broadcast %ge3A_629 : f32 to vector<16xf32>
      %ge3A_631 = arith.cmpf oge, %add3A_628, %ge3A_630 : vector<16xf32>
      %mul3A_632 = arith.constant 2.000000e-01 : f32
      %mul3A_633 = vector.broadcast %mul3A_632 : f32 to vector<16xf32>
      %mul3A_634 = arith.mulf %add3A_628, %mul3A_633 : vector<16xf32>
      %select_n3A_635 = arith.select %ge3A_631, %add3A_628, %mul3A_634 : vector<16xi1>, vector<16xf32>
      %exp3A_636 = math.exp %select_n3A_635 : vector<16xf32>
      %broadcast_in_dim3A_637 = arith.constant 3 : i32
      %broadcast_in_dim3A_638 = vector.broadcast %broadcast_in_dim3A_637 : i32 to vector<16xi32>
      tpu.vector_store_idx %arg15[%add3A_552, %broadcast_in_dim3A_638], %exp3A_636 : memref<128x8xf32, #tpu.memory_space<vmem>>[vector<16xi32>, vector<16xi32>], vector<16xf32>,
      %mul3A_639 = arith.constant 8 : i32
      %mul3A_640 = vector.broadcast %mul3A_639 : i32 to vector<16xi32>
      %mul3A_641 = arith.muli %add3A_552, %mul3A_640 : vector<16xi32>
      %add3A_642 = arith.constant 3 : i32
      %add3A_643 = vector.broadcast %add3A_642 : i32 to vector<16xi32>
      %add3A_644 = arith.addi %mul3A_641, %add3A_643 : vector<16xi32>
      tpu.vector_store_idx %arg16[%add3A_644], %exp3A_636 : memref<1032xf32, #tpu.memory_space<vmem>>[vector<16xi32>], vector<16xf32>,
      %iota3A_645 = tpu.iota {dimensions = array<i32: 0>} : vector<16xi32>
      %add3A_646 = arith.constant 96 : i32
      %add3A_647 = vector.broadcast %add3A_646 : i32 to vector<16xi32>
      %add3A_648 = arith.addi %iota3A_645, %add3A_647 : vector<16xi32>
      %broadcast_in_dim3A_649 = arith.constant 0 : i32
      %broadcast_in_dim3A_650 = vector.broadcast %broadcast_in_dim3A_649 : i32 to vector<16xi32>
      %gather3A_651 = tpu.vector_load_idx %arg13[%add3A_648, %broadcast_in_dim3A_650] : memref<128x8xf32, #tpu.memory_space<vmem>>[vector<16xi32>, vector<16xi32>], vector<16xf32>,
      %broadcast_in_dim3A_652 = arith.constant 4 : i32
      %broadcast_in_dim3A_653 = vector.broadcast %broadcast_in_dim3A_652 : i32 to vector<16xi32>
      %gather3A_654 = tpu.vector_load_idx %arg14[%add3A_648, %broadcast_in_dim3A_653] : memref<128x8xf32, #tpu.memory_space<vmem>>[vector<16xi32>, vector<16xi32>], vector<16xf32>,
      %add3A_655 = arith.addf %gather3A_651, %gather3A_654 : vector<16xf32>
      %ge3A_656 = arith.constant 0.000000e+00 : f32
      %ge3A_657 = vector.broadcast %ge3A_656 : f32 to vector<16xf32>
      %ge3A_658 = arith.cmpf oge, %add3A_655, %ge3A_657 : vector<16xf32>
      %mul3A_659 = arith.constant 2.000000e-01 : f32
      %mul3A_660 = vector.broadcast %mul3A_659 : f32 to vector<16xf32>
      %mul3A_661 = arith.mulf %add3A_655, %mul3A_660 : vector<16xf32>
      %select_n3A_662 = arith.select %ge3A_658, %add3A_655, %mul3A_661 : vector<16xi1>, vector<16xf32>
      %exp3A_663 = math.exp %select_n3A_662 : vector<16xf32>
      %broadcast_in_dim3A_664 = arith.constant 0 : i32
      %broadcast_in_dim3A_665 = vector.broadcast %broadcast_in_dim3A_664 : i32 to vector<16xi32>
      tpu.vector_store_idx %arg15[%add3A_648, %broadcast_in_dim3A_665], %exp3A_663 : memref<128x8xf32, #tpu.memory_space<vmem>>[vector<16xi32>, vector<16xi32>], vector<16xf32>,
      %mul3A_666 = arith.constant 8 : i32
      %mul3A_667 = vector.broadcast %mul3A_666 : i32 to vector<16xi32>
      %mul3A_668 = arith.muli %add3A_648, %mul3A_667 : vector<16xi32>
      %add3A_669 = arith.constant 0 : i32
      %add3A_670 = vector.broadcast %add3A_669 : i32 to vector<16xi32>
      %add3A_671 = arith.addi %mul3A_668, %add3A_670 : vector<16xi32>
      tpu.vector_store_idx %arg16[%add3A_671], %exp3A_663 : memref<1032xf32, #tpu.memory_space<vmem>>[vector<16xi32>], vector<16xf32>,
      %broadcast_in_dim3A_672 = arith.constant 1 : i32
      %broadcast_in_dim3A_673 = vector.broadcast %broadcast_in_dim3A_672 : i32 to vector<16xi32>
      %gather3A_674 = tpu.vector_load_idx %arg13[%add3A_648, %broadcast_in_dim3A_673] : memref<128x8xf32, #tpu.memory_space<vmem>>[vector<16xi32>, vector<16xi32>], vector<16xf32>,
      %broadcast_in_dim3A_675 = arith.constant 5 : i32
      %broadcast_in_dim3A_676 = vector.broadcast %broadcast_in_dim3A_675 : i32 to vector<16xi32>
      %gather3A_677 = tpu.vector_load_idx %arg14[%add3A_648, %broadcast_in_dim3A_676] : memref<128x8xf32, #tpu.memory_space<vmem>>[vector<16xi32>, vector<16xi32>], vector<16xf32>,
      %add3A_678 = arith.addf %gather3A_674, %gather3A_677 : vector<16xf32>
      %ge3A_679 = arith.constant 0.000000e+00 : f32
      %ge3A_680 = vector.broadcast %ge3A_679 : f32 to vector<16xf32>
      %ge3A_681 = arith.cmpf oge, %add3A_678, %ge3A_680 : vector<16xf32>
      %mul3A_682 = arith.constant 2.000000e-01 : f32
      %mul3A_683 = vector.broadcast %mul3A_682 : f32 to vector<16xf32>
      %mul3A_684 = arith.mulf %add3A_678, %mul3A_683 : vector<16xf32>
      %select_n3A_685 = arith.select %ge3A_681, %add3A_678, %mul3A_684 : vector<16xi1>, vector<16xf32>
      %exp3A_686 = math.exp %select_n3A_685 : vector<16xf32>
      %broadcast_in_dim3A_687 = arith.constant 1 : i32
      %broadcast_in_dim3A_688 = vector.broadcast %broadcast_in_dim3A_687 : i32 to vector<16xi32>
      tpu.vector_store_idx %arg15[%add3A_648, %broadcast_in_dim3A_688], %exp3A_686 : memref<128x8xf32, #tpu.memory_space<vmem>>[vector<16xi32>, vector<16xi32>], vector<16xf32>,
      %mul3A_689 = arith.constant 8 : i32
      %mul3A_690 = vector.broadcast %mul3A_689 : i32 to vector<16xi32>
      %mul3A_691 = arith.muli %add3A_648, %mul3A_690 : vector<16xi32>
      %add3A_692 = arith.constant 1 : i32
      %add3A_693 = vector.broadcast %add3A_692 : i32 to vector<16xi32>
      %add3A_694 = arith.addi %mul3A_691, %add3A_693 : vector<16xi32>
      tpu.vector_store_idx %arg16[%add3A_694], %exp3A_686 : memref<1032xf32, #tpu.memory_space<vmem>>[vector<16xi32>], vector<16xf32>,
      %broadcast_in_dim3A_695 = arith.constant 2 : i32
      %broadcast_in_dim3A_696 = vector.broadcast %broadcast_in_dim3A_695 : i32 to vector<16xi32>
      %gather3A_697 = tpu.vector_load_idx %arg13[%add3A_648, %broadcast_in_dim3A_696] : memref<128x8xf32, #tpu.memory_space<vmem>>[vector<16xi32>, vector<16xi32>], vector<16xf32>,
      %broadcast_in_dim3A_698 = arith.constant 6 : i32
      %broadcast_in_dim3A_699 = vector.broadcast %broadcast_in_dim3A_698 : i32 to vector<16xi32>
      %gather3A_700 = tpu.vector_load_idx %arg14[%add3A_648, %broadcast_in_dim3A_699] : memref<128x8xf32, #tpu.memory_space<vmem>>[vector<16xi32>, vector<16xi32>], vector<16xf32>,
      %add3A_701 = arith.addf %gather3A_697, %gather3A_700 : vector<16xf32>
      %ge3A_702 = arith.constant 0.000000e+00 : f32
      %ge3A_703 = vector.broadcast %ge3A_702 : f32 to vector<16xf32>
      %ge3A_704 = arith.cmpf oge, %add3A_701, %ge3A_703 : vector<16xf32>
      %mul3A_705 = arith.constant 2.000000e-01 : f32
      %mul3A_706 = vector.broadcast %mul3A_705 : f32 to vector<16xf32>
      %mul3A_707 = arith.mulf %add3A_701, %mul3A_706 : vector<16xf32>
      %select_n3A_708 = arith.select %ge3A_704, %add3A_701, %mul3A_707 : vector<16xi1>, vector<16xf32>
      %exp3A_709 = math.exp %select_n3A_708 : vector<16xf32>
      %broadcast_in_dim3A_710 = arith.constant 2 : i32
      %broadcast_in_dim3A_711 = vector.broadcast %broadcast_in_dim3A_710 : i32 to vector<16xi32>
      tpu.vector_store_idx %arg15[%add3A_648, %broadcast_in_dim3A_711], %exp3A_709 : memref<128x8xf32, #tpu.memory_space<vmem>>[vector<16xi32>, vector<16xi32>], vector<16xf32>,
      %mul3A_712 = arith.constant 8 : i32
      %mul3A_713 = vector.broadcast %mul3A_712 : i32 to vector<16xi32>
      %mul3A_714 = arith.muli %add3A_648, %mul3A_713 : vector<16xi32>
      %add3A_715 = arith.constant 2 : i32
      %add3A_716 = vector.broadcast %add3A_715 : i32 to vector<16xi32>
      %add3A_717 = arith.addi %mul3A_714, %add3A_716 : vector<16xi32>
      tpu.vector_store_idx %arg16[%add3A_717], %exp3A_709 : memref<1032xf32, #tpu.memory_space<vmem>>[vector<16xi32>], vector<16xf32>,
      %broadcast_in_dim3A_718 = arith.constant 3 : i32
      %broadcast_in_dim3A_719 = vector.broadcast %broadcast_in_dim3A_718 : i32 to vector<16xi32>
      %gather3A_720 = tpu.vector_load_idx %arg13[%add3A_648, %broadcast_in_dim3A_719] : memref<128x8xf32, #tpu.memory_space<vmem>>[vector<16xi32>, vector<16xi32>], vector<16xf32>,
      %broadcast_in_dim3A_721 = arith.constant 7 : i32
      %broadcast_in_dim3A_722 = vector.broadcast %broadcast_in_dim3A_721 : i32 to vector<16xi32>
      %gather3A_723 = tpu.vector_load_idx %arg14[%add3A_648, %broadcast_in_dim3A_722] : memref<128x8xf32, #tpu.memory_space<vmem>>[vector<16xi32>, vector<16xi32>], vector<16xf32>,
      %add3A_724 = arith.addf %gather3A_720, %gather3A_723 : vector<16xf32>
      %ge3A_725 = arith.constant 0.000000e+00 : f32
      %ge3A_726 = vector.broadcast %ge3A_725 : f32 to vector<16xf32>
      %ge3A_727 = arith.cmpf oge, %add3A_724, %ge3A_726 : vector<16xf32>
      %mul3A_728 = arith.constant 2.000000e-01 : f32
      %mul3A_729 = vector.broadcast %mul3A_728 : f32 to vector<16xf32>
      %mul3A_730 = arith.mulf %add3A_724, %mul3A_729 : vector<16xf32>
      %select_n3A_731 = arith.select %ge3A_727, %add3A_724, %mul3A_730 : vector<16xi1>, vector<16xf32>
      %exp3A_732 = math.exp %select_n3A_731 : vector<16xf32>
      %broadcast_in_dim3A_733 = arith.constant 3 : i32
      %broadcast_in_dim3A_734 = vector.broadcast %broadcast_in_dim3A_733 : i32 to vector<16xi32>
      tpu.vector_store_idx %arg15[%add3A_648, %broadcast_in_dim3A_734], %exp3A_732 : memref<128x8xf32, #tpu.memory_space<vmem>>[vector<16xi32>, vector<16xi32>], vector<16xf32>,
      %mul3A_735 = arith.constant 8 : i32
      %mul3A_736 = vector.broadcast %mul3A_735 : i32 to vector<16xi32>
      %mul3A_737 = arith.muli %add3A_648, %mul3A_736 : vector<16xi32>
      %add3A_738 = arith.constant 3 : i32
      %add3A_739 = vector.broadcast %add3A_738 : i32 to vector<16xi32>
      %add3A_740 = arith.addi %mul3A_737, %add3A_739 : vector<16xi32>
      tpu.vector_store_idx %arg16[%add3A_740], %exp3A_732 : memref<1032xf32, #tpu.memory_space<vmem>>[vector<16xi32>], vector<16xf32>,
      %iota3A_741 = tpu.iota {dimensions = array<i32: 0>} : vector<16xi32>
      %add3A_742 = arith.constant 112 : i32
      %add3A_743 = vector.broadcast %add3A_742 : i32 to vector<16xi32>
      %add3A_744 = arith.addi %iota3A_741, %add3A_743 : vector<16xi32>
      %broadcast_in_dim3A_745 = arith.constant 0 : i32
      %broadcast_in_dim3A_746 = vector.broadcast %broadcast_in_dim3A_745 : i32 to vector<16xi32>
      %gather3A_747 = tpu.vector_load_idx %arg13[%add3A_744, %broadcast_in_dim3A_746] : memref<128x8xf32, #tpu.memory_space<vmem>>[vector<16xi32>, vector<16xi32>], vector<16xf32>,
      %broadcast_in_dim3A_748 = arith.constant 4 : i32
      %broadcast_in_dim3A_749 = vector.broadcast %broadcast_in_dim3A_748 : i32 to vector<16xi32>
      %gather3A_750 = tpu.vector_load_idx %arg14[%add3A_744, %broadcast_in_dim3A_749] : memref<128x8xf32, #tpu.memory_space<vmem>>[vector<16xi32>, vector<16xi32>], vector<16xf32>,
      %add3A_751 = arith.addf %gather3A_747, %gather3A_750 : vector<16xf32>
      %ge3A_752 = arith.constant 0.000000e+00 : f32
      %ge3A_753 = vector.broadcast %ge3A_752 : f32 to vector<16xf32>
      %ge3A_754 = arith.cmpf oge, %add3A_751, %ge3A_753 : vector<16xf32>
      %mul3A_755 = arith.constant 2.000000e-01 : f32
      %mul3A_756 = vector.broadcast %mul3A_755 : f32 to vector<16xf32>
      %mul3A_757 = arith.mulf %add3A_751, %mul3A_756 : vector<16xf32>
      %select_n3A_758 = arith.select %ge3A_754, %add3A_751, %mul3A_757 : vector<16xi1>, vector<16xf32>
      %exp3A_759 = math.exp %select_n3A_758 : vector<16xf32>
      %broadcast_in_dim3A_760 = arith.constant 0 : i32
      %broadcast_in_dim3A_761 = vector.broadcast %broadcast_in_dim3A_760 : i32 to vector<16xi32>
      tpu.vector_store_idx %arg15[%add3A_744, %broadcast_in_dim3A_761], %exp3A_759 : memref<128x8xf32, #tpu.memory_space<vmem>>[vector<16xi32>, vector<16xi32>], vector<16xf32>,
      %mul3A_762 = arith.constant 8 : i32
      %mul3A_763 = vector.broadcast %mul3A_762 : i32 to vector<16xi32>
      %mul3A_764 = arith.muli %add3A_744, %mul3A_763 : vector<16xi32>
      %add3A_765 = arith.constant 0 : i32
      %add3A_766 = vector.broadcast %add3A_765 : i32 to vector<16xi32>
      %add3A_767 = arith.addi %mul3A_764, %add3A_766 : vector<16xi32>
      tpu.vector_store_idx %arg16[%add3A_767], %exp3A_759 : memref<1032xf32, #tpu.memory_space<vmem>>[vector<16xi32>], vector<16xf32>,
      %broadcast_in_dim3A_768 = arith.constant 1 : i32
      %broadcast_in_dim3A_769 = vector.broadcast %broadcast_in_dim3A_768 : i32 to vector<16xi32>
      %gather3A_770 = tpu.vector_load_idx %arg13[%add3A_744, %broadcast_in_dim3A_769] : memref<128x8xf32, #tpu.memory_space<vmem>>[vector<16xi32>, vector<16xi32>], vector<16xf32>,
      %broadcast_in_dim3A_771 = arith.constant 5 : i32
      %broadcast_in_dim3A_772 = vector.broadcast %broadcast_in_dim3A_771 : i32 to vector<16xi32>
      %gather3A_773 = tpu.vector_load_idx %arg14[%add3A_744, %broadcast_in_dim3A_772] : memref<128x8xf32, #tpu.memory_space<vmem>>[vector<16xi32>, vector<16xi32>], vector<16xf32>,
      %add3A_774 = arith.addf %gather3A_770, %gather3A_773 : vector<16xf32>
      %ge3A_775 = arith.constant 0.000000e+00 : f32
      %ge3A_776 = vector.broadcast %ge3A_775 : f32 to vector<16xf32>
      %ge3A_777 = arith.cmpf oge, %add3A_774, %ge3A_776 : vector<16xf32>
      %mul3A_778 = arith.constant 2.000000e-01 : f32
      %mul3A_779 = vector.broadcast %mul3A_778 : f32 to vector<16xf32>
      %mul3A_780 = arith.mulf %add3A_774, %mul3A_779 : vector<16xf32>
      %select_n3A_781 = arith.select %ge3A_777, %add3A_774, %mul3A_780 : vector<16xi1>, vector<16xf32>
      %exp3A_782 = math.exp %select_n3A_781 : vector<16xf32>
      %broadcast_in_dim3A_783 = arith.constant 1 : i32
      %broadcast_in_dim3A_784 = vector.broadcast %broadcast_in_dim3A_783 : i32 to vector<16xi32>
      tpu.vector_store_idx %arg15[%add3A_744, %broadcast_in_dim3A_784], %exp3A_782 : memref<128x8xf32, #tpu.memory_space<vmem>>[vector<16xi32>, vector<16xi32>], vector<16xf32>,
      %mul3A_785 = arith.constant 8 : i32
      %mul3A_786 = vector.broadcast %mul3A_785 : i32 to vector<16xi32>
      %mul3A_787 = arith.muli %add3A_744, %mul3A_786 : vector<16xi32>
      %add3A_788 = arith.constant 1 : i32
      %add3A_789 = vector.broadcast %add3A_788 : i32 to vector<16xi32>
      %add3A_790 = arith.addi %mul3A_787, %add3A_789 : vector<16xi32>
      tpu.vector_store_idx %arg16[%add3A_790], %exp3A_782 : memref<1032xf32, #tpu.memory_space<vmem>>[vector<16xi32>], vector<16xf32>,
      %broadcast_in_dim3A_791 = arith.constant 2 : i32
      %broadcast_in_dim3A_792 = vector.broadcast %broadcast_in_dim3A_791 : i32 to vector<16xi32>
      %gather3A_793 = tpu.vector_load_idx %arg13[%add3A_744, %broadcast_in_dim3A_792] : memref<128x8xf32, #tpu.memory_space<vmem>>[vector<16xi32>, vector<16xi32>], vector<16xf32>,
      %broadcast_in_dim3A_794 = arith.constant 6 : i32
      %broadcast_in_dim3A_795 = vector.broadcast %broadcast_in_dim3A_794 : i32 to vector<16xi32>
      %gather3A_796 = tpu.vector_load_idx %arg14[%add3A_744, %broadcast_in_dim3A_795] : memref<128x8xf32, #tpu.memory_space<vmem>>[vector<16xi32>, vector<16xi32>], vector<16xf32>,
      %add3A_797 = arith.addf %gather3A_793, %gather3A_796 : vector<16xf32>
      %ge3A_798 = arith.constant 0.000000e+00 : f32
      %ge3A_799 = vector.broadcast %ge3A_798 : f32 to vector<16xf32>
      %ge3A_800 = arith.cmpf oge, %add3A_797, %ge3A_799 : vector<16xf32>
      %mul3A_801 = arith.constant 2.000000e-01 : f32
      %mul3A_802 = vector.broadcast %mul3A_801 : f32 to vector<16xf32>
      %mul3A_803 = arith.mulf %add3A_797, %mul3A_802 : vector<16xf32>
      %select_n3A_804 = arith.select %ge3A_800, %add3A_797, %mul3A_803 : vector<16xi1>, vector<16xf32>
      %exp3A_805 = math.exp %select_n3A_804 : vector<16xf32>
      %broadcast_in_dim3A_806 = arith.constant 2 : i32
      %broadcast_in_dim3A_807 = vector.broadcast %broadcast_in_dim3A_806 : i32 to vector<16xi32>
      tpu.vector_store_idx %arg15[%add3A_744, %broadcast_in_dim3A_807], %exp3A_805 : memref<128x8xf32, #tpu.memory_space<vmem>>[vector<16xi32>, vector<16xi32>], vector<16xf32>,
      %mul3A_808 = arith.constant 8 : i32
      %mul3A_809 = vector.broadcast %mul3A_808 : i32 to vector<16xi32>
      %mul3A_810 = arith.muli %add3A_744, %mul3A_809 : vector<16xi32>
      %add3A_811 = arith.constant 2 : i32
      %add3A_812 = vector.broadcast %add3A_811 : i32 to vector<16xi32>
      %add3A_813 = arith.addi %mul3A_810, %add3A_812 : vector<16xi32>
      tpu.vector_store_idx %arg16[%add3A_813], %exp3A_805 : memref<1032xf32, #tpu.memory_space<vmem>>[vector<16xi32>], vector<16xf32>,
      %broadcast_in_dim3A_814 = arith.constant 3 : i32
      %broadcast_in_dim3A_815 = vector.broadcast %broadcast_in_dim3A_814 : i32 to vector<16xi32>
      %gather3A_816 = tpu.vector_load_idx %arg13[%add3A_744, %broadcast_in_dim3A_815] : memref<128x8xf32, #tpu.memory_space<vmem>>[vector<16xi32>, vector<16xi32>], vector<16xf32>,
      %broadcast_in_dim3A_817 = arith.constant 7 : i32
      %broadcast_in_dim3A_818 = vector.broadcast %broadcast_in_dim3A_817 : i32 to vector<16xi32>
      %gather3A_819 = tpu.vector_load_idx %arg14[%add3A_744, %broadcast_in_dim3A_818] : memref<128x8xf32, #tpu.memory_space<vmem>>[vector<16xi32>, vector<16xi32>], vector<16xf32>,
      %add3A_820 = arith.addf %gather3A_816, %gather3A_819 : vector<16xf32>
      %ge3A_821 = arith.constant 0.000000e+00 : f32
      %ge3A_822 = vector.broadcast %ge3A_821 : f32 to vector<16xf32>
      %ge3A_823 = arith.cmpf oge, %add3A_820, %ge3A_822 : vector<16xf32>
      %mul3A_824 = arith.constant 2.000000e-01 : f32
      %mul3A_825 = vector.broadcast %mul3A_824 : f32 to vector<16xf32>
      %mul3A_826 = arith.mulf %add3A_820, %mul3A_825 : vector<16xf32>
      %select_n3A_827 = arith.select %ge3A_823, %add3A_820, %mul3A_826 : vector<16xi1>, vector<16xf32>
      %exp3A_828 = math.exp %select_n3A_827 : vector<16xf32>
      %broadcast_in_dim3A_829 = arith.constant 3 : i32
      %broadcast_in_dim3A_830 = vector.broadcast %broadcast_in_dim3A_829 : i32 to vector<16xi32>
      tpu.vector_store_idx %arg15[%add3A_744, %broadcast_in_dim3A_830], %exp3A_828 : memref<128x8xf32, #tpu.memory_space<vmem>>[vector<16xi32>, vector<16xi32>], vector<16xf32>,
      %mul3A_831 = arith.constant 8 : i32
      %mul3A_832 = vector.broadcast %mul3A_831 : i32 to vector<16xi32>
      %mul3A_833 = arith.muli %add3A_744, %mul3A_832 : vector<16xi32>
      %add3A_834 = arith.constant 3 : i32
      %add3A_835 = vector.broadcast %add3A_834 : i32 to vector<16xi32>
      %add3A_836 = arith.addi %mul3A_833, %add3A_835 : vector<16xi32>
      tpu.vector_store_idx %arg16[%add3A_836], %exp3A_828 : memref<1032xf32, #tpu.memory_space<vmem>>[vector<16xi32>], vector<16xf32>,
      %dma_wait3A_837 = arith.constant 0 : i32
      %dma_wait3A_838 = tpu.memref_slice %arg10[%scan3A_46, %dma_wait3A_837] : memref<80x128xi32, #tpu.memory_space<vmem>> -> memref<1x128xi32, #tpu.memory_space<vmem>>
      %dma_wait3A_839 = tpu.memref_squeeze %dma_wait3A_838 : memref<1x128xi32, #tpu.memory_space<vmem>> -> memref<128xi32, #tpu.memory_space<vmem>>
      %dma_wait3A_840 = arith.constant 0 : i32
      %dma_wait3A_841 = arith.constant 0 : i32
      %dma_wait3A_842 = tpu.memref_slice %arg2[%dma_wait3A_840, %dma_wait3A_841] : memref<10000x128xf32, #tpu.memory_space<hbm>> -> memref<10000x128xf32, #tpu.memory_space<hbm>>
      tpu.wait_indirect_dma semaphore(%arg20 : memref<!tpu.dma_semaphore, #tpu.memory_space<semaphore_mem>>) src(%dma_wait3A_842 : memref<10000x128xf32, #tpu.memory_space<hbm>>) dst(%arg12 : memref<128x128xf32, #tpu.memory_space<vmem>>)
      %scan3A_843 = arith.constant 0 : i32
      %scan3A_844 = arith.constant 0 : i32
      %scan3A_845 = arith.constant 128 : i32
      %scan3A_846 = arith.addi %scan3A_844, %scan3A_845 : i32
      %scan3A_847 = arith.constant 4 : i32
      scf.for %scan3A_849 = %scan3A_844 to %scan3A_846 step %scan3A_847  : i32 {
        %mul3A_850 = arith.constant 8 : i32
        %mul3A_851 = arith.muli %scan3A_849, %mul3A_850 : i32
        %get3A = arith.index_cast %mul3A_851 : i32 to index
        %get3A_852 = tpu.vector_load %arg16[%get3A] {strides = array<i32>} : memref<1032xf32, #tpu.memory_space<vmem>>, vector<16xf32>,
        %slice3A = vector.extract_strided_slice %get3A_852 {offsets = [0], sizes = [1], strides = [1]} : vector<16xf32> to vector<1xf32>
        %squeeze3A = vector.extract %slice3A[0] : f32 from vector<1xf32>
        %iota3A_853 = tpu.iota {dimensions = array<i32: 0>} : vector<16xi32>
        %add3A_854 = arith.constant 0 : i32
        %add3A_855 = vector.broadcast %add3A_854 : i32 to vector<16xi32>
        %add3A_856 = arith.addi %iota3A_853, %add3A_855 : vector<16xi32>
        %broadcast_in_dim3A_857 = vector.broadcast %scan3A_849 : i32 to vector<16xi32>
        %gather3A_858 = tpu.vector_load_idx %arg12[%broadcast_in_dim3A_857, %add3A_856] : memref<128x128xf32, #tpu.memory_space<vmem>>[vector<16xi32>, vector<16xi32>], vector<16xf32>,
        %mul3A_859 = vector.broadcast %squeeze3A : f32 to vector<16xf32>
        %mul3A_860 = arith.mulf %gather3A_858, %mul3A_859 : vector<16xf32>
        tpu.vector_store_idx %arg12[%broadcast_in_dim3A_857, %add3A_856], %mul3A_860 : memref<128x128xf32, #tpu.memory_space<vmem>>[vector<16xi32>, vector<16xi32>], vector<16xf32>,
        %iota3A_861 = tpu.iota {dimensions = array<i32: 0>} : vector<16xi32>
        %add3A_862 = arith.constant 16 : i32
        %add3A_863 = vector.broadcast %add3A_862 : i32 to vector<16xi32>
        %add3A_864 = arith.addi %iota3A_861, %add3A_863 : vector<16xi32>
        %broadcast_in_dim3A_865 = vector.broadcast %scan3A_849 : i32 to vector<16xi32>
        %gather3A_866 = tpu.vector_load_idx %arg12[%broadcast_in_dim3A_865, %add3A_864] : memref<128x128xf32, #tpu.memory_space<vmem>>[vector<16xi32>, vector<16xi32>], vector<16xf32>,
        %mul3A_867 = vector.broadcast %squeeze3A : f32 to vector<16xf32>
        %mul3A_868 = arith.mulf %gather3A_866, %mul3A_867 : vector<16xf32>
        tpu.vector_store_idx %arg12[%broadcast_in_dim3A_865, %add3A_864], %mul3A_868 : memref<128x128xf32, #tpu.memory_space<vmem>>[vector<16xi32>, vector<16xi32>], vector<16xf32>,
        %slice3A_869 = vector.extract_strided_slice %get3A_852 {offsets = [1], sizes = [1], strides = [1]} : vector<16xf32> to vector<1xf32>
        %squeeze3A_870 = vector.extract %slice3A_869[0] : f32 from vector<1xf32>
        %iota3A_871 = tpu.iota {dimensions = array<i32: 0>} : vector<16xi32>
        %add3A_872 = arith.constant 32 : i32
        %add3A_873 = vector.broadcast %add3A_872 : i32 to vector<16xi32>
        %add3A_874 = arith.addi %iota3A_871, %add3A_873 : vector<16xi32>
        %broadcast_in_dim3A_875 = vector.broadcast %scan3A_849 : i32 to vector<16xi32>
        %gather3A_876 = tpu.vector_load_idx %arg12[%broadcast_in_dim3A_875, %add3A_874] : memref<128x128xf32, #tpu.memory_space<vmem>>[vector<16xi32>, vector<16xi32>], vector<16xf32>,
        %mul3A_877 = vector.broadcast %squeeze3A_870 : f32 to vector<16xf32>
        %mul3A_878 = arith.mulf %gather3A_876, %mul3A_877 : vector<16xf32>
        tpu.vector_store_idx %arg12[%broadcast_in_dim3A_875, %add3A_874], %mul3A_878 : memref<128x128xf32, #tpu.memory_space<vmem>>[vector<16xi32>, vector<16xi32>], vector<16xf32>,
        %iota3A_879 = tpu.iota {dimensions = array<i32: 0>} : vector<16xi32>
        %add3A_880 = arith.constant 48 : i32
        %add3A_881 = vector.broadcast %add3A_880 : i32 to vector<16xi32>
        %add3A_882 = arith.addi %iota3A_879, %add3A_881 : vector<16xi32>
        %broadcast_in_dim3A_883 = vector.broadcast %scan3A_849 : i32 to vector<16xi32>
        %gather3A_884 = tpu.vector_load_idx %arg12[%broadcast_in_dim3A_883, %add3A_882] : memref<128x128xf32, #tpu.memory_space<vmem>>[vector<16xi32>, vector<16xi32>], vector<16xf32>,
        %mul3A_885 = vector.broadcast %squeeze3A_870 : f32 to vector<16xf32>
        %mul3A_886 = arith.mulf %gather3A_884, %mul3A_885 : vector<16xf32>
        tpu.vector_store_idx %arg12[%broadcast_in_dim3A_883, %add3A_882], %mul3A_886 : memref<128x128xf32, #tpu.memory_space<vmem>>[vector<16xi32>, vector<16xi32>], vector<16xf32>,
        %slice3A_887 = vector.extract_strided_slice %get3A_852 {offsets = [2], sizes = [1], strides = [1]} : vector<16xf32> to vector<1xf32>
        %squeeze3A_888 = vector.extract %slice3A_887[0] : f32 from vector<1xf32>
        %iota3A_889 = tpu.iota {dimensions = array<i32: 0>} : vector<16xi32>
        %add3A_890 = arith.constant 64 : i32
        %add3A_891 = vector.broadcast %add3A_890 : i32 to vector<16xi32>
        %add3A_892 = arith.addi %iota3A_889, %add3A_891 : vector<16xi32>
        %broadcast_in_dim3A_893 = vector.broadcast %scan3A_849 : i32 to vector<16xi32>
        %gather3A_894 = tpu.vector_load_idx %arg12[%broadcast_in_dim3A_893, %add3A_892] : memref<128x128xf32, #tpu.memory_space<vmem>>[vector<16xi32>, vector<16xi32>], vector<16xf32>,
        %mul3A_895 = vector.broadcast %squeeze3A_888 : f32 to vector<16xf32>
        %mul3A_896 = arith.mulf %gather3A_894, %mul3A_895 : vector<16xf32>
        tpu.vector_store_idx %arg12[%broadcast_in_dim3A_893, %add3A_892], %mul3A_896 : memref<128x128xf32, #tpu.memory_space<vmem>>[vector<16xi32>, vector<16xi32>], vector<16xf32>,
        %iota3A_897 = tpu.iota {dimensions = array<i32: 0>} : vector<16xi32>
        %add3A_898 = arith.constant 80 : i32
        %add3A_899 = vector.broadcast %add3A_898 : i32 to vector<16xi32>
        %add3A_900 = arith.addi %iota3A_897, %add3A_899 : vector<16xi32>
        %broadcast_in_dim3A_901 = vector.broadcast %scan3A_849 : i32 to vector<16xi32>
        %gather3A_902 = tpu.vector_load_idx %arg12[%broadcast_in_dim3A_901, %add3A_900] : memref<128x128xf32, #tpu.memory_space<vmem>>[vector<16xi32>, vector<16xi32>], vector<16xf32>,
        %mul3A_903 = vector.broadcast %squeeze3A_888 : f32 to vector<16xf32>
        %mul3A_904 = arith.mulf %gather3A_902, %mul3A_903 : vector<16xf32>
        tpu.vector_store_idx %arg12[%broadcast_in_dim3A_901, %add3A_900], %mul3A_904 : memref<128x128xf32, #tpu.memory_space<vmem>>[vector<16xi32>, vector<16xi32>], vector<16xf32>,
        %slice3A_905 = vector.extract_strided_slice %get3A_852 {offsets = [3], sizes = [1], strides = [1]} : vector<16xf32> to vector<1xf32>
        %squeeze3A_906 = vector.extract %slice3A_905[0] : f32 from vector<1xf32>
        %iota3A_907 = tpu.iota {dimensions = array<i32: 0>} : vector<16xi32>
        %add3A_908 = arith.constant 96 : i32
        %add3A_909 = vector.broadcast %add3A_908 : i32 to vector<16xi32>
        %add3A_910 = arith.addi %iota3A_907, %add3A_909 : vector<16xi32>
        %broadcast_in_dim3A_911 = vector.broadcast %scan3A_849 : i32 to vector<16xi32>
        %gather3A_912 = tpu.vector_load_idx %arg12[%broadcast_in_dim3A_911, %add3A_910] : memref<128x128xf32, #tpu.memory_space<vmem>>[vector<16xi32>, vector<16xi32>], vector<16xf32>,
        %mul3A_913 = vector.broadcast %squeeze3A_906 : f32 to vector<16xf32>
        %mul3A_914 = arith.mulf %gather3A_912, %mul3A_913 : vector<16xf32>
        tpu.vector_store_idx %arg12[%broadcast_in_dim3A_911, %add3A_910], %mul3A_914 : memref<128x128xf32, #tpu.memory_space<vmem>>[vector<16xi32>, vector<16xi32>], vector<16xf32>,
        %iota3A_915 = tpu.iota {dimensions = array<i32: 0>} : vector<16xi32>
        %add3A_916 = arith.constant 112 : i32
        %add3A_917 = vector.broadcast %add3A_916 : i32 to vector<16xi32>
        %add3A_918 = arith.addi %iota3A_915, %add3A_917 : vector<16xi32>
        %broadcast_in_dim3A_919 = vector.broadcast %scan3A_849 : i32 to vector<16xi32>
        %gather3A_920 = tpu.vector_load_idx %arg12[%broadcast_in_dim3A_919, %add3A_918] : memref<128x128xf32, #tpu.memory_space<vmem>>[vector<16xi32>, vector<16xi32>], vector<16xf32>,
        %mul3A_921 = vector.broadcast %squeeze3A_906 : f32 to vector<16xf32>
        %mul3A_922 = arith.mulf %gather3A_920, %mul3A_921 : vector<16xf32>
        tpu.vector_store_idx %arg12[%broadcast_in_dim3A_919, %add3A_918], %mul3A_922 : memref<128x128xf32, #tpu.memory_space<vmem>>[vector<16xi32>, vector<16xi32>], vector<16xf32>,
        %scan3A_923 = arith.constant 1 : i32
        %scan3A_924 = arith.addi %scan3A_849, %scan3A_923 : i32
        %mul3A_925 = arith.constant 8 : i32
        %mul3A_926 = arith.muli %scan3A_924, %mul3A_925 : i32
        %get3A_927 = arith.index_cast %mul3A_926 : i32 to index
        %get3A_928 = tpu.vector_load %arg16[%get3A_927] {strides = array<i32>} : memref<1032xf32, #tpu.memory_space<vmem>>, vector<16xf32>,
        %slice3A_929 = vector.extract_strided_slice %get3A_928 {offsets = [0], sizes = [1], strides = [1]} : vector<16xf32> to vector<1xf32>
        %squeeze3A_930 = vector.extract %slice3A_929[0] : f32 from vector<1xf32>
        %iota3A_931 = tpu.iota {dimensions = array<i32: 0>} : vector<16xi32>
        %add3A_932 = arith.constant 0 : i32
        %add3A_933 = vector.broadcast %add3A_932 : i32 to vector<16xi32>
        %add3A_934 = arith.addi %iota3A_931, %add3A_933 : vector<16xi32>
        %broadcast_in_dim3A_935 = vector.broadcast %scan3A_924 : i32 to vector<16xi32>
        %gather3A_936 = tpu.vector_load_idx %arg12[%broadcast_in_dim3A_935, %add3A_934] : memref<128x128xf32, #tpu.memory_space<vmem>>[vector<16xi32>, vector<16xi32>], vector<16xf32>,
        %mul3A_937 = vector.broadcast %squeeze3A_930 : f32 to vector<16xf32>
        %mul3A_938 = arith.mulf %gather3A_936, %mul3A_937 : vector<16xf32>
        tpu.vector_store_idx %arg12[%broadcast_in_dim3A_935, %add3A_934], %mul3A_938 : memref<128x128xf32, #tpu.memory_space<vmem>>[vector<16xi32>, vector<16xi32>], vector<16xf32>,
        %iota3A_939 = tpu.iota {dimensions = array<i32: 0>} : vector<16xi32>
        %add3A_940 = arith.constant 16 : i32
        %add3A_941 = vector.broadcast %add3A_940 : i32 to vector<16xi32>
        %add3A_942 = arith.addi %iota3A_939, %add3A_941 : vector<16xi32>
        %broadcast_in_dim3A_943 = vector.broadcast %scan3A_924 : i32 to vector<16xi32>
        %gather3A_944 = tpu.vector_load_idx %arg12[%broadcast_in_dim3A_943, %add3A_942] : memref<128x128xf32, #tpu.memory_space<vmem>>[vector<16xi32>, vector<16xi32>], vector<16xf32>,
        %mul3A_945 = vector.broadcast %squeeze3A_930 : f32 to vector<16xf32>
        %mul3A_946 = arith.mulf %gather3A_944, %mul3A_945 : vector<16xf32>
        tpu.vector_store_idx %arg12[%broadcast_in_dim3A_943, %add3A_942], %mul3A_946 : memref<128x128xf32, #tpu.memory_space<vmem>>[vector<16xi32>, vector<16xi32>], vector<16xf32>,
        %slice3A_947 = vector.extract_strided_slice %get3A_928 {offsets = [1], sizes = [1], strides = [1]} : vector<16xf32> to vector<1xf32>
        %squeeze3A_948 = vector.extract %slice3A_947[0] : f32 from vector<1xf32>
        %iota3A_949 = tpu.iota {dimensions = array<i32: 0>} : vector<16xi32>
        %add3A_950 = arith.constant 32 : i32
        %add3A_951 = vector.broadcast %add3A_950 : i32 to vector<16xi32>
        %add3A_952 = arith.addi %iota3A_949, %add3A_951 : vector<16xi32>
        %broadcast_in_dim3A_953 = vector.broadcast %scan3A_924 : i32 to vector<16xi32>
        %gather3A_954 = tpu.vector_load_idx %arg12[%broadcast_in_dim3A_953, %add3A_952] : memref<128x128xf32, #tpu.memory_space<vmem>>[vector<16xi32>, vector<16xi32>], vector<16xf32>,
        %mul3A_955 = vector.broadcast %squeeze3A_948 : f32 to vector<16xf32>
        %mul3A_956 = arith.mulf %gather3A_954, %mul3A_955 : vector<16xf32>
        tpu.vector_store_idx %arg12[%broadcast_in_dim3A_953, %add3A_952], %mul3A_956 : memref<128x128xf32, #tpu.memory_space<vmem>>[vector<16xi32>, vector<16xi32>], vector<16xf32>,
        %iota3A_957 = tpu.iota {dimensions = array<i32: 0>} : vector<16xi32>
        %add3A_958 = arith.constant 48 : i32
        %add3A_959 = vector.broadcast %add3A_958 : i32 to vector<16xi32>
        %add3A_960 = arith.addi %iota3A_957, %add3A_959 : vector<16xi32>
        %broadcast_in_dim3A_961 = vector.broadcast %scan3A_924 : i32 to vector<16xi32>
        %gather3A_962 = tpu.vector_load_idx %arg12[%broadcast_in_dim3A_961, %add3A_960] : memref<128x128xf32, #tpu.memory_space<vmem>>[vector<16xi32>, vector<16xi32>], vector<16xf32>,
        %mul3A_963 = vector.broadcast %squeeze3A_948 : f32 to vector<16xf32>
        %mul3A_964 = arith.mulf %gather3A_962, %mul3A_963 : vector<16xf32>
        tpu.vector_store_idx %arg12[%broadcast_in_dim3A_961, %add3A_960], %mul3A_964 : memref<128x128xf32, #tpu.memory_space<vmem>>[vector<16xi32>, vector<16xi32>], vector<16xf32>,
        %slice3A_965 = vector.extract_strided_slice %get3A_928 {offsets = [2], sizes = [1], strides = [1]} : vector<16xf32> to vector<1xf32>
        %squeeze3A_966 = vector.extract %slice3A_965[0] : f32 from vector<1xf32>
        %iota3A_967 = tpu.iota {dimensions = array<i32: 0>} : vector<16xi32>
        %add3A_968 = arith.constant 64 : i32
        %add3A_969 = vector.broadcast %add3A_968 : i32 to vector<16xi32>
        %add3A_970 = arith.addi %iota3A_967, %add3A_969 : vector<16xi32>
        %broadcast_in_dim3A_971 = vector.broadcast %scan3A_924 : i32 to vector<16xi32>
        %gather3A_972 = tpu.vector_load_idx %arg12[%broadcast_in_dim3A_971, %add3A_970] : memref<128x128xf32, #tpu.memory_space<vmem>>[vector<16xi32>, vector<16xi32>], vector<16xf32>,
        %mul3A_973 = vector.broadcast %squeeze3A_966 : f32 to vector<16xf32>
        %mul3A_974 = arith.mulf %gather3A_972, %mul3A_973 : vector<16xf32>
        tpu.vector_store_idx %arg12[%broadcast_in_dim3A_971, %add3A_970], %mul3A_974 : memref<128x128xf32, #tpu.memory_space<vmem>>[vector<16xi32>, vector<16xi32>], vector<16xf32>,
        %iota3A_975 = tpu.iota {dimensions = array<i32: 0>} : vector<16xi32>
        %add3A_976 = arith.constant 80 : i32
        %add3A_977 = vector.broadcast %add3A_976 : i32 to vector<16xi32>
        %add3A_978 = arith.addi %iota3A_975, %add3A_977 : vector<16xi32>
        %broadcast_in_dim3A_979 = vector.broadcast %scan3A_924 : i32 to vector<16xi32>
        %gather3A_980 = tpu.vector_load_idx %arg12[%broadcast_in_dim3A_979, %add3A_978] : memref<128x128xf32, #tpu.memory_space<vmem>>[vector<16xi32>, vector<16xi32>], vector<16xf32>,
        %mul3A_981 = vector.broadcast %squeeze3A_966 : f32 to vector<16xf32>
        %mul3A_982 = arith.mulf %gather3A_980, %mul3A_981 : vector<16xf32>
        tpu.vector_store_idx %arg12[%broadcast_in_dim3A_979, %add3A_978], %mul3A_982 : memref<128x128xf32, #tpu.memory_space<vmem>>[vector<16xi32>, vector<16xi32>], vector<16xf32>,
        %slice3A_983 = vector.extract_strided_slice %get3A_928 {offsets = [3], sizes = [1], strides = [1]} : vector<16xf32> to vector<1xf32>
        %squeeze3A_984 = vector.extract %slice3A_983[0] : f32 from vector<1xf32>
        %iota3A_985 = tpu.iota {dimensions = array<i32: 0>} : vector<16xi32>
        %add3A_986 = arith.constant 96 : i32
        %add3A_987 = vector.broadcast %add3A_986 : i32 to vector<16xi32>
        %add3A_988 = arith.addi %iota3A_985, %add3A_987 : vector<16xi32>
        %broadcast_in_dim3A_989 = vector.broadcast %scan3A_924 : i32 to vector<16xi32>
        %gather3A_990 = tpu.vector_load_idx %arg12[%broadcast_in_dim3A_989, %add3A_988] : memref<128x128xf32, #tpu.memory_space<vmem>>[vector<16xi32>, vector<16xi32>], vector<16xf32>,
        %mul3A_991 = vector.broadcast %squeeze3A_984 : f32 to vector<16xf32>
        %mul3A_992 = arith.mulf %gather3A_990, %mul3A_991 : vector<16xf32>
        tpu.vector_store_idx %arg12[%broadcast_in_dim3A_989, %add3A_988], %mul3A_992 : memref<128x128xf32, #tpu.memory_space<vmem>>[vector<16xi32>, vector<16xi32>], vector<16xf32>,
        %iota3A_993 = tpu.iota {dimensions = array<i32: 0>} : vector<16xi32>
        %add3A_994 = arith.constant 112 : i32
        %add3A_995 = vector.broadcast %add3A_994 : i32 to vector<16xi32>
        %add3A_996 = arith.addi %iota3A_993, %add3A_995 : vector<16xi32>
        %broadcast_in_dim3A_997 = vector.broadcast %scan3A_924 : i32 to vector<16xi32>
        %gather3A_998 = tpu.vector_load_idx %arg12[%broadcast_in_dim3A_997, %add3A_996] : memref<128x128xf32, #tpu.memory_space<vmem>>[vector<16xi32>, vector<16xi32>], vector<16xf32>,
        %mul3A_999 = vector.broadcast %squeeze3A_984 : f32 to vector<16xf32>
        %mul3A_1000 = arith.mulf %gather3A_998, %mul3A_999 : vector<16xf32>
        tpu.vector_store_idx %arg12[%broadcast_in_dim3A_997, %add3A_996], %mul3A_1000 : memref<128x128xf32, #tpu.memory_space<vmem>>[vector<16xi32>, vector<16xi32>], vector<16xf32>,
        %scan3A_1001 = arith.constant 2 : i32
        %scan3A_1002 = arith.addi %scan3A_849, %scan3A_1001 : i32
        %mul3A_1003 = arith.constant 8 : i32
        %mul3A_1004 = arith.muli %scan3A_1002, %mul3A_1003 : i32
        %get3A_1005 = arith.index_cast %mul3A_1004 : i32 to index
        %get3A_1006 = tpu.vector_load %arg16[%get3A_1005] {strides = array<i32>} : memref<1032xf32, #tpu.memory_space<vmem>>, vector<16xf32>,
        %slice3A_1007 = vector.extract_strided_slice %get3A_1006 {offsets = [0], sizes = [1], strides = [1]} : vector<16xf32> to vector<1xf32>
        %squeeze3A_1008 = vector.extract %slice3A_1007[0] : f32 from vector<1xf32>
        %iota3A_1009 = tpu.iota {dimensions = array<i32: 0>} : vector<16xi32>
        %add3A_1010 = arith.constant 0 : i32
        %add3A_1011 = vector.broadcast %add3A_1010 : i32 to vector<16xi32>
        %add3A_1012 = arith.addi %iota3A_1009, %add3A_1011 : vector<16xi32>
        %broadcast_in_dim3A_1013 = vector.broadcast %scan3A_1002 : i32 to vector<16xi32>
        %gather3A_1014 = tpu.vector_load_idx %arg12[%broadcast_in_dim3A_1013, %add3A_1012] : memref<128x128xf32, #tpu.memory_space<vmem>>[vector<16xi32>, vector<16xi32>], vector<16xf32>,
        %mul3A_1015 = vector.broadcast %squeeze3A_1008 : f32 to vector<16xf32>
        %mul3A_1016 = arith.mulf %gather3A_1014, %mul3A_1015 : vector<16xf32>
        tpu.vector_store_idx %arg12[%broadcast_in_dim3A_1013, %add3A_1012], %mul3A_1016 : memref<128x128xf32, #tpu.memory_space<vmem>>[vector<16xi32>, vector<16xi32>], vector<16xf32>,
        %iota3A_1017 = tpu.iota {dimensions = array<i32: 0>} : vector<16xi32>
        %add3A_1018 = arith.constant 16 : i32
        %add3A_1019 = vector.broadcast %add3A_1018 : i32 to vector<16xi32>
        %add3A_1020 = arith.addi %iota3A_1017, %add3A_1019 : vector<16xi32>
        %broadcast_in_dim3A_1021 = vector.broadcast %scan3A_1002 : i32 to vector<16xi32>
        %gather3A_1022 = tpu.vector_load_idx %arg12[%broadcast_in_dim3A_1021, %add3A_1020] : memref<128x128xf32, #tpu.memory_space<vmem>>[vector<16xi32>, vector<16xi32>], vector<16xf32>,
        %mul3A_1023 = vector.broadcast %squeeze3A_1008 : f32 to vector<16xf32>
        %mul3A_1024 = arith.mulf %gather3A_1022, %mul3A_1023 : vector<16xf32>
        tpu.vector_store_idx %arg12[%broadcast_in_dim3A_1021, %add3A_1020], %mul3A_1024 : memref<128x128xf32, #tpu.memory_space<vmem>>[vector<16xi32>, vector<16xi32>], vector<16xf32>,
        %slice3A_1025 = vector.extract_strided_slice %get3A_1006 {offsets = [1], sizes = [1], strides = [1]} : vector<16xf32> to vector<1xf32>
        %squeeze3A_1026 = vector.extract %slice3A_1025[0] : f32 from vector<1xf32>
        %iota3A_1027 = tpu.iota {dimensions = array<i32: 0>} : vector<16xi32>
        %add3A_1028 = arith.constant 32 : i32
        %add3A_1029 = vector.broadcast %add3A_1028 : i32 to vector<16xi32>
        %add3A_1030 = arith.addi %iota3A_1027, %add3A_1029 : vector<16xi32>
        %broadcast_in_dim3A_1031 = vector.broadcast %scan3A_1002 : i32 to vector<16xi32>
        %gather3A_1032 = tpu.vector_load_idx %arg12[%broadcast_in_dim3A_1031, %add3A_1030] : memref<128x128xf32, #tpu.memory_space<vmem>>[vector<16xi32>, vector<16xi32>], vector<16xf32>,
        %mul3A_1033 = vector.broadcast %squeeze3A_1026 : f32 to vector<16xf32>
        %mul3A_1034 = arith.mulf %gather3A_1032, %mul3A_1033 : vector<16xf32>
        tpu.vector_store_idx %arg12[%broadcast_in_dim3A_1031, %add3A_1030], %mul3A_1034 : memref<128x128xf32, #tpu.memory_space<vmem>>[vector<16xi32>, vector<16xi32>], vector<16xf32>,
        %iota3A_1035 = tpu.iota {dimensions = array<i32: 0>} : vector<16xi32>
        %add3A_1036 = arith.constant 48 : i32
        %add3A_1037 = vector.broadcast %add3A_1036 : i32 to vector<16xi32>
        %add3A_1038 = arith.addi %iota3A_1035, %add3A_1037 : vector<16xi32>
        %broadcast_in_dim3A_1039 = vector.broadcast %scan3A_1002 : i32 to vector<16xi32>
        %gather3A_1040 = tpu.vector_load_idx %arg12[%broadcast_in_dim3A_1039, %add3A_1038] : memref<128x128xf32, #tpu.memory_space<vmem>>[vector<16xi32>, vector<16xi32>], vector<16xf32>,
        %mul3A_1041 = vector.broadcast %squeeze3A_1026 : f32 to vector<16xf32>
        %mul3A_1042 = arith.mulf %gather3A_1040, %mul3A_1041 : vector<16xf32>
        tpu.vector_store_idx %arg12[%broadcast_in_dim3A_1039, %add3A_1038], %mul3A_1042 : memref<128x128xf32, #tpu.memory_space<vmem>>[vector<16xi32>, vector<16xi32>], vector<16xf32>,
        %slice3A_1043 = vector.extract_strided_slice %get3A_1006 {offsets = [2], sizes = [1], strides = [1]} : vector<16xf32> to vector<1xf32>
        %squeeze3A_1044 = vector.extract %slice3A_1043[0] : f32 from vector<1xf32>
        %iota3A_1045 = tpu.iota {dimensions = array<i32: 0>} : vector<16xi32>
        %add3A_1046 = arith.constant 64 : i32
        %add3A_1047 = vector.broadcast %add3A_1046 : i32 to vector<16xi32>
        %add3A_1048 = arith.addi %iota3A_1045, %add3A_1047 : vector<16xi32>
        %broadcast_in_dim3A_1049 = vector.broadcast %scan3A_1002 : i32 to vector<16xi32>
        %gather3A_1050 = tpu.vector_load_idx %arg12[%broadcast_in_dim3A_1049, %add3A_1048] : memref<128x128xf32, #tpu.memory_space<vmem>>[vector<16xi32>, vector<16xi32>], vector<16xf32>,
        %mul3A_1051 = vector.broadcast %squeeze3A_1044 : f32 to vector<16xf32>
        %mul3A_1052 = arith.mulf %gather3A_1050, %mul3A_1051 : vector<16xf32>
        tpu.vector_store_idx %arg12[%broadcast_in_dim3A_1049, %add3A_1048], %mul3A_1052 : memref<128x128xf32, #tpu.memory_space<vmem>>[vector<16xi32>, vector<16xi32>], vector<16xf32>,
        %iota3A_1053 = tpu.iota {dimensions = array<i32: 0>} : vector<16xi32>
        %add3A_1054 = arith.constant 80 : i32
        %add3A_1055 = vector.broadcast %add3A_1054 : i32 to vector<16xi32>
        %add3A_1056 = arith.addi %iota3A_1053, %add3A_1055 : vector<16xi32>
        %broadcast_in_dim3A_1057 = vector.broadcast %scan3A_1002 : i32 to vector<16xi32>
        %gather3A_1058 = tpu.vector_load_idx %arg12[%broadcast_in_dim3A_1057, %add3A_1056] : memref<128x128xf32, #tpu.memory_space<vmem>>[vector<16xi32>, vector<16xi32>], vector<16xf32>,
        %mul3A_1059 = vector.broadcast %squeeze3A_1044 : f32 to vector<16xf32>
        %mul3A_1060 = arith.mulf %gather3A_1058, %mul3A_1059 : vector<16xf32>
        tpu.vector_store_idx %arg12[%broadcast_in_dim3A_1057, %add3A_1056], %mul3A_1060 : memref<128x128xf32, #tpu.memory_space<vmem>>[vector<16xi32>, vector<16xi32>], vector<16xf32>,
        %slice3A_1061 = vector.extract_strided_slice %get3A_1006 {offsets = [3], sizes = [1], strides = [1]} : vector<16xf32> to vector<1xf32>
        %squeeze3A_1062 = vector.extract %slice3A_1061[0] : f32 from vector<1xf32>
        %iota3A_1063 = tpu.iota {dimensions = array<i32: 0>} : vector<16xi32>
        %add3A_1064 = arith.constant 96 : i32
        %add3A_1065 = vector.broadcast %add3A_1064 : i32 to vector<16xi32>
        %add3A_1066 = arith.addi %iota3A_1063, %add3A_1065 : vector<16xi32>
        %broadcast_in_dim3A_1067 = vector.broadcast %scan3A_1002 : i32 to vector<16xi32>
        %gather3A_1068 = tpu.vector_load_idx %arg12[%broadcast_in_dim3A_1067, %add3A_1066] : memref<128x128xf32, #tpu.memory_space<vmem>>[vector<16xi32>, vector<16xi32>], vector<16xf32>,
        %mul3A_1069 = vector.broadcast %squeeze3A_1062 : f32 to vector<16xf32>
        %mul3A_1070 = arith.mulf %gather3A_1068, %mul3A_1069 : vector<16xf32>
        tpu.vector_store_idx %arg12[%broadcast_in_dim3A_1067, %add3A_1066], %mul3A_1070 : memref<128x128xf32, #tpu.memory_space<vmem>>[vector<16xi32>, vector<16xi32>], vector<16xf32>,
        %iota3A_1071 = tpu.iota {dimensions = array<i32: 0>} : vector<16xi32>
        %add3A_1072 = arith.constant 112 : i32
        %add3A_1073 = vector.broadcast %add3A_1072 : i32 to vector<16xi32>
        %add3A_1074 = arith.addi %iota3A_1071, %add3A_1073 : vector<16xi32>
        %broadcast_in_dim3A_1075 = vector.broadcast %scan3A_1002 : i32 to vector<16xi32>
        %gather3A_1076 = tpu.vector_load_idx %arg12[%broadcast_in_dim3A_1075, %add3A_1074] : memref<128x128xf32, #tpu.memory_space<vmem>>[vector<16xi32>, vector<16xi32>], vector<16xf32>,
        %mul3A_1077 = vector.broadcast %squeeze3A_1062 : f32 to vector<16xf32>
        %mul3A_1078 = arith.mulf %gather3A_1076, %mul3A_1077 : vector<16xf32>
        tpu.vector_store_idx %arg12[%broadcast_in_dim3A_1075, %add3A_1074], %mul3A_1078 : memref<128x128xf32, #tpu.memory_space<vmem>>[vector<16xi32>, vector<16xi32>], vector<16xf32>,
        %scan3A_1079 = arith.constant 3 : i32
        %scan3A_1080 = arith.addi %scan3A_849, %scan3A_1079 : i32
        %mul3A_1081 = arith.constant 8 : i32
        %mul3A_1082 = arith.muli %scan3A_1080, %mul3A_1081 : i32
        %get3A_1083 = arith.index_cast %mul3A_1082 : i32 to index
        %get3A_1084 = tpu.vector_load %arg16[%get3A_1083] {strides = array<i32>} : memref<1032xf32, #tpu.memory_space<vmem>>, vector<16xf32>,
        %slice3A_1085 = vector.extract_strided_slice %get3A_1084 {offsets = [0], sizes = [1], strides = [1]} : vector<16xf32> to vector<1xf32>
        %squeeze3A_1086 = vector.extract %slice3A_1085[0] : f32 from vector<1xf32>
        %iota3A_1087 = tpu.iota {dimensions = array<i32: 0>} : vector<16xi32>
        %add3A_1088 = arith.constant 0 : i32
        %add3A_1089 = vector.broadcast %add3A_1088 : i32 to vector<16xi32>
        %add3A_1090 = arith.addi %iota3A_1087, %add3A_1089 : vector<16xi32>
        %broadcast_in_dim3A_1091 = vector.broadcast %scan3A_1080 : i32 to vector<16xi32>
        %gather3A_1092 = tpu.vector_load_idx %arg12[%broadcast_in_dim3A_1091, %add3A_1090] : memref<128x128xf32, #tpu.memory_space<vmem>>[vector<16xi32>, vector<16xi32>], vector<16xf32>,
        %mul3A_1093 = vector.broadcast %squeeze3A_1086 : f32 to vector<16xf32>
        %mul3A_1094 = arith.mulf %gather3A_1092, %mul3A_1093 : vector<16xf32>
        tpu.vector_store_idx %arg12[%broadcast_in_dim3A_1091, %add3A_1090], %mul3A_1094 : memref<128x128xf32, #tpu.memory_space<vmem>>[vector<16xi32>, vector<16xi32>], vector<16xf32>,
        %iota3A_1095 = tpu.iota {dimensions = array<i32: 0>} : vector<16xi32>
        %add3A_1096 = arith.constant 16 : i32
        %add3A_1097 = vector.broadcast %add3A_1096 : i32 to vector<16xi32>
        %add3A_1098 = arith.addi %iota3A_1095, %add3A_1097 : vector<16xi32>
        %broadcast_in_dim3A_1099 = vector.broadcast %scan3A_1080 : i32 to vector<16xi32>
        %gather3A_1100 = tpu.vector_load_idx %arg12[%broadcast_in_dim3A_1099, %add3A_1098] : memref<128x128xf32, #tpu.memory_space<vmem>>[vector<16xi32>, vector<16xi32>], vector<16xf32>,
        %mul3A_1101 = vector.broadcast %squeeze3A_1086 : f32 to vector<16xf32>
        %mul3A_1102 = arith.mulf %gather3A_1100, %mul3A_1101 : vector<16xf32>
        tpu.vector_store_idx %arg12[%broadcast_in_dim3A_1099, %add3A_1098], %mul3A_1102 : memref<128x128xf32, #tpu.memory_space<vmem>>[vector<16xi32>, vector<16xi32>], vector<16xf32>,
        %slice3A_1103 = vector.extract_strided_slice %get3A_1084 {offsets = [1], sizes = [1], strides = [1]} : vector<16xf32> to vector<1xf32>
        %squeeze3A_1104 = vector.extract %slice3A_1103[0] : f32 from vector<1xf32>
        %iota3A_1105 = tpu.iota {dimensions = array<i32: 0>} : vector<16xi32>
        %add3A_1106 = arith.constant 32 : i32
        %add3A_1107 = vector.broadcast %add3A_1106 : i32 to vector<16xi32>
        %add3A_1108 = arith.addi %iota3A_1105, %add3A_1107 : vector<16xi32>
        %broadcast_in_dim3A_1109 = vector.broadcast %scan3A_1080 : i32 to vector<16xi32>
        %gather3A_1110 = tpu.vector_load_idx %arg12[%broadcast_in_dim3A_1109, %add3A_1108] : memref<128x128xf32, #tpu.memory_space<vmem>>[vector<16xi32>, vector<16xi32>], vector<16xf32>,
        %mul3A_1111 = vector.broadcast %squeeze3A_1104 : f32 to vector<16xf32>
        %mul3A_1112 = arith.mulf %gather3A_1110, %mul3A_1111 : vector<16xf32>
        tpu.vector_store_idx %arg12[%broadcast_in_dim3A_1109, %add3A_1108], %mul3A_1112 : memref<128x128xf32, #tpu.memory_space<vmem>>[vector<16xi32>, vector<16xi32>], vector<16xf32>,
        %iota3A_1113 = tpu.iota {dimensions = array<i32: 0>} : vector<16xi32>
        %add3A_1114 = arith.constant 48 : i32
        %add3A_1115 = vector.broadcast %add3A_1114 : i32 to vector<16xi32>
        %add3A_1116 = arith.addi %iota3A_1113, %add3A_1115 : vector<16xi32>
        %broadcast_in_dim3A_1117 = vector.broadcast %scan3A_1080 : i32 to vector<16xi32>
        %gather3A_1118 = tpu.vector_load_idx %arg12[%broadcast_in_dim3A_1117, %add3A_1116] : memref<128x128xf32, #tpu.memory_space<vmem>>[vector<16xi32>, vector<16xi32>], vector<16xf32>,
        %mul3A_1119 = vector.broadcast %squeeze3A_1104 : f32 to vector<16xf32>
        %mul3A_1120 = arith.mulf %gather3A_1118, %mul3A_1119 : vector<16xf32>
        tpu.vector_store_idx %arg12[%broadcast_in_dim3A_1117, %add3A_1116], %mul3A_1120 : memref<128x128xf32, #tpu.memory_space<vmem>>[vector<16xi32>, vector<16xi32>], vector<16xf32>,
        %slice3A_1121 = vector.extract_strided_slice %get3A_1084 {offsets = [2], sizes = [1], strides = [1]} : vector<16xf32> to vector<1xf32>
        %squeeze3A_1122 = vector.extract %slice3A_1121[0] : f32 from vector<1xf32>
        %iota3A_1123 = tpu.iota {dimensions = array<i32: 0>} : vector<16xi32>
        %add3A_1124 = arith.constant 64 : i32
        %add3A_1125 = vector.broadcast %add3A_1124 : i32 to vector<16xi32>
        %add3A_1126 = arith.addi %iota3A_1123, %add3A_1125 : vector<16xi32>
        %broadcast_in_dim3A_1127 = vector.broadcast %scan3A_1080 : i32 to vector<16xi32>
        %gather3A_1128 = tpu.vector_load_idx %arg12[%broadcast_in_dim3A_1127, %add3A_1126] : memref<128x128xf32, #tpu.memory_space<vmem>>[vector<16xi32>, vector<16xi32>], vector<16xf32>,
        %mul3A_1129 = vector.broadcast %squeeze3A_1122 : f32 to vector<16xf32>
        %mul3A_1130 = arith.mulf %gather3A_1128, %mul3A_1129 : vector<16xf32>
        tpu.vector_store_idx %arg12[%broadcast_in_dim3A_1127, %add3A_1126], %mul3A_1130 : memref<128x128xf32, #tpu.memory_space<vmem>>[vector<16xi32>, vector<16xi32>], vector<16xf32>,
        %iota3A_1131 = tpu.iota {dimensions = array<i32: 0>} : vector<16xi32>
        %add3A_1132 = arith.constant 80 : i32
        %add3A_1133 = vector.broadcast %add3A_1132 : i32 to vector<16xi32>
        %add3A_1134 = arith.addi %iota3A_1131, %add3A_1133 : vector<16xi32>
        %broadcast_in_dim3A_1135 = vector.broadcast %scan3A_1080 : i32 to vector<16xi32>
        %gather3A_1136 = tpu.vector_load_idx %arg12[%broadcast_in_dim3A_1135, %add3A_1134] : memref<128x128xf32, #tpu.memory_space<vmem>>[vector<16xi32>, vector<16xi32>], vector<16xf32>,
        %mul3A_1137 = vector.broadcast %squeeze3A_1122 : f32 to vector<16xf32>
        %mul3A_1138 = arith.mulf %gather3A_1136, %mul3A_1137 : vector<16xf32>
        tpu.vector_store_idx %arg12[%broadcast_in_dim3A_1135, %add3A_1134], %mul3A_1138 : memref<128x128xf32, #tpu.memory_space<vmem>>[vector<16xi32>, vector<16xi32>], vector<16xf32>,
        %slice3A_1139 = vector.extract_strided_slice %get3A_1084 {offsets = [3], sizes = [1], strides = [1]} : vector<16xf32> to vector<1xf32>
        %squeeze3A_1140 = vector.extract %slice3A_1139[0] : f32 from vector<1xf32>
        %iota3A_1141 = tpu.iota {dimensions = array<i32: 0>} : vector<16xi32>
        %add3A_1142 = arith.constant 96 : i32
        %add3A_1143 = vector.broadcast %add3A_1142 : i32 to vector<16xi32>
        %add3A_1144 = arith.addi %iota3A_1141, %add3A_1143 : vector<16xi32>
        %broadcast_in_dim3A_1145 = vector.broadcast %scan3A_1080 : i32 to vector<16xi32>
        %gather3A_1146 = tpu.vector_load_idx %arg12[%broadcast_in_dim3A_1145, %add3A_1144] : memref<128x128xf32, #tpu.memory_space<vmem>>[vector<16xi32>, vector<16xi32>], vector<16xf32>,
        %mul3A_1147 = vector.broadcast %squeeze3A_1140 : f32 to vector<16xf32>
        %mul3A_1148 = arith.mulf %gather3A_1146, %mul3A_1147 : vector<16xf32>
        tpu.vector_store_idx %arg12[%broadcast_in_dim3A_1145, %add3A_1144], %mul3A_1148 : memref<128x128xf32, #tpu.memory_space<vmem>>[vector<16xi32>, vector<16xi32>], vector<16xf32>,
        %iota3A_1149 = tpu.iota {dimensions = array<i32: 0>} : vector<16xi32>
        %add3A_1150 = arith.constant 112 : i32
        %add3A_1151 = vector.broadcast %add3A_1150 : i32 to vector<16xi32>
        %add3A_1152 = arith.addi %iota3A_1149, %add3A_1151 : vector<16xi32>
        %broadcast_in_dim3A_1153 = vector.broadcast %scan3A_1080 : i32 to vector<16xi32>
        %gather3A_1154 = tpu.vector_load_idx %arg12[%broadcast_in_dim3A_1153, %add3A_1152] : memref<128x128xf32, #tpu.memory_space<vmem>>[vector<16xi32>, vector<16xi32>], vector<16xf32>,
        %mul3A_1155 = vector.broadcast %squeeze3A_1140 : f32 to vector<16xf32>
        %mul3A_1156 = arith.mulf %gather3A_1154, %mul3A_1155 : vector<16xf32>
        tpu.vector_store_idx %arg12[%broadcast_in_dim3A_1153, %add3A_1152], %mul3A_1156 : memref<128x128xf32, #tpu.memory_space<vmem>>[vector<16xi32>, vector<16xi32>], vector<16xf32>,
      }
      %scan3A_848 = arith.constant 128 : i32
      "tpu.region"() ({
        %run_scoped3A = tpu.sem_alloc : memref<!tpu.dma_semaphore, #tpu.memory_space<semaphore_mem>>
        %dma_start3A_849 = arith.constant 0 : i32
        %dma_start3A_850 = tpu.memref_slice %arg11[%scan3A_46, %dma_start3A_849] : memref<80x128xi32, #tpu.memory_space<vmem>> -> memref<1x128xi32, #tpu.memory_space<vmem>>
        %dma_start3A_851 = tpu.memref_squeeze %dma_start3A_850 : memref<1x128xi32, #tpu.memory_space<vmem>> -> memref<128xi32, #tpu.memory_space<vmem>>
        %dma_start3A_852 = arith.constant 0 : i32
        %dma_start3A_853 = arith.constant 0 : i32
        %dma_start3A_854 = tpu.memref_slice %arg17[%dma_start3A_852, %dma_start3A_853] : memref<10008x128xf32, #tpu.memory_space<vmem_shared>> -> memref<10008x128xf32, #tpu.memory_space<vmem_shared>>
        tpu.enqueue_indirect_dma source(%arg12 : memref<128x128xf32, #tpu.memory_space<vmem>>) target(%dma_start3A_854 : memref<10008x128xf32, #tpu.memory_space<vmem_shared>>) offsets(%dma_start3A_851 : memref<128xi32, #tpu.memory_space<vmem>>) semaphore(%run_scoped3A : memref<!tpu.dma_semaphore, #tpu.memory_space<semaphore_mem>>) {add = true}
        %dma_wait3A_855 = arith.constant 0 : i32
        %dma_wait3A_856 = tpu.memref_slice %arg11[%scan3A_46, %dma_wait3A_855] : memref<80x128xi32, #tpu.memory_space<vmem>> -> memref<1x128xi32, #tpu.memory_space<vmem>>
        %dma_wait3A_857 = tpu.memref_squeeze %dma_wait3A_856 : memref<1x128xi32, #tpu.memory_space<vmem>> -> memref<128xi32, #tpu.memory_space<vmem>>
        %dma_wait3A_858 = arith.constant 0 : i32
        %dma_wait3A_859 = arith.constant 0 : i32
        %dma_wait3A_860 = tpu.memref_slice %arg17[%dma_wait3A_858, %dma_wait3A_859] : memref<10008x128xf32, #tpu.memory_space<vmem_shared>> -> memref<10008x128xf32, #tpu.memory_space<vmem_shared>>
        tpu.wait_indirect_dma semaphore(%run_scoped3A : memref<!tpu.dma_semaphore, #tpu.memory_space<semaphore_mem>>) src(%arg12 : memref<128x128xf32, #tpu.memory_space<vmem>>) dst(%dma_wait3A_860 : memref<10008x128xf32, #tpu.memory_space<vmem_shared>>)
        tpu.yield
      }) : () -> ()
      "tpu.region"() ({
        %run_scoped3A = tpu.sem_alloc : memref<!tpu.dma_semaphore, #tpu.memory_space<semaphore_mem>>
        %dma_start3A_849 = arith.constant 0 : i32
        %dma_start3A_850 = tpu.memref_slice %arg11[%scan3A_46, %dma_start3A_849] : memref<80x128xi32, #tpu.memory_space<vmem>> -> memref<1x128xi32, #tpu.memory_space<vmem>>
        %dma_start3A_851 = tpu.memref_squeeze %dma_start3A_850 : memref<1x128xi32, #tpu.memory_space<vmem>> -> memref<128xi32, #tpu.memory_space<vmem>>
        %dma_start3A_852 = arith.constant 0 : i32
        %dma_start3A_853 = arith.constant 0 : i32
        %dma_start3A_854 = tpu.memref_slice %arg18[%dma_start3A_852, %dma_start3A_853] : memref<10008x8xf32, #tpu.memory_space<vmem_shared>> -> memref<10008x8xf32, #tpu.memory_space<vmem_shared>>
        tpu.enqueue_indirect_dma source(%arg15 : memref<128x8xf32, #tpu.memory_space<vmem>>) target(%dma_start3A_854 : memref<10008x8xf32, #tpu.memory_space<vmem_shared>>) offsets(%dma_start3A_851 : memref<128xi32, #tpu.memory_space<vmem>>) semaphore(%run_scoped3A : memref<!tpu.dma_semaphore, #tpu.memory_space<semaphore_mem>>) {add = true}
        %dma_wait3A_855 = arith.constant 0 : i32
        %dma_wait3A_856 = tpu.memref_slice %arg11[%scan3A_46, %dma_wait3A_855] : memref<80x128xi32, #tpu.memory_space<vmem>> -> memref<1x128xi32, #tpu.memory_space<vmem>>
        %dma_wait3A_857 = tpu.memref_squeeze %dma_wait3A_856 : memref<1x128xi32, #tpu.memory_space<vmem>> -> memref<128xi32, #tpu.memory_space<vmem>>
        %dma_wait3A_858 = arith.constant 0 : i32
        %dma_wait3A_859 = arith.constant 0 : i32
        %dma_wait3A_860 = tpu.memref_slice %arg18[%dma_wait3A_858, %dma_wait3A_859] : memref<10008x8xf32, #tpu.memory_space<vmem_shared>> -> memref<10008x8xf32, #tpu.memory_space<vmem_shared>>
        tpu.wait_indirect_dma semaphore(%run_scoped3A : memref<!tpu.dma_semaphore, #tpu.memory_space<semaphore_mem>>) src(%arg15 : memref<128x8xf32, #tpu.memory_space<vmem>>) dst(%dma_wait3A_860 : memref<10008x8xf32, #tpu.memory_space<vmem_shared>>)
        tpu.yield
      }) : () -> ()
    }
    %scan3A_29 = arith.constant 80 : i32
    %barrier3A_30 = arith.constant 0 : index
    tpu.barrier barrier_id(%barrier3A_30)
    %add3A_31 = arith.constant 0 : i32
    %add3A_32 = arith.addi %mul3A_4, %add3A_31 : i32
    "tpu.region"() ({
      %run_scoped3A = tpu.sem_alloc : memref<!tpu.dma_semaphore, #tpu.memory_space<semaphore_mem>>
      %dma_start3A = arith.constant 0 : i32
      %dma_start3A_46 = tpu.memref_slice %arg17[%add3A_32, %dma_start3A] : memref<10008x128xf32, #tpu.memory_space<vmem_shared>> -> memref<128x128xf32, #tpu.memory_space<vmem_shared>>
      %dma_start3A_47 = arith.constant 0 : i32
      %dma_start3A_48 = tpu.memref_slice %arg17[%add3A_32, %dma_start3A_47] : memref<10008x128xf32, #tpu.memory_space<vmem_shared>> -> memref<128x128xf32, #tpu.memory_space<vmem_shared>>
      tpu.enqueue_dma source(%dma_start3A_48 : memref<128x128xf32, #tpu.memory_space<vmem_shared>>) target(%arg12 : memref<128x128xf32, #tpu.memory_space<vmem>>) target_semaphore(%run_scoped3A : memref<!tpu.dma_semaphore, #tpu.memory_space<semaphore_mem>>)
      %dma_wait3A = arith.constant 0 : i32
      %dma_wait3A_49 = tpu.memref_slice %arg17[%add3A_32, %dma_wait3A] : memref<10008x128xf32, #tpu.memory_space<vmem_shared>> -> memref<128x128xf32, #tpu.memory_space<vmem_shared>>
      %dma_wait3A_50 = arith.constant 0 : i32
      %dma_wait3A_51 = tpu.memref_slice %arg17[%add3A_32, %dma_wait3A_50] : memref<10008x128xf32, #tpu.memory_space<vmem_shared>> -> memref<128x128xf32, #tpu.memory_space<vmem_shared>>
      tpu.wait_dma2 semaphore(%run_scoped3A : memref<!tpu.dma_semaphore, #tpu.memory_space<semaphore_mem>>) src(%dma_wait3A_51 : memref<128x128xf32, #tpu.memory_space<vmem_shared>>) dst(%arg12 : memref<128x128xf32, #tpu.memory_space<vmem>>)
      tpu.yield
    }) : () -> ()
    "tpu.region"() ({
      %run_scoped3A = tpu.sem_alloc : memref<!tpu.dma_semaphore, #tpu.memory_space<semaphore_mem>>
      %dma_start3A = arith.constant 0 : i32
      %dma_start3A_46 = tpu.memref_slice %arg8[%arg0, %add3A_32, %dma_start3A] : memref<2x10000x128xf32, #tpu.memory_space<hbm>> -> memref<1x128x128xf32, #tpu.memory_space<hbm>>
      %dma_start3A_47 = tpu.memref_squeeze %dma_start3A_46 : memref<1x128x128xf32, #tpu.memory_space<hbm>> -> memref<128x128xf32, #tpu.memory_space<hbm>>
      %dma_start3A_48 = arith.constant 0 : i32
      %dma_start3A_49 = tpu.memref_slice %arg8[%arg0, %add3A_32, %dma_start3A_48] : memref<2x10000x128xf32, #tpu.memory_space<hbm>> -> memref<1x128x128xf32, #tpu.memory_space<hbm>>
      %dma_start3A_50 = tpu.memref_squeeze %dma_start3A_49 : memref<1x128x128xf32, #tpu.memory_space<hbm>> -> memref<128x128xf32, #tpu.memory_space<hbm>>
      tpu.enqueue_dma source(%arg12 : memref<128x128xf32, #tpu.memory_space<vmem>>) target(%dma_start3A_50 : memref<128x128xf32, #tpu.memory_space<hbm>>) target_semaphore(%run_scoped3A : memref<!tpu.dma_semaphore, #tpu.memory_space<semaphore_mem>>)
      %dma_wait3A = arith.constant 0 : i32
      %dma_wait3A_51 = tpu.memref_slice %arg8[%arg0, %add3A_32, %dma_wait3A] : memref<2x10000x128xf32, #tpu.memory_space<hbm>> -> memref<1x128x128xf32, #tpu.memory_space<hbm>>
      %dma_wait3A_52 = tpu.memref_squeeze %dma_wait3A_51 : memref<1x128x128xf32, #tpu.memory_space<hbm>> -> memref<128x128xf32, #tpu.memory_space<hbm>>
      %dma_wait3A_53 = arith.constant 0 : i32
      %dma_wait3A_54 = tpu.memref_slice %arg8[%arg0, %add3A_32, %dma_wait3A_53] : memref<2x10000x128xf32, #tpu.memory_space<hbm>> -> memref<1x128x128xf32, #tpu.memory_space<hbm>>
      %dma_wait3A_55 = tpu.memref_squeeze %dma_wait3A_54 : memref<1x128x128xf32, #tpu.memory_space<hbm>> -> memref<128x128xf32, #tpu.memory_space<hbm>>
      tpu.wait_dma2 semaphore(%run_scoped3A : memref<!tpu.dma_semaphore, #tpu.memory_space<semaphore_mem>>) src(%arg12 : memref<128x128xf32, #tpu.memory_space<vmem>>) dst(%dma_wait3A_55 : memref<128x128xf32, #tpu.memory_space<hbm>>)
      tpu.yield
    }) : () -> ()
    "tpu.region"() ({
      %run_scoped3A = tpu.sem_alloc : memref<!tpu.dma_semaphore, #tpu.memory_space<semaphore_mem>>
      %dma_start3A = arith.constant 0 : i32
      %dma_start3A_46 = tpu.memref_slice %arg18[%add3A_32, %dma_start3A] : memref<10008x8xf32, #tpu.memory_space<vmem_shared>> -> memref<128x8xf32, #tpu.memory_space<vmem_shared>>
      %dma_start3A_47 = arith.constant 0 : i32
      %dma_start3A_48 = tpu.memref_slice %arg18[%add3A_32, %dma_start3A_47] : memref<10008x8xf32, #tpu.memory_space<vmem_shared>> -> memref<128x8xf32, #tpu.memory_space<vmem_shared>>
      tpu.enqueue_dma source(%dma_start3A_48 : memref<128x8xf32, #tpu.memory_space<vmem_shared>>) target(%arg15 : memref<128x8xf32, #tpu.memory_space<vmem>>) target_semaphore(%run_scoped3A : memref<!tpu.dma_semaphore, #tpu.memory_space<semaphore_mem>>)
      %dma_wait3A = arith.constant 0 : i32
      %dma_wait3A_49 = tpu.memref_slice %arg18[%add3A_32, %dma_wait3A] : memref<10008x8xf32, #tpu.memory_space<vmem_shared>> -> memref<128x8xf32, #tpu.memory_space<vmem_shared>>
      %dma_wait3A_50 = arith.constant 0 : i32
      %dma_wait3A_51 = tpu.memref_slice %arg18[%add3A_32, %dma_wait3A_50] : memref<10008x8xf32, #tpu.memory_space<vmem_shared>> -> memref<128x8xf32, #tpu.memory_space<vmem_shared>>
      tpu.wait_dma2 semaphore(%run_scoped3A : memref<!tpu.dma_semaphore, #tpu.memory_space<semaphore_mem>>) src(%dma_wait3A_51 : memref<128x8xf32, #tpu.memory_space<vmem_shared>>) dst(%arg15 : memref<128x8xf32, #tpu.memory_space<vmem>>)
      tpu.yield
    }) : () -> ()
    "tpu.region"() ({
      %run_scoped3A = tpu.sem_alloc : memref<!tpu.dma_semaphore, #tpu.memory_space<semaphore_mem>>
      %dma_start3A = arith.constant 0 : i32
      %dma_start3A_46 = tpu.memref_slice %arg9[%arg0, %add3A_32, %dma_start3A] : memref<2x10000x8xf32, #tpu.memory_space<hbm>> -> memref<1x128x8xf32, #tpu.memory_space<hbm>>
      %dma_start3A_47 = tpu.memref_squeeze %dma_start3A_46 : memref<1x128x8xf32, #tpu.memory_space<hbm>> -> memref<128x8xf32, #tpu.memory_space<hbm>>
      %dma_start3A_48 = arith.constant 0 : i32
      %dma_start3A_49 = tpu.memref_slice %arg9[%arg0, %add3A_32, %dma_start3A_48] : memref<2x10000x8xf32, #tpu.memory_space<hbm>> -> memref<1x128x8xf32, #tpu.memory_space<hbm>>
      %dma_start3A_50 = tpu.memref_squeeze %dma_start3A_49 : memref<1x128x8xf32, #tpu.memory_space<hbm>> -> memref<128x8xf32, #tpu.memory_space<hbm>>
      tpu.enqueue_dma source(%arg15 : memref<128x8xf32, #tpu.memory_space<vmem>>) target(%dma_start3A_50 : memref<128x8xf32, #tpu.memory_space<hbm>>) target_semaphore(%run_scoped3A : memref<!tpu.dma_semaphore, #tpu.memory_space<semaphore_mem>>)
      %dma_wait3A = arith.constant 0 : i32
      %dma_wait3A_51 = tpu.memref_slice %arg9[%arg0, %add3A_32, %dma_wait3A] : memref<2x10000x8xf32, #tpu.memory_space<hbm>> -> memref<1x128x8xf32, #tpu.memory_space<hbm>>
      %dma_wait3A_52 = tpu.memref_squeeze %dma_wait3A_51 : memref<1x128x8xf32, #tpu.memory_space<hbm>> -> memref<128x8xf32, #tpu.memory_space<hbm>>
      %dma_wait3A_53 = arith.constant 0 : i32
      %dma_wait3A_54 = tpu.memref_slice %arg9[%arg0, %add3A_32, %dma_wait3A_53] : memref<2x10000x8xf32, #tpu.memory_space<hbm>> -> memref<1x128x8xf32, #tpu.memory_space<hbm>>
      %dma_wait3A_55 = tpu.memref_squeeze %dma_wait3A_54 : memref<1x128x8xf32, #tpu.memory_space<hbm>> -> memref<128x8xf32, #tpu.memory_space<hbm>>
      tpu.wait_dma2 semaphore(%run_scoped3A : memref<!tpu.dma_semaphore, #tpu.memory_space<semaphore_mem>>) src(%arg15 : memref<128x8xf32, #tpu.memory_space<vmem>>) dst(%dma_wait3A_55 : memref<128x8xf32, #tpu.memory_space<hbm>>)
      tpu.yield
    }) : () -> ()
    %add3A_33 = arith.constant 128 : i32
    %add3A_34 = arith.addi %mul3A_4, %add3A_33 : i32
    "tpu.region"() ({
      %run_scoped3A = tpu.sem_alloc : memref<!tpu.dma_semaphore, #tpu.memory_space<semaphore_mem>>
      %dma_start3A = arith.constant 0 : i32
      %dma_start3A_46 = tpu.memref_slice %arg17[%add3A_34, %dma_start3A] : memref<10008x128xf32, #tpu.memory_space<vmem_shared>> -> memref<128x128xf32, #tpu.memory_space<vmem_shared>>
      %dma_start3A_47 = arith.constant 0 : i32
      %dma_start3A_48 = tpu.memref_slice %arg17[%add3A_34, %dma_start3A_47] : memref<10008x128xf32, #tpu.memory_space<vmem_shared>> -> memref<128x128xf32, #tpu.memory_space<vmem_shared>>
      tpu.enqueue_dma source(%dma_start3A_48 : memref<128x128xf32, #tpu.memory_space<vmem_shared>>) target(%arg12 : memref<128x128xf32, #tpu.memory_space<vmem>>) target_semaphore(%run_scoped3A : memref<!tpu.dma_semaphore, #tpu.memory_space<semaphore_mem>>)
      %dma_wait3A = arith.constant 0 : i32
      %dma_wait3A_49 = tpu.memref_slice %arg17[%add3A_34, %dma_wait3A] : memref<10008x128xf32, #tpu.memory_space<vmem_shared>> -> memref<128x128xf32, #tpu.memory_space<vmem_shared>>
      %dma_wait3A_50 = arith.constant 0 : i32
      %dma_wait3A_51 = tpu.memref_slice %arg17[%add3A_34, %dma_wait3A_50] : memref<10008x128xf32, #tpu.memory_space<vmem_shared>> -> memref<128x128xf32, #tpu.memory_space<vmem_shared>>
      tpu.wait_dma2 semaphore(%run_scoped3A : memref<!tpu.dma_semaphore, #tpu.memory_space<semaphore_mem>>) src(%dma_wait3A_51 : memref<128x128xf32, #tpu.memory_space<vmem_shared>>) dst(%arg12 : memref<128x128xf32, #tpu.memory_space<vmem>>)
      tpu.yield
    }) : () -> ()
    "tpu.region"() ({
      %run_scoped3A = tpu.sem_alloc : memref<!tpu.dma_semaphore, #tpu.memory_space<semaphore_mem>>
      %dma_start3A = arith.constant 0 : i32
      %dma_start3A_46 = tpu.memref_slice %arg8[%arg0, %add3A_34, %dma_start3A] : memref<2x10000x128xf32, #tpu.memory_space<hbm>> -> memref<1x128x128xf32, #tpu.memory_space<hbm>>
      %dma_start3A_47 = tpu.memref_squeeze %dma_start3A_46 : memref<1x128x128xf32, #tpu.memory_space<hbm>> -> memref<128x128xf32, #tpu.memory_space<hbm>>
      %dma_start3A_48 = arith.constant 0 : i32
      %dma_start3A_49 = tpu.memref_slice %arg8[%arg0, %add3A_34, %dma_start3A_48] : memref<2x10000x128xf32, #tpu.memory_space<hbm>> -> memref<1x128x128xf32, #tpu.memory_space<hbm>>
      %dma_start3A_50 = tpu.memref_squeeze %dma_start3A_49 : memref<1x128x128xf32, #tpu.memory_space<hbm>> -> memref<128x128xf32, #tpu.memory_space<hbm>>
      tpu.enqueue_dma source(%arg12 : memref<128x128xf32, #tpu.memory_space<vmem>>) target(%dma_start3A_50 : memref<128x128xf32, #tpu.memory_space<hbm>>) target_semaphore(%run_scoped3A : memref<!tpu.dma_semaphore, #tpu.memory_space<semaphore_mem>>)
      %dma_wait3A = arith.constant 0 : i32
      %dma_wait3A_51 = tpu.memref_slice %arg8[%arg0, %add3A_34, %dma_wait3A] : memref<2x10000x128xf32, #tpu.memory_space<hbm>> -> memref<1x128x128xf32, #tpu.memory_space<hbm>>
      %dma_wait3A_52 = tpu.memref_squeeze %dma_wait3A_51 : memref<1x128x128xf32, #tpu.memory_space<hbm>> -> memref<128x128xf32, #tpu.memory_space<hbm>>
      %dma_wait3A_53 = arith.constant 0 : i32
      %dma_wait3A_54 = tpu.memref_slice %arg8[%arg0, %add3A_34, %dma_wait3A_53] : memref<2x10000x128xf32, #tpu.memory_space<hbm>> -> memref<1x128x128xf32, #tpu.memory_space<hbm>>
      %dma_wait3A_55 = tpu.memref_squeeze %dma_wait3A_54 : memref<1x128x128xf32, #tpu.memory_space<hbm>> -> memref<128x128xf32, #tpu.memory_space<hbm>>
      tpu.wait_dma2 semaphore(%run_scoped3A : memref<!tpu.dma_semaphore, #tpu.memory_space<semaphore_mem>>) src(%arg12 : memref<128x128xf32, #tpu.memory_space<vmem>>) dst(%dma_wait3A_55 : memref<128x128xf32, #tpu.memory_space<hbm>>)
      tpu.yield
    }) : () -> ()
    "tpu.region"() ({
      %run_scoped3A = tpu.sem_alloc : memref<!tpu.dma_semaphore, #tpu.memory_space<semaphore_mem>>
      %dma_start3A = arith.constant 0 : i32
      %dma_start3A_46 = tpu.memref_slice %arg18[%add3A_34, %dma_start3A] : memref<10008x8xf32, #tpu.memory_space<vmem_shared>> -> memref<128x8xf32, #tpu.memory_space<vmem_shared>>
      %dma_start3A_47 = arith.constant 0 : i32
      %dma_start3A_48 = tpu.memref_slice %arg18[%add3A_34, %dma_start3A_47] : memref<10008x8xf32, #tpu.memory_space<vmem_shared>> -> memref<128x8xf32, #tpu.memory_space<vmem_shared>>
      tpu.enqueue_dma source(%dma_start3A_48 : memref<128x8xf32, #tpu.memory_space<vmem_shared>>) target(%arg15 : memref<128x8xf32, #tpu.memory_space<vmem>>) target_semaphore(%run_scoped3A : memref<!tpu.dma_semaphore, #tpu.memory_space<semaphore_mem>>)
      %dma_wait3A = arith.constant 0 : i32
      %dma_wait3A_49 = tpu.memref_slice %arg18[%add3A_34, %dma_wait3A] : memref<10008x8xf32, #tpu.memory_space<vmem_shared>> -> memref<128x8xf32, #tpu.memory_space<vmem_shared>>
      %dma_wait3A_50 = arith.constant 0 : i32
      %dma_wait3A_51 = tpu.memref_slice %arg18[%add3A_34, %dma_wait3A_50] : memref<10008x8xf32, #tpu.memory_space<vmem_shared>> -> memref<128x8xf32, #tpu.memory_space<vmem_shared>>
      tpu.wait_dma2 semaphore(%run_scoped3A : memref<!tpu.dma_semaphore, #tpu.memory_space<semaphore_mem>>) src(%dma_wait3A_51 : memref<128x8xf32, #tpu.memory_space<vmem_shared>>) dst(%arg15 : memref<128x8xf32, #tpu.memory_space<vmem>>)
      tpu.yield
    }) : () -> ()
    "tpu.region"() ({
      %run_scoped3A = tpu.sem_alloc : memref<!tpu.dma_semaphore, #tpu.memory_space<semaphore_mem>>
      %dma_start3A = arith.constant 0 : i32
      %dma_start3A_46 = tpu.memref_slice %arg9[%arg0, %add3A_34, %dma_start3A] : memref<2x10000x8xf32, #tpu.memory_space<hbm>> -> memref<1x128x8xf32, #tpu.memory_space<hbm>>
      %dma_start3A_47 = tpu.memref_squeeze %dma_start3A_46 : memref<1x128x8xf32, #tpu.memory_space<hbm>> -> memref<128x8xf32, #tpu.memory_space<hbm>>
      %dma_start3A_48 = arith.constant 0 : i32
      %dma_start3A_49 = tpu.memref_slice %arg9[%arg0, %add3A_34, %dma_start3A_48] : memref<2x10000x8xf32, #tpu.memory_space<hbm>> -> memref<1x128x8xf32, #tpu.memory_space<hbm>>
      %dma_start3A_50 = tpu.memref_squeeze %dma_start3A_49 : memref<1x128x8xf32, #tpu.memory_space<hbm>> -> memref<128x8xf32, #tpu.memory_space<hbm>>
      tpu.enqueue_dma source(%arg15 : memref<128x8xf32, #tpu.memory_space<vmem>>) target(%dma_start3A_50 : memref<128x8xf32, #tpu.memory_space<hbm>>) target_semaphore(%run_scoped3A : memref<!tpu.dma_semaphore, #tpu.memory_space<semaphore_mem>>)
      %dma_wait3A = arith.constant 0 : i32
      %dma_wait3A_51 = tpu.memref_slice %arg9[%arg0, %add3A_34, %dma_wait3A] : memref<2x10000x8xf32, #tpu.memory_space<hbm>> -> memref<1x128x8xf32, #tpu.memory_space<hbm>>
      %dma_wait3A_52 = tpu.memref_squeeze %dma_wait3A_51 : memref<1x128x8xf32, #tpu.memory_space<hbm>> -> memref<128x8xf32, #tpu.memory_space<hbm>>
      %dma_wait3A_53 = arith.constant 0 : i32
      %dma_wait3A_54 = tpu.memref_slice %arg9[%arg0, %add3A_34, %dma_wait3A_53] : memref<2x10000x8xf32, #tpu.memory_space<hbm>> -> memref<1x128x8xf32, #tpu.memory_space<hbm>>
      %dma_wait3A_55 = tpu.memref_squeeze %dma_wait3A_54 : memref<1x128x8xf32, #tpu.memory_space<hbm>> -> memref<128x8xf32, #tpu.memory_space<hbm>>
      tpu.wait_dma2 semaphore(%run_scoped3A : memref<!tpu.dma_semaphore, #tpu.memory_space<semaphore_mem>>) src(%arg15 : memref<128x8xf32, #tpu.memory_space<vmem>>) dst(%dma_wait3A_55 : memref<128x8xf32, #tpu.memory_space<hbm>>)
      tpu.yield
    }) : () -> ()
    %add3A_35 = arith.constant 256 : i32
    %add3A_36 = arith.addi %mul3A_4, %add3A_35 : i32
    "tpu.region"() ({
      %run_scoped3A = tpu.sem_alloc : memref<!tpu.dma_semaphore, #tpu.memory_space<semaphore_mem>>
      %dma_start3A = arith.constant 0 : i32
      %dma_start3A_46 = tpu.memref_slice %arg17[%add3A_36, %dma_start3A] : memref<10008x128xf32, #tpu.memory_space<vmem_shared>> -> memref<128x128xf32, #tpu.memory_space<vmem_shared>>
      %dma_start3A_47 = arith.constant 0 : i32
      %dma_start3A_48 = tpu.memref_slice %arg17[%add3A_36, %dma_start3A_47] : memref<10008x128xf32, #tpu.memory_space<vmem_shared>> -> memref<128x128xf32, #tpu.memory_space<vmem_shared>>
      tpu.enqueue_dma source(%dma_start3A_48 : memref<128x128xf32, #tpu.memory_space<vmem_shared>>) target(%arg12 : memref<128x128xf32, #tpu.memory_space<vmem>>) target_semaphore(%run_scoped3A : memref<!tpu.dma_semaphore, #tpu.memory_space<semaphore_mem>>)
      %dma_wait3A = arith.constant 0 : i32
      %dma_wait3A_49 = tpu.memref_slice %arg17[%add3A_36, %dma_wait3A] : memref<10008x128xf32, #tpu.memory_space<vmem_shared>> -> memref<128x128xf32, #tpu.memory_space<vmem_shared>>
      %dma_wait3A_50 = arith.constant 0 : i32
      %dma_wait3A_51 = tpu.memref_slice %arg17[%add3A_36, %dma_wait3A_50] : memref<10008x128xf32, #tpu.memory_space<vmem_shared>> -> memref<128x128xf32, #tpu.memory_space<vmem_shared>>
      tpu.wait_dma2 semaphore(%run_scoped3A : memref<!tpu.dma_semaphore, #tpu.memory_space<semaphore_mem>>) src(%dma_wait3A_51 : memref<128x128xf32, #tpu.memory_space<vmem_shared>>) dst(%arg12 : memref<128x128xf32, #tpu.memory_space<vmem>>)
      tpu.yield
    }) : () -> ()
    "tpu.region"() ({
      %run_scoped3A = tpu.sem_alloc : memref<!tpu.dma_semaphore, #tpu.memory_space<semaphore_mem>>
      %dma_start3A = arith.constant 0 : i32
      %dma_start3A_46 = tpu.memref_slice %arg8[%arg0, %add3A_36, %dma_start3A] : memref<2x10000x128xf32, #tpu.memory_space<hbm>> -> memref<1x128x128xf32, #tpu.memory_space<hbm>>
      %dma_start3A_47 = tpu.memref_squeeze %dma_start3A_46 : memref<1x128x128xf32, #tpu.memory_space<hbm>> -> memref<128x128xf32, #tpu.memory_space<hbm>>
      %dma_start3A_48 = arith.constant 0 : i32
      %dma_start3A_49 = tpu.memref_slice %arg8[%arg0, %add3A_36, %dma_start3A_48] : memref<2x10000x128xf32, #tpu.memory_space<hbm>> -> memref<1x128x128xf32, #tpu.memory_space<hbm>>
      %dma_start3A_50 = tpu.memref_squeeze %dma_start3A_49 : memref<1x128x128xf32, #tpu.memory_space<hbm>> -> memref<128x128xf32, #tpu.memory_space<hbm>>
      tpu.enqueue_dma source(%arg12 : memref<128x128xf32, #tpu.memory_space<vmem>>) target(%dma_start3A_50 : memref<128x128xf32, #tpu.memory_space<hbm>>) target_semaphore(%run_scoped3A : memref<!tpu.dma_semaphore, #tpu.memory_space<semaphore_mem>>)
      %dma_wait3A = arith.constant 0 : i32
      %dma_wait3A_51 = tpu.memref_slice %arg8[%arg0, %add3A_36, %dma_wait3A] : memref<2x10000x128xf32, #tpu.memory_space<hbm>> -> memref<1x128x128xf32, #tpu.memory_space<hbm>>
      %dma_wait3A_52 = tpu.memref_squeeze %dma_wait3A_51 : memref<1x128x128xf32, #tpu.memory_space<hbm>> -> memref<128x128xf32, #tpu.memory_space<hbm>>
      %dma_wait3A_53 = arith.constant 0 : i32
      %dma_wait3A_54 = tpu.memref_slice %arg8[%arg0, %add3A_36, %dma_wait3A_53] : memref<2x10000x128xf32, #tpu.memory_space<hbm>> -> memref<1x128x128xf32, #tpu.memory_space<hbm>>
      %dma_wait3A_55 = tpu.memref_squeeze %dma_wait3A_54 : memref<1x128x128xf32, #tpu.memory_space<hbm>> -> memref<128x128xf32, #tpu.memory_space<hbm>>
      tpu.wait_dma2 semaphore(%run_scoped3A : memref<!tpu.dma_semaphore, #tpu.memory_space<semaphore_mem>>) src(%arg12 : memref<128x128xf32, #tpu.memory_space<vmem>>) dst(%dma_wait3A_55 : memref<128x128xf32, #tpu.memory_space<hbm>>)
      tpu.yield
    }) : () -> ()
    "tpu.region"() ({
      %run_scoped3A = tpu.sem_alloc : memref<!tpu.dma_semaphore, #tpu.memory_space<semaphore_mem>>
      %dma_start3A = arith.constant 0 : i32
      %dma_start3A_46 = tpu.memref_slice %arg18[%add3A_36, %dma_start3A] : memref<10008x8xf32, #tpu.memory_space<vmem_shared>> -> memref<128x8xf32, #tpu.memory_space<vmem_shared>>
      %dma_start3A_47 = arith.constant 0 : i32
      %dma_start3A_48 = tpu.memref_slice %arg18[%add3A_36, %dma_start3A_47] : memref<10008x8xf32, #tpu.memory_space<vmem_shared>> -> memref<128x8xf32, #tpu.memory_space<vmem_shared>>
      tpu.enqueue_dma source(%dma_start3A_48 : memref<128x8xf32, #tpu.memory_space<vmem_shared>>) target(%arg15 : memref<128x8xf32, #tpu.memory_space<vmem>>) target_semaphore(%run_scoped3A : memref<!tpu.dma_semaphore, #tpu.memory_space<semaphore_mem>>)
      %dma_wait3A = arith.constant 0 : i32
      %dma_wait3A_49 = tpu.memref_slice %arg18[%add3A_36, %dma_wait3A] : memref<10008x8xf32, #tpu.memory_space<vmem_shared>> -> memref<128x8xf32, #tpu.memory_space<vmem_shared>>
      %dma_wait3A_50 = arith.constant 0 : i32
      %dma_wait3A_51 = tpu.memref_slice %arg18[%add3A_36, %dma_wait3A_50] : memref<10008x8xf32, #tpu.memory_space<vmem_shared>> -> memref<128x8xf32, #tpu.memory_space<vmem_shared>>
      tpu.wait_dma2 semaphore(%run_scoped3A : memref<!tpu.dma_semaphore, #tpu.memory_space<semaphore_mem>>) src(%dma_wait3A_51 : memref<128x8xf32, #tpu.memory_space<vmem_shared>>) dst(%arg15 : memref<128x8xf32, #tpu.memory_space<vmem>>)
      tpu.yield
    }) : () -> ()
    "tpu.region"() ({
      %run_scoped3A = tpu.sem_alloc : memref<!tpu.dma_semaphore, #tpu.memory_space<semaphore_mem>>
      %dma_start3A = arith.constant 0 : i32
      %dma_start3A_46 = tpu.memref_slice %arg9[%arg0, %add3A_36, %dma_start3A] : memref<2x10000x8xf32, #tpu.memory_space<hbm>> -> memref<1x128x8xf32, #tpu.memory_space<hbm>>
      %dma_start3A_47 = tpu.memref_squeeze %dma_start3A_46 : memref<1x128x8xf32, #tpu.memory_space<hbm>> -> memref<128x8xf32, #tpu.memory_space<hbm>>
      %dma_start3A_48 = arith.constant 0 : i32
      %dma_start3A_49 = tpu.memref_slice %arg9[%arg0, %add3A_36, %dma_start3A_48] : memref<2x10000x8xf32, #tpu.memory_space<hbm>> -> memref<1x128x8xf32, #tpu.memory_space<hbm>>
      %dma_start3A_50 = tpu.memref_squeeze %dma_start3A_49 : memref<1x128x8xf32, #tpu.memory_space<hbm>> -> memref<128x8xf32, #tpu.memory_space<hbm>>
      tpu.enqueue_dma source(%arg15 : memref<128x8xf32, #tpu.memory_space<vmem>>) target(%dma_start3A_50 : memref<128x8xf32, #tpu.memory_space<hbm>>) target_semaphore(%run_scoped3A : memref<!tpu.dma_semaphore, #tpu.memory_space<semaphore_mem>>)
      %dma_wait3A = arith.constant 0 : i32
      %dma_wait3A_51 = tpu.memref_slice %arg9[%arg0, %add3A_36, %dma_wait3A] : memref<2x10000x8xf32, #tpu.memory_space<hbm>> -> memref<1x128x8xf32, #tpu.memory_space<hbm>>
      %dma_wait3A_52 = tpu.memref_squeeze %dma_wait3A_51 : memref<1x128x8xf32, #tpu.memory_space<hbm>> -> memref<128x8xf32, #tpu.memory_space<hbm>>
      %dma_wait3A_53 = arith.constant 0 : i32
      %dma_wait3A_54 = tpu.memref_slice %arg9[%arg0, %add3A_36, %dma_wait3A_53] : memref<2x10000x8xf32, #tpu.memory_space<hbm>> -> memref<1x128x8xf32, #tpu.memory_space<hbm>>
      %dma_wait3A_55 = tpu.memref_squeeze %dma_wait3A_54 : memref<1x128x8xf32, #tpu.memory_space<hbm>> -> memref<128x8xf32, #tpu.memory_space<hbm>>
      tpu.wait_dma2 semaphore(%run_scoped3A : memref<!tpu.dma_semaphore, #tpu.memory_space<semaphore_mem>>) src(%arg15 : memref<128x8xf32, #tpu.memory_space<vmem>>) dst(%dma_wait3A_55 : memref<128x8xf32, #tpu.memory_space<hbm>>)
      tpu.yield
    }) : () -> ()
    %add3A_37 = arith.constant 384 : i32
    %add3A_38 = arith.addi %mul3A_4, %add3A_37 : i32
    "tpu.region"() ({
      %run_scoped3A = tpu.sem_alloc : memref<!tpu.dma_semaphore, #tpu.memory_space<semaphore_mem>>
      %dma_start3A = arith.constant 0 : i32
      %dma_start3A_46 = tpu.memref_slice %arg17[%add3A_38, %dma_start3A] : memref<10008x128xf32, #tpu.memory_space<vmem_shared>> -> memref<128x128xf32, #tpu.memory_space<vmem_shared>>
      %dma_start3A_47 = arith.constant 0 : i32
      %dma_start3A_48 = tpu.memref_slice %arg17[%add3A_38, %dma_start3A_47] : memref<10008x128xf32, #tpu.memory_space<vmem_shared>> -> memref<128x128xf32, #tpu.memory_space<vmem_shared>>
      tpu.enqueue_dma source(%dma_start3A_48 : memref<128x128xf32, #tpu.memory_space<vmem_shared>>) target(%arg12 : memref<128x128xf32, #tpu.memory_space<vmem>>) target_semaphore(%run_scoped3A : memref<!tpu.dma_semaphore, #tpu.memory_space<semaphore_mem>>)
      %dma_wait3A = arith.constant 0 : i32
      %dma_wait3A_49 = tpu.memref_slice %arg17[%add3A_38, %dma_wait3A] : memref<10008x128xf32, #tpu.memory_space<vmem_shared>> -> memref<128x128xf32, #tpu.memory_space<vmem_shared>>
      %dma_wait3A_50 = arith.constant 0 : i32
      %dma_wait3A_51 = tpu.memref_slice %arg17[%add3A_38, %dma_wait3A_50] : memref<10008x128xf32, #tpu.memory_space<vmem_shared>> -> memref<128x128xf32, #tpu.memory_space<vmem_shared>>
      tpu.wait_dma2 semaphore(%run_scoped3A : memref<!tpu.dma_semaphore, #tpu.memory_space<semaphore_mem>>) src(%dma_wait3A_51 : memref<128x128xf32, #tpu.memory_space<vmem_shared>>) dst(%arg12 : memref<128x128xf32, #tpu.memory_space<vmem>>)
      tpu.yield
    }) : () -> ()
    "tpu.region"() ({
      %run_scoped3A = tpu.sem_alloc : memref<!tpu.dma_semaphore, #tpu.memory_space<semaphore_mem>>
      %dma_start3A = arith.constant 0 : i32
      %dma_start3A_46 = tpu.memref_slice %arg8[%arg0, %add3A_38, %dma_start3A] : memref<2x10000x128xf32, #tpu.memory_space<hbm>> -> memref<1x128x128xf32, #tpu.memory_space<hbm>>
      %dma_start3A_47 = tpu.memref_squeeze %dma_start3A_46 : memref<1x128x128xf32, #tpu.memory_space<hbm>> -> memref<128x128xf32, #tpu.memory_space<hbm>>
      %dma_start3A_48 = arith.constant 0 : i32
      %dma_start3A_49 = tpu.memref_slice %arg8[%arg0, %add3A_38, %dma_start3A_48] : memref<2x10000x128xf32, #tpu.memory_space<hbm>> -> memref<1x128x128xf32, #tpu.memory_space<hbm>>
      %dma_start3A_50 = tpu.memref_squeeze %dma_start3A_49 : memref<1x128x128xf32, #tpu.memory_space<hbm>> -> memref<128x128xf32, #tpu.memory_space<hbm>>
      tpu.enqueue_dma source(%arg12 : memref<128x128xf32, #tpu.memory_space<vmem>>) target(%dma_start3A_50 : memref<128x128xf32, #tpu.memory_space<hbm>>) target_semaphore(%run_scoped3A : memref<!tpu.dma_semaphore, #tpu.memory_space<semaphore_mem>>)
      %dma_wait3A = arith.constant 0 : i32
      %dma_wait3A_51 = tpu.memref_slice %arg8[%arg0, %add3A_38, %dma_wait3A] : memref<2x10000x128xf32, #tpu.memory_space<hbm>> -> memref<1x128x128xf32, #tpu.memory_space<hbm>>
      %dma_wait3A_52 = tpu.memref_squeeze %dma_wait3A_51 : memref<1x128x128xf32, #tpu.memory_space<hbm>> -> memref<128x128xf32, #tpu.memory_space<hbm>>
      %dma_wait3A_53 = arith.constant 0 : i32
      %dma_wait3A_54 = tpu.memref_slice %arg8[%arg0, %add3A_38, %dma_wait3A_53] : memref<2x10000x128xf32, #tpu.memory_space<hbm>> -> memref<1x128x128xf32, #tpu.memory_space<hbm>>
      %dma_wait3A_55 = tpu.memref_squeeze %dma_wait3A_54 : memref<1x128x128xf32, #tpu.memory_space<hbm>> -> memref<128x128xf32, #tpu.memory_space<hbm>>
      tpu.wait_dma2 semaphore(%run_scoped3A : memref<!tpu.dma_semaphore, #tpu.memory_space<semaphore_mem>>) src(%arg12 : memref<128x128xf32, #tpu.memory_space<vmem>>) dst(%dma_wait3A_55 : memref<128x128xf32, #tpu.memory_space<hbm>>)
      tpu.yield
    }) : () -> ()
    "tpu.region"() ({
      %run_scoped3A = tpu.sem_alloc : memref<!tpu.dma_semaphore, #tpu.memory_space<semaphore_mem>>
      %dma_start3A = arith.constant 0 : i32
      %dma_start3A_46 = tpu.memref_slice %arg18[%add3A_38, %dma_start3A] : memref<10008x8xf32, #tpu.memory_space<vmem_shared>> -> memref<128x8xf32, #tpu.memory_space<vmem_shared>>
      %dma_start3A_47 = arith.constant 0 : i32
      %dma_start3A_48 = tpu.memref_slice %arg18[%add3A_38, %dma_start3A_47] : memref<10008x8xf32, #tpu.memory_space<vmem_shared>> -> memref<128x8xf32, #tpu.memory_space<vmem_shared>>
      tpu.enqueue_dma source(%dma_start3A_48 : memref<128x8xf32, #tpu.memory_space<vmem_shared>>) target(%arg15 : memref<128x8xf32, #tpu.memory_space<vmem>>) target_semaphore(%run_scoped3A : memref<!tpu.dma_semaphore, #tpu.memory_space<semaphore_mem>>)
      %dma_wait3A = arith.constant 0 : i32
      %dma_wait3A_49 = tpu.memref_slice %arg18[%add3A_38, %dma_wait3A] : memref<10008x8xf32, #tpu.memory_space<vmem_shared>> -> memref<128x8xf32, #tpu.memory_space<vmem_shared>>
      %dma_wait3A_50 = arith.constant 0 : i32
      %dma_wait3A_51 = tpu.memref_slice %arg18[%add3A_38, %dma_wait3A_50] : memref<10008x8xf32, #tpu.memory_space<vmem_shared>> -> memref<128x8xf32, #tpu.memory_space<vmem_shared>>
      tpu.wait_dma2 semaphore(%run_scoped3A : memref<!tpu.dma_semaphore, #tpu.memory_space<semaphore_mem>>) src(%dma_wait3A_51 : memref<128x8xf32, #tpu.memory_space<vmem_shared>>) dst(%arg15 : memref<128x8xf32, #tpu.memory_space<vmem>>)
      tpu.yield
    }) : () -> ()
    "tpu.region"() ({
      %run_scoped3A = tpu.sem_alloc : memref<!tpu.dma_semaphore, #tpu.memory_space<semaphore_mem>>
      %dma_start3A = arith.constant 0 : i32
      %dma_start3A_46 = tpu.memref_slice %arg9[%arg0, %add3A_38, %dma_start3A] : memref<2x10000x8xf32, #tpu.memory_space<hbm>> -> memref<1x128x8xf32, #tpu.memory_space<hbm>>
      %dma_start3A_47 = tpu.memref_squeeze %dma_start3A_46 : memref<1x128x8xf32, #tpu.memory_space<hbm>> -> memref<128x8xf32, #tpu.memory_space<hbm>>
      %dma_start3A_48 = arith.constant 0 : i32
      %dma_start3A_49 = tpu.memref_slice %arg9[%arg0, %add3A_38, %dma_start3A_48] : memref<2x10000x8xf32, #tpu.memory_space<hbm>> -> memref<1x128x8xf32, #tpu.memory_space<hbm>>
      %dma_start3A_50 = tpu.memref_squeeze %dma_start3A_49 : memref<1x128x8xf32, #tpu.memory_space<hbm>> -> memref<128x8xf32, #tpu.memory_space<hbm>>
      tpu.enqueue_dma source(%arg15 : memref<128x8xf32, #tpu.memory_space<vmem>>) target(%dma_start3A_50 : memref<128x8xf32, #tpu.memory_space<hbm>>) target_semaphore(%run_scoped3A : memref<!tpu.dma_semaphore, #tpu.memory_space<semaphore_mem>>)
      %dma_wait3A = arith.constant 0 : i32
      %dma_wait3A_51 = tpu.memref_slice %arg9[%arg0, %add3A_38, %dma_wait3A] : memref<2x10000x8xf32, #tpu.memory_space<hbm>> -> memref<1x128x8xf32, #tpu.memory_space<hbm>>
      %dma_wait3A_52 = tpu.memref_squeeze %dma_wait3A_51 : memref<1x128x8xf32, #tpu.memory_space<hbm>> -> memref<128x8xf32, #tpu.memory_space<hbm>>
      %dma_wait3A_53 = arith.constant 0 : i32
      %dma_wait3A_54 = tpu.memref_slice %arg9[%arg0, %add3A_38, %dma_wait3A_53] : memref<2x10000x8xf32, #tpu.memory_space<hbm>> -> memref<1x128x8xf32, #tpu.memory_space<hbm>>
      %dma_wait3A_55 = tpu.memref_squeeze %dma_wait3A_54 : memref<1x128x8xf32, #tpu.memory_space<hbm>> -> memref<128x8xf32, #tpu.memory_space<hbm>>
      tpu.wait_dma2 semaphore(%run_scoped3A : memref<!tpu.dma_semaphore, #tpu.memory_space<semaphore_mem>>) src(%arg15 : memref<128x8xf32, #tpu.memory_space<vmem>>) dst(%dma_wait3A_55 : memref<128x8xf32, #tpu.memory_space<hbm>>)
      tpu.yield
    }) : () -> ()
    %add3A_39 = arith.constant 512 : i32
    %add3A_40 = arith.addi %mul3A_4, %add3A_39 : i32
    "tpu.region"() ({
      %run_scoped3A = tpu.sem_alloc : memref<!tpu.dma_semaphore, #tpu.memory_space<semaphore_mem>>
      %dma_start3A = arith.constant 0 : i32
      %dma_start3A_46 = arith.constant 0 : i32
      %dma_start3A_47 = tpu.memref_slice %arg12[%dma_start3A, %dma_start3A_46] : memref<128x128xf32, #tpu.memory_space<vmem>> -> memref<112x128xf32, #tpu.memory_space<vmem>>
      %dma_start3A_48 = arith.constant 0 : i32
      %dma_start3A_49 = tpu.memref_slice %arg17[%add3A_40, %dma_start3A_48] : memref<10008x128xf32, #tpu.memory_space<vmem_shared>> -> memref<112x128xf32, #tpu.memory_space<vmem_shared>>
      %dma_start3A_50 = arith.constant 0 : i32
      %dma_start3A_51 = arith.constant 0 : i32
      %dma_start3A_52 = tpu.memref_slice %arg12[%dma_start3A_50, %dma_start3A_51] : memref<128x128xf32, #tpu.memory_space<vmem>> -> memref<112x128xf32, #tpu.memory_space<vmem>>
      %dma_start3A_53 = arith.constant 0 : i32
      %dma_start3A_54 = tpu.memref_slice %arg17[%add3A_40, %dma_start3A_53] : memref<10008x128xf32, #tpu.memory_space<vmem_shared>> -> memref<112x128xf32, #tpu.memory_space<vmem_shared>>
      tpu.enqueue_dma source(%dma_start3A_54 : memref<112x128xf32, #tpu.memory_space<vmem_shared>>) target(%dma_start3A_52 : memref<112x128xf32, #tpu.memory_space<vmem>>) target_semaphore(%run_scoped3A : memref<!tpu.dma_semaphore, #tpu.memory_space<semaphore_mem>>)
      %dma_wait3A = arith.constant 0 : i32
      %dma_wait3A_55 = arith.constant 0 : i32
      %dma_wait3A_56 = tpu.memref_slice %arg12[%dma_wait3A, %dma_wait3A_55] : memref<128x128xf32, #tpu.memory_space<vmem>> -> memref<112x128xf32, #tpu.memory_space<vmem>>
      %dma_wait3A_57 = arith.constant 0 : i32
      %dma_wait3A_58 = tpu.memref_slice %arg17[%add3A_40, %dma_wait3A_57] : memref<10008x128xf32, #tpu.memory_space<vmem_shared>> -> memref<112x128xf32, #tpu.memory_space<vmem_shared>>
      %dma_wait3A_59 = arith.constant 0 : i32
      %dma_wait3A_60 = arith.constant 0 : i32
      %dma_wait3A_61 = tpu.memref_slice %arg12[%dma_wait3A_59, %dma_wait3A_60] : memref<128x128xf32, #tpu.memory_space<vmem>> -> memref<112x128xf32, #tpu.memory_space<vmem>>
      %dma_wait3A_62 = arith.constant 0 : i32
      %dma_wait3A_63 = tpu.memref_slice %arg17[%add3A_40, %dma_wait3A_62] : memref<10008x128xf32, #tpu.memory_space<vmem_shared>> -> memref<112x128xf32, #tpu.memory_space<vmem_shared>>
      tpu.wait_dma2 semaphore(%run_scoped3A : memref<!tpu.dma_semaphore, #tpu.memory_space<semaphore_mem>>) src(%dma_wait3A_63 : memref<112x128xf32, #tpu.memory_space<vmem_shared>>) dst(%dma_wait3A_61 : memref<112x128xf32, #tpu.memory_space<vmem>>)
      tpu.yield
    }) : () -> ()
    "tpu.region"() ({
      %run_scoped3A = tpu.sem_alloc : memref<!tpu.dma_semaphore, #tpu.memory_space<semaphore_mem>>
      %dma_start3A = arith.constant 0 : i32
      %dma_start3A_46 = arith.constant 0 : i32
      %dma_start3A_47 = tpu.memref_slice %arg12[%dma_start3A, %dma_start3A_46] : memref<128x128xf32, #tpu.memory_space<vmem>> -> memref<112x128xf32, #tpu.memory_space<vmem>>
      %dma_start3A_48 = arith.constant 0 : i32
      %dma_start3A_49 = tpu.memref_slice %arg8[%arg0, %add3A_40, %dma_start3A_48] : memref<2x10000x128xf32, #tpu.memory_space<hbm>> -> memref<1x112x128xf32, #tpu.memory_space<hbm>>
      %dma_start3A_50 = tpu.memref_squeeze %dma_start3A_49 : memref<1x112x128xf32, #tpu.memory_space<hbm>> -> memref<112x128xf32, #tpu.memory_space<hbm>>
      %dma_start3A_51 = arith.constant 0 : i32
      %dma_start3A_52 = tpu.memref_slice %arg8[%arg0, %add3A_40, %dma_start3A_51] : memref<2x10000x128xf32, #tpu.memory_space<hbm>> -> memref<1x112x128xf32, #tpu.memory_space<hbm>>
      %dma_start3A_53 = tpu.memref_squeeze %dma_start3A_52 : memref<1x112x128xf32, #tpu.memory_space<hbm>> -> memref<112x128xf32, #tpu.memory_space<hbm>>
      %dma_start3A_54 = arith.constant 0 : i32
      %dma_start3A_55 = arith.constant 0 : i32
      %dma_start3A_56 = tpu.memref_slice %arg12[%dma_start3A_54, %dma_start3A_55] : memref<128x128xf32, #tpu.memory_space<vmem>> -> memref<112x128xf32, #tpu.memory_space<vmem>>
      tpu.enqueue_dma source(%dma_start3A_56 : memref<112x128xf32, #tpu.memory_space<vmem>>) target(%dma_start3A_53 : memref<112x128xf32, #tpu.memory_space<hbm>>) target_semaphore(%run_scoped3A : memref<!tpu.dma_semaphore, #tpu.memory_space<semaphore_mem>>)
      %dma_wait3A = arith.constant 0 : i32
      %dma_wait3A_57 = arith.constant 0 : i32
      %dma_wait3A_58 = tpu.memref_slice %arg12[%dma_wait3A, %dma_wait3A_57] : memref<128x128xf32, #tpu.memory_space<vmem>> -> memref<112x128xf32, #tpu.memory_space<vmem>>
      %dma_wait3A_59 = arith.constant 0 : i32
      %dma_wait3A_60 = tpu.memref_slice %arg8[%arg0, %add3A_40, %dma_wait3A_59] : memref<2x10000x128xf32, #tpu.memory_space<hbm>> -> memref<1x112x128xf32, #tpu.memory_space<hbm>>
      %dma_wait3A_61 = tpu.memref_squeeze %dma_wait3A_60 : memref<1x112x128xf32, #tpu.memory_space<hbm>> -> memref<112x128xf32, #tpu.memory_space<hbm>>
      %dma_wait3A_62 = arith.constant 0 : i32
      %dma_wait3A_63 = tpu.memref_slice %arg8[%arg0, %add3A_40, %dma_wait3A_62] : memref<2x10000x128xf32, #tpu.memory_space<hbm>> -> memref<1x112x128xf32, #tpu.memory_space<hbm>>
      %dma_wait3A_64 = tpu.memref_squeeze %dma_wait3A_63 : memref<1x112x128xf32, #tpu.memory_space<hbm>> -> memref<112x128xf32, #tpu.memory_space<hbm>>
      %dma_wait3A_65 = arith.constant 0 : i32
      %dma_wait3A_66 = arith.constant 0 : i32
      %dma_wait3A_67 = tpu.memref_slice %arg12[%dma_wait3A_65, %dma_wait3A_66] : memref<128x128xf32, #tpu.memory_space<vmem>> -> memref<112x128xf32, #tpu.memory_space<vmem>>
      tpu.wait_dma2 semaphore(%run_scoped3A : memref<!tpu.dma_semaphore, #tpu.memory_space<semaphore_mem>>) src(%dma_wait3A_67 : memref<112x128xf32, #tpu.memory_space<vmem>>) dst(%dma_wait3A_64 : memref<112x128xf32, #tpu.memory_space<hbm>>)
      tpu.yield
    }) : () -> ()
    "tpu.region"() ({
      %run_scoped3A = tpu.sem_alloc : memref<!tpu.dma_semaphore, #tpu.memory_space<semaphore_mem>>
      %dma_start3A = arith.constant 0 : i32
      %dma_start3A_46 = arith.constant 0 : i32
      %dma_start3A_47 = tpu.memref_slice %arg15[%dma_start3A, %dma_start3A_46] : memref<128x8xf32, #tpu.memory_space<vmem>> -> memref<112x8xf32, #tpu.memory_space<vmem>>
      %dma_start3A_48 = arith.constant 0 : i32
      %dma_start3A_49 = tpu.memref_slice %arg18[%add3A_40, %dma_start3A_48] : memref<10008x8xf32, #tpu.memory_space<vmem_shared>> -> memref<112x8xf32, #tpu.memory_space<vmem_shared>>
      %dma_start3A_50 = arith.constant 0 : i32
      %dma_start3A_51 = arith.constant 0 : i32
      %dma_start3A_52 = tpu.memref_slice %arg15[%dma_start3A_50, %dma_start3A_51] : memref<128x8xf32, #tpu.memory_space<vmem>> -> memref<112x8xf32, #tpu.memory_space<vmem>>
      %dma_start3A_53 = arith.constant 0 : i32
      %dma_start3A_54 = tpu.memref_slice %arg18[%add3A_40, %dma_start3A_53] : memref<10008x8xf32, #tpu.memory_space<vmem_shared>> -> memref<112x8xf32, #tpu.memory_space<vmem_shared>>
      tpu.enqueue_dma source(%dma_start3A_54 : memref<112x8xf32, #tpu.memory_space<vmem_shared>>) target(%dma_start3A_52 : memref<112x8xf32, #tpu.memory_space<vmem>>) target_semaphore(%run_scoped3A : memref<!tpu.dma_semaphore, #tpu.memory_space<semaphore_mem>>)
      %dma_wait3A = arith.constant 0 : i32
      %dma_wait3A_55 = arith.constant 0 : i32
      %dma_wait3A_56 = tpu.memref_slice %arg15[%dma_wait3A, %dma_wait3A_55] : memref<128x8xf32, #tpu.memory_space<vmem>> -> memref<112x8xf32, #tpu.memory_space<vmem>>
      %dma_wait3A_57 = arith.constant 0 : i32
      %dma_wait3A_58 = tpu.memref_slice %arg18[%add3A_40, %dma_wait3A_57] : memref<10008x8xf32, #tpu.memory_space<vmem_shared>> -> memref<112x8xf32, #tpu.memory_space<vmem_shared>>
      %dma_wait3A_59 = arith.constant 0 : i32
      %dma_wait3A_60 = arith.constant 0 : i32
      %dma_wait3A_61 = tpu.memref_slice %arg15[%dma_wait3A_59, %dma_wait3A_60] : memref<128x8xf32, #tpu.memory_space<vmem>> -> memref<112x8xf32, #tpu.memory_space<vmem>>
      %dma_wait3A_62 = arith.constant 0 : i32
      %dma_wait3A_63 = tpu.memref_slice %arg18[%add3A_40, %dma_wait3A_62] : memref<10008x8xf32, #tpu.memory_space<vmem_shared>> -> memref<112x8xf32, #tpu.memory_space<vmem_shared>>
      tpu.wait_dma2 semaphore(%run_scoped3A : memref<!tpu.dma_semaphore, #tpu.memory_space<semaphore_mem>>) src(%dma_wait3A_63 : memref<112x8xf32, #tpu.memory_space<vmem_shared>>) dst(%dma_wait3A_61 : memref<112x8xf32, #tpu.memory_space<vmem>>)
      tpu.yield
    }) : () -> ()
    "tpu.region"() ({
      %run_scoped3A = tpu.sem_alloc : memref<!tpu.dma_semaphore, #tpu.memory_space<semaphore_mem>>
      %dma_start3A = arith.constant 0 : i32
      %dma_start3A_46 = arith.constant 0 : i32
      %dma_start3A_47 = tpu.memref_slice %arg15[%dma_start3A, %dma_start3A_46] : memref<128x8xf32, #tpu.memory_space<vmem>> -> memref<112x8xf32, #tpu.memory_space<vmem>>
      %dma_start3A_48 = arith.constant 0 : i32
      %dma_start3A_49 = tpu.memref_slice %arg9[%arg0, %add3A_40, %dma_start3A_48] : memref<2x10000x8xf32, #tpu.memory_space<hbm>> -> memref<1x112x8xf32, #tpu.memory_space<hbm>>
      %dma_start3A_50 = tpu.memref_squeeze %dma_start3A_49 : memref<1x112x8xf32, #tpu.memory_space<hbm>> -> memref<112x8xf32, #tpu.memory_space<hbm>>
      %dma_start3A_51 = arith.constant 0 : i32
      %dma_start3A_52 = tpu.memref_slice %arg9[%arg0, %add3A_40, %dma_start3A_51] : memref<2x10000x8xf32, #tpu.memory_space<hbm>> -> memref<1x112x8xf32, #tpu.memory_space<hbm>>
      %dma_start3A_53 = tpu.memref_squeeze %dma_start3A_52 : memref<1x112x8xf32, #tpu.memory_space<hbm>> -> memref<112x8xf32, #tpu.memory_space<hbm>>
      %dma_start3A_54 = arith.constant 0 : i32
      %dma_start3A_55 = arith.constant 0 : i32
      %dma_start3A_56 = tpu.memref_slice %arg15[%dma_start3A_54, %dma_start3A_55] : memref<128x8xf32, #tpu.memory_space<vmem>> -> memref<112x8xf32, #tpu.memory_space<vmem>>
      tpu.enqueue_dma source(%dma_start3A_56 : memref<112x8xf32, #tpu.memory_space<vmem>>) target(%dma_start3A_53 : memref<112x8xf32, #tpu.memory_space<hbm>>) target_semaphore(%run_scoped3A : memref<!tpu.dma_semaphore, #tpu.memory_space<semaphore_mem>>)
      %dma_wait3A = arith.constant 0 : i32
      %dma_wait3A_57 = arith.constant 0 : i32
      %dma_wait3A_58 = tpu.memref_slice %arg15[%dma_wait3A, %dma_wait3A_57] : memref<128x8xf32, #tpu.memory_space<vmem>> -> memref<112x8xf32, #tpu.memory_space<vmem>>
      %dma_wait3A_59 = arith.constant 0 : i32
      %dma_wait3A_60 = tpu.memref_slice %arg9[%arg0, %add3A_40, %dma_wait3A_59] : memref<2x10000x8xf32, #tpu.memory_space<hbm>> -> memref<1x112x8xf32, #tpu.memory_space<hbm>>
      %dma_wait3A_61 = tpu.memref_squeeze %dma_wait3A_60 : memref<1x112x8xf32, #tpu.memory_space<hbm>> -> memref<112x8xf32, #tpu.memory_space<hbm>>
      %dma_wait3A_62 = arith.constant 0 : i32
      %dma_wait3A_63 = tpu.memref_slice %arg9[%arg0, %add3A_40, %dma_wait3A_62] : memref<2x10000x8xf32, #tpu.memory_space<hbm>> -> memref<1x112x8xf32, #tpu.memory_space<hbm>>
      %dma_wait3A_64 = tpu.memref_squeeze %dma_wait3A_63 : memref<1x112x8xf32, #tpu.memory_space<hbm>> -> memref<112x8xf32, #tpu.memory_space<hbm>>
      %dma_wait3A_65 = arith.constant 0 : i32
      %dma_wait3A_66 = arith.constant 0 : i32
      %dma_wait3A_67 = tpu.memref_slice %arg15[%dma_wait3A_65, %dma_wait3A_66] : memref<128x8xf32, #tpu.memory_space<vmem>> -> memref<112x8xf32, #tpu.memory_space<vmem>>
      tpu.wait_dma2 semaphore(%run_scoped3A : memref<!tpu.dma_semaphore, #tpu.memory_space<semaphore_mem>>) src(%dma_wait3A_67 : memref<112x8xf32, #tpu.memory_space<vmem>>) dst(%dma_wait3A_64 : memref<112x8xf32, #tpu.memory_space<hbm>>)
      tpu.yield
    }) : () -> ()
    %eq3A_41 = arith.constant 15 : i32
    %eq3A_42 = arith.cmpi eq, %arg1, %eq3A_41 : i32
    %convert_element_type3A_43 = arith.extui %eq3A_42 : i1 to i32
    %cond3A_44 = arith.constant 0 : i32
    %cond3A_45 = arith.cmpi ne, %convert_element_type3A_43, %cond3A_44 : i32
    scf.if %cond3A_45 {
      "tpu.region"() ({
        %run_scoped3A = tpu.sem_alloc : memref<!tpu.dma_semaphore, #tpu.memory_space<semaphore_mem>>
        %dma_start3A = arith.constant 0 : i32
        %dma_start3A_46 = arith.constant 0 : i32
        %dma_start3A_47 = tpu.memref_slice %arg12[%dma_start3A, %dma_start3A_46] : memref<128x128xf32, #tpu.memory_space<vmem>> -> memref<16x128xf32, #tpu.memory_space<vmem>>
        %dma_start3A_48 = arith.constant 9984 : i32
        %dma_start3A_49 = arith.constant 0 : i32
        %dma_start3A_50 = tpu.memref_slice %arg17[%dma_start3A_48, %dma_start3A_49] : memref<10008x128xf32, #tpu.memory_space<vmem_shared>> -> memref<16x128xf32, #tpu.memory_space<vmem_shared>>
        %dma_start3A_51 = arith.constant 0 : i32
        %dma_start3A_52 = arith.constant 0 : i32
        %dma_start3A_53 = tpu.memref_slice %arg12[%dma_start3A_51, %dma_start3A_52] : memref<128x128xf32, #tpu.memory_space<vmem>> -> memref<16x128xf32, #tpu.memory_space<vmem>>
        %dma_start3A_54 = arith.constant 9984 : i32
        %dma_start3A_55 = arith.constant 0 : i32
        %dma_start3A_56 = tpu.memref_slice %arg17[%dma_start3A_54, %dma_start3A_55] : memref<10008x128xf32, #tpu.memory_space<vmem_shared>> -> memref<16x128xf32, #tpu.memory_space<vmem_shared>>
        tpu.enqueue_dma source(%dma_start3A_56 : memref<16x128xf32, #tpu.memory_space<vmem_shared>>) target(%dma_start3A_53 : memref<16x128xf32, #tpu.memory_space<vmem>>) target_semaphore(%run_scoped3A : memref<!tpu.dma_semaphore, #tpu.memory_space<semaphore_mem>>)
        %dma_wait3A = arith.constant 0 : i32
        %dma_wait3A_57 = arith.constant 0 : i32
        %dma_wait3A_58 = tpu.memref_slice %arg12[%dma_wait3A, %dma_wait3A_57] : memref<128x128xf32, #tpu.memory_space<vmem>> -> memref<16x128xf32, #tpu.memory_space<vmem>>
        %dma_wait3A_59 = arith.constant 9984 : i32
        %dma_wait3A_60 = arith.constant 0 : i32
        %dma_wait3A_61 = tpu.memref_slice %arg17[%dma_wait3A_59, %dma_wait3A_60] : memref<10008x128xf32, #tpu.memory_space<vmem_shared>> -> memref<16x128xf32, #tpu.memory_space<vmem_shared>>
        %dma_wait3A_62 = arith.constant 0 : i32
        %dma_wait3A_63 = arith.constant 0 : i32
        %dma_wait3A_64 = tpu.memref_slice %arg12[%dma_wait3A_62, %dma_wait3A_63] : memref<128x128xf32, #tpu.memory_space<vmem>> -> memref<16x128xf32, #tpu.memory_space<vmem>>
        %dma_wait3A_65 = arith.constant 9984 : i32
        %dma_wait3A_66 = arith.constant 0 : i32
        %dma_wait3A_67 = tpu.memref_slice %arg17[%dma_wait3A_65, %dma_wait3A_66] : memref<10008x128xf32, #tpu.memory_space<vmem_shared>> -> memref<16x128xf32, #tpu.memory_space<vmem_shared>>
        tpu.wait_dma2 semaphore(%run_scoped3A : memref<!tpu.dma_semaphore, #tpu.memory_space<semaphore_mem>>) src(%dma_wait3A_67 : memref<16x128xf32, #tpu.memory_space<vmem_shared>>) dst(%dma_wait3A_64 : memref<16x128xf32, #tpu.memory_space<vmem>>)
        tpu.yield
      }) : () -> ()
      "tpu.region"() ({
        %run_scoped3A = tpu.sem_alloc : memref<!tpu.dma_semaphore, #tpu.memory_space<semaphore_mem>>
        %dma_start3A = arith.constant 0 : i32
        %dma_start3A_46 = arith.constant 0 : i32
        %dma_start3A_47 = tpu.memref_slice %arg12[%dma_start3A, %dma_start3A_46] : memref<128x128xf32, #tpu.memory_space<vmem>> -> memref<16x128xf32, #tpu.memory_space<vmem>>
        %dma_start3A_48 = arith.constant 9984 : i32
        %dma_start3A_49 = arith.constant 0 : i32
        %dma_start3A_50 = tpu.memref_slice %arg8[%arg0, %dma_start3A_48, %dma_start3A_49] : memref<2x10000x128xf32, #tpu.memory_space<hbm>> -> memref<1x16x128xf32, #tpu.memory_space<hbm>>
        %dma_start3A_51 = tpu.memref_squeeze %dma_start3A_50 : memref<1x16x128xf32, #tpu.memory_space<hbm>> -> memref<16x128xf32, #tpu.memory_space<hbm>>
        %dma_start3A_52 = arith.constant 9984 : i32
        %dma_start3A_53 = arith.constant 0 : i32
        %dma_start3A_54 = tpu.memref_slice %arg8[%arg0, %dma_start3A_52, %dma_start3A_53] : memref<2x10000x128xf32, #tpu.memory_space<hbm>> -> memref<1x16x128xf32, #tpu.memory_space<hbm>>
        %dma_start3A_55 = tpu.memref_squeeze %dma_start3A_54 : memref<1x16x128xf32, #tpu.memory_space<hbm>> -> memref<16x128xf32, #tpu.memory_space<hbm>>
        %dma_start3A_56 = arith.constant 0 : i32
        %dma_start3A_57 = arith.constant 0 : i32
        %dma_start3A_58 = tpu.memref_slice %arg12[%dma_start3A_56, %dma_start3A_57] : memref<128x128xf32, #tpu.memory_space<vmem>> -> memref<16x128xf32, #tpu.memory_space<vmem>>
        tpu.enqueue_dma source(%dma_start3A_58 : memref<16x128xf32, #tpu.memory_space<vmem>>) target(%dma_start3A_55 : memref<16x128xf32, #tpu.memory_space<hbm>>) target_semaphore(%run_scoped3A : memref<!tpu.dma_semaphore, #tpu.memory_space<semaphore_mem>>)
        %dma_wait3A = arith.constant 0 : i32
        %dma_wait3A_59 = arith.constant 0 : i32
        %dma_wait3A_60 = tpu.memref_slice %arg12[%dma_wait3A, %dma_wait3A_59] : memref<128x128xf32, #tpu.memory_space<vmem>> -> memref<16x128xf32, #tpu.memory_space<vmem>>
        %dma_wait3A_61 = arith.constant 9984 : i32
        %dma_wait3A_62 = arith.constant 0 : i32
        %dma_wait3A_63 = tpu.memref_slice %arg8[%arg0, %dma_wait3A_61, %dma_wait3A_62] : memref<2x10000x128xf32, #tpu.memory_space<hbm>> -> memref<1x16x128xf32, #tpu.memory_space<hbm>>
        %dma_wait3A_64 = tpu.memref_squeeze %dma_wait3A_63 : memref<1x16x128xf32, #tpu.memory_space<hbm>> -> memref<16x128xf32, #tpu.memory_space<hbm>>
        %dma_wait3A_65 = arith.constant 9984 : i32
        %dma_wait3A_66 = arith.constant 0 : i32
        %dma_wait3A_67 = tpu.memref_slice %arg8[%arg0, %dma_wait3A_65, %dma_wait3A_66] : memref<2x10000x128xf32, #tpu.memory_space<hbm>> -> memref<1x16x128xf32, #tpu.memory_space<hbm>>
        %dma_wait3A_68 = tpu.memref_squeeze %dma_wait3A_67 : memref<1x16x128xf32, #tpu.memory_space<hbm>> -> memref<16x128xf32, #tpu.memory_space<hbm>>
        %dma_wait3A_69 = arith.constant 0 : i32
        %dma_wait3A_70 = arith.constant 0 : i32
        %dma_wait3A_71 = tpu.memref_slice %arg12[%dma_wait3A_69, %dma_wait3A_70] : memref<128x128xf32, #tpu.memory_space<vmem>> -> memref<16x128xf32, #tpu.memory_space<vmem>>
        tpu.wait_dma2 semaphore(%run_scoped3A : memref<!tpu.dma_semaphore, #tpu.memory_space<semaphore_mem>>) src(%dma_wait3A_71 : memref<16x128xf32, #tpu.memory_space<vmem>>) dst(%dma_wait3A_68 : memref<16x128xf32, #tpu.memory_space<hbm>>)
        tpu.yield
      }) : () -> ()
      "tpu.region"() ({
        %run_scoped3A = tpu.sem_alloc : memref<!tpu.dma_semaphore, #tpu.memory_space<semaphore_mem>>
        %dma_start3A = arith.constant 0 : i32
        %dma_start3A_46 = arith.constant 0 : i32
        %dma_start3A_47 = tpu.memref_slice %arg15[%dma_start3A, %dma_start3A_46] : memref<128x8xf32, #tpu.memory_space<vmem>> -> memref<16x8xf32, #tpu.memory_space<vmem>>
        %dma_start3A_48 = arith.constant 9984 : i32
        %dma_start3A_49 = arith.constant 0 : i32
        %dma_start3A_50 = tpu.memref_slice %arg18[%dma_start3A_48, %dma_start3A_49] : memref<10008x8xf32, #tpu.memory_space<vmem_shared>> -> memref<16x8xf32, #tpu.memory_space<vmem_shared>>
        %dma_start3A_51 = arith.constant 0 : i32
        %dma_start3A_52 = arith.constant 0 : i32
        %dma_start3A_53 = tpu.memref_slice %arg15[%dma_start3A_51, %dma_start3A_52] : memref<128x8xf32, #tpu.memory_space<vmem>> -> memref<16x8xf32, #tpu.memory_space<vmem>>
        %dma_start3A_54 = arith.constant 9984 : i32
        %dma_start3A_55 = arith.constant 0 : i32
        %dma_start3A_56 = tpu.memref_slice %arg18[%dma_start3A_54, %dma_start3A_55] : memref<10008x8xf32, #tpu.memory_space<vmem_shared>> -> memref<16x8xf32, #tpu.memory_space<vmem_shared>>
        tpu.enqueue_dma source(%dma_start3A_56 : memref<16x8xf32, #tpu.memory_space<vmem_shared>>) target(%dma_start3A_53 : memref<16x8xf32, #tpu.memory_space<vmem>>) target_semaphore(%run_scoped3A : memref<!tpu.dma_semaphore, #tpu.memory_space<semaphore_mem>>)
        %dma_wait3A = arith.constant 0 : i32
        %dma_wait3A_57 = arith.constant 0 : i32
        %dma_wait3A_58 = tpu.memref_slice %arg15[%dma_wait3A, %dma_wait3A_57] : memref<128x8xf32, #tpu.memory_space<vmem>> -> memref<16x8xf32, #tpu.memory_space<vmem>>
        %dma_wait3A_59 = arith.constant 9984 : i32
        %dma_wait3A_60 = arith.constant 0 : i32
        %dma_wait3A_61 = tpu.memref_slice %arg18[%dma_wait3A_59, %dma_wait3A_60] : memref<10008x8xf32, #tpu.memory_space<vmem_shared>> -> memref<16x8xf32, #tpu.memory_space<vmem_shared>>
        %dma_wait3A_62 = arith.constant 0 : i32
        %dma_wait3A_63 = arith.constant 0 : i32
        %dma_wait3A_64 = tpu.memref_slice %arg15[%dma_wait3A_62, %dma_wait3A_63] : memref<128x8xf32, #tpu.memory_space<vmem>> -> memref<16x8xf32, #tpu.memory_space<vmem>>
        %dma_wait3A_65 = arith.constant 9984 : i32
        %dma_wait3A_66 = arith.constant 0 : i32
        %dma_wait3A_67 = tpu.memref_slice %arg18[%dma_wait3A_65, %dma_wait3A_66] : memref<10008x8xf32, #tpu.memory_space<vmem_shared>> -> memref<16x8xf32, #tpu.memory_space<vmem_shared>>
        tpu.wait_dma2 semaphore(%run_scoped3A : memref<!tpu.dma_semaphore, #tpu.memory_space<semaphore_mem>>) src(%dma_wait3A_67 : memref<16x8xf32, #tpu.memory_space<vmem_shared>>) dst(%dma_wait3A_64 : memref<16x8xf32, #tpu.memory_space<vmem>>)
        tpu.yield
      }) : () -> ()
      "tpu.region"() ({
        %run_scoped3A = tpu.sem_alloc : memref<!tpu.dma_semaphore, #tpu.memory_space<semaphore_mem>>
        %dma_start3A = arith.constant 0 : i32
        %dma_start3A_46 = arith.constant 0 : i32
        %dma_start3A_47 = tpu.memref_slice %arg15[%dma_start3A, %dma_start3A_46] : memref<128x8xf32, #tpu.memory_space<vmem>> -> memref<16x8xf32, #tpu.memory_space<vmem>>
        %dma_start3A_48 = arith.constant 9984 : i32
        %dma_start3A_49 = arith.constant 0 : i32
        %dma_start3A_50 = tpu.memref_slice %arg9[%arg0, %dma_start3A_48, %dma_start3A_49] : memref<2x10000x8xf32, #tpu.memory_space<hbm>> -> memref<1x16x8xf32, #tpu.memory_space<hbm>>
        %dma_start3A_51 = tpu.memref_squeeze %dma_start3A_50 : memref<1x16x8xf32, #tpu.memory_space<hbm>> -> memref<16x8xf32, #tpu.memory_space<hbm>>
        %dma_start3A_52 = arith.constant 9984 : i32
        %dma_start3A_53 = arith.constant 0 : i32
        %dma_start3A_54 = tpu.memref_slice %arg9[%arg0, %dma_start3A_52, %dma_start3A_53] : memref<2x10000x8xf32, #tpu.memory_space<hbm>> -> memref<1x16x8xf32, #tpu.memory_space<hbm>>
        %dma_start3A_55 = tpu.memref_squeeze %dma_start3A_54 : memref<1x16x8xf32, #tpu.memory_space<hbm>> -> memref<16x8xf32, #tpu.memory_space<hbm>>
        %dma_start3A_56 = arith.constant 0 : i32
        %dma_start3A_57 = arith.constant 0 : i32
        %dma_start3A_58 = tpu.memref_slice %arg15[%dma_start3A_56, %dma_start3A_57] : memref<128x8xf32, #tpu.memory_space<vmem>> -> memref<16x8xf32, #tpu.memory_space<vmem>>
        tpu.enqueue_dma source(%dma_start3A_58 : memref<16x8xf32, #tpu.memory_space<vmem>>) target(%dma_start3A_55 : memref<16x8xf32, #tpu.memory_space<hbm>>) target_semaphore(%run_scoped3A : memref<!tpu.dma_semaphore, #tpu.memory_space<semaphore_mem>>)
        %dma_wait3A = arith.constant 0 : i32
        %dma_wait3A_59 = arith.constant 0 : i32
        %dma_wait3A_60 = tpu.memref_slice %arg15[%dma_wait3A, %dma_wait3A_59] : memref<128x8xf32, #tpu.memory_space<vmem>> -> memref<16x8xf32, #tpu.memory_space<vmem>>
        %dma_wait3A_61 = arith.constant 9984 : i32
        %dma_wait3A_62 = arith.constant 0 : i32
        %dma_wait3A_63 = tpu.memref_slice %arg9[%arg0, %dma_wait3A_61, %dma_wait3A_62] : memref<2x10000x8xf32, #tpu.memory_space<hbm>> -> memref<1x16x8xf32, #tpu.memory_space<hbm>>
        %dma_wait3A_64 = tpu.memref_squeeze %dma_wait3A_63 : memref<1x16x8xf32, #tpu.memory_space<hbm>> -> memref<16x8xf32, #tpu.memory_space<hbm>>
        %dma_wait3A_65 = arith.constant 9984 : i32
        %dma_wait3A_66 = arith.constant 0 : i32
        %dma_wait3A_67 = tpu.memref_slice %arg9[%arg0, %dma_wait3A_65, %dma_wait3A_66] : memref<2x10000x8xf32, #tpu.memory_space<hbm>> -> memref<1x16x8xf32, #tpu.memory_space<hbm>>
        %dma_wait3A_68 = tpu.memref_squeeze %dma_wait3A_67 : memref<1x16x8xf32, #tpu.memory_space<hbm>> -> memref<16x8xf32, #tpu.memory_space<hbm>>
        %dma_wait3A_69 = arith.constant 0 : i32
        %dma_wait3A_70 = arith.constant 0 : i32
        %dma_wait3A_71 = tpu.memref_slice %arg15[%dma_wait3A_69, %dma_wait3A_70] : memref<128x8xf32, #tpu.memory_space<vmem>> -> memref<16x8xf32, #tpu.memory_space<vmem>>
        tpu.wait_dma2 semaphore(%run_scoped3A : memref<!tpu.dma_semaphore, #tpu.memory_space<semaphore_mem>>) src(%dma_wait3A_71 : memref<16x8xf32, #tpu.memory_space<vmem>>) dst(%dma_wait3A_68 : memref<16x8xf32, #tpu.memory_space<hbm>>)
        tpu.yield
      }) : () -> ()
    } else {
    }
    return
  }
}

#map = affine_map<(d0, d1) -> (0, 0)>
#map1 = affine_map<(d0, d1) -> (0, 0, 0)>
module attributes {stable_mosaic.version = 14 : i64} {
  func.func @edge_kernel(%arg0: i32, %arg1: i32, %arg2: memref<10000x32xf32, #tpu.memory_space<hbm>>, %arg3: memref<10008x8xf32, #tpu.memory_space<hbm>>, %arg4: memref<2560x128xi32, #tpu.memory_space<hbm>>, %arg5: memref<2560x128xi32, #tpu.memory_space<hbm>>, %arg6: memref<10000x32xf32, #tpu.memory_space<hbm>>, %arg7: memref<10000x8xf32, #tpu.memory_space<hbm>>, %arg8: memref<2x10000x32xf32, #tpu.memory_space<hbm>>, %arg9: memref<2x10000x8xf32, #tpu.memory_space<hbm>>, %arg10: memref<80x128xi32, #tpu.memory_space<vmem>>, %arg11: memref<80x128xi32, #tpu.memory_space<vmem>>, %arg12: memref<128x32xf32, #tpu.memory_space<vmem>>, %arg13: memref<128x8xf32, #tpu.memory_space<vmem>>, %arg14: memref<128x8xf32, #tpu.memory_space<vmem>>, %arg15: memref<128x8xf32, #tpu.memory_space<vmem>>, %arg16: memref<1032xf32, #tpu.memory_space<vmem>>, %arg17: memref<10008x32xf32, #tpu.memory_space<vmem_shared>>, %arg18: memref<10008x8xf32, #tpu.memory_space<vmem_shared>>, %arg19: memref<!tpu.dma_semaphore, #tpu.memory_space<semaphore_mem>>, %arg20: memref<!tpu.dma_semaphore, #tpu.memory_space<semaphore_mem>>) attributes {dimension_semantics = [#tpu.dimension_semantics<core_parallel>, #tpu.dimension_semantics<subcore_parallel>], iteration_bounds = array<i64: 2, 16>, scalar_prefetch = 0 : i64, scratch_operands = 11 : i64, tpu.core_type = #tpu.core_type<sc_vector_subcore>, window_params = [{transform_indices = #map}, {transform_indices = #map}, {transform_indices = #map}, {transform_indices = #map}, {transform_indices = #map}, {transform_indices = #map}, {transform_indices = #map1}, {transform_indices = #map1}]} {
    %mul3A = arith.constant 16 : i32
    %mul3A_0 = arith.muli %arg0, %mul3A : i32
    %add3A = arith.addi %mul3A_0, %arg1 : i32
    %mul3A_1 = arith.constant 80 : i32
    %mul3A_2 = arith.muli %add3A, %mul3A_1 : i32
    %mul3A_3 = arith.constant 624 : i32
    %mul3A_4 = arith.muli %arg1, %mul3A_3 : i32
    "tpu.region"() ({
      %run_scoped3A = tpu.sem_alloc : memref<!tpu.dma_semaphore, #tpu.memory_space<semaphore_mem>>
      %dma_start3A = arith.constant 0 : i32
      %dma_start3A_46 = arith.constant 0 : i32
      %dma_start3A_47 = tpu.memref_slice %arg6[%dma_start3A, %dma_start3A_46] : memref<10000x32xf32, #tpu.memory_space<hbm>> -> memref<128x32xf32, #tpu.memory_space<hbm>>
      %dma_start3A_48 = arith.constant 0 : i32
      %dma_start3A_49 = arith.constant 0 : i32
      %dma_start3A_50 = tpu.memref_slice %arg6[%dma_start3A_48, %dma_start3A_49] : memref<10000x32xf32, #tpu.memory_space<hbm>> -> memref<128x32xf32, #tpu.memory_space<hbm>>
      tpu.enqueue_dma source(%dma_start3A_50 : memref<128x32xf32, #tpu.memory_space<hbm>>) target(%arg12 : memref<128x32xf32, #tpu.memory_space<vmem>>) target_semaphore(%run_scoped3A : memref<!tpu.dma_semaphore, #tpu.memory_space<semaphore_mem>>)
      %dma_wait3A = arith.constant 0 : i32
      %dma_wait3A_51 = arith.constant 0 : i32
      %dma_wait3A_52 = tpu.memref_slice %arg6[%dma_wait3A, %dma_wait3A_51] : memref<10000x32xf32, #tpu.memory_space<hbm>> -> memref<128x32xf32, #tpu.memory_space<hbm>>
      %dma_wait3A_53 = arith.constant 0 : i32
      %dma_wait3A_54 = arith.constant 0 : i32
      %dma_wait3A_55 = tpu.memref_slice %arg6[%dma_wait3A_53, %dma_wait3A_54] : memref<10000x32xf32, #tpu.memory_space<hbm>> -> memref<128x32xf32, #tpu.memory_space<hbm>>
      tpu.wait_dma2 semaphore(%run_scoped3A : memref<!tpu.dma_semaphore, #tpu.memory_space<semaphore_mem>>) src(%dma_wait3A_55 : memref<128x32xf32, #tpu.memory_space<hbm>>) dst(%arg12 : memref<128x32xf32, #tpu.memory_space<vmem>>)
      tpu.yield
    }) : () -> ()
    "tpu.region"() ({
      %run_scoped3A = tpu.sem_alloc : memref<!tpu.dma_semaphore, #tpu.memory_space<semaphore_mem>>
      %dma_start3A = arith.constant 0 : i32
      %dma_start3A_46 = arith.constant 0 : i32
      %dma_start3A_47 = tpu.memref_slice %arg7[%dma_start3A, %dma_start3A_46] : memref<10000x8xf32, #tpu.memory_space<hbm>> -> memref<128x8xf32, #tpu.memory_space<hbm>>
      %dma_start3A_48 = arith.constant 0 : i32
      %dma_start3A_49 = arith.constant 0 : i32
      %dma_start3A_50 = tpu.memref_slice %arg7[%dma_start3A_48, %dma_start3A_49] : memref<10000x8xf32, #tpu.memory_space<hbm>> -> memref<128x8xf32, #tpu.memory_space<hbm>>
      tpu.enqueue_dma source(%dma_start3A_50 : memref<128x8xf32, #tpu.memory_space<hbm>>) target(%arg15 : memref<128x8xf32, #tpu.memory_space<vmem>>) target_semaphore(%run_scoped3A : memref<!tpu.dma_semaphore, #tpu.memory_space<semaphore_mem>>)
      %dma_wait3A = arith.constant 0 : i32
      %dma_wait3A_51 = arith.constant 0 : i32
      %dma_wait3A_52 = tpu.memref_slice %arg7[%dma_wait3A, %dma_wait3A_51] : memref<10000x8xf32, #tpu.memory_space<hbm>> -> memref<128x8xf32, #tpu.memory_space<hbm>>
      %dma_wait3A_53 = arith.constant 0 : i32
      %dma_wait3A_54 = arith.constant 0 : i32
      %dma_wait3A_55 = tpu.memref_slice %arg7[%dma_wait3A_53, %dma_wait3A_54] : memref<10000x8xf32, #tpu.memory_space<hbm>> -> memref<128x8xf32, #tpu.memory_space<hbm>>
      tpu.wait_dma2 semaphore(%run_scoped3A : memref<!tpu.dma_semaphore, #tpu.memory_space<semaphore_mem>>) src(%dma_wait3A_55 : memref<128x8xf32, #tpu.memory_space<hbm>>) dst(%arg15 : memref<128x8xf32, #tpu.memory_space<vmem>>)
      tpu.yield
    }) : () -> ()
    %add3A_5 = arith.constant 0 : i32
    %add3A_6 = arith.addi %mul3A_4, %add3A_5 : i32
    "tpu.region"() ({
      %run_scoped3A = tpu.sem_alloc : memref<!tpu.dma_semaphore, #tpu.memory_space<semaphore_mem>>
      %dma_start3A = arith.constant 0 : i32
      %dma_start3A_46 = tpu.memref_slice %arg17[%add3A_6, %dma_start3A] : memref<10008x32xf32, #tpu.memory_space<vmem_shared>> -> memref<128x32xf32, #tpu.memory_space<vmem_shared>>
      %dma_start3A_47 = arith.constant 0 : i32
      %dma_start3A_48 = tpu.memref_slice %arg17[%add3A_6, %dma_start3A_47] : memref<10008x32xf32, #tpu.memory_space<vmem_shared>> -> memref<128x32xf32, #tpu.memory_space<vmem_shared>>
      tpu.enqueue_dma source(%arg12 : memref<128x32xf32, #tpu.memory_space<vmem>>) target(%dma_start3A_48 : memref<128x32xf32, #tpu.memory_space<vmem_shared>>) target_semaphore(%run_scoped3A : memref<!tpu.dma_semaphore, #tpu.memory_space<semaphore_mem>>)
      %dma_wait3A = arith.constant 0 : i32
      %dma_wait3A_49 = tpu.memref_slice %arg17[%add3A_6, %dma_wait3A] : memref<10008x32xf32, #tpu.memory_space<vmem_shared>> -> memref<128x32xf32, #tpu.memory_space<vmem_shared>>
      %dma_wait3A_50 = arith.constant 0 : i32
      %dma_wait3A_51 = tpu.memref_slice %arg17[%add3A_6, %dma_wait3A_50] : memref<10008x32xf32, #tpu.memory_space<vmem_shared>> -> memref<128x32xf32, #tpu.memory_space<vmem_shared>>
      tpu.wait_dma2 semaphore(%run_scoped3A : memref<!tpu.dma_semaphore, #tpu.memory_space<semaphore_mem>>) src(%arg12 : memref<128x32xf32, #tpu.memory_space<vmem>>) dst(%dma_wait3A_51 : memref<128x32xf32, #tpu.memory_space<vmem_shared>>)
      tpu.yield
    }) : () -> ()
    %add3A_7 = arith.constant 0 : i32
    %add3A_8 = arith.addi %mul3A_4, %add3A_7 : i32
    "tpu.region"() ({
      %run_scoped3A = tpu.sem_alloc : memref<!tpu.dma_semaphore, #tpu.memory_space<semaphore_mem>>
      %dma_start3A = arith.constant 0 : i32
      %dma_start3A_46 = tpu.memref_slice %arg18[%add3A_8, %dma_start3A] : memref<10008x8xf32, #tpu.memory_space<vmem_shared>> -> memref<128x8xf32, #tpu.memory_space<vmem_shared>>
      %dma_start3A_47 = arith.constant 0 : i32
      %dma_start3A_48 = tpu.memref_slice %arg18[%add3A_8, %dma_start3A_47] : memref<10008x8xf32, #tpu.memory_space<vmem_shared>> -> memref<128x8xf32, #tpu.memory_space<vmem_shared>>
      tpu.enqueue_dma source(%arg15 : memref<128x8xf32, #tpu.memory_space<vmem>>) target(%dma_start3A_48 : memref<128x8xf32, #tpu.memory_space<vmem_shared>>) target_semaphore(%run_scoped3A : memref<!tpu.dma_semaphore, #tpu.memory_space<semaphore_mem>>)
      %dma_wait3A = arith.constant 0 : i32
      %dma_wait3A_49 = tpu.memref_slice %arg18[%add3A_8, %dma_wait3A] : memref<10008x8xf32, #tpu.memory_space<vmem_shared>> -> memref<128x8xf32, #tpu.memory_space<vmem_shared>>
      %dma_wait3A_50 = arith.constant 0 : i32
      %dma_wait3A_51 = tpu.memref_slice %arg18[%add3A_8, %dma_wait3A_50] : memref<10008x8xf32, #tpu.memory_space<vmem_shared>> -> memref<128x8xf32, #tpu.memory_space<vmem_shared>>
      tpu.wait_dma2 semaphore(%run_scoped3A : memref<!tpu.dma_semaphore, #tpu.memory_space<semaphore_mem>>) src(%arg15 : memref<128x8xf32, #tpu.memory_space<vmem>>) dst(%dma_wait3A_51 : memref<128x8xf32, #tpu.memory_space<vmem_shared>>)
      tpu.yield
    }) : () -> ()
    %add3A_9 = arith.constant 128 : i32
    %add3A_10 = arith.addi %mul3A_4, %add3A_9 : i32
    "tpu.region"() ({
      %run_scoped3A = tpu.sem_alloc : memref<!tpu.dma_semaphore, #tpu.memory_space<semaphore_mem>>
      %dma_start3A = arith.constant 0 : i32
      %dma_start3A_46 = tpu.memref_slice %arg17[%add3A_10, %dma_start3A] : memref<10008x32xf32, #tpu.memory_space<vmem_shared>> -> memref<128x32xf32, #tpu.memory_space<vmem_shared>>
      %dma_start3A_47 = arith.constant 0 : i32
      %dma_start3A_48 = tpu.memref_slice %arg17[%add3A_10, %dma_start3A_47] : memref<10008x32xf32, #tpu.memory_space<vmem_shared>> -> memref<128x32xf32, #tpu.memory_space<vmem_shared>>
      tpu.enqueue_dma source(%arg12 : memref<128x32xf32, #tpu.memory_space<vmem>>) target(%dma_start3A_48 : memref<128x32xf32, #tpu.memory_space<vmem_shared>>) target_semaphore(%run_scoped3A : memref<!tpu.dma_semaphore, #tpu.memory_space<semaphore_mem>>)
      %dma_wait3A = arith.constant 0 : i32
      %dma_wait3A_49 = tpu.memref_slice %arg17[%add3A_10, %dma_wait3A] : memref<10008x32xf32, #tpu.memory_space<vmem_shared>> -> memref<128x32xf32, #tpu.memory_space<vmem_shared>>
      %dma_wait3A_50 = arith.constant 0 : i32
      %dma_wait3A_51 = tpu.memref_slice %arg17[%add3A_10, %dma_wait3A_50] : memref<10008x32xf32, #tpu.memory_space<vmem_shared>> -> memref<128x32xf32, #tpu.memory_space<vmem_shared>>
      tpu.wait_dma2 semaphore(%run_scoped3A : memref<!tpu.dma_semaphore, #tpu.memory_space<semaphore_mem>>) src(%arg12 : memref<128x32xf32, #tpu.memory_space<vmem>>) dst(%dma_wait3A_51 : memref<128x32xf32, #tpu.memory_space<vmem_shared>>)
      tpu.yield
    }) : () -> ()
    %add3A_11 = arith.constant 128 : i32
    %add3A_12 = arith.addi %mul3A_4, %add3A_11 : i32
    "tpu.region"() ({
      %run_scoped3A = tpu.sem_alloc : memref<!tpu.dma_semaphore, #tpu.memory_space<semaphore_mem>>
      %dma_start3A = arith.constant 0 : i32
      %dma_start3A_46 = tpu.memref_slice %arg18[%add3A_12, %dma_start3A] : memref<10008x8xf32, #tpu.memory_space<vmem_shared>> -> memref<128x8xf32, #tpu.memory_space<vmem_shared>>
      %dma_start3A_47 = arith.constant 0 : i32
      %dma_start3A_48 = tpu.memref_slice %arg18[%add3A_12, %dma_start3A_47] : memref<10008x8xf32, #tpu.memory_space<vmem_shared>> -> memref<128x8xf32, #tpu.memory_space<vmem_shared>>
      tpu.enqueue_dma source(%arg15 : memref<128x8xf32, #tpu.memory_space<vmem>>) target(%dma_start3A_48 : memref<128x8xf32, #tpu.memory_space<vmem_shared>>) target_semaphore(%run_scoped3A : memref<!tpu.dma_semaphore, #tpu.memory_space<semaphore_mem>>)
      %dma_wait3A = arith.constant 0 : i32
      %dma_wait3A_49 = tpu.memref_slice %arg18[%add3A_12, %dma_wait3A] : memref<10008x8xf32, #tpu.memory_space<vmem_shared>> -> memref<128x8xf32, #tpu.memory_space<vmem_shared>>
      %dma_wait3A_50 = arith.constant 0 : i32
      %dma_wait3A_51 = tpu.memref_slice %arg18[%add3A_12, %dma_wait3A_50] : memref<10008x8xf32, #tpu.memory_space<vmem_shared>> -> memref<128x8xf32, #tpu.memory_space<vmem_shared>>
      tpu.wait_dma2 semaphore(%run_scoped3A : memref<!tpu.dma_semaphore, #tpu.memory_space<semaphore_mem>>) src(%arg15 : memref<128x8xf32, #tpu.memory_space<vmem>>) dst(%dma_wait3A_51 : memref<128x8xf32, #tpu.memory_space<vmem_shared>>)
      tpu.yield
    }) : () -> ()
    %add3A_13 = arith.constant 256 : i32
    %add3A_14 = arith.addi %mul3A_4, %add3A_13 : i32
    "tpu.region"() ({
      %run_scoped3A = tpu.sem_alloc : memref<!tpu.dma_semaphore, #tpu.memory_space<semaphore_mem>>
      %dma_start3A = arith.constant 0 : i32
      %dma_start3A_46 = tpu.memref_slice %arg17[%add3A_14, %dma_start3A] : memref<10008x32xf32, #tpu.memory_space<vmem_shared>> -> memref<128x32xf32, #tpu.memory_space<vmem_shared>>
      %dma_start3A_47 = arith.constant 0 : i32
      %dma_start3A_48 = tpu.memref_slice %arg17[%add3A_14, %dma_start3A_47] : memref<10008x32xf32, #tpu.memory_space<vmem_shared>> -> memref<128x32xf32, #tpu.memory_space<vmem_shared>>
      tpu.enqueue_dma source(%arg12 : memref<128x32xf32, #tpu.memory_space<vmem>>) target(%dma_start3A_48 : memref<128x32xf32, #tpu.memory_space<vmem_shared>>) target_semaphore(%run_scoped3A : memref<!tpu.dma_semaphore, #tpu.memory_space<semaphore_mem>>)
      %dma_wait3A = arith.constant 0 : i32
      %dma_wait3A_49 = tpu.memref_slice %arg17[%add3A_14, %dma_wait3A] : memref<10008x32xf32, #tpu.memory_space<vmem_shared>> -> memref<128x32xf32, #tpu.memory_space<vmem_shared>>
      %dma_wait3A_50 = arith.constant 0 : i32
      %dma_wait3A_51 = tpu.memref_slice %arg17[%add3A_14, %dma_wait3A_50] : memref<10008x32xf32, #tpu.memory_space<vmem_shared>> -> memref<128x32xf32, #tpu.memory_space<vmem_shared>>
      tpu.wait_dma2 semaphore(%run_scoped3A : memref<!tpu.dma_semaphore, #tpu.memory_space<semaphore_mem>>) src(%arg12 : memref<128x32xf32, #tpu.memory_space<vmem>>) dst(%dma_wait3A_51 : memref<128x32xf32, #tpu.memory_space<vmem_shared>>)
      tpu.yield
    }) : () -> ()
    %add3A_15 = arith.constant 256 : i32
    %add3A_16 = arith.addi %mul3A_4, %add3A_15 : i32
    "tpu.region"() ({
      %run_scoped3A = tpu.sem_alloc : memref<!tpu.dma_semaphore, #tpu.memory_space<semaphore_mem>>
      %dma_start3A = arith.constant 0 : i32
      %dma_start3A_46 = tpu.memref_slice %arg18[%add3A_16, %dma_start3A] : memref<10008x8xf32, #tpu.memory_space<vmem_shared>> -> memref<128x8xf32, #tpu.memory_space<vmem_shared>>
      %dma_start3A_47 = arith.constant 0 : i32
      %dma_start3A_48 = tpu.memref_slice %arg18[%add3A_16, %dma_start3A_47] : memref<10008x8xf32, #tpu.memory_space<vmem_shared>> -> memref<128x8xf32, #tpu.memory_space<vmem_shared>>
      tpu.enqueue_dma source(%arg15 : memref<128x8xf32, #tpu.memory_space<vmem>>) target(%dma_start3A_48 : memref<128x8xf32, #tpu.memory_space<vmem_shared>>) target_semaphore(%run_scoped3A : memref<!tpu.dma_semaphore, #tpu.memory_space<semaphore_mem>>)
      %dma_wait3A = arith.constant 0 : i32
      %dma_wait3A_49 = tpu.memref_slice %arg18[%add3A_16, %dma_wait3A] : memref<10008x8xf32, #tpu.memory_space<vmem_shared>> -> memref<128x8xf32, #tpu.memory_space<vmem_shared>>
      %dma_wait3A_50 = arith.constant 0 : i32
      %dma_wait3A_51 = tpu.memref_slice %arg18[%add3A_16, %dma_wait3A_50] : memref<10008x8xf32, #tpu.memory_space<vmem_shared>> -> memref<128x8xf32, #tpu.memory_space<vmem_shared>>
      tpu.wait_dma2 semaphore(%run_scoped3A : memref<!tpu.dma_semaphore, #tpu.memory_space<semaphore_mem>>) src(%arg15 : memref<128x8xf32, #tpu.memory_space<vmem>>) dst(%dma_wait3A_51 : memref<128x8xf32, #tpu.memory_space<vmem_shared>>)
      tpu.yield
    }) : () -> ()
    %add3A_17 = arith.constant 384 : i32
    %add3A_18 = arith.addi %mul3A_4, %add3A_17 : i32
    "tpu.region"() ({
      %run_scoped3A = tpu.sem_alloc : memref<!tpu.dma_semaphore, #tpu.memory_space<semaphore_mem>>
      %dma_start3A = arith.constant 0 : i32
      %dma_start3A_46 = tpu.memref_slice %arg17[%add3A_18, %dma_start3A] : memref<10008x32xf32, #tpu.memory_space<vmem_shared>> -> memref<128x32xf32, #tpu.memory_space<vmem_shared>>
      %dma_start3A_47 = arith.constant 0 : i32
      %dma_start3A_48 = tpu.memref_slice %arg17[%add3A_18, %dma_start3A_47] : memref<10008x32xf32, #tpu.memory_space<vmem_shared>> -> memref<128x32xf32, #tpu.memory_space<vmem_shared>>
      tpu.enqueue_dma source(%arg12 : memref<128x32xf32, #tpu.memory_space<vmem>>) target(%dma_start3A_48 : memref<128x32xf32, #tpu.memory_space<vmem_shared>>) target_semaphore(%run_scoped3A : memref<!tpu.dma_semaphore, #tpu.memory_space<semaphore_mem>>)
      %dma_wait3A = arith.constant 0 : i32
      %dma_wait3A_49 = tpu.memref_slice %arg17[%add3A_18, %dma_wait3A] : memref<10008x32xf32, #tpu.memory_space<vmem_shared>> -> memref<128x32xf32, #tpu.memory_space<vmem_shared>>
      %dma_wait3A_50 = arith.constant 0 : i32
      %dma_wait3A_51 = tpu.memref_slice %arg17[%add3A_18, %dma_wait3A_50] : memref<10008x32xf32, #tpu.memory_space<vmem_shared>> -> memref<128x32xf32, #tpu.memory_space<vmem_shared>>
      tpu.wait_dma2 semaphore(%run_scoped3A : memref<!tpu.dma_semaphore, #tpu.memory_space<semaphore_mem>>) src(%arg12 : memref<128x32xf32, #tpu.memory_space<vmem>>) dst(%dma_wait3A_51 : memref<128x32xf32, #tpu.memory_space<vmem_shared>>)
      tpu.yield
    }) : () -> ()
    %add3A_19 = arith.constant 384 : i32
    %add3A_20 = arith.addi %mul3A_4, %add3A_19 : i32
    "tpu.region"() ({
      %run_scoped3A = tpu.sem_alloc : memref<!tpu.dma_semaphore, #tpu.memory_space<semaphore_mem>>
      %dma_start3A = arith.constant 0 : i32
      %dma_start3A_46 = tpu.memref_slice %arg18[%add3A_20, %dma_start3A] : memref<10008x8xf32, #tpu.memory_space<vmem_shared>> -> memref<128x8xf32, #tpu.memory_space<vmem_shared>>
      %dma_start3A_47 = arith.constant 0 : i32
      %dma_start3A_48 = tpu.memref_slice %arg18[%add3A_20, %dma_start3A_47] : memref<10008x8xf32, #tpu.memory_space<vmem_shared>> -> memref<128x8xf32, #tpu.memory_space<vmem_shared>>
      tpu.enqueue_dma source(%arg15 : memref<128x8xf32, #tpu.memory_space<vmem>>) target(%dma_start3A_48 : memref<128x8xf32, #tpu.memory_space<vmem_shared>>) target_semaphore(%run_scoped3A : memref<!tpu.dma_semaphore, #tpu.memory_space<semaphore_mem>>)
      %dma_wait3A = arith.constant 0 : i32
      %dma_wait3A_49 = tpu.memref_slice %arg18[%add3A_20, %dma_wait3A] : memref<10008x8xf32, #tpu.memory_space<vmem_shared>> -> memref<128x8xf32, #tpu.memory_space<vmem_shared>>
      %dma_wait3A_50 = arith.constant 0 : i32
      %dma_wait3A_51 = tpu.memref_slice %arg18[%add3A_20, %dma_wait3A_50] : memref<10008x8xf32, #tpu.memory_space<vmem_shared>> -> memref<128x8xf32, #tpu.memory_space<vmem_shared>>
      tpu.wait_dma2 semaphore(%run_scoped3A : memref<!tpu.dma_semaphore, #tpu.memory_space<semaphore_mem>>) src(%arg15 : memref<128x8xf32, #tpu.memory_space<vmem>>) dst(%dma_wait3A_51 : memref<128x8xf32, #tpu.memory_space<vmem_shared>>)
      tpu.yield
    }) : () -> ()
    %add3A_21 = arith.constant 512 : i32
    %add3A_22 = arith.addi %mul3A_4, %add3A_21 : i32
    "tpu.region"() ({
      %run_scoped3A = tpu.sem_alloc : memref<!tpu.dma_semaphore, #tpu.memory_space<semaphore_mem>>
      %dma_start3A = arith.constant 0 : i32
      %dma_start3A_46 = arith.constant 0 : i32
      %dma_start3A_47 = tpu.memref_slice %arg12[%dma_start3A, %dma_start3A_46] : memref<128x32xf32, #tpu.memory_space<vmem>> -> memref<112x32xf32, #tpu.memory_space<vmem>>
      %dma_start3A_48 = arith.constant 0 : i32
      %dma_start3A_49 = tpu.memref_slice %arg17[%add3A_22, %dma_start3A_48] : memref<10008x32xf32, #tpu.memory_space<vmem_shared>> -> memref<112x32xf32, #tpu.memory_space<vmem_shared>>
      %dma_start3A_50 = arith.constant 0 : i32
      %dma_start3A_51 = tpu.memref_slice %arg17[%add3A_22, %dma_start3A_50] : memref<10008x32xf32, #tpu.memory_space<vmem_shared>> -> memref<112x32xf32, #tpu.memory_space<vmem_shared>>
      %dma_start3A_52 = arith.constant 0 : i32
      %dma_start3A_53 = arith.constant 0 : i32
      %dma_start3A_54 = tpu.memref_slice %arg12[%dma_start3A_52, %dma_start3A_53] : memref<128x32xf32, #tpu.memory_space<vmem>> -> memref<112x32xf32, #tpu.memory_space<vmem>>
      tpu.enqueue_dma source(%dma_start3A_54 : memref<112x32xf32, #tpu.memory_space<vmem>>) target(%dma_start3A_51 : memref<112x32xf32, #tpu.memory_space<vmem_shared>>) target_semaphore(%run_scoped3A : memref<!tpu.dma_semaphore, #tpu.memory_space<semaphore_mem>>)
      %dma_wait3A = arith.constant 0 : i32
      %dma_wait3A_55 = arith.constant 0 : i32
      %dma_wait3A_56 = tpu.memref_slice %arg12[%dma_wait3A, %dma_wait3A_55] : memref<128x32xf32, #tpu.memory_space<vmem>> -> memref<112x32xf32, #tpu.memory_space<vmem>>
      %dma_wait3A_57 = arith.constant 0 : i32
      %dma_wait3A_58 = tpu.memref_slice %arg17[%add3A_22, %dma_wait3A_57] : memref<10008x32xf32, #tpu.memory_space<vmem_shared>> -> memref<112x32xf32, #tpu.memory_space<vmem_shared>>
      %dma_wait3A_59 = arith.constant 0 : i32
      %dma_wait3A_60 = tpu.memref_slice %arg17[%add3A_22, %dma_wait3A_59] : memref<10008x32xf32, #tpu.memory_space<vmem_shared>> -> memref<112x32xf32, #tpu.memory_space<vmem_shared>>
      %dma_wait3A_61 = arith.constant 0 : i32
      %dma_wait3A_62 = arith.constant 0 : i32
      %dma_wait3A_63 = tpu.memref_slice %arg12[%dma_wait3A_61, %dma_wait3A_62] : memref<128x32xf32, #tpu.memory_space<vmem>> -> memref<112x32xf32, #tpu.memory_space<vmem>>
      tpu.wait_dma2 semaphore(%run_scoped3A : memref<!tpu.dma_semaphore, #tpu.memory_space<semaphore_mem>>) src(%dma_wait3A_63 : memref<112x32xf32, #tpu.memory_space<vmem>>) dst(%dma_wait3A_60 : memref<112x32xf32, #tpu.memory_space<vmem_shared>>)
      tpu.yield
    }) : () -> ()
    "tpu.region"() ({
      %run_scoped3A = tpu.sem_alloc : memref<!tpu.dma_semaphore, #tpu.memory_space<semaphore_mem>>
      %dma_start3A = arith.constant 0 : i32
      %dma_start3A_46 = arith.constant 0 : i32
      %dma_start3A_47 = tpu.memref_slice %arg15[%dma_start3A, %dma_start3A_46] : memref<128x8xf32, #tpu.memory_space<vmem>> -> memref<112x8xf32, #tpu.memory_space<vmem>>
      %dma_start3A_48 = arith.constant 0 : i32
      %dma_start3A_49 = tpu.memref_slice %arg18[%add3A_22, %dma_start3A_48] : memref<10008x8xf32, #tpu.memory_space<vmem_shared>> -> memref<112x8xf32, #tpu.memory_space<vmem_shared>>
      %dma_start3A_50 = arith.constant 0 : i32
      %dma_start3A_51 = tpu.memref_slice %arg18[%add3A_22, %dma_start3A_50] : memref<10008x8xf32, #tpu.memory_space<vmem_shared>> -> memref<112x8xf32, #tpu.memory_space<vmem_shared>>
      %dma_start3A_52 = arith.constant 0 : i32
      %dma_start3A_53 = arith.constant 0 : i32
      %dma_start3A_54 = tpu.memref_slice %arg15[%dma_start3A_52, %dma_start3A_53] : memref<128x8xf32, #tpu.memory_space<vmem>> -> memref<112x8xf32, #tpu.memory_space<vmem>>
      tpu.enqueue_dma source(%dma_start3A_54 : memref<112x8xf32, #tpu.memory_space<vmem>>) target(%dma_start3A_51 : memref<112x8xf32, #tpu.memory_space<vmem_shared>>) target_semaphore(%run_scoped3A : memref<!tpu.dma_semaphore, #tpu.memory_space<semaphore_mem>>)
      %dma_wait3A = arith.constant 0 : i32
      %dma_wait3A_55 = arith.constant 0 : i32
      %dma_wait3A_56 = tpu.memref_slice %arg15[%dma_wait3A, %dma_wait3A_55] : memref<128x8xf32, #tpu.memory_space<vmem>> -> memref<112x8xf32, #tpu.memory_space<vmem>>
      %dma_wait3A_57 = arith.constant 0 : i32
      %dma_wait3A_58 = tpu.memref_slice %arg18[%add3A_22, %dma_wait3A_57] : memref<10008x8xf32, #tpu.memory_space<vmem_shared>> -> memref<112x8xf32, #tpu.memory_space<vmem_shared>>
      %dma_wait3A_59 = arith.constant 0 : i32
      %dma_wait3A_60 = tpu.memref_slice %arg18[%add3A_22, %dma_wait3A_59] : memref<10008x8xf32, #tpu.memory_space<vmem_shared>> -> memref<112x8xf32, #tpu.memory_space<vmem_shared>>
      %dma_wait3A_61 = arith.constant 0 : i32
      %dma_wait3A_62 = arith.constant 0 : i32
      %dma_wait3A_63 = tpu.memref_slice %arg15[%dma_wait3A_61, %dma_wait3A_62] : memref<128x8xf32, #tpu.memory_space<vmem>> -> memref<112x8xf32, #tpu.memory_space<vmem>>
      tpu.wait_dma2 semaphore(%run_scoped3A : memref<!tpu.dma_semaphore, #tpu.memory_space<semaphore_mem>>) src(%dma_wait3A_63 : memref<112x8xf32, #tpu.memory_space<vmem>>) dst(%dma_wait3A_60 : memref<112x8xf32, #tpu.memory_space<vmem_shared>>)
      tpu.yield
    }) : () -> ()
    %eq3A = arith.constant 15 : i32
    %eq3A_23 = arith.cmpi eq, %arg1, %eq3A : i32
    %convert_element_type3A = arith.extui %eq3A_23 : i1 to i32
    %cond3A = arith.constant 0 : i32
    %cond3A_24 = arith.cmpi ne, %convert_element_type3A, %cond3A : i32
    scf.if %cond3A_24 {
      "tpu.region"() ({
        %run_scoped3A = tpu.sem_alloc : memref<!tpu.dma_semaphore, #tpu.memory_space<semaphore_mem>>
        %dma_start3A = arith.constant 0 : i32
        %dma_start3A_46 = arith.constant 0 : i32
        %dma_start3A_47 = tpu.memref_slice %arg12[%dma_start3A, %dma_start3A_46] : memref<128x32xf32, #tpu.memory_space<vmem>> -> memref<16x32xf32, #tpu.memory_space<vmem>>
        %dma_start3A_48 = arith.constant 9984 : i32
        %dma_start3A_49 = arith.constant 0 : i32
        %dma_start3A_50 = tpu.memref_slice %arg17[%dma_start3A_48, %dma_start3A_49] : memref<10008x32xf32, #tpu.memory_space<vmem_shared>> -> memref<16x32xf32, #tpu.memory_space<vmem_shared>>
        %dma_start3A_51 = arith.constant 9984 : i32
        %dma_start3A_52 = arith.constant 0 : i32
        %dma_start3A_53 = tpu.memref_slice %arg17[%dma_start3A_51, %dma_start3A_52] : memref<10008x32xf32, #tpu.memory_space<vmem_shared>> -> memref<16x32xf32, #tpu.memory_space<vmem_shared>>
        %dma_start3A_54 = arith.constant 0 : i32
        %dma_start3A_55 = arith.constant 0 : i32
        %dma_start3A_56 = tpu.memref_slice %arg12[%dma_start3A_54, %dma_start3A_55] : memref<128x32xf32, #tpu.memory_space<vmem>> -> memref<16x32xf32, #tpu.memory_space<vmem>>
        tpu.enqueue_dma source(%dma_start3A_56 : memref<16x32xf32, #tpu.memory_space<vmem>>) target(%dma_start3A_53 : memref<16x32xf32, #tpu.memory_space<vmem_shared>>) target_semaphore(%run_scoped3A : memref<!tpu.dma_semaphore, #tpu.memory_space<semaphore_mem>>)
        %dma_wait3A = arith.constant 0 : i32
        %dma_wait3A_57 = arith.constant 0 : i32
        %dma_wait3A_58 = tpu.memref_slice %arg12[%dma_wait3A, %dma_wait3A_57] : memref<128x32xf32, #tpu.memory_space<vmem>> -> memref<16x32xf32, #tpu.memory_space<vmem>>
        %dma_wait3A_59 = arith.constant 9984 : i32
        %dma_wait3A_60 = arith.constant 0 : i32
        %dma_wait3A_61 = tpu.memref_slice %arg17[%dma_wait3A_59, %dma_wait3A_60] : memref<10008x32xf32, #tpu.memory_space<vmem_shared>> -> memref<16x32xf32, #tpu.memory_space<vmem_shared>>
        %dma_wait3A_62 = arith.constant 9984 : i32
        %dma_wait3A_63 = arith.constant 0 : i32
        %dma_wait3A_64 = tpu.memref_slice %arg17[%dma_wait3A_62, %dma_wait3A_63] : memref<10008x32xf32, #tpu.memory_space<vmem_shared>> -> memref<16x32xf32, #tpu.memory_space<vmem_shared>>
        %dma_wait3A_65 = arith.constant 0 : i32
        %dma_wait3A_66 = arith.constant 0 : i32
        %dma_wait3A_67 = tpu.memref_slice %arg12[%dma_wait3A_65, %dma_wait3A_66] : memref<128x32xf32, #tpu.memory_space<vmem>> -> memref<16x32xf32, #tpu.memory_space<vmem>>
        tpu.wait_dma2 semaphore(%run_scoped3A : memref<!tpu.dma_semaphore, #tpu.memory_space<semaphore_mem>>) src(%dma_wait3A_67 : memref<16x32xf32, #tpu.memory_space<vmem>>) dst(%dma_wait3A_64 : memref<16x32xf32, #tpu.memory_space<vmem_shared>>)
        tpu.yield
      }) : () -> ()
      "tpu.region"() ({
        %run_scoped3A = tpu.sem_alloc : memref<!tpu.dma_semaphore, #tpu.memory_space<semaphore_mem>>
        %dma_start3A = arith.constant 0 : i32
        %dma_start3A_46 = arith.constant 0 : i32
        %dma_start3A_47 = tpu.memref_slice %arg15[%dma_start3A, %dma_start3A_46] : memref<128x8xf32, #tpu.memory_space<vmem>> -> memref<16x8xf32, #tpu.memory_space<vmem>>
        %dma_start3A_48 = arith.constant 9984 : i32
        %dma_start3A_49 = arith.constant 0 : i32
        %dma_start3A_50 = tpu.memref_slice %arg18[%dma_start3A_48, %dma_start3A_49] : memref<10008x8xf32, #tpu.memory_space<vmem_shared>> -> memref<16x8xf32, #tpu.memory_space<vmem_shared>>
        %dma_start3A_51 = arith.constant 9984 : i32
        %dma_start3A_52 = arith.constant 0 : i32
        %dma_start3A_53 = tpu.memref_slice %arg18[%dma_start3A_51, %dma_start3A_52] : memref<10008x8xf32, #tpu.memory_space<vmem_shared>> -> memref<16x8xf32, #tpu.memory_space<vmem_shared>>
        %dma_start3A_54 = arith.constant 0 : i32
        %dma_start3A_55 = arith.constant 0 : i32
        %dma_start3A_56 = tpu.memref_slice %arg15[%dma_start3A_54, %dma_start3A_55] : memref<128x8xf32, #tpu.memory_space<vmem>> -> memref<16x8xf32, #tpu.memory_space<vmem>>
        tpu.enqueue_dma source(%dma_start3A_56 : memref<16x8xf32, #tpu.memory_space<vmem>>) target(%dma_start3A_53 : memref<16x8xf32, #tpu.memory_space<vmem_shared>>) target_semaphore(%run_scoped3A : memref<!tpu.dma_semaphore, #tpu.memory_space<semaphore_mem>>)
        %dma_wait3A = arith.constant 0 : i32
        %dma_wait3A_57 = arith.constant 0 : i32
        %dma_wait3A_58 = tpu.memref_slice %arg15[%dma_wait3A, %dma_wait3A_57] : memref<128x8xf32, #tpu.memory_space<vmem>> -> memref<16x8xf32, #tpu.memory_space<vmem>>
        %dma_wait3A_59 = arith.constant 9984 : i32
        %dma_wait3A_60 = arith.constant 0 : i32
        %dma_wait3A_61 = tpu.memref_slice %arg18[%dma_wait3A_59, %dma_wait3A_60] : memref<10008x8xf32, #tpu.memory_space<vmem_shared>> -> memref<16x8xf32, #tpu.memory_space<vmem_shared>>
        %dma_wait3A_62 = arith.constant 9984 : i32
        %dma_wait3A_63 = arith.constant 0 : i32
        %dma_wait3A_64 = tpu.memref_slice %arg18[%dma_wait3A_62, %dma_wait3A_63] : memref<10008x8xf32, #tpu.memory_space<vmem_shared>> -> memref<16x8xf32, #tpu.memory_space<vmem_shared>>
        %dma_wait3A_65 = arith.constant 0 : i32
        %dma_wait3A_66 = arith.constant 0 : i32
        %dma_wait3A_67 = tpu.memref_slice %arg15[%dma_wait3A_65, %dma_wait3A_66] : memref<128x8xf32, #tpu.memory_space<vmem>> -> memref<16x8xf32, #tpu.memory_space<vmem>>
        tpu.wait_dma2 semaphore(%run_scoped3A : memref<!tpu.dma_semaphore, #tpu.memory_space<semaphore_mem>>) src(%dma_wait3A_67 : memref<16x8xf32, #tpu.memory_space<vmem>>) dst(%dma_wait3A_64 : memref<16x8xf32, #tpu.memory_space<vmem_shared>>)
        tpu.yield
      }) : () -> ()
    } else {
    }
    "tpu.region"() ({
      %run_scoped3A = tpu.sem_alloc : memref<!tpu.dma_semaphore, #tpu.memory_space<semaphore_mem>>
      %dma_start3A = arith.constant 0 : i32
      %dma_start3A_46 = tpu.memref_slice %arg4[%mul3A_2, %dma_start3A] : memref<2560x128xi32, #tpu.memory_space<hbm>> -> memref<80x128xi32, #tpu.memory_space<hbm>>
      %dma_start3A_47 = arith.constant 0 : i32
      %dma_start3A_48 = tpu.memref_slice %arg4[%mul3A_2, %dma_start3A_47] : memref<2560x128xi32, #tpu.memory_space<hbm>> -> memref<80x128xi32, #tpu.memory_space<hbm>>
      tpu.enqueue_dma source(%dma_start3A_48 : memref<80x128xi32, #tpu.memory_space<hbm>>) target(%arg10 : memref<80x128xi32, #tpu.memory_space<vmem>>) target_semaphore(%run_scoped3A : memref<!tpu.dma_semaphore, #tpu.memory_space<semaphore_mem>>)
      %dma_wait3A = arith.constant 0 : i32
      %dma_wait3A_49 = tpu.memref_slice %arg4[%mul3A_2, %dma_wait3A] : memref<2560x128xi32, #tpu.memory_space<hbm>> -> memref<80x128xi32, #tpu.memory_space<hbm>>
      %dma_wait3A_50 = arith.constant 0 : i32
      %dma_wait3A_51 = tpu.memref_slice %arg4[%mul3A_2, %dma_wait3A_50] : memref<2560x128xi32, #tpu.memory_space<hbm>> -> memref<80x128xi32, #tpu.memory_space<hbm>>
      tpu.wait_dma2 semaphore(%run_scoped3A : memref<!tpu.dma_semaphore, #tpu.memory_space<semaphore_mem>>) src(%dma_wait3A_51 : memref<80x128xi32, #tpu.memory_space<hbm>>) dst(%arg10 : memref<80x128xi32, #tpu.memory_space<vmem>>)
      tpu.yield
    }) : () -> ()
    "tpu.region"() ({
      %run_scoped3A = tpu.sem_alloc : memref<!tpu.dma_semaphore, #tpu.memory_space<semaphore_mem>>
      %dma_start3A = arith.constant 0 : i32
      %dma_start3A_46 = tpu.memref_slice %arg5[%mul3A_2, %dma_start3A] : memref<2560x128xi32, #tpu.memory_space<hbm>> -> memref<80x128xi32, #tpu.memory_space<hbm>>
      %dma_start3A_47 = arith.constant 0 : i32
      %dma_start3A_48 = tpu.memref_slice %arg5[%mul3A_2, %dma_start3A_47] : memref<2560x128xi32, #tpu.memory_space<hbm>> -> memref<80x128xi32, #tpu.memory_space<hbm>>
      tpu.enqueue_dma source(%dma_start3A_48 : memref<80x128xi32, #tpu.memory_space<hbm>>) target(%arg11 : memref<80x128xi32, #tpu.memory_space<vmem>>) target_semaphore(%run_scoped3A : memref<!tpu.dma_semaphore, #tpu.memory_space<semaphore_mem>>)
      %dma_wait3A = arith.constant 0 : i32
      %dma_wait3A_49 = tpu.memref_slice %arg5[%mul3A_2, %dma_wait3A] : memref<2560x128xi32, #tpu.memory_space<hbm>> -> memref<80x128xi32, #tpu.memory_space<hbm>>
      %dma_wait3A_50 = arith.constant 0 : i32
      %dma_wait3A_51 = tpu.memref_slice %arg5[%mul3A_2, %dma_wait3A_50] : memref<2560x128xi32, #tpu.memory_space<hbm>> -> memref<80x128xi32, #tpu.memory_space<hbm>>
      tpu.wait_dma2 semaphore(%run_scoped3A : memref<!tpu.dma_semaphore, #tpu.memory_space<semaphore_mem>>) src(%dma_wait3A_51 : memref<80x128xi32, #tpu.memory_space<hbm>>) dst(%arg11 : memref<80x128xi32, #tpu.memory_space<vmem>>)
      tpu.yield
    }) : () -> ()
    %barrier3A = arith.constant 0 : index
    tpu.barrier barrier_id(%barrier3A)
    %scan3A = arith.constant 0 : i32
    %scan3A_25 = arith.constant 0 : i32
    %scan3A_26 = arith.constant 80 : i32
    %scan3A_27 = arith.addi %scan3A_25, %scan3A_26 : i32
    %scan3A_28 = arith.constant 1 : i32
    scf.for %scan3A_46 = %scan3A_25 to %scan3A_27 step %scan3A_28  : i32 {
      %dma_start3A = arith.constant 0 : i32
      %dma_start3A_47 = tpu.memref_slice %arg10[%scan3A_46, %dma_start3A] : memref<80x128xi32, #tpu.memory_space<vmem>> -> memref<1x128xi32, #tpu.memory_space<vmem>>
      %dma_start3A_48 = tpu.memref_squeeze %dma_start3A_47 : memref<1x128xi32, #tpu.memory_space<vmem>> -> memref<128xi32, #tpu.memory_space<vmem>>
      %dma_start3A_49 = arith.constant 0 : i32
      %dma_start3A_50 = arith.constant 0 : i32
      %dma_start3A_51 = tpu.memref_slice %arg3[%dma_start3A_49, %dma_start3A_50] : memref<10008x8xf32, #tpu.memory_space<hbm>> -> memref<10008x8xf32, #tpu.memory_space<hbm>>
      tpu.enqueue_indirect_dma source(%dma_start3A_51 : memref<10008x8xf32, #tpu.memory_space<hbm>>) target(%arg13 : memref<128x8xf32, #tpu.memory_space<vmem>>) offsets(%dma_start3A_48 : memref<128xi32, #tpu.memory_space<vmem>>) semaphore(%arg19 : memref<!tpu.dma_semaphore, #tpu.memory_space<semaphore_mem>>)
      %dma_start3A_52 = arith.constant 0 : i32
      %dma_start3A_53 = tpu.memref_slice %arg11[%scan3A_46, %dma_start3A_52] : memref<80x128xi32, #tpu.memory_space<vmem>> -> memref<1x128xi32, #tpu.memory_space<vmem>>
      %dma_start3A_54 = tpu.memref_squeeze %dma_start3A_53 : memref<1x128xi32, #tpu.memory_space<vmem>> -> memref<128xi32, #tpu.memory_space<vmem>>
      %dma_start3A_55 = arith.constant 0 : i32
      %dma_start3A_56 = arith.constant 0 : i32
      %dma_start3A_57 = tpu.memref_slice %arg3[%dma_start3A_55, %dma_start3A_56] : memref<10008x8xf32, #tpu.memory_space<hbm>> -> memref<10008x8xf32, #tpu.memory_space<hbm>>
      tpu.enqueue_indirect_dma source(%dma_start3A_57 : memref<10008x8xf32, #tpu.memory_space<hbm>>) target(%arg14 : memref<128x8xf32, #tpu.memory_space<vmem>>) offsets(%dma_start3A_54 : memref<128xi32, #tpu.memory_space<vmem>>) semaphore(%arg19 : memref<!tpu.dma_semaphore, #tpu.memory_space<semaphore_mem>>)
      %dma_start3A_58 = arith.constant 0 : i32
      %dma_start3A_59 = tpu.memref_slice %arg10[%scan3A_46, %dma_start3A_58] : memref<80x128xi32, #tpu.memory_space<vmem>> -> memref<1x128xi32, #tpu.memory_space<vmem>>
      %dma_start3A_60 = tpu.memref_squeeze %dma_start3A_59 : memref<1x128xi32, #tpu.memory_space<vmem>> -> memref<128xi32, #tpu.memory_space<vmem>>
      %dma_start3A_61 = arith.constant 0 : i32
      %dma_start3A_62 = arith.constant 0 : i32
      %dma_start3A_63 = tpu.memref_slice %arg2[%dma_start3A_61, %dma_start3A_62] : memref<10000x32xf32, #tpu.memory_space<hbm>> -> memref<10000x32xf32, #tpu.memory_space<hbm>>
      tpu.enqueue_indirect_dma source(%dma_start3A_63 : memref<10000x32xf32, #tpu.memory_space<hbm>>) target(%arg12 : memref<128x32xf32, #tpu.memory_space<vmem>>) offsets(%dma_start3A_60 : memref<128xi32, #tpu.memory_space<vmem>>) semaphore(%arg20 : memref<!tpu.dma_semaphore, #tpu.memory_space<semaphore_mem>>)
      %dma_wait3A = arith.constant 0 : i32
      %dma_wait3A_64 = tpu.memref_slice %arg10[%scan3A_46, %dma_wait3A] : memref<80x128xi32, #tpu.memory_space<vmem>> -> memref<1x128xi32, #tpu.memory_space<vmem>>
      %dma_wait3A_65 = tpu.memref_squeeze %dma_wait3A_64 : memref<1x128xi32, #tpu.memory_space<vmem>> -> memref<128xi32, #tpu.memory_space<vmem>>
      %dma_wait3A_66 = arith.constant 0 : i32
      %dma_wait3A_67 = arith.constant 0 : i32
      %dma_wait3A_68 = tpu.memref_slice %arg3[%dma_wait3A_66, %dma_wait3A_67] : memref<10008x8xf32, #tpu.memory_space<hbm>> -> memref<10008x8xf32, #tpu.memory_space<hbm>>
      tpu.wait_indirect_dma semaphore(%arg19 : memref<!tpu.dma_semaphore, #tpu.memory_space<semaphore_mem>>) src(%dma_wait3A_68 : memref<10008x8xf32, #tpu.memory_space<hbm>>) dst(%arg13 : memref<128x8xf32, #tpu.memory_space<vmem>>)
      %dma_wait3A_69 = arith.constant 0 : i32
      %dma_wait3A_70 = tpu.memref_slice %arg11[%scan3A_46, %dma_wait3A_69] : memref<80x128xi32, #tpu.memory_space<vmem>> -> memref<1x128xi32, #tpu.memory_space<vmem>>
      %dma_wait3A_71 = tpu.memref_squeeze %dma_wait3A_70 : memref<1x128xi32, #tpu.memory_space<vmem>> -> memref<128xi32, #tpu.memory_space<vmem>>
      %dma_wait3A_72 = arith.constant 0 : i32
      %dma_wait3A_73 = arith.constant 0 : i32
      %dma_wait3A_74 = tpu.memref_slice %arg3[%dma_wait3A_72, %dma_wait3A_73] : memref<10008x8xf32, #tpu.memory_space<hbm>> -> memref<10008x8xf32, #tpu.memory_space<hbm>>
      tpu.wait_indirect_dma semaphore(%arg19 : memref<!tpu.dma_semaphore, #tpu.memory_space<semaphore_mem>>) src(%dma_wait3A_74 : memref<10008x8xf32, #tpu.memory_space<hbm>>) dst(%arg14 : memref<128x8xf32, #tpu.memory_space<vmem>>)
      %iota3A = tpu.iota {dimensions = array<i32: 0>} : vector<16xi32>
      %add3A_75 = arith.constant 0 : i32
      %add3A_76 = vector.broadcast %add3A_75 : i32 to vector<16xi32>
      %add3A_77 = arith.addi %iota3A, %add3A_76 : vector<16xi32>
      %broadcast_in_dim3A = arith.constant 0 : i32
      %broadcast_in_dim3A_78 = vector.broadcast %broadcast_in_dim3A : i32 to vector<16xi32>
      %gather3A = tpu.vector_load_idx %arg13[%add3A_77, %broadcast_in_dim3A_78] : memref<128x8xf32, #tpu.memory_space<vmem>>[vector<16xi32>, vector<16xi32>], vector<16xf32>,
      %broadcast_in_dim3A_79 = arith.constant 1 : i32
      %broadcast_in_dim3A_80 = vector.broadcast %broadcast_in_dim3A_79 : i32 to vector<16xi32>
      %gather3A_81 = tpu.vector_load_idx %arg14[%add3A_77, %broadcast_in_dim3A_80] : memref<128x8xf32, #tpu.memory_space<vmem>>[vector<16xi32>, vector<16xi32>], vector<16xf32>,
      %add3A_82 = arith.addf %gather3A, %gather3A_81 : vector<16xf32>
      %ge3A = arith.constant 0.000000e+00 : f32
      %ge3A_83 = vector.broadcast %ge3A : f32 to vector<16xf32>
      %ge3A_84 = arith.cmpf oge, %add3A_82, %ge3A_83 : vector<16xf32>
      %mul3A_85 = arith.constant 2.000000e-01 : f32
      %mul3A_86 = vector.broadcast %mul3A_85 : f32 to vector<16xf32>
      %mul3A_87 = arith.mulf %add3A_82, %mul3A_86 : vector<16xf32>
      %select_n3A = arith.select %ge3A_84, %add3A_82, %mul3A_87 : vector<16xi1>, vector<16xf32>
      %exp3A = math.exp %select_n3A : vector<16xf32>
      %broadcast_in_dim3A_88 = arith.constant 0 : i32
      %broadcast_in_dim3A_89 = vector.broadcast %broadcast_in_dim3A_88 : i32 to vector<16xi32>
      tpu.vector_store_idx %arg15[%add3A_77, %broadcast_in_dim3A_89], %exp3A : memref<128x8xf32, #tpu.memory_space<vmem>>[vector<16xi32>, vector<16xi32>], vector<16xf32>,
      %mul3A_90 = arith.constant 8 : i32
      %mul3A_91 = vector.broadcast %mul3A_90 : i32 to vector<16xi32>
      %mul3A_92 = arith.muli %add3A_77, %mul3A_91 : vector<16xi32>
      %add3A_93 = arith.constant 0 : i32
      %add3A_94 = vector.broadcast %add3A_93 : i32 to vector<16xi32>
      %add3A_95 = arith.addi %mul3A_92, %add3A_94 : vector<16xi32>
      tpu.vector_store_idx %arg16[%add3A_95], %exp3A : memref<1032xf32, #tpu.memory_space<vmem>>[vector<16xi32>], vector<16xf32>,
      %iota3A_96 = tpu.iota {dimensions = array<i32: 0>} : vector<16xi32>
      %add3A_97 = arith.constant 16 : i32
      %add3A_98 = vector.broadcast %add3A_97 : i32 to vector<16xi32>
      %add3A_99 = arith.addi %iota3A_96, %add3A_98 : vector<16xi32>
      %broadcast_in_dim3A_100 = arith.constant 0 : i32
      %broadcast_in_dim3A_101 = vector.broadcast %broadcast_in_dim3A_100 : i32 to vector<16xi32>
      %gather3A_102 = tpu.vector_load_idx %arg13[%add3A_99, %broadcast_in_dim3A_101] : memref<128x8xf32, #tpu.memory_space<vmem>>[vector<16xi32>, vector<16xi32>], vector<16xf32>,
      %broadcast_in_dim3A_103 = arith.constant 1 : i32
      %broadcast_in_dim3A_104 = vector.broadcast %broadcast_in_dim3A_103 : i32 to vector<16xi32>
      %gather3A_105 = tpu.vector_load_idx %arg14[%add3A_99, %broadcast_in_dim3A_104] : memref<128x8xf32, #tpu.memory_space<vmem>>[vector<16xi32>, vector<16xi32>], vector<16xf32>,
      %add3A_106 = arith.addf %gather3A_102, %gather3A_105 : vector<16xf32>
      %ge3A_107 = arith.constant 0.000000e+00 : f32
      %ge3A_108 = vector.broadcast %ge3A_107 : f32 to vector<16xf32>
      %ge3A_109 = arith.cmpf oge, %add3A_106, %ge3A_108 : vector<16xf32>
      %mul3A_110 = arith.constant 2.000000e-01 : f32
      %mul3A_111 = vector.broadcast %mul3A_110 : f32 to vector<16xf32>
      %mul3A_112 = arith.mulf %add3A_106, %mul3A_111 : vector<16xf32>
      %select_n3A_113 = arith.select %ge3A_109, %add3A_106, %mul3A_112 : vector<16xi1>, vector<16xf32>
      %exp3A_114 = math.exp %select_n3A_113 : vector<16xf32>
      %broadcast_in_dim3A_115 = arith.constant 0 : i32
      %broadcast_in_dim3A_116 = vector.broadcast %broadcast_in_dim3A_115 : i32 to vector<16xi32>
      tpu.vector_store_idx %arg15[%add3A_99, %broadcast_in_dim3A_116], %exp3A_114 : memref<128x8xf32, #tpu.memory_space<vmem>>[vector<16xi32>, vector<16xi32>], vector<16xf32>,
      %mul3A_117 = arith.constant 8 : i32
      %mul3A_118 = vector.broadcast %mul3A_117 : i32 to vector<16xi32>
      %mul3A_119 = arith.muli %add3A_99, %mul3A_118 : vector<16xi32>
      %add3A_120 = arith.constant 0 : i32
      %add3A_121 = vector.broadcast %add3A_120 : i32 to vector<16xi32>
      %add3A_122 = arith.addi %mul3A_119, %add3A_121 : vector<16xi32>
      tpu.vector_store_idx %arg16[%add3A_122], %exp3A_114 : memref<1032xf32, #tpu.memory_space<vmem>>[vector<16xi32>], vector<16xf32>,
      %iota3A_123 = tpu.iota {dimensions = array<i32: 0>} : vector<16xi32>
      %add3A_124 = arith.constant 32 : i32
      %add3A_125 = vector.broadcast %add3A_124 : i32 to vector<16xi32>
      %add3A_126 = arith.addi %iota3A_123, %add3A_125 : vector<16xi32>
      %broadcast_in_dim3A_127 = arith.constant 0 : i32
      %broadcast_in_dim3A_128 = vector.broadcast %broadcast_in_dim3A_127 : i32 to vector<16xi32>
      %gather3A_129 = tpu.vector_load_idx %arg13[%add3A_126, %broadcast_in_dim3A_128] : memref<128x8xf32, #tpu.memory_space<vmem>>[vector<16xi32>, vector<16xi32>], vector<16xf32>,
      %broadcast_in_dim3A_130 = arith.constant 1 : i32
      %broadcast_in_dim3A_131 = vector.broadcast %broadcast_in_dim3A_130 : i32 to vector<16xi32>
      %gather3A_132 = tpu.vector_load_idx %arg14[%add3A_126, %broadcast_in_dim3A_131] : memref<128x8xf32, #tpu.memory_space<vmem>>[vector<16xi32>, vector<16xi32>], vector<16xf32>,
      %add3A_133 = arith.addf %gather3A_129, %gather3A_132 : vector<16xf32>
      %ge3A_134 = arith.constant 0.000000e+00 : f32
      %ge3A_135 = vector.broadcast %ge3A_134 : f32 to vector<16xf32>
      %ge3A_136 = arith.cmpf oge, %add3A_133, %ge3A_135 : vector<16xf32>
      %mul3A_137 = arith.constant 2.000000e-01 : f32
      %mul3A_138 = vector.broadcast %mul3A_137 : f32 to vector<16xf32>
      %mul3A_139 = arith.mulf %add3A_133, %mul3A_138 : vector<16xf32>
      %select_n3A_140 = arith.select %ge3A_136, %add3A_133, %mul3A_139 : vector<16xi1>, vector<16xf32>
      %exp3A_141 = math.exp %select_n3A_140 : vector<16xf32>
      %broadcast_in_dim3A_142 = arith.constant 0 : i32
      %broadcast_in_dim3A_143 = vector.broadcast %broadcast_in_dim3A_142 : i32 to vector<16xi32>
      tpu.vector_store_idx %arg15[%add3A_126, %broadcast_in_dim3A_143], %exp3A_141 : memref<128x8xf32, #tpu.memory_space<vmem>>[vector<16xi32>, vector<16xi32>], vector<16xf32>,
      %mul3A_144 = arith.constant 8 : i32
      %mul3A_145 = vector.broadcast %mul3A_144 : i32 to vector<16xi32>
      %mul3A_146 = arith.muli %add3A_126, %mul3A_145 : vector<16xi32>
      %add3A_147 = arith.constant 0 : i32
      %add3A_148 = vector.broadcast %add3A_147 : i32 to vector<16xi32>
      %add3A_149 = arith.addi %mul3A_146, %add3A_148 : vector<16xi32>
      tpu.vector_store_idx %arg16[%add3A_149], %exp3A_141 : memref<1032xf32, #tpu.memory_space<vmem>>[vector<16xi32>], vector<16xf32>,
      %iota3A_150 = tpu.iota {dimensions = array<i32: 0>} : vector<16xi32>
      %add3A_151 = arith.constant 48 : i32
      %add3A_152 = vector.broadcast %add3A_151 : i32 to vector<16xi32>
      %add3A_153 = arith.addi %iota3A_150, %add3A_152 : vector<16xi32>
      %broadcast_in_dim3A_154 = arith.constant 0 : i32
      %broadcast_in_dim3A_155 = vector.broadcast %broadcast_in_dim3A_154 : i32 to vector<16xi32>
      %gather3A_156 = tpu.vector_load_idx %arg13[%add3A_153, %broadcast_in_dim3A_155] : memref<128x8xf32, #tpu.memory_space<vmem>>[vector<16xi32>, vector<16xi32>], vector<16xf32>,
      %broadcast_in_dim3A_157 = arith.constant 1 : i32
      %broadcast_in_dim3A_158 = vector.broadcast %broadcast_in_dim3A_157 : i32 to vector<16xi32>
      %gather3A_159 = tpu.vector_load_idx %arg14[%add3A_153, %broadcast_in_dim3A_158] : memref<128x8xf32, #tpu.memory_space<vmem>>[vector<16xi32>, vector<16xi32>], vector<16xf32>,
      %add3A_160 = arith.addf %gather3A_156, %gather3A_159 : vector<16xf32>
      %ge3A_161 = arith.constant 0.000000e+00 : f32
      %ge3A_162 = vector.broadcast %ge3A_161 : f32 to vector<16xf32>
      %ge3A_163 = arith.cmpf oge, %add3A_160, %ge3A_162 : vector<16xf32>
      %mul3A_164 = arith.constant 2.000000e-01 : f32
      %mul3A_165 = vector.broadcast %mul3A_164 : f32 to vector<16xf32>
      %mul3A_166 = arith.mulf %add3A_160, %mul3A_165 : vector<16xf32>
      %select_n3A_167 = arith.select %ge3A_163, %add3A_160, %mul3A_166 : vector<16xi1>, vector<16xf32>
      %exp3A_168 = math.exp %select_n3A_167 : vector<16xf32>
      %broadcast_in_dim3A_169 = arith.constant 0 : i32
      %broadcast_in_dim3A_170 = vector.broadcast %broadcast_in_dim3A_169 : i32 to vector<16xi32>
      tpu.vector_store_idx %arg15[%add3A_153, %broadcast_in_dim3A_170], %exp3A_168 : memref<128x8xf32, #tpu.memory_space<vmem>>[vector<16xi32>, vector<16xi32>], vector<16xf32>,
      %mul3A_171 = arith.constant 8 : i32
      %mul3A_172 = vector.broadcast %mul3A_171 : i32 to vector<16xi32>
      %mul3A_173 = arith.muli %add3A_153, %mul3A_172 : vector<16xi32>
      %add3A_174 = arith.constant 0 : i32
      %add3A_175 = vector.broadcast %add3A_174 : i32 to vector<16xi32>
      %add3A_176 = arith.addi %mul3A_173, %add3A_175 : vector<16xi32>
      tpu.vector_store_idx %arg16[%add3A_176], %exp3A_168 : memref<1032xf32, #tpu.memory_space<vmem>>[vector<16xi32>], vector<16xf32>,
      %iota3A_177 = tpu.iota {dimensions = array<i32: 0>} : vector<16xi32>
      %add3A_178 = arith.constant 64 : i32
      %add3A_179 = vector.broadcast %add3A_178 : i32 to vector<16xi32>
      %add3A_180 = arith.addi %iota3A_177, %add3A_179 : vector<16xi32>
      %broadcast_in_dim3A_181 = arith.constant 0 : i32
      %broadcast_in_dim3A_182 = vector.broadcast %broadcast_in_dim3A_181 : i32 to vector<16xi32>
      %gather3A_183 = tpu.vector_load_idx %arg13[%add3A_180, %broadcast_in_dim3A_182] : memref<128x8xf32, #tpu.memory_space<vmem>>[vector<16xi32>, vector<16xi32>], vector<16xf32>,
      %broadcast_in_dim3A_184 = arith.constant 1 : i32
      %broadcast_in_dim3A_185 = vector.broadcast %broadcast_in_dim3A_184 : i32 to vector<16xi32>
      %gather3A_186 = tpu.vector_load_idx %arg14[%add3A_180, %broadcast_in_dim3A_185] : memref<128x8xf32, #tpu.memory_space<vmem>>[vector<16xi32>, vector<16xi32>], vector<16xf32>,
      %add3A_187 = arith.addf %gather3A_183, %gather3A_186 : vector<16xf32>
      %ge3A_188 = arith.constant 0.000000e+00 : f32
      %ge3A_189 = vector.broadcast %ge3A_188 : f32 to vector<16xf32>
      %ge3A_190 = arith.cmpf oge, %add3A_187, %ge3A_189 : vector<16xf32>
      %mul3A_191 = arith.constant 2.000000e-01 : f32
      %mul3A_192 = vector.broadcast %mul3A_191 : f32 to vector<16xf32>
      %mul3A_193 = arith.mulf %add3A_187, %mul3A_192 : vector<16xf32>
      %select_n3A_194 = arith.select %ge3A_190, %add3A_187, %mul3A_193 : vector<16xi1>, vector<16xf32>
      %exp3A_195 = math.exp %select_n3A_194 : vector<16xf32>
      %broadcast_in_dim3A_196 = arith.constant 0 : i32
      %broadcast_in_dim3A_197 = vector.broadcast %broadcast_in_dim3A_196 : i32 to vector<16xi32>
      tpu.vector_store_idx %arg15[%add3A_180, %broadcast_in_dim3A_197], %exp3A_195 : memref<128x8xf32, #tpu.memory_space<vmem>>[vector<16xi32>, vector<16xi32>], vector<16xf32>,
      %mul3A_198 = arith.constant 8 : i32
      %mul3A_199 = vector.broadcast %mul3A_198 : i32 to vector<16xi32>
      %mul3A_200 = arith.muli %add3A_180, %mul3A_199 : vector<16xi32>
      %add3A_201 = arith.constant 0 : i32
      %add3A_202 = vector.broadcast %add3A_201 : i32 to vector<16xi32>
      %add3A_203 = arith.addi %mul3A_200, %add3A_202 : vector<16xi32>
      tpu.vector_store_idx %arg16[%add3A_203], %exp3A_195 : memref<1032xf32, #tpu.memory_space<vmem>>[vector<16xi32>], vector<16xf32>,
      %iota3A_204 = tpu.iota {dimensions = array<i32: 0>} : vector<16xi32>
      %add3A_205 = arith.constant 80 : i32
      %add3A_206 = vector.broadcast %add3A_205 : i32 to vector<16xi32>
      %add3A_207 = arith.addi %iota3A_204, %add3A_206 : vector<16xi32>
      %broadcast_in_dim3A_208 = arith.constant 0 : i32
      %broadcast_in_dim3A_209 = vector.broadcast %broadcast_in_dim3A_208 : i32 to vector<16xi32>
      %gather3A_210 = tpu.vector_load_idx %arg13[%add3A_207, %broadcast_in_dim3A_209] : memref<128x8xf32, #tpu.memory_space<vmem>>[vector<16xi32>, vector<16xi32>], vector<16xf32>,
      %broadcast_in_dim3A_211 = arith.constant 1 : i32
      %broadcast_in_dim3A_212 = vector.broadcast %broadcast_in_dim3A_211 : i32 to vector<16xi32>
      %gather3A_213 = tpu.vector_load_idx %arg14[%add3A_207, %broadcast_in_dim3A_212] : memref<128x8xf32, #tpu.memory_space<vmem>>[vector<16xi32>, vector<16xi32>], vector<16xf32>,
      %add3A_214 = arith.addf %gather3A_210, %gather3A_213 : vector<16xf32>
      %ge3A_215 = arith.constant 0.000000e+00 : f32
      %ge3A_216 = vector.broadcast %ge3A_215 : f32 to vector<16xf32>
      %ge3A_217 = arith.cmpf oge, %add3A_214, %ge3A_216 : vector<16xf32>
      %mul3A_218 = arith.constant 2.000000e-01 : f32
      %mul3A_219 = vector.broadcast %mul3A_218 : f32 to vector<16xf32>
      %mul3A_220 = arith.mulf %add3A_214, %mul3A_219 : vector<16xf32>
      %select_n3A_221 = arith.select %ge3A_217, %add3A_214, %mul3A_220 : vector<16xi1>, vector<16xf32>
      %exp3A_222 = math.exp %select_n3A_221 : vector<16xf32>
      %broadcast_in_dim3A_223 = arith.constant 0 : i32
      %broadcast_in_dim3A_224 = vector.broadcast %broadcast_in_dim3A_223 : i32 to vector<16xi32>
      tpu.vector_store_idx %arg15[%add3A_207, %broadcast_in_dim3A_224], %exp3A_222 : memref<128x8xf32, #tpu.memory_space<vmem>>[vector<16xi32>, vector<16xi32>], vector<16xf32>,
      %mul3A_225 = arith.constant 8 : i32
      %mul3A_226 = vector.broadcast %mul3A_225 : i32 to vector<16xi32>
      %mul3A_227 = arith.muli %add3A_207, %mul3A_226 : vector<16xi32>
      %add3A_228 = arith.constant 0 : i32
      %add3A_229 = vector.broadcast %add3A_228 : i32 to vector<16xi32>
      %add3A_230 = arith.addi %mul3A_227, %add3A_229 : vector<16xi32>
      tpu.vector_store_idx %arg16[%add3A_230], %exp3A_222 : memref<1032xf32, #tpu.memory_space<vmem>>[vector<16xi32>], vector<16xf32>,
      %iota3A_231 = tpu.iota {dimensions = array<i32: 0>} : vector<16xi32>
      %add3A_232 = arith.constant 96 : i32
      %add3A_233 = vector.broadcast %add3A_232 : i32 to vector<16xi32>
      %add3A_234 = arith.addi %iota3A_231, %add3A_233 : vector<16xi32>
      %broadcast_in_dim3A_235 = arith.constant 0 : i32
      %broadcast_in_dim3A_236 = vector.broadcast %broadcast_in_dim3A_235 : i32 to vector<16xi32>
      %gather3A_237 = tpu.vector_load_idx %arg13[%add3A_234, %broadcast_in_dim3A_236] : memref<128x8xf32, #tpu.memory_space<vmem>>[vector<16xi32>, vector<16xi32>], vector<16xf32>,
      %broadcast_in_dim3A_238 = arith.constant 1 : i32
      %broadcast_in_dim3A_239 = vector.broadcast %broadcast_in_dim3A_238 : i32 to vector<16xi32>
      %gather3A_240 = tpu.vector_load_idx %arg14[%add3A_234, %broadcast_in_dim3A_239] : memref<128x8xf32, #tpu.memory_space<vmem>>[vector<16xi32>, vector<16xi32>], vector<16xf32>,
      %add3A_241 = arith.addf %gather3A_237, %gather3A_240 : vector<16xf32>
      %ge3A_242 = arith.constant 0.000000e+00 : f32
      %ge3A_243 = vector.broadcast %ge3A_242 : f32 to vector<16xf32>
      %ge3A_244 = arith.cmpf oge, %add3A_241, %ge3A_243 : vector<16xf32>
      %mul3A_245 = arith.constant 2.000000e-01 : f32
      %mul3A_246 = vector.broadcast %mul3A_245 : f32 to vector<16xf32>
      %mul3A_247 = arith.mulf %add3A_241, %mul3A_246 : vector<16xf32>
      %select_n3A_248 = arith.select %ge3A_244, %add3A_241, %mul3A_247 : vector<16xi1>, vector<16xf32>
      %exp3A_249 = math.exp %select_n3A_248 : vector<16xf32>
      %broadcast_in_dim3A_250 = arith.constant 0 : i32
      %broadcast_in_dim3A_251 = vector.broadcast %broadcast_in_dim3A_250 : i32 to vector<16xi32>
      tpu.vector_store_idx %arg15[%add3A_234, %broadcast_in_dim3A_251], %exp3A_249 : memref<128x8xf32, #tpu.memory_space<vmem>>[vector<16xi32>, vector<16xi32>], vector<16xf32>,
      %mul3A_252 = arith.constant 8 : i32
      %mul3A_253 = vector.broadcast %mul3A_252 : i32 to vector<16xi32>
      %mul3A_254 = arith.muli %add3A_234, %mul3A_253 : vector<16xi32>
      %add3A_255 = arith.constant 0 : i32
      %add3A_256 = vector.broadcast %add3A_255 : i32 to vector<16xi32>
      %add3A_257 = arith.addi %mul3A_254, %add3A_256 : vector<16xi32>
      tpu.vector_store_idx %arg16[%add3A_257], %exp3A_249 : memref<1032xf32, #tpu.memory_space<vmem>>[vector<16xi32>], vector<16xf32>,
      %iota3A_258 = tpu.iota {dimensions = array<i32: 0>} : vector<16xi32>
      %add3A_259 = arith.constant 112 : i32
      %add3A_260 = vector.broadcast %add3A_259 : i32 to vector<16xi32>
      %add3A_261 = arith.addi %iota3A_258, %add3A_260 : vector<16xi32>
      %broadcast_in_dim3A_262 = arith.constant 0 : i32
      %broadcast_in_dim3A_263 = vector.broadcast %broadcast_in_dim3A_262 : i32 to vector<16xi32>
      %gather3A_264 = tpu.vector_load_idx %arg13[%add3A_261, %broadcast_in_dim3A_263] : memref<128x8xf32, #tpu.memory_space<vmem>>[vector<16xi32>, vector<16xi32>], vector<16xf32>,
      %broadcast_in_dim3A_265 = arith.constant 1 : i32
      %broadcast_in_dim3A_266 = vector.broadcast %broadcast_in_dim3A_265 : i32 to vector<16xi32>
      %gather3A_267 = tpu.vector_load_idx %arg14[%add3A_261, %broadcast_in_dim3A_266] : memref<128x8xf32, #tpu.memory_space<vmem>>[vector<16xi32>, vector<16xi32>], vector<16xf32>,
      %add3A_268 = arith.addf %gather3A_264, %gather3A_267 : vector<16xf32>
      %ge3A_269 = arith.constant 0.000000e+00 : f32
      %ge3A_270 = vector.broadcast %ge3A_269 : f32 to vector<16xf32>
      %ge3A_271 = arith.cmpf oge, %add3A_268, %ge3A_270 : vector<16xf32>
      %mul3A_272 = arith.constant 2.000000e-01 : f32
      %mul3A_273 = vector.broadcast %mul3A_272 : f32 to vector<16xf32>
      %mul3A_274 = arith.mulf %add3A_268, %mul3A_273 : vector<16xf32>
      %select_n3A_275 = arith.select %ge3A_271, %add3A_268, %mul3A_274 : vector<16xi1>, vector<16xf32>
      %exp3A_276 = math.exp %select_n3A_275 : vector<16xf32>
      %broadcast_in_dim3A_277 = arith.constant 0 : i32
      %broadcast_in_dim3A_278 = vector.broadcast %broadcast_in_dim3A_277 : i32 to vector<16xi32>
      tpu.vector_store_idx %arg15[%add3A_261, %broadcast_in_dim3A_278], %exp3A_276 : memref<128x8xf32, #tpu.memory_space<vmem>>[vector<16xi32>, vector<16xi32>], vector<16xf32>,
      %mul3A_279 = arith.constant 8 : i32
      %mul3A_280 = vector.broadcast %mul3A_279 : i32 to vector<16xi32>
      %mul3A_281 = arith.muli %add3A_261, %mul3A_280 : vector<16xi32>
      %add3A_282 = arith.constant 0 : i32
      %add3A_283 = vector.broadcast %add3A_282 : i32 to vector<16xi32>
      %add3A_284 = arith.addi %mul3A_281, %add3A_283 : vector<16xi32>
      tpu.vector_store_idx %arg16[%add3A_284], %exp3A_276 : memref<1032xf32, #tpu.memory_space<vmem>>[vector<16xi32>], vector<16xf32>,
      %dma_wait3A_285 = arith.constant 0 : i32
      %dma_wait3A_286 = tpu.memref_slice %arg10[%scan3A_46, %dma_wait3A_285] : memref<80x128xi32, #tpu.memory_space<vmem>> -> memref<1x128xi32, #tpu.memory_space<vmem>>
      %dma_wait3A_287 = tpu.memref_squeeze %dma_wait3A_286 : memref<1x128xi32, #tpu.memory_space<vmem>> -> memref<128xi32, #tpu.memory_space<vmem>>
      %dma_wait3A_288 = arith.constant 0 : i32
      %dma_wait3A_289 = arith.constant 0 : i32
      %dma_wait3A_290 = tpu.memref_slice %arg2[%dma_wait3A_288, %dma_wait3A_289] : memref<10000x32xf32, #tpu.memory_space<hbm>> -> memref<10000x32xf32, #tpu.memory_space<hbm>>
      tpu.wait_indirect_dma semaphore(%arg20 : memref<!tpu.dma_semaphore, #tpu.memory_space<semaphore_mem>>) src(%dma_wait3A_290 : memref<10000x32xf32, #tpu.memory_space<hbm>>) dst(%arg12 : memref<128x32xf32, #tpu.memory_space<vmem>>)
      %scan3A_291 = arith.constant 0 : i32
      %scan3A_292 = arith.constant 0 : i32
      %scan3A_293 = arith.constant 128 : i32
      %scan3A_294 = arith.addi %scan3A_292, %scan3A_293 : i32
      %scan3A_295 = arith.constant 4 : i32
      scf.for %scan3A_297 = %scan3A_292 to %scan3A_294 step %scan3A_295  : i32 {
        %mul3A_298 = arith.constant 8 : i32
        %mul3A_299 = arith.muli %scan3A_297, %mul3A_298 : i32
        %get3A = arith.index_cast %mul3A_299 : i32 to index
        %get3A_300 = tpu.vector_load %arg16[%get3A] {strides = array<i32>} : memref<1032xf32, #tpu.memory_space<vmem>>, vector<16xf32>,
        %slice3A = vector.extract_strided_slice %get3A_300 {offsets = [0], sizes = [1], strides = [1]} : vector<16xf32> to vector<1xf32>
        %squeeze3A = vector.extract %slice3A[0] : f32 from vector<1xf32>
        %iota3A_301 = tpu.iota {dimensions = array<i32: 0>} : vector<16xi32>
        %add3A_302 = arith.constant 0 : i32
        %add3A_303 = vector.broadcast %add3A_302 : i32 to vector<16xi32>
        %add3A_304 = arith.addi %iota3A_301, %add3A_303 : vector<16xi32>
        %broadcast_in_dim3A_305 = vector.broadcast %scan3A_297 : i32 to vector<16xi32>
        %gather3A_306 = tpu.vector_load_idx %arg12[%broadcast_in_dim3A_305, %add3A_304] : memref<128x32xf32, #tpu.memory_space<vmem>>[vector<16xi32>, vector<16xi32>], vector<16xf32>,
        %mul3A_307 = vector.broadcast %squeeze3A : f32 to vector<16xf32>
        %mul3A_308 = arith.mulf %gather3A_306, %mul3A_307 : vector<16xf32>
        tpu.vector_store_idx %arg12[%broadcast_in_dim3A_305, %add3A_304], %mul3A_308 : memref<128x32xf32, #tpu.memory_space<vmem>>[vector<16xi32>, vector<16xi32>], vector<16xf32>,
        %iota3A_309 = tpu.iota {dimensions = array<i32: 0>} : vector<16xi32>
        %add3A_310 = arith.constant 16 : i32
        %add3A_311 = vector.broadcast %add3A_310 : i32 to vector<16xi32>
        %add3A_312 = arith.addi %iota3A_309, %add3A_311 : vector<16xi32>
        %broadcast_in_dim3A_313 = vector.broadcast %scan3A_297 : i32 to vector<16xi32>
        %gather3A_314 = tpu.vector_load_idx %arg12[%broadcast_in_dim3A_313, %add3A_312] : memref<128x32xf32, #tpu.memory_space<vmem>>[vector<16xi32>, vector<16xi32>], vector<16xf32>,
        %mul3A_315 = vector.broadcast %squeeze3A : f32 to vector<16xf32>
        %mul3A_316 = arith.mulf %gather3A_314, %mul3A_315 : vector<16xf32>
        tpu.vector_store_idx %arg12[%broadcast_in_dim3A_313, %add3A_312], %mul3A_316 : memref<128x32xf32, #tpu.memory_space<vmem>>[vector<16xi32>, vector<16xi32>], vector<16xf32>,
        %scan3A_317 = arith.constant 1 : i32
        %scan3A_318 = arith.addi %scan3A_297, %scan3A_317 : i32
        %mul3A_319 = arith.constant 8 : i32
        %mul3A_320 = arith.muli %scan3A_318, %mul3A_319 : i32
        %get3A_321 = arith.index_cast %mul3A_320 : i32 to index
        %get3A_322 = tpu.vector_load %arg16[%get3A_321] {strides = array<i32>} : memref<1032xf32, #tpu.memory_space<vmem>>, vector<16xf32>,
        %slice3A_323 = vector.extract_strided_slice %get3A_322 {offsets = [0], sizes = [1], strides = [1]} : vector<16xf32> to vector<1xf32>
        %squeeze3A_324 = vector.extract %slice3A_323[0] : f32 from vector<1xf32>
        %iota3A_325 = tpu.iota {dimensions = array<i32: 0>} : vector<16xi32>
        %add3A_326 = arith.constant 0 : i32
        %add3A_327 = vector.broadcast %add3A_326 : i32 to vector<16xi32>
        %add3A_328 = arith.addi %iota3A_325, %add3A_327 : vector<16xi32>
        %broadcast_in_dim3A_329 = vector.broadcast %scan3A_318 : i32 to vector<16xi32>
        %gather3A_330 = tpu.vector_load_idx %arg12[%broadcast_in_dim3A_329, %add3A_328] : memref<128x32xf32, #tpu.memory_space<vmem>>[vector<16xi32>, vector<16xi32>], vector<16xf32>,
        %mul3A_331 = vector.broadcast %squeeze3A_324 : f32 to vector<16xf32>
        %mul3A_332 = arith.mulf %gather3A_330, %mul3A_331 : vector<16xf32>
        tpu.vector_store_idx %arg12[%broadcast_in_dim3A_329, %add3A_328], %mul3A_332 : memref<128x32xf32, #tpu.memory_space<vmem>>[vector<16xi32>, vector<16xi32>], vector<16xf32>,
        %iota3A_333 = tpu.iota {dimensions = array<i32: 0>} : vector<16xi32>
        %add3A_334 = arith.constant 16 : i32
        %add3A_335 = vector.broadcast %add3A_334 : i32 to vector<16xi32>
        %add3A_336 = arith.addi %iota3A_333, %add3A_335 : vector<16xi32>
        %broadcast_in_dim3A_337 = vector.broadcast %scan3A_318 : i32 to vector<16xi32>
        %gather3A_338 = tpu.vector_load_idx %arg12[%broadcast_in_dim3A_337, %add3A_336] : memref<128x32xf32, #tpu.memory_space<vmem>>[vector<16xi32>, vector<16xi32>], vector<16xf32>,
        %mul3A_339 = vector.broadcast %squeeze3A_324 : f32 to vector<16xf32>
        %mul3A_340 = arith.mulf %gather3A_338, %mul3A_339 : vector<16xf32>
        tpu.vector_store_idx %arg12[%broadcast_in_dim3A_337, %add3A_336], %mul3A_340 : memref<128x32xf32, #tpu.memory_space<vmem>>[vector<16xi32>, vector<16xi32>], vector<16xf32>,
        %scan3A_341 = arith.constant 2 : i32
        %scan3A_342 = arith.addi %scan3A_297, %scan3A_341 : i32
        %mul3A_343 = arith.constant 8 : i32
        %mul3A_344 = arith.muli %scan3A_342, %mul3A_343 : i32
        %get3A_345 = arith.index_cast %mul3A_344 : i32 to index
        %get3A_346 = tpu.vector_load %arg16[%get3A_345] {strides = array<i32>} : memref<1032xf32, #tpu.memory_space<vmem>>, vector<16xf32>,
        %slice3A_347 = vector.extract_strided_slice %get3A_346 {offsets = [0], sizes = [1], strides = [1]} : vector<16xf32> to vector<1xf32>
        %squeeze3A_348 = vector.extract %slice3A_347[0] : f32 from vector<1xf32>
        %iota3A_349 = tpu.iota {dimensions = array<i32: 0>} : vector<16xi32>
        %add3A_350 = arith.constant 0 : i32
        %add3A_351 = vector.broadcast %add3A_350 : i32 to vector<16xi32>
        %add3A_352 = arith.addi %iota3A_349, %add3A_351 : vector<16xi32>
        %broadcast_in_dim3A_353 = vector.broadcast %scan3A_342 : i32 to vector<16xi32>
        %gather3A_354 = tpu.vector_load_idx %arg12[%broadcast_in_dim3A_353, %add3A_352] : memref<128x32xf32, #tpu.memory_space<vmem>>[vector<16xi32>, vector<16xi32>], vector<16xf32>,
        %mul3A_355 = vector.broadcast %squeeze3A_348 : f32 to vector<16xf32>
        %mul3A_356 = arith.mulf %gather3A_354, %mul3A_355 : vector<16xf32>
        tpu.vector_store_idx %arg12[%broadcast_in_dim3A_353, %add3A_352], %mul3A_356 : memref<128x32xf32, #tpu.memory_space<vmem>>[vector<16xi32>, vector<16xi32>], vector<16xf32>,
        %iota3A_357 = tpu.iota {dimensions = array<i32: 0>} : vector<16xi32>
        %add3A_358 = arith.constant 16 : i32
        %add3A_359 = vector.broadcast %add3A_358 : i32 to vector<16xi32>
        %add3A_360 = arith.addi %iota3A_357, %add3A_359 : vector<16xi32>
        %broadcast_in_dim3A_361 = vector.broadcast %scan3A_342 : i32 to vector<16xi32>
        %gather3A_362 = tpu.vector_load_idx %arg12[%broadcast_in_dim3A_361, %add3A_360] : memref<128x32xf32, #tpu.memory_space<vmem>>[vector<16xi32>, vector<16xi32>], vector<16xf32>,
        %mul3A_363 = vector.broadcast %squeeze3A_348 : f32 to vector<16xf32>
        %mul3A_364 = arith.mulf %gather3A_362, %mul3A_363 : vector<16xf32>
        tpu.vector_store_idx %arg12[%broadcast_in_dim3A_361, %add3A_360], %mul3A_364 : memref<128x32xf32, #tpu.memory_space<vmem>>[vector<16xi32>, vector<16xi32>], vector<16xf32>,
        %scan3A_365 = arith.constant 3 : i32
        %scan3A_366 = arith.addi %scan3A_297, %scan3A_365 : i32
        %mul3A_367 = arith.constant 8 : i32
        %mul3A_368 = arith.muli %scan3A_366, %mul3A_367 : i32
        %get3A_369 = arith.index_cast %mul3A_368 : i32 to index
        %get3A_370 = tpu.vector_load %arg16[%get3A_369] {strides = array<i32>} : memref<1032xf32, #tpu.memory_space<vmem>>, vector<16xf32>,
        %slice3A_371 = vector.extract_strided_slice %get3A_370 {offsets = [0], sizes = [1], strides = [1]} : vector<16xf32> to vector<1xf32>
        %squeeze3A_372 = vector.extract %slice3A_371[0] : f32 from vector<1xf32>
        %iota3A_373 = tpu.iota {dimensions = array<i32: 0>} : vector<16xi32>
        %add3A_374 = arith.constant 0 : i32
        %add3A_375 = vector.broadcast %add3A_374 : i32 to vector<16xi32>
        %add3A_376 = arith.addi %iota3A_373, %add3A_375 : vector<16xi32>
        %broadcast_in_dim3A_377 = vector.broadcast %scan3A_366 : i32 to vector<16xi32>
        %gather3A_378 = tpu.vector_load_idx %arg12[%broadcast_in_dim3A_377, %add3A_376] : memref<128x32xf32, #tpu.memory_space<vmem>>[vector<16xi32>, vector<16xi32>], vector<16xf32>,
        %mul3A_379 = vector.broadcast %squeeze3A_372 : f32 to vector<16xf32>
        %mul3A_380 = arith.mulf %gather3A_378, %mul3A_379 : vector<16xf32>
        tpu.vector_store_idx %arg12[%broadcast_in_dim3A_377, %add3A_376], %mul3A_380 : memref<128x32xf32, #tpu.memory_space<vmem>>[vector<16xi32>, vector<16xi32>], vector<16xf32>,
        %iota3A_381 = tpu.iota {dimensions = array<i32: 0>} : vector<16xi32>
        %add3A_382 = arith.constant 16 : i32
        %add3A_383 = vector.broadcast %add3A_382 : i32 to vector<16xi32>
        %add3A_384 = arith.addi %iota3A_381, %add3A_383 : vector<16xi32>
        %broadcast_in_dim3A_385 = vector.broadcast %scan3A_366 : i32 to vector<16xi32>
        %gather3A_386 = tpu.vector_load_idx %arg12[%broadcast_in_dim3A_385, %add3A_384] : memref<128x32xf32, #tpu.memory_space<vmem>>[vector<16xi32>, vector<16xi32>], vector<16xf32>,
        %mul3A_387 = vector.broadcast %squeeze3A_372 : f32 to vector<16xf32>
        %mul3A_388 = arith.mulf %gather3A_386, %mul3A_387 : vector<16xf32>
        tpu.vector_store_idx %arg12[%broadcast_in_dim3A_385, %add3A_384], %mul3A_388 : memref<128x32xf32, #tpu.memory_space<vmem>>[vector<16xi32>, vector<16xi32>], vector<16xf32>,
      }
      %scan3A_296 = arith.constant 128 : i32
      "tpu.region"() ({
        %run_scoped3A = tpu.sem_alloc : memref<!tpu.dma_semaphore, #tpu.memory_space<semaphore_mem>>
        %dma_start3A_297 = arith.constant 0 : i32
        %dma_start3A_298 = tpu.memref_slice %arg11[%scan3A_46, %dma_start3A_297] : memref<80x128xi32, #tpu.memory_space<vmem>> -> memref<1x128xi32, #tpu.memory_space<vmem>>
        %dma_start3A_299 = tpu.memref_squeeze %dma_start3A_298 : memref<1x128xi32, #tpu.memory_space<vmem>> -> memref<128xi32, #tpu.memory_space<vmem>>
        %dma_start3A_300 = arith.constant 0 : i32
        %dma_start3A_301 = arith.constant 0 : i32
        %dma_start3A_302 = tpu.memref_slice %arg17[%dma_start3A_300, %dma_start3A_301] : memref<10008x32xf32, #tpu.memory_space<vmem_shared>> -> memref<10008x32xf32, #tpu.memory_space<vmem_shared>>
        tpu.enqueue_indirect_dma source(%arg12 : memref<128x32xf32, #tpu.memory_space<vmem>>) target(%dma_start3A_302 : memref<10008x32xf32, #tpu.memory_space<vmem_shared>>) offsets(%dma_start3A_299 : memref<128xi32, #tpu.memory_space<vmem>>) semaphore(%run_scoped3A : memref<!tpu.dma_semaphore, #tpu.memory_space<semaphore_mem>>) {add = true}
        %dma_wait3A_303 = arith.constant 0 : i32
        %dma_wait3A_304 = tpu.memref_slice %arg11[%scan3A_46, %dma_wait3A_303] : memref<80x128xi32, #tpu.memory_space<vmem>> -> memref<1x128xi32, #tpu.memory_space<vmem>>
        %dma_wait3A_305 = tpu.memref_squeeze %dma_wait3A_304 : memref<1x128xi32, #tpu.memory_space<vmem>> -> memref<128xi32, #tpu.memory_space<vmem>>
        %dma_wait3A_306 = arith.constant 0 : i32
        %dma_wait3A_307 = arith.constant 0 : i32
        %dma_wait3A_308 = tpu.memref_slice %arg17[%dma_wait3A_306, %dma_wait3A_307] : memref<10008x32xf32, #tpu.memory_space<vmem_shared>> -> memref<10008x32xf32, #tpu.memory_space<vmem_shared>>
        tpu.wait_indirect_dma semaphore(%run_scoped3A : memref<!tpu.dma_semaphore, #tpu.memory_space<semaphore_mem>>) src(%arg12 : memref<128x32xf32, #tpu.memory_space<vmem>>) dst(%dma_wait3A_308 : memref<10008x32xf32, #tpu.memory_space<vmem_shared>>)
        tpu.yield
      }) : () -> ()
      "tpu.region"() ({
        %run_scoped3A = tpu.sem_alloc : memref<!tpu.dma_semaphore, #tpu.memory_space<semaphore_mem>>
        %dma_start3A_297 = arith.constant 0 : i32
        %dma_start3A_298 = tpu.memref_slice %arg11[%scan3A_46, %dma_start3A_297] : memref<80x128xi32, #tpu.memory_space<vmem>> -> memref<1x128xi32, #tpu.memory_space<vmem>>
        %dma_start3A_299 = tpu.memref_squeeze %dma_start3A_298 : memref<1x128xi32, #tpu.memory_space<vmem>> -> memref<128xi32, #tpu.memory_space<vmem>>
        %dma_start3A_300 = arith.constant 0 : i32
        %dma_start3A_301 = arith.constant 0 : i32
        %dma_start3A_302 = tpu.memref_slice %arg18[%dma_start3A_300, %dma_start3A_301] : memref<10008x8xf32, #tpu.memory_space<vmem_shared>> -> memref<10008x8xf32, #tpu.memory_space<vmem_shared>>
        tpu.enqueue_indirect_dma source(%arg15 : memref<128x8xf32, #tpu.memory_space<vmem>>) target(%dma_start3A_302 : memref<10008x8xf32, #tpu.memory_space<vmem_shared>>) offsets(%dma_start3A_299 : memref<128xi32, #tpu.memory_space<vmem>>) semaphore(%run_scoped3A : memref<!tpu.dma_semaphore, #tpu.memory_space<semaphore_mem>>) {add = true}
        %dma_wait3A_303 = arith.constant 0 : i32
        %dma_wait3A_304 = tpu.memref_slice %arg11[%scan3A_46, %dma_wait3A_303] : memref<80x128xi32, #tpu.memory_space<vmem>> -> memref<1x128xi32, #tpu.memory_space<vmem>>
        %dma_wait3A_305 = tpu.memref_squeeze %dma_wait3A_304 : memref<1x128xi32, #tpu.memory_space<vmem>> -> memref<128xi32, #tpu.memory_space<vmem>>
        %dma_wait3A_306 = arith.constant 0 : i32
        %dma_wait3A_307 = arith.constant 0 : i32
        %dma_wait3A_308 = tpu.memref_slice %arg18[%dma_wait3A_306, %dma_wait3A_307] : memref<10008x8xf32, #tpu.memory_space<vmem_shared>> -> memref<10008x8xf32, #tpu.memory_space<vmem_shared>>
        tpu.wait_indirect_dma semaphore(%run_scoped3A : memref<!tpu.dma_semaphore, #tpu.memory_space<semaphore_mem>>) src(%arg15 : memref<128x8xf32, #tpu.memory_space<vmem>>) dst(%dma_wait3A_308 : memref<10008x8xf32, #tpu.memory_space<vmem_shared>>)
        tpu.yield
      }) : () -> ()
    }
    %scan3A_29 = arith.constant 80 : i32
    %barrier3A_30 = arith.constant 0 : index
    tpu.barrier barrier_id(%barrier3A_30)
    %add3A_31 = arith.constant 0 : i32
    %add3A_32 = arith.addi %mul3A_4, %add3A_31 : i32
    "tpu.region"() ({
      %run_scoped3A = tpu.sem_alloc : memref<!tpu.dma_semaphore, #tpu.memory_space<semaphore_mem>>
      %dma_start3A = arith.constant 0 : i32
      %dma_start3A_46 = tpu.memref_slice %arg17[%add3A_32, %dma_start3A] : memref<10008x32xf32, #tpu.memory_space<vmem_shared>> -> memref<128x32xf32, #tpu.memory_space<vmem_shared>>
      %dma_start3A_47 = arith.constant 0 : i32
      %dma_start3A_48 = tpu.memref_slice %arg17[%add3A_32, %dma_start3A_47] : memref<10008x32xf32, #tpu.memory_space<vmem_shared>> -> memref<128x32xf32, #tpu.memory_space<vmem_shared>>
      tpu.enqueue_dma source(%dma_start3A_48 : memref<128x32xf32, #tpu.memory_space<vmem_shared>>) target(%arg12 : memref<128x32xf32, #tpu.memory_space<vmem>>) target_semaphore(%run_scoped3A : memref<!tpu.dma_semaphore, #tpu.memory_space<semaphore_mem>>)
      %dma_wait3A = arith.constant 0 : i32
      %dma_wait3A_49 = tpu.memref_slice %arg17[%add3A_32, %dma_wait3A] : memref<10008x32xf32, #tpu.memory_space<vmem_shared>> -> memref<128x32xf32, #tpu.memory_space<vmem_shared>>
      %dma_wait3A_50 = arith.constant 0 : i32
      %dma_wait3A_51 = tpu.memref_slice %arg17[%add3A_32, %dma_wait3A_50] : memref<10008x32xf32, #tpu.memory_space<vmem_shared>> -> memref<128x32xf32, #tpu.memory_space<vmem_shared>>
      tpu.wait_dma2 semaphore(%run_scoped3A : memref<!tpu.dma_semaphore, #tpu.memory_space<semaphore_mem>>) src(%dma_wait3A_51 : memref<128x32xf32, #tpu.memory_space<vmem_shared>>) dst(%arg12 : memref<128x32xf32, #tpu.memory_space<vmem>>)
      tpu.yield
    }) : () -> ()
    "tpu.region"() ({
      %run_scoped3A = tpu.sem_alloc : memref<!tpu.dma_semaphore, #tpu.memory_space<semaphore_mem>>
      %dma_start3A = arith.constant 0 : i32
      %dma_start3A_46 = tpu.memref_slice %arg8[%arg0, %add3A_32, %dma_start3A] : memref<2x10000x32xf32, #tpu.memory_space<hbm>> -> memref<1x128x32xf32, #tpu.memory_space<hbm>>
      %dma_start3A_47 = tpu.memref_squeeze %dma_start3A_46 : memref<1x128x32xf32, #tpu.memory_space<hbm>> -> memref<128x32xf32, #tpu.memory_space<hbm>>
      %dma_start3A_48 = arith.constant 0 : i32
      %dma_start3A_49 = tpu.memref_slice %arg8[%arg0, %add3A_32, %dma_start3A_48] : memref<2x10000x32xf32, #tpu.memory_space<hbm>> -> memref<1x128x32xf32, #tpu.memory_space<hbm>>
      %dma_start3A_50 = tpu.memref_squeeze %dma_start3A_49 : memref<1x128x32xf32, #tpu.memory_space<hbm>> -> memref<128x32xf32, #tpu.memory_space<hbm>>
      tpu.enqueue_dma source(%arg12 : memref<128x32xf32, #tpu.memory_space<vmem>>) target(%dma_start3A_50 : memref<128x32xf32, #tpu.memory_space<hbm>>) target_semaphore(%run_scoped3A : memref<!tpu.dma_semaphore, #tpu.memory_space<semaphore_mem>>)
      %dma_wait3A = arith.constant 0 : i32
      %dma_wait3A_51 = tpu.memref_slice %arg8[%arg0, %add3A_32, %dma_wait3A] : memref<2x10000x32xf32, #tpu.memory_space<hbm>> -> memref<1x128x32xf32, #tpu.memory_space<hbm>>
      %dma_wait3A_52 = tpu.memref_squeeze %dma_wait3A_51 : memref<1x128x32xf32, #tpu.memory_space<hbm>> -> memref<128x32xf32, #tpu.memory_space<hbm>>
      %dma_wait3A_53 = arith.constant 0 : i32
      %dma_wait3A_54 = tpu.memref_slice %arg8[%arg0, %add3A_32, %dma_wait3A_53] : memref<2x10000x32xf32, #tpu.memory_space<hbm>> -> memref<1x128x32xf32, #tpu.memory_space<hbm>>
      %dma_wait3A_55 = tpu.memref_squeeze %dma_wait3A_54 : memref<1x128x32xf32, #tpu.memory_space<hbm>> -> memref<128x32xf32, #tpu.memory_space<hbm>>
      tpu.wait_dma2 semaphore(%run_scoped3A : memref<!tpu.dma_semaphore, #tpu.memory_space<semaphore_mem>>) src(%arg12 : memref<128x32xf32, #tpu.memory_space<vmem>>) dst(%dma_wait3A_55 : memref<128x32xf32, #tpu.memory_space<hbm>>)
      tpu.yield
    }) : () -> ()
    "tpu.region"() ({
      %run_scoped3A = tpu.sem_alloc : memref<!tpu.dma_semaphore, #tpu.memory_space<semaphore_mem>>
      %dma_start3A = arith.constant 0 : i32
      %dma_start3A_46 = tpu.memref_slice %arg18[%add3A_32, %dma_start3A] : memref<10008x8xf32, #tpu.memory_space<vmem_shared>> -> memref<128x8xf32, #tpu.memory_space<vmem_shared>>
      %dma_start3A_47 = arith.constant 0 : i32
      %dma_start3A_48 = tpu.memref_slice %arg18[%add3A_32, %dma_start3A_47] : memref<10008x8xf32, #tpu.memory_space<vmem_shared>> -> memref<128x8xf32, #tpu.memory_space<vmem_shared>>
      tpu.enqueue_dma source(%dma_start3A_48 : memref<128x8xf32, #tpu.memory_space<vmem_shared>>) target(%arg15 : memref<128x8xf32, #tpu.memory_space<vmem>>) target_semaphore(%run_scoped3A : memref<!tpu.dma_semaphore, #tpu.memory_space<semaphore_mem>>)
      %dma_wait3A = arith.constant 0 : i32
      %dma_wait3A_49 = tpu.memref_slice %arg18[%add3A_32, %dma_wait3A] : memref<10008x8xf32, #tpu.memory_space<vmem_shared>> -> memref<128x8xf32, #tpu.memory_space<vmem_shared>>
      %dma_wait3A_50 = arith.constant 0 : i32
      %dma_wait3A_51 = tpu.memref_slice %arg18[%add3A_32, %dma_wait3A_50] : memref<10008x8xf32, #tpu.memory_space<vmem_shared>> -> memref<128x8xf32, #tpu.memory_space<vmem_shared>>
      tpu.wait_dma2 semaphore(%run_scoped3A : memref<!tpu.dma_semaphore, #tpu.memory_space<semaphore_mem>>) src(%dma_wait3A_51 : memref<128x8xf32, #tpu.memory_space<vmem_shared>>) dst(%arg15 : memref<128x8xf32, #tpu.memory_space<vmem>>)
      tpu.yield
    }) : () -> ()
    "tpu.region"() ({
      %run_scoped3A = tpu.sem_alloc : memref<!tpu.dma_semaphore, #tpu.memory_space<semaphore_mem>>
      %dma_start3A = arith.constant 0 : i32
      %dma_start3A_46 = tpu.memref_slice %arg9[%arg0, %add3A_32, %dma_start3A] : memref<2x10000x8xf32, #tpu.memory_space<hbm>> -> memref<1x128x8xf32, #tpu.memory_space<hbm>>
      %dma_start3A_47 = tpu.memref_squeeze %dma_start3A_46 : memref<1x128x8xf32, #tpu.memory_space<hbm>> -> memref<128x8xf32, #tpu.memory_space<hbm>>
      %dma_start3A_48 = arith.constant 0 : i32
      %dma_start3A_49 = tpu.memref_slice %arg9[%arg0, %add3A_32, %dma_start3A_48] : memref<2x10000x8xf32, #tpu.memory_space<hbm>> -> memref<1x128x8xf32, #tpu.memory_space<hbm>>
      %dma_start3A_50 = tpu.memref_squeeze %dma_start3A_49 : memref<1x128x8xf32, #tpu.memory_space<hbm>> -> memref<128x8xf32, #tpu.memory_space<hbm>>
      tpu.enqueue_dma source(%arg15 : memref<128x8xf32, #tpu.memory_space<vmem>>) target(%dma_start3A_50 : memref<128x8xf32, #tpu.memory_space<hbm>>) target_semaphore(%run_scoped3A : memref<!tpu.dma_semaphore, #tpu.memory_space<semaphore_mem>>)
      %dma_wait3A = arith.constant 0 : i32
      %dma_wait3A_51 = tpu.memref_slice %arg9[%arg0, %add3A_32, %dma_wait3A] : memref<2x10000x8xf32, #tpu.memory_space<hbm>> -> memref<1x128x8xf32, #tpu.memory_space<hbm>>
      %dma_wait3A_52 = tpu.memref_squeeze %dma_wait3A_51 : memref<1x128x8xf32, #tpu.memory_space<hbm>> -> memref<128x8xf32, #tpu.memory_space<hbm>>
      %dma_wait3A_53 = arith.constant 0 : i32
      %dma_wait3A_54 = tpu.memref_slice %arg9[%arg0, %add3A_32, %dma_wait3A_53] : memref<2x10000x8xf32, #tpu.memory_space<hbm>> -> memref<1x128x8xf32, #tpu.memory_space<hbm>>
      %dma_wait3A_55 = tpu.memref_squeeze %dma_wait3A_54 : memref<1x128x8xf32, #tpu.memory_space<hbm>> -> memref<128x8xf32, #tpu.memory_space<hbm>>
      tpu.wait_dma2 semaphore(%run_scoped3A : memref<!tpu.dma_semaphore, #tpu.memory_space<semaphore_mem>>) src(%arg15 : memref<128x8xf32, #tpu.memory_space<vmem>>) dst(%dma_wait3A_55 : memref<128x8xf32, #tpu.memory_space<hbm>>)
      tpu.yield
    }) : () -> ()
    %add3A_33 = arith.constant 128 : i32
    %add3A_34 = arith.addi %mul3A_4, %add3A_33 : i32
    "tpu.region"() ({
      %run_scoped3A = tpu.sem_alloc : memref<!tpu.dma_semaphore, #tpu.memory_space<semaphore_mem>>
      %dma_start3A = arith.constant 0 : i32
      %dma_start3A_46 = tpu.memref_slice %arg17[%add3A_34, %dma_start3A] : memref<10008x32xf32, #tpu.memory_space<vmem_shared>> -> memref<128x32xf32, #tpu.memory_space<vmem_shared>>
      %dma_start3A_47 = arith.constant 0 : i32
      %dma_start3A_48 = tpu.memref_slice %arg17[%add3A_34, %dma_start3A_47] : memref<10008x32xf32, #tpu.memory_space<vmem_shared>> -> memref<128x32xf32, #tpu.memory_space<vmem_shared>>
      tpu.enqueue_dma source(%dma_start3A_48 : memref<128x32xf32, #tpu.memory_space<vmem_shared>>) target(%arg12 : memref<128x32xf32, #tpu.memory_space<vmem>>) target_semaphore(%run_scoped3A : memref<!tpu.dma_semaphore, #tpu.memory_space<semaphore_mem>>)
      %dma_wait3A = arith.constant 0 : i32
      %dma_wait3A_49 = tpu.memref_slice %arg17[%add3A_34, %dma_wait3A] : memref<10008x32xf32, #tpu.memory_space<vmem_shared>> -> memref<128x32xf32, #tpu.memory_space<vmem_shared>>
      %dma_wait3A_50 = arith.constant 0 : i32
      %dma_wait3A_51 = tpu.memref_slice %arg17[%add3A_34, %dma_wait3A_50] : memref<10008x32xf32, #tpu.memory_space<vmem_shared>> -> memref<128x32xf32, #tpu.memory_space<vmem_shared>>
      tpu.wait_dma2 semaphore(%run_scoped3A : memref<!tpu.dma_semaphore, #tpu.memory_space<semaphore_mem>>) src(%dma_wait3A_51 : memref<128x32xf32, #tpu.memory_space<vmem_shared>>) dst(%arg12 : memref<128x32xf32, #tpu.memory_space<vmem>>)
      tpu.yield
    }) : () -> ()
    "tpu.region"() ({
      %run_scoped3A = tpu.sem_alloc : memref<!tpu.dma_semaphore, #tpu.memory_space<semaphore_mem>>
      %dma_start3A = arith.constant 0 : i32
      %dma_start3A_46 = tpu.memref_slice %arg8[%arg0, %add3A_34, %dma_start3A] : memref<2x10000x32xf32, #tpu.memory_space<hbm>> -> memref<1x128x32xf32, #tpu.memory_space<hbm>>
      %dma_start3A_47 = tpu.memref_squeeze %dma_start3A_46 : memref<1x128x32xf32, #tpu.memory_space<hbm>> -> memref<128x32xf32, #tpu.memory_space<hbm>>
      %dma_start3A_48 = arith.constant 0 : i32
      %dma_start3A_49 = tpu.memref_slice %arg8[%arg0, %add3A_34, %dma_start3A_48] : memref<2x10000x32xf32, #tpu.memory_space<hbm>> -> memref<1x128x32xf32, #tpu.memory_space<hbm>>
      %dma_start3A_50 = tpu.memref_squeeze %dma_start3A_49 : memref<1x128x32xf32, #tpu.memory_space<hbm>> -> memref<128x32xf32, #tpu.memory_space<hbm>>
      tpu.enqueue_dma source(%arg12 : memref<128x32xf32, #tpu.memory_space<vmem>>) target(%dma_start3A_50 : memref<128x32xf32, #tpu.memory_space<hbm>>) target_semaphore(%run_scoped3A : memref<!tpu.dma_semaphore, #tpu.memory_space<semaphore_mem>>)
      %dma_wait3A = arith.constant 0 : i32
      %dma_wait3A_51 = tpu.memref_slice %arg8[%arg0, %add3A_34, %dma_wait3A] : memref<2x10000x32xf32, #tpu.memory_space<hbm>> -> memref<1x128x32xf32, #tpu.memory_space<hbm>>
      %dma_wait3A_52 = tpu.memref_squeeze %dma_wait3A_51 : memref<1x128x32xf32, #tpu.memory_space<hbm>> -> memref<128x32xf32, #tpu.memory_space<hbm>>
      %dma_wait3A_53 = arith.constant 0 : i32
      %dma_wait3A_54 = tpu.memref_slice %arg8[%arg0, %add3A_34, %dma_wait3A_53] : memref<2x10000x32xf32, #tpu.memory_space<hbm>> -> memref<1x128x32xf32, #tpu.memory_space<hbm>>
      %dma_wait3A_55 = tpu.memref_squeeze %dma_wait3A_54 : memref<1x128x32xf32, #tpu.memory_space<hbm>> -> memref<128x32xf32, #tpu.memory_space<hbm>>
      tpu.wait_dma2 semaphore(%run_scoped3A : memref<!tpu.dma_semaphore, #tpu.memory_space<semaphore_mem>>) src(%arg12 : memref<128x32xf32, #tpu.memory_space<vmem>>) dst(%dma_wait3A_55 : memref<128x32xf32, #tpu.memory_space<hbm>>)
      tpu.yield
    }) : () -> ()
    "tpu.region"() ({
      %run_scoped3A = tpu.sem_alloc : memref<!tpu.dma_semaphore, #tpu.memory_space<semaphore_mem>>
      %dma_start3A = arith.constant 0 : i32
      %dma_start3A_46 = tpu.memref_slice %arg18[%add3A_34, %dma_start3A] : memref<10008x8xf32, #tpu.memory_space<vmem_shared>> -> memref<128x8xf32, #tpu.memory_space<vmem_shared>>
      %dma_start3A_47 = arith.constant 0 : i32
      %dma_start3A_48 = tpu.memref_slice %arg18[%add3A_34, %dma_start3A_47] : memref<10008x8xf32, #tpu.memory_space<vmem_shared>> -> memref<128x8xf32, #tpu.memory_space<vmem_shared>>
      tpu.enqueue_dma source(%dma_start3A_48 : memref<128x8xf32, #tpu.memory_space<vmem_shared>>) target(%arg15 : memref<128x8xf32, #tpu.memory_space<vmem>>) target_semaphore(%run_scoped3A : memref<!tpu.dma_semaphore, #tpu.memory_space<semaphore_mem>>)
      %dma_wait3A = arith.constant 0 : i32
      %dma_wait3A_49 = tpu.memref_slice %arg18[%add3A_34, %dma_wait3A] : memref<10008x8xf32, #tpu.memory_space<vmem_shared>> -> memref<128x8xf32, #tpu.memory_space<vmem_shared>>
      %dma_wait3A_50 = arith.constant 0 : i32
      %dma_wait3A_51 = tpu.memref_slice %arg18[%add3A_34, %dma_wait3A_50] : memref<10008x8xf32, #tpu.memory_space<vmem_shared>> -> memref<128x8xf32, #tpu.memory_space<vmem_shared>>
      tpu.wait_dma2 semaphore(%run_scoped3A : memref<!tpu.dma_semaphore, #tpu.memory_space<semaphore_mem>>) src(%dma_wait3A_51 : memref<128x8xf32, #tpu.memory_space<vmem_shared>>) dst(%arg15 : memref<128x8xf32, #tpu.memory_space<vmem>>)
      tpu.yield
    }) : () -> ()
    "tpu.region"() ({
      %run_scoped3A = tpu.sem_alloc : memref<!tpu.dma_semaphore, #tpu.memory_space<semaphore_mem>>
      %dma_start3A = arith.constant 0 : i32
      %dma_start3A_46 = tpu.memref_slice %arg9[%arg0, %add3A_34, %dma_start3A] : memref<2x10000x8xf32, #tpu.memory_space<hbm>> -> memref<1x128x8xf32, #tpu.memory_space<hbm>>
      %dma_start3A_47 = tpu.memref_squeeze %dma_start3A_46 : memref<1x128x8xf32, #tpu.memory_space<hbm>> -> memref<128x8xf32, #tpu.memory_space<hbm>>
      %dma_start3A_48 = arith.constant 0 : i32
      %dma_start3A_49 = tpu.memref_slice %arg9[%arg0, %add3A_34, %dma_start3A_48] : memref<2x10000x8xf32, #tpu.memory_space<hbm>> -> memref<1x128x8xf32, #tpu.memory_space<hbm>>
      %dma_start3A_50 = tpu.memref_squeeze %dma_start3A_49 : memref<1x128x8xf32, #tpu.memory_space<hbm>> -> memref<128x8xf32, #tpu.memory_space<hbm>>
      tpu.enqueue_dma source(%arg15 : memref<128x8xf32, #tpu.memory_space<vmem>>) target(%dma_start3A_50 : memref<128x8xf32, #tpu.memory_space<hbm>>) target_semaphore(%run_scoped3A : memref<!tpu.dma_semaphore, #tpu.memory_space<semaphore_mem>>)
      %dma_wait3A = arith.constant 0 : i32
      %dma_wait3A_51 = tpu.memref_slice %arg9[%arg0, %add3A_34, %dma_wait3A] : memref<2x10000x8xf32, #tpu.memory_space<hbm>> -> memref<1x128x8xf32, #tpu.memory_space<hbm>>
      %dma_wait3A_52 = tpu.memref_squeeze %dma_wait3A_51 : memref<1x128x8xf32, #tpu.memory_space<hbm>> -> memref<128x8xf32, #tpu.memory_space<hbm>>
      %dma_wait3A_53 = arith.constant 0 : i32
      %dma_wait3A_54 = tpu.memref_slice %arg9[%arg0, %add3A_34, %dma_wait3A_53] : memref<2x10000x8xf32, #tpu.memory_space<hbm>> -> memref<1x128x8xf32, #tpu.memory_space<hbm>>
      %dma_wait3A_55 = tpu.memref_squeeze %dma_wait3A_54 : memref<1x128x8xf32, #tpu.memory_space<hbm>> -> memref<128x8xf32, #tpu.memory_space<hbm>>
      tpu.wait_dma2 semaphore(%run_scoped3A : memref<!tpu.dma_semaphore, #tpu.memory_space<semaphore_mem>>) src(%arg15 : memref<128x8xf32, #tpu.memory_space<vmem>>) dst(%dma_wait3A_55 : memref<128x8xf32, #tpu.memory_space<hbm>>)
      tpu.yield
    }) : () -> ()
    %add3A_35 = arith.constant 256 : i32
    %add3A_36 = arith.addi %mul3A_4, %add3A_35 : i32
    "tpu.region"() ({
      %run_scoped3A = tpu.sem_alloc : memref<!tpu.dma_semaphore, #tpu.memory_space<semaphore_mem>>
      %dma_start3A = arith.constant 0 : i32
      %dma_start3A_46 = tpu.memref_slice %arg17[%add3A_36, %dma_start3A] : memref<10008x32xf32, #tpu.memory_space<vmem_shared>> -> memref<128x32xf32, #tpu.memory_space<vmem_shared>>
      %dma_start3A_47 = arith.constant 0 : i32
      %dma_start3A_48 = tpu.memref_slice %arg17[%add3A_36, %dma_start3A_47] : memref<10008x32xf32, #tpu.memory_space<vmem_shared>> -> memref<128x32xf32, #tpu.memory_space<vmem_shared>>
      tpu.enqueue_dma source(%dma_start3A_48 : memref<128x32xf32, #tpu.memory_space<vmem_shared>>) target(%arg12 : memref<128x32xf32, #tpu.memory_space<vmem>>) target_semaphore(%run_scoped3A : memref<!tpu.dma_semaphore, #tpu.memory_space<semaphore_mem>>)
      %dma_wait3A = arith.constant 0 : i32
      %dma_wait3A_49 = tpu.memref_slice %arg17[%add3A_36, %dma_wait3A] : memref<10008x32xf32, #tpu.memory_space<vmem_shared>> -> memref<128x32xf32, #tpu.memory_space<vmem_shared>>
      %dma_wait3A_50 = arith.constant 0 : i32
      %dma_wait3A_51 = tpu.memref_slice %arg17[%add3A_36, %dma_wait3A_50] : memref<10008x32xf32, #tpu.memory_space<vmem_shared>> -> memref<128x32xf32, #tpu.memory_space<vmem_shared>>
      tpu.wait_dma2 semaphore(%run_scoped3A : memref<!tpu.dma_semaphore, #tpu.memory_space<semaphore_mem>>) src(%dma_wait3A_51 : memref<128x32xf32, #tpu.memory_space<vmem_shared>>) dst(%arg12 : memref<128x32xf32, #tpu.memory_space<vmem>>)
      tpu.yield
    }) : () -> ()
    "tpu.region"() ({
      %run_scoped3A = tpu.sem_alloc : memref<!tpu.dma_semaphore, #tpu.memory_space<semaphore_mem>>
      %dma_start3A = arith.constant 0 : i32
      %dma_start3A_46 = tpu.memref_slice %arg8[%arg0, %add3A_36, %dma_start3A] : memref<2x10000x32xf32, #tpu.memory_space<hbm>> -> memref<1x128x32xf32, #tpu.memory_space<hbm>>
      %dma_start3A_47 = tpu.memref_squeeze %dma_start3A_46 : memref<1x128x32xf32, #tpu.memory_space<hbm>> -> memref<128x32xf32, #tpu.memory_space<hbm>>
      %dma_start3A_48 = arith.constant 0 : i32
      %dma_start3A_49 = tpu.memref_slice %arg8[%arg0, %add3A_36, %dma_start3A_48] : memref<2x10000x32xf32, #tpu.memory_space<hbm>> -> memref<1x128x32xf32, #tpu.memory_space<hbm>>
      %dma_start3A_50 = tpu.memref_squeeze %dma_start3A_49 : memref<1x128x32xf32, #tpu.memory_space<hbm>> -> memref<128x32xf32, #tpu.memory_space<hbm>>
      tpu.enqueue_dma source(%arg12 : memref<128x32xf32, #tpu.memory_space<vmem>>) target(%dma_start3A_50 : memref<128x32xf32, #tpu.memory_space<hbm>>) target_semaphore(%run_scoped3A : memref<!tpu.dma_semaphore, #tpu.memory_space<semaphore_mem>>)
      %dma_wait3A = arith.constant 0 : i32
      %dma_wait3A_51 = tpu.memref_slice %arg8[%arg0, %add3A_36, %dma_wait3A] : memref<2x10000x32xf32, #tpu.memory_space<hbm>> -> memref<1x128x32xf32, #tpu.memory_space<hbm>>
      %dma_wait3A_52 = tpu.memref_squeeze %dma_wait3A_51 : memref<1x128x32xf32, #tpu.memory_space<hbm>> -> memref<128x32xf32, #tpu.memory_space<hbm>>
      %dma_wait3A_53 = arith.constant 0 : i32
      %dma_wait3A_54 = tpu.memref_slice %arg8[%arg0, %add3A_36, %dma_wait3A_53] : memref<2x10000x32xf32, #tpu.memory_space<hbm>> -> memref<1x128x32xf32, #tpu.memory_space<hbm>>
      %dma_wait3A_55 = tpu.memref_squeeze %dma_wait3A_54 : memref<1x128x32xf32, #tpu.memory_space<hbm>> -> memref<128x32xf32, #tpu.memory_space<hbm>>
      tpu.wait_dma2 semaphore(%run_scoped3A : memref<!tpu.dma_semaphore, #tpu.memory_space<semaphore_mem>>) src(%arg12 : memref<128x32xf32, #tpu.memory_space<vmem>>) dst(%dma_wait3A_55 : memref<128x32xf32, #tpu.memory_space<hbm>>)
      tpu.yield
    }) : () -> ()
    "tpu.region"() ({
      %run_scoped3A = tpu.sem_alloc : memref<!tpu.dma_semaphore, #tpu.memory_space<semaphore_mem>>
      %dma_start3A = arith.constant 0 : i32
      %dma_start3A_46 = tpu.memref_slice %arg18[%add3A_36, %dma_start3A] : memref<10008x8xf32, #tpu.memory_space<vmem_shared>> -> memref<128x8xf32, #tpu.memory_space<vmem_shared>>
      %dma_start3A_47 = arith.constant 0 : i32
      %dma_start3A_48 = tpu.memref_slice %arg18[%add3A_36, %dma_start3A_47] : memref<10008x8xf32, #tpu.memory_space<vmem_shared>> -> memref<128x8xf32, #tpu.memory_space<vmem_shared>>
      tpu.enqueue_dma source(%dma_start3A_48 : memref<128x8xf32, #tpu.memory_space<vmem_shared>>) target(%arg15 : memref<128x8xf32, #tpu.memory_space<vmem>>) target_semaphore(%run_scoped3A : memref<!tpu.dma_semaphore, #tpu.memory_space<semaphore_mem>>)
      %dma_wait3A = arith.constant 0 : i32
      %dma_wait3A_49 = tpu.memref_slice %arg18[%add3A_36, %dma_wait3A] : memref<10008x8xf32, #tpu.memory_space<vmem_shared>> -> memref<128x8xf32, #tpu.memory_space<vmem_shared>>
      %dma_wait3A_50 = arith.constant 0 : i32
      %dma_wait3A_51 = tpu.memref_slice %arg18[%add3A_36, %dma_wait3A_50] : memref<10008x8xf32, #tpu.memory_space<vmem_shared>> -> memref<128x8xf32, #tpu.memory_space<vmem_shared>>
      tpu.wait_dma2 semaphore(%run_scoped3A : memref<!tpu.dma_semaphore, #tpu.memory_space<semaphore_mem>>) src(%dma_wait3A_51 : memref<128x8xf32, #tpu.memory_space<vmem_shared>>) dst(%arg15 : memref<128x8xf32, #tpu.memory_space<vmem>>)
      tpu.yield
    }) : () -> ()
    "tpu.region"() ({
      %run_scoped3A = tpu.sem_alloc : memref<!tpu.dma_semaphore, #tpu.memory_space<semaphore_mem>>
      %dma_start3A = arith.constant 0 : i32
      %dma_start3A_46 = tpu.memref_slice %arg9[%arg0, %add3A_36, %dma_start3A] : memref<2x10000x8xf32, #tpu.memory_space<hbm>> -> memref<1x128x8xf32, #tpu.memory_space<hbm>>
      %dma_start3A_47 = tpu.memref_squeeze %dma_start3A_46 : memref<1x128x8xf32, #tpu.memory_space<hbm>> -> memref<128x8xf32, #tpu.memory_space<hbm>>
      %dma_start3A_48 = arith.constant 0 : i32
      %dma_start3A_49 = tpu.memref_slice %arg9[%arg0, %add3A_36, %dma_start3A_48] : memref<2x10000x8xf32, #tpu.memory_space<hbm>> -> memref<1x128x8xf32, #tpu.memory_space<hbm>>
      %dma_start3A_50 = tpu.memref_squeeze %dma_start3A_49 : memref<1x128x8xf32, #tpu.memory_space<hbm>> -> memref<128x8xf32, #tpu.memory_space<hbm>>
      tpu.enqueue_dma source(%arg15 : memref<128x8xf32, #tpu.memory_space<vmem>>) target(%dma_start3A_50 : memref<128x8xf32, #tpu.memory_space<hbm>>) target_semaphore(%run_scoped3A : memref<!tpu.dma_semaphore, #tpu.memory_space<semaphore_mem>>)
      %dma_wait3A = arith.constant 0 : i32
      %dma_wait3A_51 = tpu.memref_slice %arg9[%arg0, %add3A_36, %dma_wait3A] : memref<2x10000x8xf32, #tpu.memory_space<hbm>> -> memref<1x128x8xf32, #tpu.memory_space<hbm>>
      %dma_wait3A_52 = tpu.memref_squeeze %dma_wait3A_51 : memref<1x128x8xf32, #tpu.memory_space<hbm>> -> memref<128x8xf32, #tpu.memory_space<hbm>>
      %dma_wait3A_53 = arith.constant 0 : i32
      %dma_wait3A_54 = tpu.memref_slice %arg9[%arg0, %add3A_36, %dma_wait3A_53] : memref<2x10000x8xf32, #tpu.memory_space<hbm>> -> memref<1x128x8xf32, #tpu.memory_space<hbm>>
      %dma_wait3A_55 = tpu.memref_squeeze %dma_wait3A_54 : memref<1x128x8xf32, #tpu.memory_space<hbm>> -> memref<128x8xf32, #tpu.memory_space<hbm>>
      tpu.wait_dma2 semaphore(%run_scoped3A : memref<!tpu.dma_semaphore, #tpu.memory_space<semaphore_mem>>) src(%arg15 : memref<128x8xf32, #tpu.memory_space<vmem>>) dst(%dma_wait3A_55 : memref<128x8xf32, #tpu.memory_space<hbm>>)
      tpu.yield
    }) : () -> ()
    %add3A_37 = arith.constant 384 : i32
    %add3A_38 = arith.addi %mul3A_4, %add3A_37 : i32
    "tpu.region"() ({
      %run_scoped3A = tpu.sem_alloc : memref<!tpu.dma_semaphore, #tpu.memory_space<semaphore_mem>>
      %dma_start3A = arith.constant 0 : i32
      %dma_start3A_46 = tpu.memref_slice %arg17[%add3A_38, %dma_start3A] : memref<10008x32xf32, #tpu.memory_space<vmem_shared>> -> memref<128x32xf32, #tpu.memory_space<vmem_shared>>
      %dma_start3A_47 = arith.constant 0 : i32
      %dma_start3A_48 = tpu.memref_slice %arg17[%add3A_38, %dma_start3A_47] : memref<10008x32xf32, #tpu.memory_space<vmem_shared>> -> memref<128x32xf32, #tpu.memory_space<vmem_shared>>
      tpu.enqueue_dma source(%dma_start3A_48 : memref<128x32xf32, #tpu.memory_space<vmem_shared>>) target(%arg12 : memref<128x32xf32, #tpu.memory_space<vmem>>) target_semaphore(%run_scoped3A : memref<!tpu.dma_semaphore, #tpu.memory_space<semaphore_mem>>)
      %dma_wait3A = arith.constant 0 : i32
      %dma_wait3A_49 = tpu.memref_slice %arg17[%add3A_38, %dma_wait3A] : memref<10008x32xf32, #tpu.memory_space<vmem_shared>> -> memref<128x32xf32, #tpu.memory_space<vmem_shared>>
      %dma_wait3A_50 = arith.constant 0 : i32
      %dma_wait3A_51 = tpu.memref_slice %arg17[%add3A_38, %dma_wait3A_50] : memref<10008x32xf32, #tpu.memory_space<vmem_shared>> -> memref<128x32xf32, #tpu.memory_space<vmem_shared>>
      tpu.wait_dma2 semaphore(%run_scoped3A : memref<!tpu.dma_semaphore, #tpu.memory_space<semaphore_mem>>) src(%dma_wait3A_51 : memref<128x32xf32, #tpu.memory_space<vmem_shared>>) dst(%arg12 : memref<128x32xf32, #tpu.memory_space<vmem>>)
      tpu.yield
    }) : () -> ()
    "tpu.region"() ({
      %run_scoped3A = tpu.sem_alloc : memref<!tpu.dma_semaphore, #tpu.memory_space<semaphore_mem>>
      %dma_start3A = arith.constant 0 : i32
      %dma_start3A_46 = tpu.memref_slice %arg8[%arg0, %add3A_38, %dma_start3A] : memref<2x10000x32xf32, #tpu.memory_space<hbm>> -> memref<1x128x32xf32, #tpu.memory_space<hbm>>
      %dma_start3A_47 = tpu.memref_squeeze %dma_start3A_46 : memref<1x128x32xf32, #tpu.memory_space<hbm>> -> memref<128x32xf32, #tpu.memory_space<hbm>>
      %dma_start3A_48 = arith.constant 0 : i32
      %dma_start3A_49 = tpu.memref_slice %arg8[%arg0, %add3A_38, %dma_start3A_48] : memref<2x10000x32xf32, #tpu.memory_space<hbm>> -> memref<1x128x32xf32, #tpu.memory_space<hbm>>
      %dma_start3A_50 = tpu.memref_squeeze %dma_start3A_49 : memref<1x128x32xf32, #tpu.memory_space<hbm>> -> memref<128x32xf32, #tpu.memory_space<hbm>>
      tpu.enqueue_dma source(%arg12 : memref<128x32xf32, #tpu.memory_space<vmem>>) target(%dma_start3A_50 : memref<128x32xf32, #tpu.memory_space<hbm>>) target_semaphore(%run_scoped3A : memref<!tpu.dma_semaphore, #tpu.memory_space<semaphore_mem>>)
      %dma_wait3A = arith.constant 0 : i32
      %dma_wait3A_51 = tpu.memref_slice %arg8[%arg0, %add3A_38, %dma_wait3A] : memref<2x10000x32xf32, #tpu.memory_space<hbm>> -> memref<1x128x32xf32, #tpu.memory_space<hbm>>
      %dma_wait3A_52 = tpu.memref_squeeze %dma_wait3A_51 : memref<1x128x32xf32, #tpu.memory_space<hbm>> -> memref<128x32xf32, #tpu.memory_space<hbm>>
      %dma_wait3A_53 = arith.constant 0 : i32
      %dma_wait3A_54 = tpu.memref_slice %arg8[%arg0, %add3A_38, %dma_wait3A_53] : memref<2x10000x32xf32, #tpu.memory_space<hbm>> -> memref<1x128x32xf32, #tpu.memory_space<hbm>>
      %dma_wait3A_55 = tpu.memref_squeeze %dma_wait3A_54 : memref<1x128x32xf32, #tpu.memory_space<hbm>> -> memref<128x32xf32, #tpu.memory_space<hbm>>
      tpu.wait_dma2 semaphore(%run_scoped3A : memref<!tpu.dma_semaphore, #tpu.memory_space<semaphore_mem>>) src(%arg12 : memref<128x32xf32, #tpu.memory_space<vmem>>) dst(%dma_wait3A_55 : memref<128x32xf32, #tpu.memory_space<hbm>>)
      tpu.yield
    }) : () -> ()
    "tpu.region"() ({
      %run_scoped3A = tpu.sem_alloc : memref<!tpu.dma_semaphore, #tpu.memory_space<semaphore_mem>>
      %dma_start3A = arith.constant 0 : i32
      %dma_start3A_46 = tpu.memref_slice %arg18[%add3A_38, %dma_start3A] : memref<10008x8xf32, #tpu.memory_space<vmem_shared>> -> memref<128x8xf32, #tpu.memory_space<vmem_shared>>
      %dma_start3A_47 = arith.constant 0 : i32
      %dma_start3A_48 = tpu.memref_slice %arg18[%add3A_38, %dma_start3A_47] : memref<10008x8xf32, #tpu.memory_space<vmem_shared>> -> memref<128x8xf32, #tpu.memory_space<vmem_shared>>
      tpu.enqueue_dma source(%dma_start3A_48 : memref<128x8xf32, #tpu.memory_space<vmem_shared>>) target(%arg15 : memref<128x8xf32, #tpu.memory_space<vmem>>) target_semaphore(%run_scoped3A : memref<!tpu.dma_semaphore, #tpu.memory_space<semaphore_mem>>)
      %dma_wait3A = arith.constant 0 : i32
      %dma_wait3A_49 = tpu.memref_slice %arg18[%add3A_38, %dma_wait3A] : memref<10008x8xf32, #tpu.memory_space<vmem_shared>> -> memref<128x8xf32, #tpu.memory_space<vmem_shared>>
      %dma_wait3A_50 = arith.constant 0 : i32
      %dma_wait3A_51 = tpu.memref_slice %arg18[%add3A_38, %dma_wait3A_50] : memref<10008x8xf32, #tpu.memory_space<vmem_shared>> -> memref<128x8xf32, #tpu.memory_space<vmem_shared>>
      tpu.wait_dma2 semaphore(%run_scoped3A : memref<!tpu.dma_semaphore, #tpu.memory_space<semaphore_mem>>) src(%dma_wait3A_51 : memref<128x8xf32, #tpu.memory_space<vmem_shared>>) dst(%arg15 : memref<128x8xf32, #tpu.memory_space<vmem>>)
      tpu.yield
    }) : () -> ()
    "tpu.region"() ({
      %run_scoped3A = tpu.sem_alloc : memref<!tpu.dma_semaphore, #tpu.memory_space<semaphore_mem>>
      %dma_start3A = arith.constant 0 : i32
      %dma_start3A_46 = tpu.memref_slice %arg9[%arg0, %add3A_38, %dma_start3A] : memref<2x10000x8xf32, #tpu.memory_space<hbm>> -> memref<1x128x8xf32, #tpu.memory_space<hbm>>
      %dma_start3A_47 = tpu.memref_squeeze %dma_start3A_46 : memref<1x128x8xf32, #tpu.memory_space<hbm>> -> memref<128x8xf32, #tpu.memory_space<hbm>>
      %dma_start3A_48 = arith.constant 0 : i32
      %dma_start3A_49 = tpu.memref_slice %arg9[%arg0, %add3A_38, %dma_start3A_48] : memref<2x10000x8xf32, #tpu.memory_space<hbm>> -> memref<1x128x8xf32, #tpu.memory_space<hbm>>
      %dma_start3A_50 = tpu.memref_squeeze %dma_start3A_49 : memref<1x128x8xf32, #tpu.memory_space<hbm>> -> memref<128x8xf32, #tpu.memory_space<hbm>>
      tpu.enqueue_dma source(%arg15 : memref<128x8xf32, #tpu.memory_space<vmem>>) target(%dma_start3A_50 : memref<128x8xf32, #tpu.memory_space<hbm>>) target_semaphore(%run_scoped3A : memref<!tpu.dma_semaphore, #tpu.memory_space<semaphore_mem>>)
      %dma_wait3A = arith.constant 0 : i32
      %dma_wait3A_51 = tpu.memref_slice %arg9[%arg0, %add3A_38, %dma_wait3A] : memref<2x10000x8xf32, #tpu.memory_space<hbm>> -> memref<1x128x8xf32, #tpu.memory_space<hbm>>
      %dma_wait3A_52 = tpu.memref_squeeze %dma_wait3A_51 : memref<1x128x8xf32, #tpu.memory_space<hbm>> -> memref<128x8xf32, #tpu.memory_space<hbm>>
      %dma_wait3A_53 = arith.constant 0 : i32
      %dma_wait3A_54 = tpu.memref_slice %arg9[%arg0, %add3A_38, %dma_wait3A_53] : memref<2x10000x8xf32, #tpu.memory_space<hbm>> -> memref<1x128x8xf32, #tpu.memory_space<hbm>>
      %dma_wait3A_55 = tpu.memref_squeeze %dma_wait3A_54 : memref<1x128x8xf32, #tpu.memory_space<hbm>> -> memref<128x8xf32, #tpu.memory_space<hbm>>
      tpu.wait_dma2 semaphore(%run_scoped3A : memref<!tpu.dma_semaphore, #tpu.memory_space<semaphore_mem>>) src(%arg15 : memref<128x8xf32, #tpu.memory_space<vmem>>) dst(%dma_wait3A_55 : memref<128x8xf32, #tpu.memory_space<hbm>>)
      tpu.yield
    }) : () -> ()
    %add3A_39 = arith.constant 512 : i32
    %add3A_40 = arith.addi %mul3A_4, %add3A_39 : i32
    "tpu.region"() ({
      %run_scoped3A = tpu.sem_alloc : memref<!tpu.dma_semaphore, #tpu.memory_space<semaphore_mem>>
      %dma_start3A = arith.constant 0 : i32
      %dma_start3A_46 = arith.constant 0 : i32
      %dma_start3A_47 = tpu.memref_slice %arg12[%dma_start3A, %dma_start3A_46] : memref<128x32xf32, #tpu.memory_space<vmem>> -> memref<112x32xf32, #tpu.memory_space<vmem>>
      %dma_start3A_48 = arith.constant 0 : i32
      %dma_start3A_49 = tpu.memref_slice %arg17[%add3A_40, %dma_start3A_48] : memref<10008x32xf32, #tpu.memory_space<vmem_shared>> -> memref<112x32xf32, #tpu.memory_space<vmem_shared>>
      %dma_start3A_50 = arith.constant 0 : i32
      %dma_start3A_51 = arith.constant 0 : i32
      %dma_start3A_52 = tpu.memref_slice %arg12[%dma_start3A_50, %dma_start3A_51] : memref<128x32xf32, #tpu.memory_space<vmem>> -> memref<112x32xf32, #tpu.memory_space<vmem>>
      %dma_start3A_53 = arith.constant 0 : i32
      %dma_start3A_54 = tpu.memref_slice %arg17[%add3A_40, %dma_start3A_53] : memref<10008x32xf32, #tpu.memory_space<vmem_shared>> -> memref<112x32xf32, #tpu.memory_space<vmem_shared>>
      tpu.enqueue_dma source(%dma_start3A_54 : memref<112x32xf32, #tpu.memory_space<vmem_shared>>) target(%dma_start3A_52 : memref<112x32xf32, #tpu.memory_space<vmem>>) target_semaphore(%run_scoped3A : memref<!tpu.dma_semaphore, #tpu.memory_space<semaphore_mem>>)
      %dma_wait3A = arith.constant 0 : i32
      %dma_wait3A_55 = arith.constant 0 : i32
      %dma_wait3A_56 = tpu.memref_slice %arg12[%dma_wait3A, %dma_wait3A_55] : memref<128x32xf32, #tpu.memory_space<vmem>> -> memref<112x32xf32, #tpu.memory_space<vmem>>
      %dma_wait3A_57 = arith.constant 0 : i32
      %dma_wait3A_58 = tpu.memref_slice %arg17[%add3A_40, %dma_wait3A_57] : memref<10008x32xf32, #tpu.memory_space<vmem_shared>> -> memref<112x32xf32, #tpu.memory_space<vmem_shared>>
      %dma_wait3A_59 = arith.constant 0 : i32
      %dma_wait3A_60 = arith.constant 0 : i32
      %dma_wait3A_61 = tpu.memref_slice %arg12[%dma_wait3A_59, %dma_wait3A_60] : memref<128x32xf32, #tpu.memory_space<vmem>> -> memref<112x32xf32, #tpu.memory_space<vmem>>
      %dma_wait3A_62 = arith.constant 0 : i32
      %dma_wait3A_63 = tpu.memref_slice %arg17[%add3A_40, %dma_wait3A_62] : memref<10008x32xf32, #tpu.memory_space<vmem_shared>> -> memref<112x32xf32, #tpu.memory_space<vmem_shared>>
      tpu.wait_dma2 semaphore(%run_scoped3A : memref<!tpu.dma_semaphore, #tpu.memory_space<semaphore_mem>>) src(%dma_wait3A_63 : memref<112x32xf32, #tpu.memory_space<vmem_shared>>) dst(%dma_wait3A_61 : memref<112x32xf32, #tpu.memory_space<vmem>>)
      tpu.yield
    }) : () -> ()
    "tpu.region"() ({
      %run_scoped3A = tpu.sem_alloc : memref<!tpu.dma_semaphore, #tpu.memory_space<semaphore_mem>>
      %dma_start3A = arith.constant 0 : i32
      %dma_start3A_46 = arith.constant 0 : i32
      %dma_start3A_47 = tpu.memref_slice %arg12[%dma_start3A, %dma_start3A_46] : memref<128x32xf32, #tpu.memory_space<vmem>> -> memref<112x32xf32, #tpu.memory_space<vmem>>
      %dma_start3A_48 = arith.constant 0 : i32
      %dma_start3A_49 = tpu.memref_slice %arg8[%arg0, %add3A_40, %dma_start3A_48] : memref<2x10000x32xf32, #tpu.memory_space<hbm>> -> memref<1x112x32xf32, #tpu.memory_space<hbm>>
      %dma_start3A_50 = tpu.memref_squeeze %dma_start3A_49 : memref<1x112x32xf32, #tpu.memory_space<hbm>> -> memref<112x32xf32, #tpu.memory_space<hbm>>
      %dma_start3A_51 = arith.constant 0 : i32
      %dma_start3A_52 = tpu.memref_slice %arg8[%arg0, %add3A_40, %dma_start3A_51] : memref<2x10000x32xf32, #tpu.memory_space<hbm>> -> memref<1x112x32xf32, #tpu.memory_space<hbm>>
      %dma_start3A_53 = tpu.memref_squeeze %dma_start3A_52 : memref<1x112x32xf32, #tpu.memory_space<hbm>> -> memref<112x32xf32, #tpu.memory_space<hbm>>
      %dma_start3A_54 = arith.constant 0 : i32
      %dma_start3A_55 = arith.constant 0 : i32
      %dma_start3A_56 = tpu.memref_slice %arg12[%dma_start3A_54, %dma_start3A_55] : memref<128x32xf32, #tpu.memory_space<vmem>> -> memref<112x32xf32, #tpu.memory_space<vmem>>
      tpu.enqueue_dma source(%dma_start3A_56 : memref<112x32xf32, #tpu.memory_space<vmem>>) target(%dma_start3A_53 : memref<112x32xf32, #tpu.memory_space<hbm>>) target_semaphore(%run_scoped3A : memref<!tpu.dma_semaphore, #tpu.memory_space<semaphore_mem>>)
      %dma_wait3A = arith.constant 0 : i32
      %dma_wait3A_57 = arith.constant 0 : i32
      %dma_wait3A_58 = tpu.memref_slice %arg12[%dma_wait3A, %dma_wait3A_57] : memref<128x32xf32, #tpu.memory_space<vmem>> -> memref<112x32xf32, #tpu.memory_space<vmem>>
      %dma_wait3A_59 = arith.constant 0 : i32
      %dma_wait3A_60 = tpu.memref_slice %arg8[%arg0, %add3A_40, %dma_wait3A_59] : memref<2x10000x32xf32, #tpu.memory_space<hbm>> -> memref<1x112x32xf32, #tpu.memory_space<hbm>>
      %dma_wait3A_61 = tpu.memref_squeeze %dma_wait3A_60 : memref<1x112x32xf32, #tpu.memory_space<hbm>> -> memref<112x32xf32, #tpu.memory_space<hbm>>
      %dma_wait3A_62 = arith.constant 0 : i32
      %dma_wait3A_63 = tpu.memref_slice %arg8[%arg0, %add3A_40, %dma_wait3A_62] : memref<2x10000x32xf32, #tpu.memory_space<hbm>> -> memref<1x112x32xf32, #tpu.memory_space<hbm>>
      %dma_wait3A_64 = tpu.memref_squeeze %dma_wait3A_63 : memref<1x112x32xf32, #tpu.memory_space<hbm>> -> memref<112x32xf32, #tpu.memory_space<hbm>>
      %dma_wait3A_65 = arith.constant 0 : i32
      %dma_wait3A_66 = arith.constant 0 : i32
      %dma_wait3A_67 = tpu.memref_slice %arg12[%dma_wait3A_65, %dma_wait3A_66] : memref<128x32xf32, #tpu.memory_space<vmem>> -> memref<112x32xf32, #tpu.memory_space<vmem>>
      tpu.wait_dma2 semaphore(%run_scoped3A : memref<!tpu.dma_semaphore, #tpu.memory_space<semaphore_mem>>) src(%dma_wait3A_67 : memref<112x32xf32, #tpu.memory_space<vmem>>) dst(%dma_wait3A_64 : memref<112x32xf32, #tpu.memory_space<hbm>>)
      tpu.yield
    }) : () -> ()
    "tpu.region"() ({
      %run_scoped3A = tpu.sem_alloc : memref<!tpu.dma_semaphore, #tpu.memory_space<semaphore_mem>>
      %dma_start3A = arith.constant 0 : i32
      %dma_start3A_46 = arith.constant 0 : i32
      %dma_start3A_47 = tpu.memref_slice %arg15[%dma_start3A, %dma_start3A_46] : memref<128x8xf32, #tpu.memory_space<vmem>> -> memref<112x8xf32, #tpu.memory_space<vmem>>
      %dma_start3A_48 = arith.constant 0 : i32
      %dma_start3A_49 = tpu.memref_slice %arg18[%add3A_40, %dma_start3A_48] : memref<10008x8xf32, #tpu.memory_space<vmem_shared>> -> memref<112x8xf32, #tpu.memory_space<vmem_shared>>
      %dma_start3A_50 = arith.constant 0 : i32
      %dma_start3A_51 = arith.constant 0 : i32
      %dma_start3A_52 = tpu.memref_slice %arg15[%dma_start3A_50, %dma_start3A_51] : memref<128x8xf32, #tpu.memory_space<vmem>> -> memref<112x8xf32, #tpu.memory_space<vmem>>
      %dma_start3A_53 = arith.constant 0 : i32
      %dma_start3A_54 = tpu.memref_slice %arg18[%add3A_40, %dma_start3A_53] : memref<10008x8xf32, #tpu.memory_space<vmem_shared>> -> memref<112x8xf32, #tpu.memory_space<vmem_shared>>
      tpu.enqueue_dma source(%dma_start3A_54 : memref<112x8xf32, #tpu.memory_space<vmem_shared>>) target(%dma_start3A_52 : memref<112x8xf32, #tpu.memory_space<vmem>>) target_semaphore(%run_scoped3A : memref<!tpu.dma_semaphore, #tpu.memory_space<semaphore_mem>>)
      %dma_wait3A = arith.constant 0 : i32
      %dma_wait3A_55 = arith.constant 0 : i32
      %dma_wait3A_56 = tpu.memref_slice %arg15[%dma_wait3A, %dma_wait3A_55] : memref<128x8xf32, #tpu.memory_space<vmem>> -> memref<112x8xf32, #tpu.memory_space<vmem>>
      %dma_wait3A_57 = arith.constant 0 : i32
      %dma_wait3A_58 = tpu.memref_slice %arg18[%add3A_40, %dma_wait3A_57] : memref<10008x8xf32, #tpu.memory_space<vmem_shared>> -> memref<112x8xf32, #tpu.memory_space<vmem_shared>>
      %dma_wait3A_59 = arith.constant 0 : i32
      %dma_wait3A_60 = arith.constant 0 : i32
      %dma_wait3A_61 = tpu.memref_slice %arg15[%dma_wait3A_59, %dma_wait3A_60] : memref<128x8xf32, #tpu.memory_space<vmem>> -> memref<112x8xf32, #tpu.memory_space<vmem>>
      %dma_wait3A_62 = arith.constant 0 : i32
      %dma_wait3A_63 = tpu.memref_slice %arg18[%add3A_40, %dma_wait3A_62] : memref<10008x8xf32, #tpu.memory_space<vmem_shared>> -> memref<112x8xf32, #tpu.memory_space<vmem_shared>>
      tpu.wait_dma2 semaphore(%run_scoped3A : memref<!tpu.dma_semaphore, #tpu.memory_space<semaphore_mem>>) src(%dma_wait3A_63 : memref<112x8xf32, #tpu.memory_space<vmem_shared>>) dst(%dma_wait3A_61 : memref<112x8xf32, #tpu.memory_space<vmem>>)
      tpu.yield
    }) : () -> ()
    "tpu.region"() ({
      %run_scoped3A = tpu.sem_alloc : memref<!tpu.dma_semaphore, #tpu.memory_space<semaphore_mem>>
      %dma_start3A = arith.constant 0 : i32
      %dma_start3A_46 = arith.constant 0 : i32
      %dma_start3A_47 = tpu.memref_slice %arg15[%dma_start3A, %dma_start3A_46] : memref<128x8xf32, #tpu.memory_space<vmem>> -> memref<112x8xf32, #tpu.memory_space<vmem>>
      %dma_start3A_48 = arith.constant 0 : i32
      %dma_start3A_49 = tpu.memref_slice %arg9[%arg0, %add3A_40, %dma_start3A_48] : memref<2x10000x8xf32, #tpu.memory_space<hbm>> -> memref<1x112x8xf32, #tpu.memory_space<hbm>>
      %dma_start3A_50 = tpu.memref_squeeze %dma_start3A_49 : memref<1x112x8xf32, #tpu.memory_space<hbm>> -> memref<112x8xf32, #tpu.memory_space<hbm>>
      %dma_start3A_51 = arith.constant 0 : i32
      %dma_start3A_52 = tpu.memref_slice %arg9[%arg0, %add3A_40, %dma_start3A_51] : memref<2x10000x8xf32, #tpu.memory_space<hbm>> -> memref<1x112x8xf32, #tpu.memory_space<hbm>>
      %dma_start3A_53 = tpu.memref_squeeze %dma_start3A_52 : memref<1x112x8xf32, #tpu.memory_space<hbm>> -> memref<112x8xf32, #tpu.memory_space<hbm>>
      %dma_start3A_54 = arith.constant 0 : i32
      %dma_start3A_55 = arith.constant 0 : i32
      %dma_start3A_56 = tpu.memref_slice %arg15[%dma_start3A_54, %dma_start3A_55] : memref<128x8xf32, #tpu.memory_space<vmem>> -> memref<112x8xf32, #tpu.memory_space<vmem>>
      tpu.enqueue_dma source(%dma_start3A_56 : memref<112x8xf32, #tpu.memory_space<vmem>>) target(%dma_start3A_53 : memref<112x8xf32, #tpu.memory_space<hbm>>) target_semaphore(%run_scoped3A : memref<!tpu.dma_semaphore, #tpu.memory_space<semaphore_mem>>)
      %dma_wait3A = arith.constant 0 : i32
      %dma_wait3A_57 = arith.constant 0 : i32
      %dma_wait3A_58 = tpu.memref_slice %arg15[%dma_wait3A, %dma_wait3A_57] : memref<128x8xf32, #tpu.memory_space<vmem>> -> memref<112x8xf32, #tpu.memory_space<vmem>>
      %dma_wait3A_59 = arith.constant 0 : i32
      %dma_wait3A_60 = tpu.memref_slice %arg9[%arg0, %add3A_40, %dma_wait3A_59] : memref<2x10000x8xf32, #tpu.memory_space<hbm>> -> memref<1x112x8xf32, #tpu.memory_space<hbm>>
      %dma_wait3A_61 = tpu.memref_squeeze %dma_wait3A_60 : memref<1x112x8xf32, #tpu.memory_space<hbm>> -> memref<112x8xf32, #tpu.memory_space<hbm>>
      %dma_wait3A_62 = arith.constant 0 : i32
      %dma_wait3A_63 = tpu.memref_slice %arg9[%arg0, %add3A_40, %dma_wait3A_62] : memref<2x10000x8xf32, #tpu.memory_space<hbm>> -> memref<1x112x8xf32, #tpu.memory_space<hbm>>
      %dma_wait3A_64 = tpu.memref_squeeze %dma_wait3A_63 : memref<1x112x8xf32, #tpu.memory_space<hbm>> -> memref<112x8xf32, #tpu.memory_space<hbm>>
      %dma_wait3A_65 = arith.constant 0 : i32
      %dma_wait3A_66 = arith.constant 0 : i32
      %dma_wait3A_67 = tpu.memref_slice %arg15[%dma_wait3A_65, %dma_wait3A_66] : memref<128x8xf32, #tpu.memory_space<vmem>> -> memref<112x8xf32, #tpu.memory_space<vmem>>
      tpu.wait_dma2 semaphore(%run_scoped3A : memref<!tpu.dma_semaphore, #tpu.memory_space<semaphore_mem>>) src(%dma_wait3A_67 : memref<112x8xf32, #tpu.memory_space<vmem>>) dst(%dma_wait3A_64 : memref<112x8xf32, #tpu.memory_space<hbm>>)
      tpu.yield
    }) : () -> ()
    %eq3A_41 = arith.constant 15 : i32
    %eq3A_42 = arith.cmpi eq, %arg1, %eq3A_41 : i32
    %convert_element_type3A_43 = arith.extui %eq3A_42 : i1 to i32
    %cond3A_44 = arith.constant 0 : i32
    %cond3A_45 = arith.cmpi ne, %convert_element_type3A_43, %cond3A_44 : i32
    scf.if %cond3A_45 {
      "tpu.region"() ({
        %run_scoped3A = tpu.sem_alloc : memref<!tpu.dma_semaphore, #tpu.memory_space<semaphore_mem>>
        %dma_start3A = arith.constant 0 : i32
        %dma_start3A_46 = arith.constant 0 : i32
        %dma_start3A_47 = tpu.memref_slice %arg12[%dma_start3A, %dma_start3A_46] : memref<128x32xf32, #tpu.memory_space<vmem>> -> memref<16x32xf32, #tpu.memory_space<vmem>>
        %dma_start3A_48 = arith.constant 9984 : i32
        %dma_start3A_49 = arith.constant 0 : i32
        %dma_start3A_50 = tpu.memref_slice %arg17[%dma_start3A_48, %dma_start3A_49] : memref<10008x32xf32, #tpu.memory_space<vmem_shared>> -> memref<16x32xf32, #tpu.memory_space<vmem_shared>>
        %dma_start3A_51 = arith.constant 0 : i32
        %dma_start3A_52 = arith.constant 0 : i32
        %dma_start3A_53 = tpu.memref_slice %arg12[%dma_start3A_51, %dma_start3A_52] : memref<128x32xf32, #tpu.memory_space<vmem>> -> memref<16x32xf32, #tpu.memory_space<vmem>>
        %dma_start3A_54 = arith.constant 9984 : i32
        %dma_start3A_55 = arith.constant 0 : i32
        %dma_start3A_56 = tpu.memref_slice %arg17[%dma_start3A_54, %dma_start3A_55] : memref<10008x32xf32, #tpu.memory_space<vmem_shared>> -> memref<16x32xf32, #tpu.memory_space<vmem_shared>>
        tpu.enqueue_dma source(%dma_start3A_56 : memref<16x32xf32, #tpu.memory_space<vmem_shared>>) target(%dma_start3A_53 : memref<16x32xf32, #tpu.memory_space<vmem>>) target_semaphore(%run_scoped3A : memref<!tpu.dma_semaphore, #tpu.memory_space<semaphore_mem>>)
        %dma_wait3A = arith.constant 0 : i32
        %dma_wait3A_57 = arith.constant 0 : i32
        %dma_wait3A_58 = tpu.memref_slice %arg12[%dma_wait3A, %dma_wait3A_57] : memref<128x32xf32, #tpu.memory_space<vmem>> -> memref<16x32xf32, #tpu.memory_space<vmem>>
        %dma_wait3A_59 = arith.constant 9984 : i32
        %dma_wait3A_60 = arith.constant 0 : i32
        %dma_wait3A_61 = tpu.memref_slice %arg17[%dma_wait3A_59, %dma_wait3A_60] : memref<10008x32xf32, #tpu.memory_space<vmem_shared>> -> memref<16x32xf32, #tpu.memory_space<vmem_shared>>
        %dma_wait3A_62 = arith.constant 0 : i32
        %dma_wait3A_63 = arith.constant 0 : i32
        %dma_wait3A_64 = tpu.memref_slice %arg12[%dma_wait3A_62, %dma_wait3A_63] : memref<128x32xf32, #tpu.memory_space<vmem>> -> memref<16x32xf32, #tpu.memory_space<vmem>>
        %dma_wait3A_65 = arith.constant 9984 : i32
        %dma_wait3A_66 = arith.constant 0 : i32
        %dma_wait3A_67 = tpu.memref_slice %arg17[%dma_wait3A_65, %dma_wait3A_66] : memref<10008x32xf32, #tpu.memory_space<vmem_shared>> -> memref<16x32xf32, #tpu.memory_space<vmem_shared>>
        tpu.wait_dma2 semaphore(%run_scoped3A : memref<!tpu.dma_semaphore, #tpu.memory_space<semaphore_mem>>) src(%dma_wait3A_67 : memref<16x32xf32, #tpu.memory_space<vmem_shared>>) dst(%dma_wait3A_64 : memref<16x32xf32, #tpu.memory_space<vmem>>)
        tpu.yield
      }) : () -> ()
      "tpu.region"() ({
        %run_scoped3A = tpu.sem_alloc : memref<!tpu.dma_semaphore, #tpu.memory_space<semaphore_mem>>
        %dma_start3A = arith.constant 0 : i32
        %dma_start3A_46 = arith.constant 0 : i32
        %dma_start3A_47 = tpu.memref_slice %arg12[%dma_start3A, %dma_start3A_46] : memref<128x32xf32, #tpu.memory_space<vmem>> -> memref<16x32xf32, #tpu.memory_space<vmem>>
        %dma_start3A_48 = arith.constant 9984 : i32
        %dma_start3A_49 = arith.constant 0 : i32
        %dma_start3A_50 = tpu.memref_slice %arg8[%arg0, %dma_start3A_48, %dma_start3A_49] : memref<2x10000x32xf32, #tpu.memory_space<hbm>> -> memref<1x16x32xf32, #tpu.memory_space<hbm>>
        %dma_start3A_51 = tpu.memref_squeeze %dma_start3A_50 : memref<1x16x32xf32, #tpu.memory_space<hbm>> -> memref<16x32xf32, #tpu.memory_space<hbm>>
        %dma_start3A_52 = arith.constant 9984 : i32
        %dma_start3A_53 = arith.constant 0 : i32
        %dma_start3A_54 = tpu.memref_slice %arg8[%arg0, %dma_start3A_52, %dma_start3A_53] : memref<2x10000x32xf32, #tpu.memory_space<hbm>> -> memref<1x16x32xf32, #tpu.memory_space<hbm>>
        %dma_start3A_55 = tpu.memref_squeeze %dma_start3A_54 : memref<1x16x32xf32, #tpu.memory_space<hbm>> -> memref<16x32xf32, #tpu.memory_space<hbm>>
        %dma_start3A_56 = arith.constant 0 : i32
        %dma_start3A_57 = arith.constant 0 : i32
        %dma_start3A_58 = tpu.memref_slice %arg12[%dma_start3A_56, %dma_start3A_57] : memref<128x32xf32, #tpu.memory_space<vmem>> -> memref<16x32xf32, #tpu.memory_space<vmem>>
        tpu.enqueue_dma source(%dma_start3A_58 : memref<16x32xf32, #tpu.memory_space<vmem>>) target(%dma_start3A_55 : memref<16x32xf32, #tpu.memory_space<hbm>>) target_semaphore(%run_scoped3A : memref<!tpu.dma_semaphore, #tpu.memory_space<semaphore_mem>>)
        %dma_wait3A = arith.constant 0 : i32
        %dma_wait3A_59 = arith.constant 0 : i32
        %dma_wait3A_60 = tpu.memref_slice %arg12[%dma_wait3A, %dma_wait3A_59] : memref<128x32xf32, #tpu.memory_space<vmem>> -> memref<16x32xf32, #tpu.memory_space<vmem>>
        %dma_wait3A_61 = arith.constant 9984 : i32
        %dma_wait3A_62 = arith.constant 0 : i32
        %dma_wait3A_63 = tpu.memref_slice %arg8[%arg0, %dma_wait3A_61, %dma_wait3A_62] : memref<2x10000x32xf32, #tpu.memory_space<hbm>> -> memref<1x16x32xf32, #tpu.memory_space<hbm>>
        %dma_wait3A_64 = tpu.memref_squeeze %dma_wait3A_63 : memref<1x16x32xf32, #tpu.memory_space<hbm>> -> memref<16x32xf32, #tpu.memory_space<hbm>>
        %dma_wait3A_65 = arith.constant 9984 : i32
        %dma_wait3A_66 = arith.constant 0 : i32
        %dma_wait3A_67 = tpu.memref_slice %arg8[%arg0, %dma_wait3A_65, %dma_wait3A_66] : memref<2x10000x32xf32, #tpu.memory_space<hbm>> -> memref<1x16x32xf32, #tpu.memory_space<hbm>>
        %dma_wait3A_68 = tpu.memref_squeeze %dma_wait3A_67 : memref<1x16x32xf32, #tpu.memory_space<hbm>> -> memref<16x32xf32, #tpu.memory_space<hbm>>
        %dma_wait3A_69 = arith.constant 0 : i32
        %dma_wait3A_70 = arith.constant 0 : i32
        %dma_wait3A_71 = tpu.memref_slice %arg12[%dma_wait3A_69, %dma_wait3A_70] : memref<128x32xf32, #tpu.memory_space<vmem>> -> memref<16x32xf32, #tpu.memory_space<vmem>>
        tpu.wait_dma2 semaphore(%run_scoped3A : memref<!tpu.dma_semaphore, #tpu.memory_space<semaphore_mem>>) src(%dma_wait3A_71 : memref<16x32xf32, #tpu.memory_space<vmem>>) dst(%dma_wait3A_68 : memref<16x32xf32, #tpu.memory_space<hbm>>)
        tpu.yield
      }) : () -> ()
      "tpu.region"() ({
        %run_scoped3A = tpu.sem_alloc : memref<!tpu.dma_semaphore, #tpu.memory_space<semaphore_mem>>
        %dma_start3A = arith.constant 0 : i32
        %dma_start3A_46 = arith.constant 0 : i32
        %dma_start3A_47 = tpu.memref_slice %arg15[%dma_start3A, %dma_start3A_46] : memref<128x8xf32, #tpu.memory_space<vmem>> -> memref<16x8xf32, #tpu.memory_space<vmem>>
        %dma_start3A_48 = arith.constant 9984 : i32
        %dma_start3A_49 = arith.constant 0 : i32
        %dma_start3A_50 = tpu.memref_slice %arg18[%dma_start3A_48, %dma_start3A_49] : memref<10008x8xf32, #tpu.memory_space<vmem_shared>> -> memref<16x8xf32, #tpu.memory_space<vmem_shared>>
        %dma_start3A_51 = arith.constant 0 : i32
        %dma_start3A_52 = arith.constant 0 : i32
        %dma_start3A_53 = tpu.memref_slice %arg15[%dma_start3A_51, %dma_start3A_52] : memref<128x8xf32, #tpu.memory_space<vmem>> -> memref<16x8xf32, #tpu.memory_space<vmem>>
        %dma_start3A_54 = arith.constant 9984 : i32
        %dma_start3A_55 = arith.constant 0 : i32
        %dma_start3A_56 = tpu.memref_slice %arg18[%dma_start3A_54, %dma_start3A_55] : memref<10008x8xf32, #tpu.memory_space<vmem_shared>> -> memref<16x8xf32, #tpu.memory_space<vmem_shared>>
        tpu.enqueue_dma source(%dma_start3A_56 : memref<16x8xf32, #tpu.memory_space<vmem_shared>>) target(%dma_start3A_53 : memref<16x8xf32, #tpu.memory_space<vmem>>) target_semaphore(%run_scoped3A : memref<!tpu.dma_semaphore, #tpu.memory_space<semaphore_mem>>)
        %dma_wait3A = arith.constant 0 : i32
        %dma_wait3A_57 = arith.constant 0 : i32
        %dma_wait3A_58 = tpu.memref_slice %arg15[%dma_wait3A, %dma_wait3A_57] : memref<128x8xf32, #tpu.memory_space<vmem>> -> memref<16x8xf32, #tpu.memory_space<vmem>>
        %dma_wait3A_59 = arith.constant 9984 : i32
        %dma_wait3A_60 = arith.constant 0 : i32
        %dma_wait3A_61 = tpu.memref_slice %arg18[%dma_wait3A_59, %dma_wait3A_60] : memref<10008x8xf32, #tpu.memory_space<vmem_shared>> -> memref<16x8xf32, #tpu.memory_space<vmem_shared>>
        %dma_wait3A_62 = arith.constant 0 : i32
        %dma_wait3A_63 = arith.constant 0 : i32
        %dma_wait3A_64 = tpu.memref_slice %arg15[%dma_wait3A_62, %dma_wait3A_63] : memref<128x8xf32, #tpu.memory_space<vmem>> -> memref<16x8xf32, #tpu.memory_space<vmem>>
        %dma_wait3A_65 = arith.constant 9984 : i32
        %dma_wait3A_66 = arith.constant 0 : i32
        %dma_wait3A_67 = tpu.memref_slice %arg18[%dma_wait3A_65, %dma_wait3A_66] : memref<10008x8xf32, #tpu.memory_space<vmem_shared>> -> memref<16x8xf32, #tpu.memory_space<vmem_shared>>
        tpu.wait_dma2 semaphore(%run_scoped3A : memref<!tpu.dma_semaphore, #tpu.memory_space<semaphore_mem>>) src(%dma_wait3A_67 : memref<16x8xf32, #tpu.memory_space<vmem_shared>>) dst(%dma_wait3A_64 : memref<16x8xf32, #tpu.memory_space<vmem>>)
        tpu.yield
      }) : () -> ()
      "tpu.region"() ({
        %run_scoped3A = tpu.sem_alloc : memref<!tpu.dma_semaphore, #tpu.memory_space<semaphore_mem>>
        %dma_start3A = arith.constant 0 : i32
        %dma_start3A_46 = arith.constant 0 : i32
        %dma_start3A_47 = tpu.memref_slice %arg15[%dma_start3A, %dma_start3A_46] : memref<128x8xf32, #tpu.memory_space<vmem>> -> memref<16x8xf32, #tpu.memory_space<vmem>>
        %dma_start3A_48 = arith.constant 9984 : i32
        %dma_start3A_49 = arith.constant 0 : i32
        %dma_start3A_50 = tpu.memref_slice %arg9[%arg0, %dma_start3A_48, %dma_start3A_49] : memref<2x10000x8xf32, #tpu.memory_space<hbm>> -> memref<1x16x8xf32, #tpu.memory_space<hbm>>
        %dma_start3A_51 = tpu.memref_squeeze %dma_start3A_50 : memref<1x16x8xf32, #tpu.memory_space<hbm>> -> memref<16x8xf32, #tpu.memory_space<hbm>>
        %dma_start3A_52 = arith.constant 9984 : i32
        %dma_start3A_53 = arith.constant 0 : i32
        %dma_start3A_54 = tpu.memref_slice %arg9[%arg0, %dma_start3A_52, %dma_start3A_53] : memref<2x10000x8xf32, #tpu.memory_space<hbm>> -> memref<1x16x8xf32, #tpu.memory_space<hbm>>
        %dma_start3A_55 = tpu.memref_squeeze %dma_start3A_54 : memref<1x16x8xf32, #tpu.memory_space<hbm>> -> memref<16x8xf32, #tpu.memory_space<hbm>>
        %dma_start3A_56 = arith.constant 0 : i32
        %dma_start3A_57 = arith.constant 0 : i32
        %dma_start3A_58 = tpu.memref_slice %arg15[%dma_start3A_56, %dma_start3A_57] : memref<128x8xf32, #tpu.memory_space<vmem>> -> memref<16x8xf32, #tpu.memory_space<vmem>>
        tpu.enqueue_dma source(%dma_start3A_58 : memref<16x8xf32, #tpu.memory_space<vmem>>) target(%dma_start3A_55 : memref<16x8xf32, #tpu.memory_space<hbm>>) target_semaphore(%run_scoped3A : memref<!tpu.dma_semaphore, #tpu.memory_space<semaphore_mem>>)
        %dma_wait3A = arith.constant 0 : i32
        %dma_wait3A_59 = arith.constant 0 : i32
        %dma_wait3A_60 = tpu.memref_slice %arg15[%dma_wait3A, %dma_wait3A_59] : memref<128x8xf32, #tpu.memory_space<vmem>> -> memref<16x8xf32, #tpu.memory_space<vmem>>
        %dma_wait3A_61 = arith.constant 9984 : i32
        %dma_wait3A_62 = arith.constant 0 : i32
        %dma_wait3A_63 = tpu.memref_slice %arg9[%arg0, %dma_wait3A_61, %dma_wait3A_62] : memref<2x10000x8xf32, #tpu.memory_space<hbm>> -> memref<1x16x8xf32, #tpu.memory_space<hbm>>
        %dma_wait3A_64 = tpu.memref_squeeze %dma_wait3A_63 : memref<1x16x8xf32, #tpu.memory_space<hbm>> -> memref<16x8xf32, #tpu.memory_space<hbm>>
        %dma_wait3A_65 = arith.constant 9984 : i32
        %dma_wait3A_66 = arith.constant 0 : i32
        %dma_wait3A_67 = tpu.memref_slice %arg9[%arg0, %dma_wait3A_65, %dma_wait3A_66] : memref<2x10000x8xf32, #tpu.memory_space<hbm>> -> memref<1x16x8xf32, #tpu.memory_space<hbm>>
        %dma_wait3A_68 = tpu.memref_squeeze %dma_wait3A_67 : memref<1x16x8xf32, #tpu.memory_space<hbm>> -> memref<16x8xf32, #tpu.memory_space<hbm>>
        %dma_wait3A_69 = arith.constant 0 : i32
        %dma_wait3A_70 = arith.constant 0 : i32
        %dma_wait3A_71 = tpu.memref_slice %arg15[%dma_wait3A_69, %dma_wait3A_70] : memref<128x8xf32, #tpu.memory_space<vmem>> -> memref<16x8xf32, #tpu.memory_space<vmem>>
        tpu.wait_dma2 semaphore(%run_scoped3A : memref<!tpu.dma_semaphore, #tpu.memory_space<semaphore_mem>>) src(%dma_wait3A_71 : memref<16x8xf32, #tpu.memory_space<vmem>>) dst(%dma_wait3A_68 : memref<16x8xf32, #tpu.memory_space<hbm>>)
        tpu.yield
      }) : () -> ()
    } else {
    }
    return
  }
}

module attributes {stable_mosaic.version = 14 : i64} {
  func.func @body(%arg0: i32, %arg1: memref<1000x128xf32, #tpu.memory_space<vmem>>, %arg2: memref<128x128xf32, #tpu.memory_space<vmem>>, %arg3: memref<128x8xf32, #tpu.memory_space<vmem>>, %arg4: memref<1000x128xf32, #tpu.memory_space<vmem>>, %arg5: memref<1000x8xf32, #tpu.memory_space<vmem>>) attributes {dimension_semantics = [#tpu.dimension_semantics<arbitrary>], iteration_bounds = array<i64: 10>, scalar_prefetch = 0 : i64, scratch_operands = 0 : i64, tpu.core_type = #tpu.core_type<tc>, window_params = [{transform_indices = @transform_0, window_bounds = array<i64: 1000, 128>}, {pipeline_mode = #tpu.pipeline_mode<synchronous>, transform_indices = @transform_1, window_bounds = array<i64: 128, 128>}, {pipeline_mode = #tpu.pipeline_mode<synchronous>, transform_indices = @transform_2, window_bounds = array<i64: 128, 8>}, {transform_indices = @transform_3, window_bounds = array<i64: 1000, 128>}, {transform_indices = @transform_4, window_bounds = array<i64: 1000, 8>}]} {
    %get3A = arith.constant 0 : index
    %get3A_0 = arith.constant 0 : index
    %get3A_1 = vector.load %arg1[%get3A, %get3A_0] : memref<1000x128xf32, #tpu.memory_space<vmem>>, vector<1000x128xf32>
    %get3A_2 = arith.constant 0 : index
    %get3A_3 = arith.constant 0 : index
    %get3A_4 = vector.load %arg2[%get3A_2, %get3A_3] : memref<128x128xf32, #tpu.memory_space<vmem>>, vector<128x128xf32>
    %dot_general3A = arith.constant dense<0.000000e+00> : vector<1000x128xf32>
    %dot_general3A_5 = tpu.matmul %get3A_1, %get3A_4, %dot_general3A {dimension_numbers = #tpu.dot_dimension_numbers<[1], [0], [0], [1], [0, 0, 1, 1], [], []>, precision = #tpu.contract_precision<fp32>, transpose_lhs_hint = false} : vector<1000x128xf32>, vector<128x128xf32>, vector<1000x128xf32> -> vector<1000x128xf32>
    %swap3A = arith.constant 0 : index
    %swap3A_6 = arith.constant 0 : index
    %swap3A_7 = vector.load %arg4[%swap3A, %swap3A_6] : memref<1000x128xf32, #tpu.memory_space<vmem>>, vector<1000x128xf32>
    tpu.vector_store %arg4[%swap3A, %swap3A_6], %dot_general3A_5 {strides = array<i32>} : memref<1000x128xf32, #tpu.memory_space<vmem>>, vector<1000x128xf32>,
    %get3A_8 = arith.constant 0 : index
    %get3A_9 = arith.constant 0 : index
    %get3A_10 = vector.load %arg3[%get3A_8, %get3A_9] : memref<128x8xf32, #tpu.memory_space<vmem>>, vector<128x8xf32>
    %dot_general3A_11 = arith.constant dense<0.000000e+00> : vector<1000x8xf32>
    %dot_general3A_12 = tpu.matmul %dot_general3A_5, %get3A_10, %dot_general3A_11 {dimension_numbers = #tpu.dot_dimension_numbers<[1], [0], [0], [1], [0, 0, 1, 1], [], []>, precision = #tpu.contract_precision<fp32>, transpose_lhs_hint = false} : vector<1000x128xf32>, vector<128x8xf32>, vector<1000x8xf32> -> vector<1000x8xf32>
    %swap3A_13 = arith.constant 0 : index
    %swap3A_14 = arith.constant 0 : index
    %swap3A_15 = vector.load %arg5[%swap3A_13, %swap3A_14] : memref<1000x8xf32, #tpu.memory_space<vmem>>, vector<1000x8xf32>
    tpu.vector_store %arg5[%swap3A_13, %swap3A_14], %dot_general3A_12 {strides = array<i32>} : memref<1000x8xf32, #tpu.memory_space<vmem>>, vector<1000x8xf32>,
    return
  }
  func.func @transform_0(%arg0: i32) -> (i32, i32) {
    %c0_i32 = arith.constant 0 : i32
    %c0_i32_0 = arith.constant 0 : i32
    return %arg0, %c0_i32 : i32, i32
  }
  func.func @transform_1(%arg0: i32) -> (i32, i32) {
    %c0_i32 = arith.constant 0 : i32
    %c0_i32_0 = arith.constant 0 : i32
    %c0_i32_1 = arith.constant 0 : i32
    return %c0_i32, %c0_i32_0 : i32, i32
  }
  func.func @transform_2(%arg0: i32) -> (i32, i32) {
    %c0_i32 = arith.constant 0 : i32
    %c0_i32_0 = arith.constant 0 : i32
    %c0_i32_1 = arith.constant 0 : i32
    return %c0_i32, %c0_i32_0 : i32, i32
  }
  func.func @transform_3(%arg0: i32) -> (i32, i32) {
    %c0_i32 = arith.constant 0 : i32
    %c0_i32_0 = arith.constant 0 : i32
    return %arg0, %c0_i32 : i32, i32
  }
  func.func @transform_4(%arg0: i32) -> (i32, i32) {
    %c0_i32 = arith.constant 0 : i32
    %c0_i32_0 = arith.constant 0 : i32
    return %arg0, %c0_i32 : i32, i32
  }
}

module attributes {stable_mosaic.version = 14 : i64} {
  func.func @body(%arg0: i32, %arg1: memref<2x1000x128xf32, #tpu.memory_space<vmem>>, %arg2: memref<2x1000x8xf32, #tpu.memory_space<vmem>>, %arg3: memref<1x128xf32, #tpu.memory_space<vmem>>, %arg4: memref<128x32xf32, #tpu.memory_space<vmem>>, %arg5: memref<32x8xf32, #tpu.memory_space<vmem>>, %arg6: memref<8x128xf32, #tpu.memory_space<vmem>>, %arg7: memref<1000x32xf32, #tpu.memory_space<vmem>>, %arg8: memref<1000x8xf32, #tpu.memory_space<vmem>>) attributes {dimension_semantics = [#tpu.dimension_semantics<arbitrary>], iteration_bounds = array<i64: 10>, scalar_prefetch = 0 : i64, scratch_operands = 0 : i64, tpu.core_type = #tpu.core_type<tc>, window_params = [{transform_indices = @transform_0, window_bounds = array<i64: 2, 1000, 128>}, {transform_indices = @transform_1, window_bounds = array<i64: 2, 1000, 8>}, {pipeline_mode = #tpu.pipeline_mode<synchronous>, transform_indices = @transform_2, window_bounds = array<i64: 1, 128>}, {pipeline_mode = #tpu.pipeline_mode<synchronous>, transform_indices = @transform_3, window_bounds = array<i64: 128, 32>}, {pipeline_mode = #tpu.pipeline_mode<synchronous>, transform_indices = @transform_4, window_bounds = array<i64: 32, 8>}, {pipeline_mode = #tpu.pipeline_mode<synchronous>, transform_indices = @transform_5, window_bounds = array<i64: 8, 128>}, {transform_indices = @transform_6, window_bounds = array<i64: 1000, 32>}, {transform_indices = @transform_7, window_bounds = array<i64: 1000, 8>}]} {
    %get3A = arith.constant 0 : index
    %get3A_0 = arith.constant 0 : index
    %get3A_1 = arith.constant 0 : index
    %get3A_2 = vector.load %arg1[%get3A, %get3A_0, %get3A_1] : memref<2x1000x128xf32, #tpu.memory_space<vmem>>, vector<1x1000x128xf32>
    %get3A_3 = vector.shape_cast %get3A_2 : vector<1x1000x128xf32> to vector<1000x128xf32>
    %get3A_4 = arith.constant 1 : index
    %get3A_5 = arith.constant 0 : index
    %get3A_6 = arith.constant 0 : index
    %get3A_7 = vector.load %arg1[%get3A_4, %get3A_5, %get3A_6] : memref<2x1000x128xf32, #tpu.memory_space<vmem>>, vector<1x1000x128xf32>
    %get3A_8 = vector.shape_cast %get3A_7 : vector<1x1000x128xf32> to vector<1000x128xf32>
    %add3A = arith.addf %get3A_3, %get3A_8 : vector<1000x128xf32>
    %get3A_9 = arith.constant 0 : index
    %get3A_10 = arith.constant 0 : index
    %get3A_11 = arith.constant 0 : index
    %get3A_12 = vector.load %arg2[%get3A_9, %get3A_10, %get3A_11] : memref<2x1000x8xf32, #tpu.memory_space<vmem>>, vector<1x1000x8xf32>
    %get3A_13 = vector.shape_cast %get3A_12 : vector<1x1000x8xf32> to vector<1000x8xf32>
    %get3A_14 = arith.constant 1 : index
    %get3A_15 = arith.constant 0 : index
    %get3A_16 = arith.constant 0 : index
    %get3A_17 = vector.load %arg2[%get3A_14, %get3A_15, %get3A_16] : memref<2x1000x8xf32, #tpu.memory_space<vmem>>, vector<1x1000x8xf32>
    %get3A_18 = vector.shape_cast %get3A_17 : vector<1x1000x8xf32> to vector<1000x8xf32>
    %add3A_19 = arith.addf %get3A_13, %get3A_18 : vector<1000x8xf32>
    %get3A_20 = arith.constant 0 : index
    %get3A_21 = arith.constant 0 : index
    %get3A_22 = vector.load %arg6[%get3A_20, %get3A_21] : memref<8x128xf32, #tpu.memory_space<vmem>>, vector<8x128xf32>
    %dot_general3A = arith.constant dense<0.000000e+00> : vector<1000x128xf32>
    %dot_general3A_23 = tpu.matmul %add3A_19, %get3A_22, %dot_general3A {dimension_numbers = #tpu.dot_dimension_numbers<[1], [0], [0], [1], [0, 0, 1, 1], [], []>, precision = #tpu.contract_precision<fp32>, transpose_lhs_hint = false} : vector<1000x8xf32>, vector<8x128xf32>, vector<1000x128xf32> -> vector<1000x128xf32>
    %add3A_24 = arith.constant 9.99999971E-10 : f32
    %add3A_25 = vector.broadcast %add3A_24 : f32 to vector<1000x128xf32>
    %add3A_26 = arith.addf %dot_general3A_23, %add3A_25 : vector<1000x128xf32>
    %div3A = arith.divf %add3A, %add3A_26 : vector<1000x128xf32>
    %get3A_27 = arith.constant 0 : index
    %get3A_28 = arith.constant 0 : index
    %get3A_29 = vector.load %arg3[%get3A_27, %get3A_28] : memref<1x128xf32, #tpu.memory_space<vmem>>, vector<1x128xf32>
    %add3A_30 = vector.broadcast %get3A_29 : vector<1x128xf32> to vector<1000x128xf32>
    %add3A_31 = arith.addf %div3A, %add3A_30 : vector<1000x128xf32>
    %get3A_32 = arith.constant 0 : index
    %get3A_33 = arith.constant 0 : index
    %get3A_34 = vector.load %arg4[%get3A_32, %get3A_33] : memref<128x32xf32, #tpu.memory_space<vmem>>, vector<128x32xf32>
    %dot_general3A_35 = arith.constant dense<0.000000e+00> : vector<1000x32xf32>
    %dot_general3A_36 = tpu.matmul %add3A_31, %get3A_34, %dot_general3A_35 {dimension_numbers = #tpu.dot_dimension_numbers<[1], [0], [0], [1], [0, 0, 1, 1], [], []>, precision = #tpu.contract_precision<fp32>, transpose_lhs_hint = false} : vector<1000x128xf32>, vector<128x32xf32>, vector<1000x32xf32> -> vector<1000x32xf32>
    %swap3A = arith.constant 0 : index
    %swap3A_37 = arith.constant 0 : index
    %swap3A_38 = vector.load %arg7[%swap3A, %swap3A_37] : memref<1000x32xf32, #tpu.memory_space<vmem>>, vector<1000x32xf32>
    tpu.vector_store %arg7[%swap3A, %swap3A_37], %dot_general3A_36 {strides = array<i32>} : memref<1000x32xf32, #tpu.memory_space<vmem>>, vector<1000x32xf32>,
    %get3A_39 = arith.constant 0 : index
    %get3A_40 = arith.constant 0 : index
    %get3A_41 = vector.load %arg5[%get3A_39, %get3A_40] : memref<32x8xf32, #tpu.memory_space<vmem>>, vector<32x8xf32>
    %dot_general3A_42 = arith.constant dense<0.000000e+00> : vector<1000x8xf32>
    %dot_general3A_43 = tpu.matmul %dot_general3A_36, %get3A_41, %dot_general3A_42 {dimension_numbers = #tpu.dot_dimension_numbers<[1], [0], [0], [1], [0, 0, 1, 1], [], []>, precision = #tpu.contract_precision<fp32>, transpose_lhs_hint = false} : vector<1000x32xf32>, vector<32x8xf32>, vector<1000x8xf32> -> vector<1000x8xf32>
    %swap3A_44 = arith.constant 0 : index
    %swap3A_45 = arith.constant 0 : index
    %swap3A_46 = vector.load %arg8[%swap3A_44, %swap3A_45] : memref<1000x8xf32, #tpu.memory_space<vmem>>, vector<1000x8xf32>
    tpu.vector_store %arg8[%swap3A_44, %swap3A_45], %dot_general3A_43 {strides = array<i32>} : memref<1000x8xf32, #tpu.memory_space<vmem>>, vector<1000x8xf32>,
    return
  }
  func.func @transform_0(%arg0: i32) -> (i32, i32, i32) {
    %c0_i32 = arith.constant 0 : i32
    %c0_i32_0 = arith.constant 0 : i32
    %c0_i32_1 = arith.constant 0 : i32
    return %c0_i32, %arg0, %c0_i32_0 : i32, i32, i32
  }
  func.func @transform_1(%arg0: i32) -> (i32, i32, i32) {
    %c0_i32 = arith.constant 0 : i32
    %c0_i32_0 = arith.constant 0 : i32
    %c0_i32_1 = arith.constant 0 : i32
    return %c0_i32, %arg0, %c0_i32_0 : i32, i32, i32
  }
  func.func @transform_2(%arg0: i32) -> (i32, i32) {
    %c0_i32 = arith.constant 0 : i32
    %c0_i32_0 = arith.constant 0 : i32
    %c0_i32_1 = arith.constant 0 : i32
    return %c0_i32, %c0_i32_0 : i32, i32
  }
  func.func @transform_3(%arg0: i32) -> (i32, i32) {
    %c0_i32 = arith.constant 0 : i32
    %c0_i32_0 = arith.constant 0 : i32
    %c0_i32_1 = arith.constant 0 : i32
    return %c0_i32, %c0_i32_0 : i32, i32
  }
  func.func @transform_4(%arg0: i32) -> (i32, i32) {
    %c0_i32 = arith.constant 0 : i32
    %c0_i32_0 = arith.constant 0 : i32
    %c0_i32_1 = arith.constant 0 : i32
    return %c0_i32, %c0_i32_0 : i32, i32
  }
  func.func @transform_5(%arg0: i32) -> (i32, i32) {
    %c0_i32 = arith.constant 0 : i32
    %c0_i32_0 = arith.constant 0 : i32
    %c0_i32_1 = arith.constant 0 : i32
    return %c0_i32, %c0_i32_0 : i32, i32
  }
  func.func @transform_6(%arg0: i32) -> (i32, i32) {
    %c0_i32 = arith.constant 0 : i32
    %c0_i32_0 = arith.constant 0 : i32
    return %arg0, %c0_i32 : i32, i32
  }
  func.func @transform_7(%arg0: i32) -> (i32, i32) {
    %c0_i32 = arith.constant 0 : i32
    %c0_i32_0 = arith.constant 0 : i32
    return %arg0, %c0_i32 : i32, i32
  }
}

module attributes {stable_mosaic.version = 14 : i64} {
  func.func @body(%arg0: i32, %arg1: memref<2x1000x32xf32, #tpu.memory_space<vmem>>, %arg2: memref<2x1000x8xf32, #tpu.memory_space<vmem>>, %arg3: memref<1x32xf32, #tpu.memory_space<vmem>>, %arg4: memref<8x32xf32, #tpu.memory_space<vmem>>, %arg5: memref<1000x32xf32, #tpu.memory_space<vmem>>) attributes {dimension_semantics = [#tpu.dimension_semantics<arbitrary>], iteration_bounds = array<i64: 10>, scalar_prefetch = 0 : i64, scratch_operands = 0 : i64, tpu.core_type = #tpu.core_type<tc>, window_params = [{transform_indices = @transform_0, window_bounds = array<i64: 2, 1000, 32>}, {transform_indices = @transform_1, window_bounds = array<i64: 2, 1000, 8>}, {pipeline_mode = #tpu.pipeline_mode<synchronous>, transform_indices = @transform_2, window_bounds = array<i64: 1, 32>}, {pipeline_mode = #tpu.pipeline_mode<synchronous>, transform_indices = @transform_3, window_bounds = array<i64: 8, 32>}, {transform_indices = @transform_4, window_bounds = array<i64: 1000, 32>}]} {
    %get3A = arith.constant 0 : index
    %get3A_0 = arith.constant 0 : index
    %get3A_1 = arith.constant 0 : index
    %get3A_2 = vector.load %arg1[%get3A, %get3A_0, %get3A_1] : memref<2x1000x32xf32, #tpu.memory_space<vmem>>, vector<1x1000x32xf32>
    %get3A_3 = vector.shape_cast %get3A_2 : vector<1x1000x32xf32> to vector<1000x32xf32>
    %get3A_4 = arith.constant 1 : index
    %get3A_5 = arith.constant 0 : index
    %get3A_6 = arith.constant 0 : index
    %get3A_7 = vector.load %arg1[%get3A_4, %get3A_5, %get3A_6] : memref<2x1000x32xf32, #tpu.memory_space<vmem>>, vector<1x1000x32xf32>
    %get3A_8 = vector.shape_cast %get3A_7 : vector<1x1000x32xf32> to vector<1000x32xf32>
    %add3A = arith.addf %get3A_3, %get3A_8 : vector<1000x32xf32>
    %get3A_9 = arith.constant 0 : index
    %get3A_10 = arith.constant 0 : index
    %get3A_11 = arith.constant 0 : index
    %get3A_12 = vector.load %arg2[%get3A_9, %get3A_10, %get3A_11] : memref<2x1000x8xf32, #tpu.memory_space<vmem>>, vector<1x1000x8xf32>
    %get3A_13 = vector.shape_cast %get3A_12 : vector<1x1000x8xf32> to vector<1000x8xf32>
    %get3A_14 = arith.constant 1 : index
    %get3A_15 = arith.constant 0 : index
    %get3A_16 = arith.constant 0 : index
    %get3A_17 = vector.load %arg2[%get3A_14, %get3A_15, %get3A_16] : memref<2x1000x8xf32, #tpu.memory_space<vmem>>, vector<1x1000x8xf32>
    %get3A_18 = vector.shape_cast %get3A_17 : vector<1x1000x8xf32> to vector<1000x8xf32>
    %add3A_19 = arith.addf %get3A_13, %get3A_18 : vector<1000x8xf32>
    %get3A_20 = arith.constant 0 : index
    %get3A_21 = arith.constant 0 : index
    %get3A_22 = vector.load %arg4[%get3A_20, %get3A_21] : memref<8x32xf32, #tpu.memory_space<vmem>>, vector<8x32xf32>
    %dot_general3A = arith.constant dense<0.000000e+00> : vector<1000x32xf32>
    %dot_general3A_23 = tpu.matmul %add3A_19, %get3A_22, %dot_general3A {dimension_numbers = #tpu.dot_dimension_numbers<[1], [0], [0], [1], [0, 0, 1, 1], [], []>, precision = #tpu.contract_precision<fp32>, transpose_lhs_hint = false} : vector<1000x8xf32>, vector<8x32xf32>, vector<1000x32xf32> -> vector<1000x32xf32>
    %add3A_24 = arith.constant 9.99999971E-10 : f32
    %add3A_25 = vector.broadcast %add3A_24 : f32 to vector<1000x32xf32>
    %add3A_26 = arith.addf %dot_general3A_23, %add3A_25 : vector<1000x32xf32>
    %div3A = arith.divf %add3A, %add3A_26 : vector<1000x32xf32>
    %get3A_27 = arith.constant 0 : index
    %get3A_28 = arith.constant 0 : index
    %get3A_29 = vector.load %arg3[%get3A_27, %get3A_28] : memref<1x32xf32, #tpu.memory_space<vmem>>, vector<1x32xf32>
    %add3A_30 = vector.broadcast %get3A_29 : vector<1x32xf32> to vector<1000x32xf32>
    %add3A_31 = arith.addf %div3A, %add3A_30 : vector<1000x32xf32>
    %swap3A = arith.constant 0 : index
    %swap3A_32 = arith.constant 0 : index
    %swap3A_33 = vector.load %arg5[%swap3A, %swap3A_32] : memref<1000x32xf32, #tpu.memory_space<vmem>>, vector<1000x32xf32>
    tpu.vector_store %arg5[%swap3A, %swap3A_32], %add3A_31 {strides = array<i32>} : memref<1000x32xf32, #tpu.memory_space<vmem>>, vector<1000x32xf32>,
    return
  }
  func.func @transform_0(%arg0: i32) -> (i32, i32, i32) {
    %c0_i32 = arith.constant 0 : i32
    %c0_i32_0 = arith.constant 0 : i32
    %c0_i32_1 = arith.constant 0 : i32
    return %c0_i32, %arg0, %c0_i32_0 : i32, i32, i32
  }
  func.func @transform_1(%arg0: i32) -> (i32, i32, i32) {
    %c0_i32 = arith.constant 0 : i32
    %c0_i32_0 = arith.constant 0 : i32
    %c0_i32_1 = arith.constant 0 : i32
    return %c0_i32, %arg0, %c0_i32_0 : i32, i32, i32
  }
  func.func @transform_2(%arg0: i32) -> (i32, i32) {
    %c0_i32 = arith.constant 0 : i32
    %c0_i32_0 = arith.constant 0 : i32
    %c0_i32_1 = arith.constant 0 : i32
    return %c0_i32, %c0_i32_0 : i32, i32
  }
  func.func @transform_3(%arg0: i32) -> (i32, i32) {
    %c0_i32 = arith.constant 0 : i32
    %c0_i32_0 = arith.constant 0 : i32
    %c0_i32_1 = arith.constant 0 : i32
    return %c0_i32, %c0_i32_0 : i32, i32
  }
  func.func @transform_4(%arg0: i32) -> (i32, i32) {
    %c0_i32 = arith.constant 0 : i32
    %c0_i32_0 = arith.constant 0 : i32
    return %arg0, %c0_i32 : i32, i32
  }
}

</mosaic_0001>

<sc_bundles>
// kernel: kernel.10.cloned.1.call-start
scs
__scs_entry_jumppad:
0x0: {  	(pc) =	sbr.rel $0x88, $3  }
0x1: {  	(tag) =	ssettag $0x0;
	lr =	simm.s32 $0x1  }
0x2: {  	[smem:$0x3F96] =	sst lr;
	_ =	strace $0xD0000000  }
0x3: {  	_ = 	snop  }
0x4: {  	_ = 	snop  }
0x5: {  	_ = 	snop  }
0x6: {  	_ = 	snop  }
0x7: {  	_ = 	snop  }
__scs_overlays_trampoline_lowered:
0x8: {  	[smem:$0x3FA5] =	sst s0  }
0x9: {  	[smem:$0x3FA6] =	sst s1  }
0xa: {  	[smem:$0x3FA7] =	sst s2  }
0xb: {  	[smem:$0x3FA8] =	sst s3  }
0xc: {  	[smem:$0x3FA9] =	sst s4  }
0xd: {  	[smem:$0x3FAA] =	sst s5  }
0xe: {  	[smem:$0x3FAB] =	sst s6  }
0xf: {  	[smem:$0x3FAC] =	sst s7  }
0x10: {  	[smem:$0x3FAD] =	sst s8  }
0x11: {  	[smem:$0x3FAE] =	sst s9;
	s0 =	simm.s32 @!p0 $0x0  }
0x12: {  	s1 =	sld [smem:$0x3F94];
	s0 =	simm.s32 @p0 $0x1  }
0x13: {  	[smem:$0x3FAF] =	sst s0;
	s0 =	simm.s32 @!p1 $0x0  }
0x14: {  	s2 =	sld [smem:$0x3F93];
	s0 =	simm.s32 @p1 $0x1  }
0x15: {  	[smem:$0x3FB0] =	sst s0;
	s0 =	simm.s32 @!p2 $0x0  }
0x16: {  	s3 =	sld [smem:$0x3FDB];
	s0 =	simm.s32 @p2 $0x1  }
0x17: {  	s4 =	simm.s32 $0x1BF5;
	[smem:$0x3FB2] =	sst s0  }
0x18: {  	s0 =	sld [smem:$0x3F95];
	_ =	swait.ge [sflag:s4], $0x0  }
0x19: {  	s7 =	sld [smem:$0x3F96]  }
0x1a: {  	s8 =	sadd.s32 $0xFFFFE003, lr  }
0x1b: {  	s9 =	sadd.s32 $0xFFFFFEF7, lr;
	s5 =	simm.s32 $0xFFFFFFFF;
	p2 =	slt.u32 s8, $0xFFFFF086  }
0x1c: {  	p1 =	slt.u32 s9, $0xF7A;
	s5 =	simm.s32 @!p2 $0x0  }
0x1d: {  	s5 =	simm.s32 @p1 $0x1;
	p0 =	seq.s32 s7, s2  }
0x1e: {  	s7 =	smul.u32 @!p0 $0xF7A, s2;
	p2 =	seq.s32 @!p0 s5, $0x0  }
0x1f: {  	s9 =	smul.u32 $0xF7A, s1;
	s8 =	simm.s32 @!p0 $0x1BF5;
	p2 =	por !p2, p0  }
0x20: {  	[sflag:s8] =	ssyncset.s32 @!p0 $0xFFFFF086;
	s6 =	sadd.s32 @!p0 s3, s7;
	s7 =	simm.s32 @!p0 $0x108  }
0x21: {  	s3 =	sadd.s32 s3, s9;
	s6 =	sadd.s32 @!p0 $0x88, s6;
	s7 =	simm.s32 @p2 $0x1082  }
0x22: {  	[simem:s7], [sflag:s8] =	dma.local @!p0 [hbm:s6], $0xF7A  }
0x23: {  	s9 =	sor.u32 $0xD0000000, s2;
	s6 =	simm.s32 $0x108;
	_ =	swait.ge @!p0 [sflag:s8], $0x0  }
0x24: {  	s3 =	sadd.s32 $0x88, s3;
	s6 =	simm.s32 @!p1 $0x1082;
	[sflag:s4] =	ssyncset.s32 $0xFFFFF086  }
0x25: {  	[simem:s6], [sflag:s4] =	dma.local [hbm:s3], $0xF7A  }
0x26: {  	[smem:$0x3F96] =	sst s1;
	(tag) =	ssettag s2;
	_ =	strace s9  }
0x27: {  	s1 =	sld [smem:$0x3FA6]  }
0x28: {  	s2 =	sld [smem:$0x3FA7]  }
0x29: {  	s4 =	sld [smem:$0x3FA9]  }
0x2a: {  	p0 =	seq.s32 s5, $0x0;
	s5 =	sld [smem:$0x3FAA]  }
0x2b: {  	s6 =	sld [smem:$0x3FAB]  }
0x2c: {  	s7 =	sld [smem:$0x3FAC]  }
0x2d: {  	s3 =	simm.s32 $0x108;
	s8 =	sld [smem:$0x3FAD]  }
0x2e: {  	s3 =	simm.s32 @!p0 $0x1082;
	s9 =	sld [smem:$0x3FAE]  }
0x2f: {  	lr =	sadd.s32 s0, s3;
	s0 =	sld [smem:$0x3FA5]  }
0x30: {  	s3 =	sld [smem:$0x3FA8]  }
0x31: {  	[smem:$0x3FB1] =	sst s10  }
0x32: {  	s10 =	sld [smem:$0x3FAF];
	_ =	sdelay $0x3  }
0x33: {  	p0 =	seq.s32 s10, $0x1;
	s10 =	sld [smem:$0x3FB1];
	_ =	sdelay $0x3  }
0x34: {  	[smem:$0x3FB1] =	sst s10  }
0x35: {  	s10 =	sld [smem:$0x3FB0];
	_ =	sdelay $0x3  }
0x36: {  	p1 =	seq.s32 s10, $0x1;
	s10 =	sld [smem:$0x3FB1];
	_ =	sdelay $0x3  }
0x37: {  	[smem:$0x3FB1] =	sst s10  }
0x38: {  	s10 =	sld [smem:$0x3FB2]  }
0x39: {  	_ = 	snop;
	(pc) =	sbr.ind lr, $3  }
0x3a: {  	_ = 	snop  }
0x3b: {  	_ = 	snop  }
0x3c: {  	p2 =	seq.s32 s10, $0x1;
	s10 =	sld [smem:$0x3FB1]  }
0x3d: {  	_ =	shalt  }
0x3e: {  	_ =	shalt  }
0x3f: {  	_ =	shalt  }
0x40: {  	_ =	shalt  }
0x41: {  	_ =	shalt  }
0x42: {  	_ =	shalt  }
0x43: {  	_ =	shalt  }
0x44: {  	_ =	shalt  }
0x45: {  	_ =	shalt  }
0x46: {  	_ =	shalt  }
0x47: {  	_ =	shalt  }
0x48: {  	_ =	shalt  }
0x49: {  	_ =	shalt  }
0x4a: {  	_ =	shalt  }
0x4b: {  	_ =	shalt  }
0x4c: {  	_ =	shalt  }
0x4d: {  	_ =	shalt  }
0x4e: {  	_ =	shalt  }
0x4f: {  	_ =	shalt  }
0x50: {  	_ =	shalt  }
0x51: {  	_ =	shalt  }
0x52: {  	_ =	shalt  }
0x53: {  	_ =	shalt  }
0x54: {  	_ =	shalt  }
0x55: {  	_ =	shalt  }
0x56: {  	_ =	shalt  }
0x57: {  	_ =	shalt  }
0x58: {  	_ =	shalt  }
0x59: {  	_ =	shalt  }
0x5a: {  	_ =	shalt  }
0x5b: {  	_ =	shalt  }
0x5c: {  	_ =	shalt  }
0x5d: {  	_ =	shalt  }
0x5e: {  	_ =	shalt  }
0x5f: {  	_ =	shalt  }
0x60: {  	_ =	shalt  }
0x61: {  	_ =	shalt  }
0x62: {  	_ =	shalt  }
0x63: {  	_ =	shalt  }
0x64: {  	_ =	shalt  }
0x65: {  	_ =	shalt  }
0x66: {  	_ =	shalt  }
0x67: {  	_ =	shalt  }
0x68: {  	_ =	shalt  }
0x69: {  	_ =	shalt  }
0x6a: {  	_ =	shalt  }
0x6b: {  	_ =	shalt  }
0x6c: {  	_ =	shalt  }
0x6d: {  	_ =	shalt  }
0x6e: {  	_ =	shalt  }
0x6f: {  	_ =	shalt  }
0x70: {  	_ =	shalt  }
0x71: {  	_ =	shalt  }
0x72: {  	_ =	shalt  }
0x73: {  	_ =	shalt  }
0x74: {  	_ =	shalt  }
0x75: {  	_ =	shalt  }
0x76: {  	_ =	shalt  }
0x77: {  	_ =	shalt  }
0x78: {  	_ =	shalt  }
0x79: {  	_ =	shalt  }
0x7a: {  	_ =	shalt  }
0x7b: {  	_ =	shalt  }
0x7c: {  	_ =	shalt  }
0x7d: {  	_ =	shalt  }
0x7e: {  	_ =	shalt  }
0x7f: {  	_ =	shalt  }
0x80: {  	_ =	shalt  }
0x81: {  	_ =	shalt  }
0x82: {  	_ =	shalt  }
0x83: {  	_ =	shalt  }
0x84: {  	_ =	shalt  }
0x85: {  	_ =	shalt  }
0x86: {  	_ =	shalt  }
0x87: {  	_ =	shalt  }
.Lfunc_end0:
.L_simem_size_0:
called_computation.1_lowered:
.L_overlay_start_0:
0x88: {  	s2 =	sld [smem:$0x3FD9]  }
0x89: {  	s3 =	sld [smem:$0x3FFE];
	_ =	sdelay $0x1  }
0x8a: {  	s1 =	srdreg.scid  }
0x8b: {  	s0 =	sand.u32 $0x1, s1  }
0x8c: {  	s14 =	sshll.u32 s0, $0xA;
	s2 =	sadd.s32 s3, s2  }
0x8d: {  	s2 =	sadd.s32 s2, s14  }
0x8e: {  	[smem:$0x3FBD] =	sst s2  }
0x8f: {  	_ = 	snop  }
0x90: {  	s2 =	sld [smem:$0x3FD0];
	_ =	sdelay $0x2  }
0x91: {  	s15 =	simm.s32 $0xA;
	s4 =	simm.s32 $0x10  }
0x92: {  	[smem:s4], [sflag:s15] =	dma.local [hbm:s2], $0x1  }
0x93: {  	_ =	swait.eq [sflag:s15], $0x1  }
0x94: {  	[sflag:s15] =	ssyncset.done $0x0  }
0x95: {  	[sflag:s15] =	ssyncadd.s32 $0xFFFFFFFF  }
0x96: {  	s16 =	sld [smem:$0x10];
	(tm) =	ssettm $0x1  }
0x97: {  	s17 =	sld [smem:$0x3FFB];
	_ =	sdelay $0x3  }
0x98: {  	_ =	strace s17  }
0x99: {  	s3 =	sld [smem:$0x3FFC];
	_ =	sdelay $0x3  }
0x9a: {  	_ =	strace s3  }
0x9b: {  	s3 =	sld [smem:$0x3FFD];
	_ =	sdelay $0x3  }
0x9c: {  	_ =	strace s3  }
0x9d: {  	_ =	strace $0x8FFFFFFF  }
0x9e: {  	s18 =	sld [smem:$0x3FDB];
	_ =	sdelay $0x1  }
0x9f: {  	s19 =	simm.s32 $_scs_section_size  }
0xa0: {  	s5 =	simm.s32 $_size__tile_overlayer_lowered;
	s6 =	simm.s32 $_tile_overlayer_lowered  }
0xa1: {  	s22 =	simm.s32 $0x1BFF;
	s21 =	sshll.u32 s6, $0x1;
	s3 =	sadd.s32 s19, s18  }
0xa2: {  	s7 =	simm.s32 $0x0;
	s20 =	sshll.u32 s5, $0x1;
	s5 =	sadd.s32 s21, s3  }
0xa3: {  	[timem:s7], [sflag:s22] =	dma.local [hbm:s5], s20  }
0xa4: {  	_ =	swait.ge [sflag:s22], s20  }
0xa5: {  	s4 =	ssub.s32 $0x0, s20;
	[sflag:s22] =	ssyncset.done $0x0  }
0xa6: {  	[sflag:s22] =	ssyncadd.s32 s4;
	_ =	sdelay $0x1  }
0xa7: {  	s23 =	simm.s32 $0x1B8B  }
0xa8: {  	_ =	swait.ge [sflag:s23], $0x1  }
0xa9: {  	[sflag:s23] =	ssyncset.done $0x0  }
0xaa: {  	s25 =	simm.s32 $0x1B8E;
	s24 =	sld [smem:$0x3FFE];
	[sflag:s23] =	ssyncadd.s32 $0xFFFFFFFF  }
0xab: {  	s26 =	simm.s32 $execute0_lowered;
	[smem:$0x3FD2] =	sst s25  }
0xac: {  	s5 =	sshll.u32 s26, $0x1;
	_ =	strace $0x80000049;
	[dreg:$0x1] =	wrdreg $0xFFFFFFFF  }
0xad: {  	s28 =	simm.s32 $_size_execute0_lowered;
	s3 =	sadd.s32 s3, s5;
	[dreg:$0x0] =	wrdreg $0x0  }
0xae: {  	s5 =	sshll.u32 s28, $0x1;
	[dreg:$0x2] =	wrdreg s3  }
0xaf: {  	[dreg:$0x3] =	wrdreg s5  }
0xb0: {  	[dreg:$0x4] =	wrdreg $0xC0  }
0xb1: {  	_ =	task [dreg:s7], $0x5FFFF  }
0xb2: {  	[dreg:$0x1] =	wrdreg $0xFFFFFFFF  }
0xb3: {  	[dreg:$0x0] =	wrdreg $0x60  }
0xb4: {  	[dreg:$0x2] =	wrdreg s16  }
0xb5: {  	[dreg:$0x3] =	wrdreg s24  }
0xb6: {  	[dreg:$0x4] =	wrdreg $0x70080  }
0xb7: {  	[dreg:$0x5] =	wrdreg $0xBE380  }
0xb8: {  	[dreg:$0x6] =	wrdreg $0x9  }
0xb9: {  	_ =	task.clear_ibuf [dreg:s7], $0x7FFFF;
	_ =	strace $0x90000049  }
0xba: {  	s29 =	simm.s32 $0x9;
	_ =	strace $0x8000004B  }
0xbb: {  	_ =	swait.ge [sflag:s29], $0x1  }
0xbc: {  	[sflag:s29] =	ssyncadd.s32 $0xFFFFFFFF  }
0xbd: {  	_ =	strace $0x9000004B  }
0xbe: {  	_ =	sfence  }
0xbf: {  	s30 =	sld [smem:$0x0];
	_ =	sdelay $0x2  }
0xc0: {  	s31 =	sshll.u32 s1, $0xD;
	s1 =	sshrl.u32 s1, $0x2  }
0xc1: {  	s3 =	sand.u32 $0x4000, s31;
	s1 =	sadd.s32 s1, s30  }
0xc2: {  	s0 =	sor.u32 s3, s0;
	s1 =	sshll.u32 s1, $0x11  }
0xc3: {  	s0 =	sor.u32 s1, s0  }
0xc4: {  	s0 =	sadd.s32 $0x8F2B, s0  }
0xc5: {  	[sflag:s0] =	ssyncadd.remote.s32 $0x1  }
0xc6: {  	_ =	sfence.sel $0xFFFF  }
0xc7: {  	[dreg:$0x0] =	wrdreg $0xFFFFFFFF;
	(pc) =	sbr.abs _section_cstart, $3  }
0xc8: {  	[dreg:$0x1] =	wrdreg $0xFFFFFFFF  }
0xc9: {  	_ =	task.clear_ibuf [dreg:s7], $0x2FFFF;
	_ =	strace $0x9FFFFFFF  }
0xca: {  	(tm) =	ssettm $0x7FFFFFFF  }
0xcb: {  	_ =	shalt  }
tec
execute0_lowered:
.L_overlay_start_1:
0x0: {  	(tag) =	ssettag $0x1  }
0x1: {  	s1 =	rddreg [dreg:$0x0]  }
0x2: {  	s0 =	srdreg.scid;
	s5 =	rddreg [dreg:$0x1]  }
0x3: {  	s30 =	stileid.u32;
	s2 =	rddreg [dreg:$0x2]  }
0x4: {  	s3 =	simm.s32 $0x0;
	s4 =	sand.u32 $0x1, s0;
	s7 =	smul.u32 $0x270, s30  }
0x5: {  	[smem:$0x7FF] =	sst s3;
	s9 =	smul.u32 $0x4E00, s30;
	s10 =	sadd.s32 $0x13E00, s5  }
0x6: {  	p0 =	sne.s32 s30, $0xF;
	s0 =	sshll.u32 s4, $0x4;
	s13 =	smul.u32 $0x4E200, s4  }
0x7: {  	s21 =	ssub.s32 $0x2, s4;
	s4 =	smul.u32 $0x13880, s4;
	s0 =	sor.u32 s30, s0  }
0x8: {  	s8 =	sshrl.u32 s21, $0x1;
	s11 =	sadd.s32 $0x80, s7;
	s12 =	sadd.s32 $0x100, s7  }
0x9: {  	s16 =	sadd.s32 $0x180, s7;
	s7 =	sadd.s32 $0x200, s7;
	s6 =	smul.u32 $0x500, s0  }
0xa: {  	s0 =	ssub.s32 s21, s8;
	s8 =	smul.u32 $0x1380, s30;
	s14 =	sshll.u32 s11, $0x5  }
0xb: {  	s15 =	sshll.u32 s12, $0x5;
	s17 =	sshll.u32 s16, $0x5;
	s18 =	sadd.s32 s9, s13  }
0xc: {  	s20 =	sshll.u32 s7, $0x5;
	s30 =	simm.s32 $0x0;
	s18 =	sshrl.u32 s18, $0x3  }
0xd: {  	s19 =	sadd.s32 s13, s14;
	s24 =	sadd.s32 s13, s15;
	s21 =	sadd.s32 s13, s17  }
0xe: {  	s31 =	sadd.s32 s14, s2;
	s29 =	sadd.s32 s17, s2;
	s0 =	smax.u32 s0, $0x1  }
0xf: {  	s18 =	sadd.s32 s10, s18;
	s22 =	sshrl.u32 s19, $0x3;
	s23 =	sadd.s32 s8, s4  }
0x10: {  	s25 =	sshrl.u32 s21, $0x3;
	s4 =	sshrl.u32 s4, $0x3;
	s19 =	sadd.s32 s9, s2  }
0x11: {  	s9 =	simm.s32 $0x6800;
	[dreg:$0x5] =	wrdreg s18;
	s18 =	sadd.s32 s10, s22  }
0x12: {  	s22 =	sadd.s32 s13, s20;
	s13 =	sshrl.u32 s13, $0x3;
	s23 =	sshrl.u32 s23, $0x3  }
0x13: {  	[dreg:$0x6] =	wrdreg s18;
	s18 =	sshrl.u32 s24, $0x3;
	s26 =	sshrl.u32 s22, $0x3  }
0x14: {  	s22 =	sadd.s32 $0xEE00, s5;
	s18 =	sadd.s32 s10, s18;
	s21 =	sadd.s32 s10, s26  }
0x15: {  	s11 =	sadd.s32 s22, s11;
	s12 =	sadd.s32 s22, s12;
	s7 =	sadd.s32 s22, s7  }
0x16: {  	s26 =	sadd.s32 s6, s5;
	s6 =	sadd.s32 $0x5000, s5;
	[dreg:$0x7] =	wrdreg s18  }
0x17: {  	s18 =	sadd.s32 s10, s25;
	[dreg:$0x9] =	wrdreg s21;
	s10 =	sadd.s32 s10, s13  }
0x18: {  	s13 =	sadd.s32 s22, s23;
	s11 =	sadd.s32 s4, s11;
	[dreg:$0x8] =	wrdreg s18  }
0x19: {  	s24 =	sadd.s32 s4, s12;
	s25 =	sadd.s32 s22, s16;
	[dreg:$0xa] =	wrdreg s13  }
0x1a: {  	s7 =	sadd.s32 s4, s7;
	s16 =	sadd.s32 $0x2800, s5;
	[dreg:$0xb] =	wrdreg s11  }
0x1b: {  	s5 =	sadd.s32 $0x40200, s5;
	s23 =	sshrl.u32 s20, $0x2;
	[dreg:$0xc] =	wrdreg s24  }
0x1c: {  	s12 =	simm.s32 $0x6000;
	s13 =	rddreg [dreg:$0x3];
	s11 =	sadd.s32 s4, s25  }
0x1d: {  	[dreg:$0xe] =	wrdreg s7;
	s4 =	sadd.s32 s22, s4;
	s18 =	sshrl.u32 s15, $0x2  }
0x1e: {  	s22 =	sshrl.u32 s17, $0x2;
	s24 =	sadd.s32 $0x36200, s26;
	[dreg:$0xd] =	wrdreg s11  }
0x1f: {  	s25 =	sadd.s32 $0x2C200, s26;
	_ =	strace $0x8000004A;
	[dreg:$0xf] =	wrdreg s6  }
0x20: {  	s26 =	sadd.s32 $0x9C00, s10;
	s7 =	simm.s32 $0x5000;
	[dreg:$0x10] =	wrdreg s5  }
0x21: {  	s10 =	simm.s32 $0x80;
	s17 =	simm.s32 $0x6C00;
	[dreg:$0x13] =	wrdreg s24  }
0x22: {  	v0 =	vlaneseq.u32;
	s21 =	sadd.s32 s8, s13;
	s11 =	sshrl.u32 s14, $0x2;
	[dreg:$0x14] =	wrdreg s25  }
0x23: {  	v1 =	vmul.u32 $0x8, v0;
	s28 =	sadd.s32 s18, s13;
	s4 =	sadd.s32 $0x2700, s4;
	[dreg:$0x15] =	wrdreg s26  }
0x24: {  	v17 =	vor.u32 $0x10, v0;
	s22 =	sadd.s32 s22, s13;
	s23 =	sadd.s32 s23, s13;
	[dreg:$0x16] =	wrdreg s4  }
0x25: {  	v2 =	vor.u32 $0x1, v1;
	v3 =	vor.u32 $0x80, v1;
	v4 =	vor.u32 $0x81, v1;
	s8 =	simm.s32 $0x3;
	s18 =	simm.s32 $0x2;
	[dreg:$0x17] =	wrdreg s0  }
0x26: {  	v5 =	vor.u32 $0x100, v1;
	v6 =	vor.u32 $0x101, v1;
	v7 =	vor.u32 $0x180, v1;
	s14 =	sadd.s32 s11, s13;
	s11 =	sadd.s32 s15, s2;
	[dreg:$0x11] =	wrdreg s22  }
0x27: {  	v8 =	vor.u32 $0x181, v1;
	v9 =	vor.u32 $0x200, v1;
	v10 =	vor.u32 $0x201, v1;
	s6 =	sadd.s32 s20, s2;
	s24 =	sadd.s32 $0x4E000, s2;
	[dreg:$0x12] =	wrdreg s23  }
0x28: {  	v11 =	vor.u32 $0x280, v1;
	v12 =	vor.u32 $0x281, v1;
	v13 =	vor.u32 $0x300, v1;
	s25 =	sadd.s32 $0x13800, s13;
	s15 =	simm.s32 $0x1;
	[dreg:$0x18] =	wrdreg s24  }
0x29: {  	v14 =	vor.u32 $0x301, v1;
	v15 =	vor.u32 $0x380, v1;
	v16 =	vor.u32 $0x381, v1;
	s20 =	smov.u32 s14;
	s14 =	simm.s32 $0x6400;
	[dreg:$0x19] =	wrdreg s25  }
.LBB2_1:
0x2a: {  	s0 =	rddreg [dreg:$0xf]  }
0x2b: {  	[tilespmem:s7], [sflag:$0x3] =	stream.linear.gather [hbm4b:s0+s3], $0x1000, $0x38;
	[tilespmem:$0xD1C8] =	vst v63  }
0x2c: {  	_ =	swait.ge [sflag:s8], $0x1000  }
0x2d: {  	[sflag:s8] =	ssyncset.done $0x0  }
0x2e: {  	s26 =	rddreg [dreg:$0x10];
	[sflag:s8] =	ssyncadd.s32 $0xFFFFF000  }
0x2f: {  	[tilespmem:s9], [sflag:$0x3] =	stream.linear.gather [hbm4b:s26+s3], $0x400, $0x38;
	[tilespmem:$0xD1C8] =	vst v63  }
0x30: {  	_ =	swait.ge [sflag:s8], $0x400  }
0x31: {  	[sflag:s8] =	ssyncset.done $0x0  }
0x32: {  	[sflag:s8] =	ssyncadd.s32 $0xFFFFFC00  }
0x33: {  	[spmem:s19] =	stream.linear.scatter [tilespmem:s7], [sflag:$0x3], $0x1000, $0x38;
	[tilespmem:$0xD1C8] =	vst v63  }
0x34: {  	_ =	swait.ge [sflag:s8], $0x1000  }
0x35: {  	[sflag:s8] =	ssyncset.done $0x0  }
0x36: {  	[sflag:s8] =	ssyncadd.s32 $0xFFFFF000  }
0x37: {  	[spmem:s21] =	stream.linear.scatter [tilespmem:s9], [sflag:$0x3], $0x400, $0x38;
	[tilespmem:$0xD1C8] =	vst v63  }
0x38: {  	_ =	swait.ge [sflag:s8], $0x400  }
0x39: {  	[sflag:s8] =	ssyncset.done $0x0  }
0x3a: {  	[sflag:s8] =	ssyncadd.s32 $0xFFFFFC00  }
0x3b: {  	[spmem:s31] =	stream.linear.scatter [tilespmem:s7], [sflag:$0x3], $0x1000, $0x38;
	[tilespmem:$0xD1C8] =	vst v63  }
0x3c: {  	_ =	swait.ge [sflag:s8], $0x1000  }
0x3d: {  	[sflag:s8] =	ssyncset.done $0x0  }
0x3e: {  	[sflag:s8] =	ssyncadd.s32 $0xFFFFF000  }
0x3f: {  	[spmem:s20] =	stream.linear.scatter [tilespmem:s9], [sflag:$0x3], $0x400, $0x38;
	[tilespmem:$0xD1C8] =	vst v63  }
0x40: {  	_ =	swait.ge [sflag:s8], $0x400  }
0x41: {  	[sflag:s8] =	ssyncset.done $0x0  }
0x42: {  	[sflag:s8] =	ssyncadd.s32 $0xFFFFFC00  }
0x43: {  	[spmem:s11] =	stream.linear.scatter [tilespmem:s7], [sflag:$0x3], $0x1000, $0x38;
	[tilespmem:$0xD1C8] =	vst v63  }
0x44: {  	_ =	swait.ge [sflag:s8], $0x1000  }
0x45: {  	[sflag:s8] =	ssyncset.done $0x0  }
0x46: {  	[sflag:s8] =	ssyncadd.s32 $0xFFFFF000  }
0x47: {  	[spmem:s28] =	stream.linear.scatter [tilespmem:s9], [sflag:$0x3], $0x400, $0x38;
	[tilespmem:$0xD1C8] =	vst v63  }
0x48: {  	_ =	swait.ge [sflag:s8], $0x400  }
0x49: {  	[sflag:s8] =	ssyncset.done $0x0  }
0x4a: {  	[sflag:s8] =	ssyncadd.s32 $0xFFFFFC00  }
0x4b: {  	[spmem:s29] =	stream.linear.scatter [tilespmem:s7], [sflag:$0x3], $0x1000, $0x38;
	[tilespmem:$0xD1C8] =	vst v63  }
0x4c: {  	_ =	swait.ge [sflag:s8], $0x1000  }
0x4d: {  	[sflag:s8] =	ssyncset.done $0x0  }
0x4e: {  	s5 =	smov.u32 s22;
	[sflag:s8] =	ssyncadd.s32 $0xFFFFF000  }
0x4f: {  	[spmem:s5] =	stream.linear.scatter [tilespmem:s9], [sflag:$0x3], $0x400, $0x38;
	[tilespmem:$0xD1C8] =	vst v63  }
0x50: {  	_ =	swait.ge [sflag:s8], $0x400  }
0x51: {  	[sflag:s8] =	ssyncset.done $0x0  }
0x52: {  	[sflag:s8] =	ssyncadd.s32 $0xFFFFFC00  }
0x53: {  	[spmem:s6] =	stream.linear.scatter [tilespmem:s7], [sflag:$0x3], $0xE00, $0x38;
	[tilespmem:$0xD1C8] =	vst v63  }
0x54: {  	_ =	swait.ge [sflag:s8], $0xE00  }
0x55: {  	[sflag:s8] =	ssyncset.done $0x0  }
0x56: {  	s4 =	smov.u32 s23;
	[sflag:s8] =	ssyncadd.s32 $0xFFFFF200  }
0x57: {  	[spmem:s4] =	stream.linear.scatter [tilespmem:s9], [sflag:$0x3], $0x380, $0x38;
	[tilespmem:$0xD1C8] =	vst v63  }
0x58: {  	_ =	swait.ge [sflag:s8], $0x380  }
0x59: {  	s23 =	smov.u32 s21;
	[sflag:s8] =	ssyncset.done $0x0  }
0x5a: {  	s0 =	simm.s32 @!p0 $0x5000;
	s21 =	smov.u32 s24;
	[sflag:s8] =	ssyncadd.s32 $0xFFFFFC80  }
0x5b: {  	[spmem:s21] =	stream.linear.scatter @!p0 [tilespmem:s0], [sflag:$0x3], $0x200, $0x38;
	[tilespmem:$0xD1C8] =	vst v63  }
0x5c: {  	s0 =	simm.s32 @!p0 $0x3  }
0x5d: {  	_ =	swait.ge @!p0 [sflag:s0], $0x200  }
0x5e: {  	s24 =	smov.u32 s31;
	[sflag:s0] =	ssyncset.done @!p0 $0x0  }
0x5f: {  	s31 =	smov.u32 s25;
	s4 =	simm.s32 @!p0 $0x6800;
	[sflag:s0] =	ssyncadd.s32 @!p0 $0xFFFFFE00  }
0x60: {  	[spmem:s31] =	stream.linear.scatter @!p0 [tilespmem:s4], [sflag:$0x3], $0x80, $0x38;
	[tilespmem:$0xD1C8] =	vst v63  }
0x61: {  	_ =	swait.ge @!p0 [sflag:s0], $0x80  }
0x62: {  	[sflag:s0] =	ssyncset.done @!p0 $0x0  }
0x63: {  	s22 =	smov.u32 s19;
	s19 =	rddreg [dreg:$0x13];
	[sflag:s0] =	ssyncadd.s32 @!p0 $0xFFFFFF80  }
0x64: {  	[tilespmem:s3], [sflag:$0x3] =	stream.linear.gather [hbm4b:s19+s3], $0x2800, $0x38;
	[tilespmem:$0xD1C8] =	vst v63  }
0x65: {  	_ =	swait.ge [sflag:s8], $0x2800  }
0x66: {  	s25 =	smov.u32 s20;
	[sflag:s8] =	ssyncset.done $0x0  }
0x67: {  	s21 =	simm.s32 $0x2800;
	s20 =	rddreg [dreg:$0x14];
	[sflag:s8] =	ssyncadd.s32 $0xFFFFD800  }
0x68: {  	[tilespmem:s21], [sflag:$0x3] =	stream.linear.gather [hbm4b:s20+s3], $0x2800, $0x38;
	[tilespmem:$0xD1C8] =	vst v63  }
0x69: {  	_ =	swait.ge [sflag:s8], $0x2800  }
0x6a: {  	[sflag:s8] =	ssyncset.done $0x0  }
0x6b: {  	s26 =	smov.u32 s11;
	[sflag:s8] =	ssyncadd.s32 $0xFFFFD800  }
0x6c: {  	s5 =	smov.u32 s6;
	s31 =	simm.s32 $0x0;
	[bflag:$0x0] =	sbarrier.arrive $0xFFFF  }
.LBB2_2:
0x6d: {  	s0 =	sshll.u32 s31, $0x7  }
0x6e: {  	[tilespmem:s12], [sflag:$0x1] =	stream.indirect.gather [hbm4b:s16+s10], $0x8, s0, s10, $0xb8;
	[tilespmem:$0xD1C8] =	vst v63  }
0x6f: {  	s11 =	sadd.s32 $0x2800, s0  }
0x70: {  	[tilespmem:s14], [sflag:$0x1] =	stream.indirect.gather [hbm4b:s16+s10], $0x8, s11, s10, $0xb8;
	[tilespmem:$0xD1C8] =	vst v63  }
0x71: {  	_ = 	snop  }
0x72: {  	[tilespmem:s7], [sflag:$0x2] =	stream.indirect.gather [hbm4b:s1+s10], $0x20, s0, s10, $0xb8;
	[tilespmem:$0xD1C8] =	vst v63  }
0x73: {  	_ =	swait.ge [sflag:s15], $0x400  }
0x74: {  	[sflag:s15] =	ssyncset.done $0x0  }
0x75: {  	[sflag:s15] =	ssyncadd.s32 $0xFFFFFC00  }
0x76: {  	_ =	swait.ge [sflag:s15], $0x400  }
0x77: {  	[sflag:s15] =	ssyncset.done $0x0  }
0x78: {  	[sflag:s15] =	ssyncadd.s32 $0xFFFFFC00  }
0x79: {  	v18 =	vld.idx.msk [tilespmem:v1+s12+$0x0], $0xffff  }
0x7a: {  	v19 =	vld.idx.msk [tilespmem:v2+s14+$0x0], $0xffff;
	_ =	sdelay $0x4  }
0x7b: {  	v18 =	vadd.f32 v19, v18;
	_ =	sdelay $0x1  }
0x7c: {  	v19 =	vmul.f32 $2.000000030e-01, v18  }
0x7d: {  	vm0 =	vge.f32 v18, $0.0e+00  }
0x7e: {  	v18 =	vsel vm0, v18, v19  }
0x7f: {  	v18 =	vmul.f32 $1.442695020e+00, v18;
	_ =	sdelay $0x1  }
0x80: {  	(erf) = vpow2.f32 v18;
	_ =	sdelay $0x8  }
0x81: {  	v18 =	vpop (erf)  }
0x82: {  	[tilespmem:v1+s9+$0x0] =	vst.idx.msk $0xffff, v18  }
0x83: {  	[tilespmem:v1+s17+$0x0] =	vst.idx.msk $0xffff, v18  }
0x84: {  	v18 =	vld.idx.msk [tilespmem:v3+s12+$0x0], $0xffff  }
0x85: {  	v19 =	vld.idx.msk [tilespmem:v4+s14+$0x0], $0xffff;
	_ =	sdelay $0x4  }
0x86: {  	v18 =	vadd.f32 v19, v18;
	_ =	sdelay $0x1  }
0x87: {  	v19 =	vmul.f32 $2.000000030e-01, v18  }
0x88: {  	vm9 =	vge.f32 v18, $0.0e+00  }
0x89: {  	v18 =	vsel vm9, v18, v19  }
0x8a: {  	v18 =	vmul.f32 $1.442695020e+00, v18;
	_ =	sdelay $0x1  }
0x8b: {  	(erf) = vpow2.f32 v18;
	_ =	sdelay $0x8  }
0x8c: {  	v18 =	vpop (erf)  }
0x8d: {  	[tilespmem:v3+s9+$0x0] =	vst.idx.msk $0xffff, v18  }
0x8e: {  	[tilespmem:v3+s17+$0x0] =	vst.idx.msk $0xffff, v18  }
0x8f: {  	v18 =	vld.idx.msk [tilespmem:v5+s12+$0x0], $0xffff  }
0x90: {  	v19 =	vld.idx.msk [tilespmem:v6+s14+$0x0], $0xffff;
	_ =	sdelay $0x4  }
0x91: {  	v18 =	vadd.f32 v19, v18;
	_ =	sdelay $0x1  }
0x92: {  	v19 =	vmul.f32 $2.000000030e-01, v18  }
0x93: {  	vm10 =	vge.f32 v18, $0.0e+00  }
0x94: {  	v18 =	vsel vm10, v18, v19  }
0x95: {  	v18 =	vmul.f32 $1.442695020e+00, v18;
	_ =	sdelay $0x1  }
0x96: {  	(erf) = vpow2.f32 v18;
	_ =	sdelay $0x8  }
0x97: {  	v18 =	vpop (erf)  }
0x98: {  	[tilespmem:v5+s9+$0x0] =	vst.idx.msk $0xffff, v18  }
0x99: {  	[tilespmem:v5+s17+$0x0] =	vst.idx.msk $0xffff, v18  }
0x9a: {  	v18 =	vld.idx.msk [tilespmem:v7+s12+$0x0], $0xffff  }
0x9b: {  	v19 =	vld.idx.msk [tilespmem:v8+s14+$0x0], $0xffff;
	_ =	sdelay $0x4  }
0x9c: {  	v18 =	vadd.f32 v19, v18;
	_ =	sdelay $0x1  }
0x9d: {  	v19 =	vmul.f32 $2.000000030e-01, v18  }
0x9e: {  	vm11 =	vge.f32 v18, $0.0e+00  }
0x9f: {  	v18 =	vsel vm11, v18, v19  }
0xa0: {  	v18 =	vmul.f32 $1.442695020e+00, v18;
	_ =	sdelay $0x1  }
0xa1: {  	(erf) = vpow2.f32 v18;
	_ =	sdelay $0x8  }
0xa2: {  	v18 =	vpop (erf)  }
0xa3: {  	[tilespmem:v7+s9+$0x0] =	vst.idx.msk $0xffff, v18  }
0xa4: {  	[tilespmem:v7+s17+$0x0] =	vst.idx.msk $0xffff, v18  }
0xa5: {  	v18 =	vld.idx.msk [tilespmem:v9+s12+$0x0], $0xffff  }
0xa6: {  	v19 =	vld.idx.msk [tilespmem:v10+s14+$0x0], $0xffff;
	_ =	sdelay $0x4  }
0xa7: {  	v18 =	vadd.f32 v19, v18;
	_ =	sdelay $0x1  }
0xa8: {  	v19 =	vmul.f32 $2.000000030e-01, v18  }
0xa9: {  	vm12 =	vge.f32 v18, $0.0e+00  }
0xaa: {  	v18 =	vsel vm12, v18, v19  }
0xab: {  	v18 =	vmul.f32 $1.442695020e+00, v18;
	_ =	sdelay $0x1  }
0xac: {  	(erf) = vpow2.f32 v18;
	_ =	sdelay $0x8  }
0xad: {  	v18 =	vpop (erf)  }
0xae: {  	[tilespmem:v9+s9+$0x0] =	vst.idx.msk $0xffff, v18  }
0xaf: {  	[tilespmem:v9+s17+$0x0] =	vst.idx.msk $0xffff, v18  }
0xb0: {  	v18 =	vld.idx.msk [tilespmem:v11+s12+$0x0], $0xffff  }
0xb1: {  	v19 =	vld.idx.msk [tilespmem:v12+s14+$0x0], $0xffff;
	_ =	sdelay $0x4  }
0xb2: {  	v18 =	vadd.f32 v19, v18;
	_ =	sdelay $0x1  }
0xb3: {  	v19 =	vmul.f32 $2.000000030e-01, v18  }
0xb4: {  	vm13 =	vge.f32 v18, $0.0e+00  }
0xb5: {  	v18 =	vsel vm13, v18, v19  }
0xb6: {  	v18 =	vmul.f32 $1.442695020e+00, v18;
	_ =	sdelay $0x1  }
0xb7: {  	(erf) = vpow2.f32 v18;
	_ =	sdelay $0x8  }
0xb8: {  	v18 =	vpop (erf)  }
0xb9: {  	[tilespmem:v11+s9+$0x0] =	vst.idx.msk $0xffff, v18  }
0xba: {  	[tilespmem:v11+s17+$0x0] =	vst.idx.msk $0xffff, v18  }
0xbb: {  	v18 =	vld.idx.msk [tilespmem:v13+s12+$0x0], $0xffff  }
0xbc: {  	v19 =	vld.idx.msk [tilespmem:v14+s14+$0x0], $0xffff;
	_ =	sdelay $0x4  }
0xbd: {  	v18 =	vadd.f32 v19, v18;
	_ =	sdelay $0x1  }
0xbe: {  	v19 =	vmul.f32 $2.000000030e-01, v18  }
0xbf: {  	vm14 =	vge.f32 v18, $0.0e+00  }
0xc0: {  	v18 =	vsel vm14, v18, v19  }
0xc1: {  	v18 =	vmul.f32 $1.442695020e+00, v18;
	_ =	sdelay $0x1  }
0xc2: {  	(erf) = vpow2.f32 v18;
	_ =	sdelay $0x8  }
0xc3: {  	v18 =	vpop (erf)  }
0xc4: {  	[tilespmem:v13+s9+$0x0] =	vst.idx.msk $0xffff, v18  }
0xc5: {  	[tilespmem:v13+s17+$0x0] =	vst.idx.msk $0xffff, v18  }
0xc6: {  	v18 =	vld.idx.msk [tilespmem:v15+s12+$0x0], $0xffff  }
0xc7: {  	v19 =	vld.idx.msk [tilespmem:v16+s14+$0x0], $0xffff;
	_ =	sdelay $0x4  }
0xc8: {  	v18 =	vadd.f32 v19, v18;
	_ =	sdelay $0x1  }
0xc9: {  	v19 =	vmul.f32 $2.000000030e-01, v18  }
0xca: {  	vm15 =	vge.f32 v18, $0.0e+00  }
0xcb: {  	v18 =	vsel vm15, v18, v19  }
0xcc: {  	v18 =	vmul.f32 $1.442695020e+00, v18;
	_ =	sdelay $0x1  }
0xcd: {  	(erf) = vpow2.f32 v18;
	_ =	sdelay $0x8  }
0xce: {  	v18 =	vpop (erf)  }
0xcf: {  	s4 =	simm.s32 $0x0;
	[tilespmem:v15+s9+$0x0] =	vst.idx.msk $0xffff, v18  }
0xd0: {  	[tilespmem:v15+s17+$0x0] =	vst.idx.msk $0xffff, v18;
	v18 =	vor.u32 s4, v0  }
0xd1: {  	_ =	swait.ge [sflag:s18], $0x1000  }
0xd2: {  	[sflag:s18] =	ssyncset.done $0x0  }
0xd3: {  	s0 =	simm.s32 $0x6C10;
	[sflag:s18] =	ssyncadd.s32 $0xFFFFF000  }
0xd4: {  	v19 =	vld.msk [tilespmem:s0+$0xFFFFFFF0 ss:$0x0], $0xffff  }
0xd5: {  	v20 =	vld.idx.msk [tilespmem:v18+s7+$0x0], $0xffff;
	_ =	sdelay $0x2  }
0xd6: {  	v21 =	vor.u32 s4, v17;
	_ =	sdelay $0x1  }
0xd7: {  	v20 =	vmul.f32 v19, v20;
	_ =	sdelay $0x1  }
0xd8: {  	[tilespmem:v18+s7+$0x0] =	vst.idx.msk $0xffff, v20  }
0xd9: {  	v18 =	vld.idx.msk [tilespmem:v21+s7+$0x0], $0xffff;
	_ =	sdelay $0x2  }
0xda: {  	s19 =	simm.s32 $0x20  }
0xdb: {  	v20 =	vor.u32 s19, v0  }
0xdc: {  	v18 =	vmul.f32 v18, v19;
	_ =	sdelay $0x1  }
0xdd: {  	[tilespmem:v21+s7+$0x0] =	vst.idx.msk $0xffff, v18  }
0xde: {  	v18 =	vld.msk [tilespmem:s0+$0xFFFFFFF8 ss:$0x0], $0xffff  }
0xdf: {  	v19 =	vld.idx.msk [tilespmem:v20+s7+$0x0], $0xffff;
	_ =	sdelay $0x2  }
0xe0: {  	v21 =	vor.u32 s19, v17;
	_ =	sdelay $0x1  }
0xe1: {  	v19 =	vmul.f32 v18, v19;
	_ =	sdelay $0x1  }
0xe2: {  	[tilespmem:v20+s7+$0x0] =	vst.idx.msk $0xffff, v19  }
0xe3: {  	v19 =	vld.idx.msk [tilespmem:v21+s7+$0x0], $0xffff;
	_ =	sdelay $0x2  }
0xe4: {  	s20 =	simm.s32 $0x40  }
0xe5: {  	v20 =	vor.u32 s20, v0  }
0xe6: {  	v18 =	vmul.f32 v19, v18;
	_ =	sdelay $0x1  }
0xe7: {  	[tilespmem:v21+s7+$0x0] =	vst.idx.msk $0xffff, v18  }
0xe8: {  	v18 =	vld.msk [tilespmem:s0+$0x0 ss:$0x0], $0xffff  }
0xe9: {  	v19 =	vld.idx.msk [tilespmem:v20+s7+$0x0], $0xffff;
	_ =	sdelay $0x2  }
0xea: {  	v21 =	vor.u32 s20, v17;
	_ =	sdelay $0x1  }
0xeb: {  	v19 =	vmul.f32 v18, v19;
	_ =	sdelay $0x1  }
0xec: {  	[tilespmem:v20+s7+$0x0] =	vst.idx.msk $0xffff, v19  }
0xed: {  	v19 =	vld.idx.msk [tilespmem:v21+s7+$0x0], $0xffff;
	_ =	sdelay $0x2  }
0xee: {  	s21 =	simm.s32 $0x60  }
0xef: {  	v20 =	vor.u32 s21, v0  }
0xf0: {  	v18 =	vmul.f32 v19, v18;
	_ =	sdelay $0x1  }
0xf1: {  	[tilespmem:v21+s7+$0x0] =	vst.idx.msk $0xffff, v18  }
0xf2: {  	v18 =	vld.msk [tilespmem:s0+$0x8 ss:$0x0], $0xffff  }
0xf3: {  	v21 =	vld.idx.msk [tilespmem:v20+s7+$0x0], $0xffff;
	_ =	sdelay $0x2  }
0xf4: {  	v19 =	vor.u32 s21, v17;
	_ =	sdelay $0x1  }
0xf5: {  	v21 =	vmul.f32 v18, v21;
	_ =	sdelay $0x1  }
0xf6: {  	[tilespmem:v20+s7+$0x0] =	vst.idx.msk $0xffff, v21  }
0xf7: {  	v20 =	vld.idx.msk [tilespmem:v19+s7+$0x0], $0xffff;
	_ =	sdelay $0x1  }
0xf8: {  	s4 =	simm.s32 $0x8;
	s19 =	simm.s32 $0x80  }
.LBB2_3:
0xf9: {  	p1 =	slt.u32 s4, $0x7C  }
0xfa: {  	v21 =	vor.u32 s19, v0;
	s0 =	sadd.s32 $0x20, s0;
	s20 =	smov.u32 s4;
	s4 =	sadd.s32 $0x4, s4  }
0xfb: {  	v18 =	vmul.f32 v20, v18;
	_ =	sdelay $0x1  }
0xfc: {  	[tilespmem:v19+s7+$0x0] =	vst.idx.msk $0xffff, v18  }
0xfd: {  	v18 =	vld.msk [tilespmem:s0+$0xFFFFFFF0 ss:$0x0], $0xffff  }
0xfe: {  	v19 =	vld.idx.msk [tilespmem:v21+s7+$0x0], $0xffff;
	_ =	sdelay $0x3  }
0xff: {  	v20 =	vor.u32 s19, v17;
	_ =	sdelay $0x1  }
0x100: {  	v19 =	vmul.f32 v18, v19;
	_ =	sdelay $0x1  }
0x101: {  	[tilespmem:v21+s7+$0x0] =	vst.idx.msk $0xffff, v19  }
0x102: {  	v19 =	vld.idx.msk [tilespmem:v20+s7+$0x0], $0xffff;
	_ =	sdelay $0x2  }
0x103: {  	s21 =	sadd.s32 $0x20, s19  }
0x104: {  	v21 =	vor.u32 s21, v0;
	_ =	sdelay $0x1  }
0x105: {  	v18 =	vmul.f32 v19, v18;
	_ =	sdelay $0x1  }
0x106: {  	[tilespmem:v20+s7+$0x0] =	vst.idx.msk $0xffff, v18  }
0x107: {  	v18 =	vld.msk [tilespmem:s0+$0xFFFFFFF8 ss:$0x0], $0xffff  }
0x108: {  	v19 =	vld.idx.msk [tilespmem:v21+s7+$0x0], $0xffff;
	_ =	sdelay $0x2  }
0x109: {  	v20 =	vor.u32 s21, v17;
	_ =	sdelay $0x2  }
0x10a: {  	v19 =	vmul.f32 v18, v19;
	_ =	sdelay $0x1  }
0x10b: {  	[tilespmem:v21+s7+$0x0] =	vst.idx.msk $0xffff, v19  }
0x10c: {  	v19 =	vld.idx.msk [tilespmem:v20+s7+$0x0], $0xffff;
	_ =	sdelay $0x2  }
0x10d: {  	s21 =	sadd.s32 $0x40, s19  }
0x10e: {  	v21 =	vor.u32 s21, v0;
	_ =	sdelay $0x1  }
0x10f: {  	v18 =	vmul.f32 v19, v18;
	_ =	sdelay $0x1  }
0x110: {  	[tilespmem:v20+s7+$0x0] =	vst.idx.msk $0xffff, v18  }
0x111: {  	v18 =	vld.msk [tilespmem:s0+$0x0 ss:$0x0], $0xffff  }
0x112: {  	v19 =	vld.idx.msk [tilespmem:v21+s7+$0x0], $0xffff;
	_ =	sdelay $0x1  }
0x113: {  	v20 =	vor.u32 s21, v17;
	_ =	sdelay $0x3  }
0x114: {  	v19 =	vmul.f32 v18, v19;
	_ =	sdelay $0x1  }
0x115: {  	[tilespmem:v21+s7+$0x0] =	vst.idx.msk $0xffff, v19  }
0x116: {  	v19 =	vld.idx.msk [tilespmem:v20+s7+$0x0], $0xffff;
	_ =	sdelay $0x2  }
0x117: {  	s19 =	sadd.s32 $0x60, s19  }
0x118: {  	v21 =	vor.u32 s19, v0;
	_ =	sdelay $0x1  }
0x119: {  	v18 =	vmul.f32 v19, v18;
	_ =	sdelay $0x1  }
0x11a: {  	[tilespmem:v20+s7+$0x0] =	vst.idx.msk $0xffff, v18  }
0x11b: {  	v18 =	vld.msk [tilespmem:s0+$0x8 ss:$0x0], $0xffff  }
0x11c: {  	v20 =	vld.idx.msk [tilespmem:v21+s7+$0x0], $0xffff  }
0x11d: {  	v19 =	vor.u32 s19, v17;
	_ =	sdelay $0x4  }
0x11e: {  	v20 =	vmul.f32 v18, v20;
	_ =	sdelay $0x1  }
0x11f: {  	[tilespmem:v21+s7+$0x0] =	vst.idx.msk $0xffff, v20  }
.Ltmp0:
0x120: {  	v20 =	vld.idx.msk [tilespmem:v19+s7+$0x0], $0xffff;
	(pc) =	sbr.rel @p1 .LBB2_3-.Ltmp0, $2  }
0x121: {  	_ =	sdelay $0x2  }
0x122: {  	s19 =	sshll.u32 s20, $0x5  }
0x123: {  	_ = 	snop  }
0x124: {  	v21 =	vor.u32 s19, v0  }
0x125: {  	v18 =	vmul.f32 v20, v18;
	_ =	sdelay $0x1  }
0x126: {  	s0 =	sadd.s32 $0x20, s0;
	[tilespmem:v19+s7+$0x0] =	vst.idx.msk $0xffff, v18  }
0x127: {  	v18 =	vld.msk [tilespmem:s0+$0xFFFFFFF0 ss:$0x0], $0xffff  }
0x128: {  	v19 =	vld.idx.msk [tilespmem:v21+s7+$0x0], $0xffff;
	_ =	sdelay $0x2  }
0x129: {  	v57 =	vor.u32 s19, v17;
	_ =	sdelay $0x1  }
0x12a: {  	v19 =	vmul.f32 v18, v19;
	_ =	sdelay $0x1  }
0x12b: {  	[tilespmem:v21+s7+$0x0] =	vst.idx.msk $0xffff, v19  }
0x12c: {  	v19 =	vld.idx.msk [tilespmem:v57+s7+$0x0], $0xffff;
	_ =	sdelay $0x2  }
0x12d: {  	s4 =	sadd.s32 $0x20, s19  }
0x12e: {  	v58 =	vor.u32 s4, v0  }
0x12f: {  	v18 =	vmul.f32 v19, v18;
	_ =	sdelay $0x1  }
0x130: {  	[tilespmem:v57+s7+$0x0] =	vst.idx.msk $0xffff, v18  }
0x131: {  	v18 =	vld.msk [tilespmem:s0+$0xFFFFFFF8 ss:$0x0], $0xffff  }
0x132: {  	v19 =	vld.idx.msk [tilespmem:v58+s7+$0x0], $0xffff;
	_ =	sdelay $0x2  }
0x133: {  	v59 =	vor.u32 s4, v17;
	_ =	sdelay $0x1  }
0x134: {  	v19 =	vmul.f32 v18, v19;
	_ =	sdelay $0x1  }
0x135: {  	[tilespmem:v58+s7+$0x0] =	vst.idx.msk $0xffff, v19  }
0x136: {  	v19 =	vld.idx.msk [tilespmem:v59+s7+$0x0], $0xffff;
	_ =	sdelay $0x2  }
0x137: {  	s20 =	sadd.s32 $0x40, s19  }
0x138: {  	v60 =	vor.u32 s20, v0  }
0x139: {  	v18 =	vmul.f32 v19, v18;
	_ =	sdelay $0x1  }
0x13a: {  	[tilespmem:v59+s7+$0x0] =	vst.idx.msk $0xffff, v18  }
0x13b: {  	v18 =	vld.msk [tilespmem:s0+$0x0 ss:$0x0], $0xffff  }
0x13c: {  	v19 =	vld.idx.msk [tilespmem:v60+s7+$0x0], $0xffff;
	_ =	sdelay $0x2  }
0x13d: {  	v61 =	vor.u32 s20, v17;
	_ =	sdelay $0x1  }
0x13e: {  	v19 =	vmul.f32 v18, v19;
	_ =	sdelay $0x1  }
0x13f: {  	[tilespmem:v60+s7+$0x0] =	vst.idx.msk $0xffff, v19  }
0x140: {  	v19 =	vld.idx.msk [tilespmem:v61+s7+$0x0], $0xffff;
	_ =	sdelay $0x2  }
0x141: {  	s21 =	sadd.s32 $0x60, s19  }
0x142: {  	v62 =	vor.u32 s21, v0  }
0x143: {  	v18 =	vmul.f32 v19, v18;
	_ =	sdelay $0x1  }
0x144: {  	[tilespmem:v61+s7+$0x0] =	vst.idx.msk $0xffff, v18  }
0x145: {  	v18 =	vld.msk [tilespmem:s0+$0x8 ss:$0x0], $0xffff  }
0x146: {  	v19 =	vld.idx.msk [tilespmem:v62+s7+$0x0], $0xffff;
	_ =	sdelay $0x2  }
0x147: {  	v63 =	vor.u32 s21, v17;
	_ =	sdelay $0x1  }
0x148: {  	v19 =	vmul.f32 v18, v19;
	_ =	sdelay $0x1  }
0x149: {  	[tilespmem:v62+s7+$0x0] =	vst.idx.msk $0xffff, v19  }
0x14a: {  	v19 =	vld.idx.msk [tilespmem:v63+s7+$0x0], $0xffff;
	_ =	sdelay $0x4  }
0x14b: {  	v18 =	vmul.f32 v19, v18;
	_ =	sdelay $0x1  }
0x14c: {  	[tilespmem:v63+s7+$0x0] =	vst.idx.msk $0xffff, v18  }
0x14d: {  	[spmem:s2] =	stream.indirect.scatter.add.f32 [tilespmem:s7], [sflag:$0x3], $0x20, s11, s10, $0xb8;
	[tilespmem:$0xD1C8] =	vst v63  }
0x14e: {  	s31 =	sadd.s32 $0x1, s31;
	_ =	swait.ge [sflag:s8], $0x1000  }
0x14f: {  	p1 =	sne.s32 s31, $0x50;
	[sflag:s8] =	ssyncset.done $0x0  }
.Ltmp1:
0x150: {  	[sflag:s8] =	ssyncadd.s32 $0xFFFFF000;
	(pc) =	sbr.rel @p1 .LBB2_2-.Ltmp1, $4  }
0x151: {  	[spmem:s13] =	stream.indirect.scatter.add.f32 [tilespmem:s9], [sflag:$0x3], $0x8, s11, s10, $0xb8;
	[tilespmem:$0xD1C8] =	vst v63  }
0x152: {  	_ =	swait.ge [sflag:s8], $0x400  }
0x153: {  	[sflag:s8] =	ssyncset.done $0x0  }
0x154: {  	[sflag:s8] =	ssyncadd.s32 $0xFFFFFC00  }
0x155: {  	[bflag:$0x0] =	sbarrier.arrive $0xFFFF  }
0x156: {  	[tilespmem:s7], [sflag:$0x3] =	stream.linear.gather [spmem:s22], $0x1000, $0x38;
	[tilespmem:$0xD1C8] =	vst v63  }
0x157: {  	_ =	swait.ge [sflag:s8], $0x1000  }
0x158: {  	[sflag:s8] =	ssyncset.done $0x0  }
0x159: {  	s0 =	rddreg [dreg:$0x5];
	[sflag:s8] =	ssyncadd.s32 $0xFFFFF000  }
0x15a: {  	[hbm4b:s0+s3] =	stream.linear.scatter [tilespmem:s7], [sflag:$0x3], $0x1000, $0x38;
	[tilespmem:$0xD1C8] =	vst v63  }
0x15b: {  	_ =	swait.ge [sflag:s8], $0x1000  }
0x15c: {  	[sflag:s8] =	ssyncset.done $0x0  }
0x15d: {  	[sflag:s8] =	ssyncadd.s32 $0xFFFFF000  }
0x15e: {  	[tilespmem:s9], [sflag:$0x3] =	stream.linear.gather [spmem:s23], $0x400, $0x38;
	[tilespmem:$0xD1C8] =	vst v63  }
0x15f: {  	_ =	swait.ge [sflag:s8], $0x400  }
0x160: {  	[sflag:s8] =	ssyncset.done $0x0  }
0x161: {  	s21 =	smov.u32 s23;
	s23 =	rddreg [dreg:$0xa];
	[sflag:s8] =	ssyncadd.s32 $0xFFFFFC00  }
0x162: {  	[hbm4b:s23+s3] =	stream.linear.scatter [tilespmem:s9], [sflag:$0x3], $0x400, $0x38;
	[tilespmem:$0xD1C8] =	vst v63  }
0x163: {  	_ =	swait.ge [sflag:s8], $0x400  }
0x164: {  	[sflag:s8] =	ssyncset.done $0x0  }
0x165: {  	[sflag:s8] =	ssyncadd.s32 $0xFFFFFC00  }
0x166: {  	[tilespmem:s7], [sflag:$0x3] =	stream.linear.gather [spmem:s24], $0x1000, $0x38;
	[tilespmem:$0xD1C8] =	vst v63  }
0x167: {  	_ =	swait.ge [sflag:s8], $0x1000  }
0x168: {  	[sflag:s8] =	ssyncset.done $0x0  }
0x169: {  	s31 =	smov.u32 s24;
	s24 =	rddreg [dreg:$0x6];
	[sflag:s8] =	ssyncadd.s32 $0xFFFFF000  }
0x16a: {  	[hbm4b:s24+s3] =	stream.linear.scatter [tilespmem:s7], [sflag:$0x3], $0x1000, $0x38;
	[tilespmem:$0xD1C8] =	vst v63  }
0x16b: {  	_ =	swait.ge [sflag:s8], $0x1000  }
0x16c: {  	[sflag:s8] =	ssyncset.done $0x0  }
0x16d: {  	[sflag:s8] =	ssyncadd.s32 $0xFFFFF000  }
0x16e: {  	[tilespmem:s9], [sflag:$0x3] =	stream.linear.gather [spmem:s25], $0x400, $0x38;
	[tilespmem:$0xD1C8] =	vst v63  }
0x16f: {  	_ =	swait.ge [sflag:s8], $0x400  }
0x170: {  	[sflag:s8] =	ssyncset.done $0x0  }
0x171: {  	s4 =	rddreg [dreg:$0xb];
	[sflag:s8] =	ssyncadd.s32 $0xFFFFFC00  }
0x172: {  	[hbm4b:s4+s3] =	stream.linear.scatter [tilespmem:s9], [sflag:$0x3], $0x400, $0x38;
	[tilespmem:$0xD1C8] =	vst v63  }
0x173: {  	_ =	swait.ge [sflag:s8], $0x400  }
0x174: {  	[sflag:s8] =	ssyncset.done $0x0  }
0x175: {  	[sflag:s8] =	ssyncadd.s32 $0xFFFFFC00  }
0x176: {  	[tilespmem:s7], [sflag:$0x3] =	stream.linear.gather [spmem:s26], $0x1000, $0x38;
	[tilespmem:$0xD1C8] =	vst v63  }
0x177: {  	_ =	swait.ge [sflag:s8], $0x1000  }
0x178: {  	[sflag:s8] =	ssyncset.done $0x0  }
0x179: {  	s6 =	rddreg [dreg:$0x7];
	[sflag:s8] =	ssyncadd.s32 $0xFFFFF000  }
0x17a: {  	[hbm4b:s6+s3] =	stream.linear.scatter [tilespmem:s7], [sflag:$0x3], $0x1000, $0x38;
	[tilespmem:$0xD1C8] =	vst v63  }
0x17b: {  	_ =	swait.ge [sflag:s8], $0x1000  }
0x17c: {  	[sflag:s8] =	ssyncset.done $0x0  }
0x17d: {  	[sflag:s8] =	ssyncadd.s32 $0xFFFFF000  }
0x17e: {  	[tilespmem:s9], [sflag:$0x3] =	stream.linear.gather [spmem:s28], $0x400, $0x38;
	[tilespmem:$0xD1C8] =	vst v63  }
0x17f: {  	_ =	swait.ge [sflag:s8], $0x400  }
0x180: {  	[sflag:s8] =	ssyncset.done $0x0  }
0x181: {  	s11 =	rddreg [dreg:$0xc];
	[sflag:s8] =	ssyncadd.s32 $0xFFFFFC00  }
0x182: {  	[hbm4b:s11+s3] =	stream.linear.scatter [tilespmem:s9], [sflag:$0x3], $0x400, $0x38;
	[tilespmem:$0xD1C8] =	vst v63  }
0x183: {  	_ =	swait.ge [sflag:s8], $0x400  }
0x184: {  	[sflag:s8] =	ssyncset.done $0x0  }
0x185: {  	[sflag:s8] =	ssyncadd.s32 $0xFFFFFC00  }
0x186: {  	[tilespmem:s7], [sflag:$0x3] =	stream.linear.gather [spmem:s29], $0x1000, $0x38;
	[tilespmem:$0xD1C8] =	vst v63  }
0x187: {  	_ =	swait.ge [sflag:s8], $0x1000  }
0x188: {  	[sflag:s8] =	ssyncset.done $0x0  }
0x189: {  	s19 =	smov.u32 s22;
	s22 =	rddreg [dreg:$0x8];
	[sflag:s8] =	ssyncadd.s32 $0xFFFFF000  }
0x18a: {  	[hbm4b:s22+s3] =	stream.linear.scatter [tilespmem:s7], [sflag:$0x3], $0x1000, $0x38;
	[tilespmem:$0xD1C8] =	vst v63  }
0x18b: {  	_ =	swait.ge [sflag:s8], $0x1000  }
0x18c: {  	[sflag:s8] =	ssyncset.done $0x0  }
0x18d: {  	s22 =	rddreg [dreg:$0x11];
	[sflag:s8] =	ssyncadd.s32 $0xFFFFF000  }
0x18e: {  	[tilespmem:s9], [sflag:$0x3] =	stream.linear.gather [spmem:s22], $0x400, $0x38;
	[tilespmem:$0xD1C8] =	vst v63  }
0x18f: {  	_ =	swait.ge [sflag:s8], $0x400  }
0x190: {  	[sflag:s8] =	ssyncset.done $0x0  }
0x191: {  	s23 =	rddreg [dreg:$0xd];
	[sflag:s8] =	ssyncadd.s32 $0xFFFFFC00  }
0x192: {  	[hbm4b:s23+s3] =	stream.linear.scatter [tilespmem:s9], [sflag:$0x3], $0x400, $0x38;
	[tilespmem:$0xD1C8] =	vst v63  }
0x193: {  	_ =	swait.ge [sflag:s8], $0x400  }
0x194: {  	[sflag:s8] =	ssyncset.done $0x0  }
0x195: {  	[sflag:s8] =	ssyncadd.s32 $0xFFFFFC00  }
0x196: {  	[tilespmem:s7], [sflag:$0x3] =	stream.linear.gather [spmem:s5], $0xE00, $0x38;
	[tilespmem:$0xD1C8] =	vst v63  }
0x197: {  	_ =	swait.ge [sflag:s8], $0xE00  }
0x198: {  	[sflag:s8] =	ssyncset.done $0x0  }
0x199: {  	s24 =	rddreg [dreg:$0x9];
	[sflag:s8] =	ssyncadd.s32 $0xFFFFF200  }
0x19a: {  	[hbm4b:s24+s3] =	stream.linear.scatter [tilespmem:s7], [sflag:$0x3], $0xE00, $0x38;
	[tilespmem:$0xD1C8] =	vst v63  }
0x19b: {  	_ =	swait.ge [sflag:s8], $0xE00  }
0x19c: {  	[sflag:s8] =	ssyncset.done $0x0  }
0x19d: {  	s23 =	rddreg [dreg:$0x12];
	[sflag:s8] =	ssyncadd.s32 $0xFFFFF200  }
0x19e: {  	[tilespmem:s9], [sflag:$0x3] =	stream.linear.gather [spmem:s23], $0x380, $0x38;
	[tilespmem:$0xD1C8] =	vst v63  }
0x19f: {  	_ =	swait.ge [sflag:s8], $0x380  }
0x1a0: {  	[sflag:s8] =	ssyncset.done $0x0  }
0x1a1: {  	s20 =	smov.u32 s25;
	s25 =	rddreg [dreg:$0xe];
	[sflag:s8] =	ssyncadd.s32 $0xFFFFFC80  }
0x1a2: {  	[hbm4b:s25+s3] =	stream.linear.scatter [tilespmem:s9], [sflag:$0x3], $0x380, $0x38;
	[tilespmem:$0xD1C8] =	vst v63  }
0x1a3: {  	_ =	swait.ge [sflag:s8], $0x380  }
0x1a4: {  	s0 =	simm.s32 @!p0 $0x5000;
	[sflag:s8] =	ssyncset.done $0x0  }
0x1a5: {  	s4 =	simm.s32 @!p0 $0x3;
	s24 =	rddreg [dreg:$0x18];
	[sflag:s8] =	ssyncadd.s32 $0xFFFFFC80  }
0x1a6: {  	[tilespmem:s0], [sflag:$0x3] =	stream.linear.gather @!p0 [spmem:s24], $0x200, $0x38;
	[tilespmem:$0xD1C8] =	vst v63  }
0x1a7: {  	_ =	swait.ge @!p0 [sflag:s4], $0x200  }
0x1a8: {  	[sflag:s4] =	ssyncset.done @!p0 $0x0  }
0x1a9: {  	s11 =	simm.s32 @!p0 $0x0;
	s6 =	rddreg [dreg:$0x15];
	[sflag:s4] =	ssyncadd.s32 @!p0 $0xFFFFFE00  }
0x1aa: {  	[hbm4b:s6+s11] =	stream.linear.scatter @!p0 [tilespmem:s0], [sflag:$0x3], $0x200, $0x38;
	[tilespmem:$0xD1C8] =	vst v63  }
0x1ab: {  	_ =	swait.ge @!p0 [sflag:s4], $0x200  }
0x1ac: {  	[sflag:s4] =	ssyncset.done @!p0 $0x0  }
0x1ad: {  	s0 =	simm.s32 @!p0 $0x6800;
	s25 =	rddreg [dreg:$0x19];
	[sflag:s4] =	ssyncadd.s32 @!p0 $0xFFFFFE00  }
0x1ae: {  	[tilespmem:s0], [sflag:$0x3] =	stream.linear.gather @!p0 [spmem:s25], $0x80, $0x38;
	[tilespmem:$0xD1C8] =	vst v63  }
0x1af: {  	_ =	swait.ge @!p0 [sflag:s4], $0x80  }
0x1b0: {  	[sflag:s4] =	ssyncset.done @!p0 $0x0  }
0x1b1: {  	s6 =	rddreg [dreg:$0x16];
	[sflag:s4] =	ssyncadd.s32 @!p0 $0xFFFFFF80  }
0x1b2: {  	[hbm4b:s6+s11] =	stream.linear.scatter @!p0 [tilespmem:s0], [sflag:$0x3], $0x80, $0x38;
	[tilespmem:$0xD1C8] =	vst v63  }
0x1b3: {  	_ =	swait.ge @!p0 [sflag:s4], $0x80  }
0x1b4: {  	s30 =	sadd.s32 $0x1, s30;
	s11 =	smov.u32 s26;
	s26 =	rddreg [dreg:$0x17]  }
0x1b5: {  	p1 =	sne.s32 s30, s26  }
.Ltmp2:
0x1b6: {  	_ = 	snop;
	(pc) =	sbr.rel @p1 .LBB2_1-.Ltmp2, $3  }
0x1b7: {  	_ =	sdelay $0x1  }
0x1b8: {  	[sflag:s4] =	ssyncset.done @!p0 $0x0  }
0x1b9: {  	s6 =	smov.u32 s5;
	[sflag:s4] =	ssyncadd.s32 @!p0 $0xFFFFFF80  }
0x1ba: {  	_ =	sfence.sel $0x180000  }
0x1bb: {  	[bflag:$0x0] =	sbarrier.arrive $0xFFFF  }
0x1bc: {  	_ =	strace $0x9000004A  }
0x1bd: {  	s0 =	stileid.u32;
	[bflag:$0x2] =	sbarrier.arrive $0xFFFF  }
0x1be: {  	p0 =	sne.s32 s0, $0x0;
	s0 =	rddreg [dreg:$0x4]  }
0x1bf: {  	s0 =	sadd.s32 @!p0 $0x100000, s0  }
0x1c0: {  	[sflag:s0] =	ssyncadd.tile.s32 @!p0 $0x1;
	_ =	shalt  }
.Lfunc_end2:
_tile_overlayer_lowered:
.L_overlay_start_2:
0x1c1: {  	(tag) =	ssettag $0x2  }
0x1c2: {  	s0 =	rddreg [dreg:$0x0];
	s2 =	stileid.u32  }
0x1c3: {  	s1 =	rddreg [dreg:$0x1];
	p0 =	sne.s32 s2, $0x0  }
0x1c4: {  	s3 =	rddreg [dreg:$0x2];
	[bflag:$0x3] =	sbarrier.arrive $0xFFFF;
	s2 =	simm.s32 @!p0 $0x1C03  }
0x1c5: {  	[timem:s3], [sflag:s2] =	dma.local @!p0 [hbm:s0], s1  }
0x1c6: {  	s0 =	simm.s32 @!p0 $0x3  }
0x1c7: {  	_ =	swait.ge @!p0 [sflag:s0], s1  }
0x1c8: {  	s1 =	ssub.s32 @!p0 $0x0, s1;
	[sflag:s0] =	ssyncset.done @!p0 $0x0  }
0x1c9: {  	[sflag:s0] =	ssyncadd.s32 @!p0 s1  }
0x1ca: {  	[bflag:$0x3] =	sbarrier.arrive $0xFFFF  }
0x1cb: {  	_ =	shalt  }

// kernel: kernel.7.cloned.1.call-start
scs
__scs_entry_jumppad:
0x0: {  	(pc) =	sbr.rel $0x88, $3  }
0x1: {  	(tag) =	ssettag $0x0;
	lr =	simm.s32 $0x1  }
0x2: {  	[smem:$0x3F96] =	sst lr;
	_ =	strace $0xD0000000  }
0x3: {  	_ = 	snop  }
0x4: {  	_ = 	snop  }
0x5: {  	_ = 	snop  }
0x6: {  	_ = 	snop  }
0x7: {  	_ = 	snop  }
__scs_overlays_trampoline_lowered:
0x8: {  	[smem:$0x3FA5] =	sst s0  }
0x9: {  	[smem:$0x3FA6] =	sst s1  }
0xa: {  	[smem:$0x3FA7] =	sst s2  }
0xb: {  	[smem:$0x3FA8] =	sst s3  }
0xc: {  	[smem:$0x3FA9] =	sst s4  }
0xd: {  	[smem:$0x3FAA] =	sst s5  }
0xe: {  	[smem:$0x3FAB] =	sst s6  }
0xf: {  	[smem:$0x3FAC] =	sst s7  }
0x10: {  	[smem:$0x3FAD] =	sst s8  }
0x11: {  	[smem:$0x3FAE] =	sst s9;
	s0 =	simm.s32 @!p0 $0x0  }
0x12: {  	s1 =	sld [smem:$0x3F94];
	s0 =	simm.s32 @p0 $0x1  }
0x13: {  	[smem:$0x3FAF] =	sst s0;
	s0 =	simm.s32 @!p1 $0x0  }
0x14: {  	s2 =	sld [smem:$0x3F93];
	s0 =	simm.s32 @p1 $0x1  }
0x15: {  	[smem:$0x3FB0] =	sst s0;
	s0 =	simm.s32 @!p2 $0x0  }
0x16: {  	s3 =	sld [smem:$0x3FDB];
	s0 =	simm.s32 @p2 $0x1  }
0x17: {  	s4 =	simm.s32 $0x1BF5;
	[smem:$0x3FB2] =	sst s0  }
0x18: {  	s0 =	sld [smem:$0x3F95];
	_ =	swait.ge [sflag:s4], $0x0  }
0x19: {  	s7 =	sld [smem:$0x3F96]  }
0x1a: {  	s8 =	sadd.s32 $0xFFFFE003, lr  }
0x1b: {  	s9 =	sadd.s32 $0xFFFFFEF7, lr;
	s5 =	simm.s32 $0xFFFFFFFF;
	p2 =	slt.u32 s8, $0xFFFFF086  }
0x1c: {  	p1 =	slt.u32 s9, $0xF7A;
	s5 =	simm.s32 @!p2 $0x0  }
0x1d: {  	s5 =	simm.s32 @p1 $0x1;
	p0 =	seq.s32 s7, s2  }
0x1e: {  	s7 =	smul.u32 @!p0 $0xF7A, s2;
	p2 =	seq.s32 @!p0 s5, $0x0  }
0x1f: {  	s9 =	smul.u32 $0xF7A, s1;
	s8 =	simm.s32 @!p0 $0x1BF5;
	p2 =	por !p2, p0  }
0x20: {  	[sflag:s8] =	ssyncset.s32 @!p0 $0xFFFFF086;
	s6 =	sadd.s32 @!p0 s3, s7;
	s7 =	simm.s32 @!p0 $0x108  }
0x21: {  	s3 =	sadd.s32 s3, s9;
	s6 =	sadd.s32 @!p0 $0x88, s6;
	s7 =	simm.s32 @p2 $0x1082  }
0x22: {  	[simem:s7], [sflag:s8] =	dma.local @!p0 [hbm:s6], $0xF7A  }
0x23: {  	s9 =	sor.u32 $0xD0000000, s2;
	s6 =	simm.s32 $0x108;
	_ =	swait.ge @!p0 [sflag:s8], $0x0  }
0x24: {  	s3 =	sadd.s32 $0x88, s3;
	s6 =	simm.s32 @!p1 $0x1082;
	[sflag:s4] =	ssyncset.s32 $0xFFFFF086  }
0x25: {  	[simem:s6], [sflag:s4] =	dma.local [hbm:s3], $0xF7A  }
0x26: {  	[smem:$0x3F96] =	sst s1;
	(tag) =	ssettag s2;
	_ =	strace s9  }
0x27: {  	s1 =	sld [smem:$0x3FA6]  }
0x28: {  	s2 =	sld [smem:$0x3FA7]  }
0x29: {  	s4 =	sld [smem:$0x3FA9]  }
0x2a: {  	p0 =	seq.s32 s5, $0x0;
	s5 =	sld [smem:$0x3FAA]  }
0x2b: {  	s6 =	sld [smem:$0x3FAB]  }
0x2c: {  	s7 =	sld [smem:$0x3FAC]  }
0x2d: {  	s3 =	simm.s32 $0x108;
	s8 =	sld [smem:$0x3FAD]  }
0x2e: {  	s3 =	simm.s32 @!p0 $0x1082;
	s9 =	sld [smem:$0x3FAE]  }
0x2f: {  	lr =	sadd.s32 s0, s3;
	s0 =	sld [smem:$0x3FA5]  }
0x30: {  	s3 =	sld [smem:$0x3FA8]  }
0x31: {  	[smem:$0x3FB1] =	sst s10  }
0x32: {  	s10 =	sld [smem:$0x3FAF];
	_ =	sdelay $0x3  }
0x33: {  	p0 =	seq.s32 s10, $0x1;
	s10 =	sld [smem:$0x3FB1];
	_ =	sdelay $0x3  }
0x34: {  	[smem:$0x3FB1] =	sst s10  }
0x35: {  	s10 =	sld [smem:$0x3FB0];
	_ =	sdelay $0x3  }
0x36: {  	p1 =	seq.s32 s10, $0x1;
	s10 =	sld [smem:$0x3FB1];
	_ =	sdelay $0x3  }
0x37: {  	[smem:$0x3FB1] =	sst s10  }
0x38: {  	s10 =	sld [smem:$0x3FB2]  }
0x39: {  	_ = 	snop;
	(pc) =	sbr.ind lr, $3  }
0x3a: {  	_ = 	snop  }
0x3b: {  	_ = 	snop  }
0x3c: {  	p2 =	seq.s32 s10, $0x1;
	s10 =	sld [smem:$0x3FB1]  }
0x3d: {  	_ =	shalt  }
0x3e: {  	_ =	shalt  }
0x3f: {  	_ =	shalt  }
0x40: {  	_ =	shalt  }
0x41: {  	_ =	shalt  }
0x42: {  	_ =	shalt  }
0x43: {  	_ =	shalt  }
0x44: {  	_ =	shalt  }
0x45: {  	_ =	shalt  }
0x46: {  	_ =	shalt  }
0x47: {  	_ =	shalt  }
0x48: {  	_ =	shalt  }
0x49: {  	_ =	shalt  }
0x4a: {  	_ =	shalt  }
0x4b: {  	_ =	shalt  }
0x4c: {  	_ =	shalt  }
0x4d: {  	_ =	shalt  }
0x4e: {  	_ =	shalt  }
0x4f: {  	_ =	shalt  }
0x50: {  	_ =	shalt  }
0x51: {  	_ =	shalt  }
0x52: {  	_ =	shalt  }
0x53: {  	_ =	shalt  }
0x54: {  	_ =	shalt  }
0x55: {  	_ =	shalt  }
0x56: {  	_ =	shalt  }
0x57: {  	_ =	shalt  }
0x58: {  	_ =	shalt  }
0x59: {  	_ =	shalt  }
0x5a: {  	_ =	shalt  }
0x5b: {  	_ =	shalt  }
0x5c: {  	_ =	shalt  }
0x5d: {  	_ =	shalt  }
0x5e: {  	_ =	shalt  }
0x5f: {  	_ =	shalt  }
0x60: {  	_ =	shalt  }
0x61: {  	_ =	shalt  }
0x62: {  	_ =	shalt  }
0x63: {  	_ =	shalt  }
0x64: {  	_ =	shalt  }
0x65: {  	_ =	shalt  }
0x66: {  	_ =	shalt  }
0x67: {  	_ =	shalt  }
0x68: {  	_ =	shalt  }
0x69: {  	_ =	shalt  }
0x6a: {  	_ =	shalt  }
0x6b: {  	_ =	shalt  }
0x6c: {  	_ =	shalt  }
0x6d: {  	_ =	shalt  }
0x6e: {  	_ =	shalt  }
0x6f: {  	_ =	shalt  }
0x70: {  	_ =	shalt  }
0x71: {  	_ =	shalt  }
0x72: {  	_ =	shalt  }
0x73: {  	_ =	shalt  }
0x74: {  	_ =	shalt  }
0x75: {  	_ =	shalt  }
0x76: {  	_ =	shalt  }
0x77: {  	_ =	shalt  }
0x78: {  	_ =	shalt  }
0x79: {  	_ =	shalt  }
0x7a: {  	_ =	shalt  }
0x7b: {  	_ =	shalt  }
0x7c: {  	_ =	shalt  }
0x7d: {  	_ =	shalt  }
0x7e: {  	_ =	shalt  }
0x7f: {  	_ =	shalt  }
0x80: {  	_ =	shalt  }
0x81: {  	_ =	shalt  }
0x82: {  	_ =	shalt  }
0x83: {  	_ =	shalt  }
0x84: {  	_ =	shalt  }
0x85: {  	_ =	shalt  }
0x86: {  	_ =	shalt  }
0x87: {  	_ =	shalt  }
.Lfunc_end0:
.L_simem_size_0:
called_computation_lowered:
.L_overlay_start_0:
0x88: {  	s2 =	sld [smem:$0x3FD9]  }
0x89: {  	s3 =	sld [smem:$0x3FFE];
	_ =	sdelay $0x1  }
0x8a: {  	s1 =	srdreg.scid  }
0x8b: {  	s0 =	sand.u32 $0x1, s1  }
0x8c: {  	s14 =	sshll.u32 s0, $0xA;
	s2 =	sadd.s32 s3, s2  }
0x8d: {  	s2 =	sadd.s32 s2, s14  }
0x8e: {  	[smem:$0x3FBD] =	sst s2  }
0x8f: {  	_ = 	snop  }
0x90: {  	s2 =	sld [smem:$0x3FD0];
	_ =	sdelay $0x2  }
0x91: {  	s15 =	simm.s32 $0xA;
	s4 =	simm.s32 $0x10  }
0x92: {  	[smem:s4], [sflag:s15] =	dma.local [hbm:s2], $0x1  }
0x93: {  	_ =	swait.eq [sflag:s15], $0x1  }
0x94: {  	[sflag:s15] =	ssyncset.done $0x0  }
0x95: {  	[sflag:s15] =	ssyncadd.s32 $0xFFFFFFFF  }
0x96: {  	s16 =	sld [smem:$0x10];
	(tm) =	ssettm $0x1  }
0x97: {  	s17 =	sld [smem:$0x3FFB];
	_ =	sdelay $0x3  }
0x98: {  	_ =	strace s17  }
0x99: {  	s3 =	sld [smem:$0x3FFC];
	_ =	sdelay $0x3  }
0x9a: {  	_ =	strace s3  }
0x9b: {  	s3 =	sld [smem:$0x3FFD];
	_ =	sdelay $0x3  }
0x9c: {  	_ =	strace s3  }
0x9d: {  	_ =	strace $0x8FFFFFFF  }
0x9e: {  	s18 =	sld [smem:$0x3FDB];
	_ =	sdelay $0x1  }
0x9f: {  	s19 =	simm.s32 $_scs_section_size  }
0xa0: {  	s5 =	simm.s32 $_size__tile_overlayer_lowered;
	s6 =	simm.s32 $_tile_overlayer_lowered  }
0xa1: {  	s22 =	simm.s32 $0x1BFF;
	s21 =	sshll.u32 s6, $0x1;
	s3 =	sadd.s32 s19, s18  }
0xa2: {  	s7 =	simm.s32 $0x0;
	s20 =	sshll.u32 s5, $0x1;
	s5 =	sadd.s32 s21, s3  }
0xa3: {  	[timem:s7], [sflag:s22] =	dma.local [hbm:s5], s20  }
0xa4: {  	_ =	swait.ge [sflag:s22], s20  }
0xa5: {  	s4 =	ssub.s32 $0x0, s20;
	[sflag:s22] =	ssyncset.done $0x0  }
0xa6: {  	[sflag:s22] =	ssyncadd.s32 s4;
	_ =	sdelay $0x1  }
0xa7: {  	s23 =	simm.s32 $0x1B8B  }
0xa8: {  	_ =	swait.ge [sflag:s23], $0x1  }
0xa9: {  	[sflag:s23] =	ssyncset.done $0x0  }
0xaa: {  	s25 =	simm.s32 $0x1B8E;
	s24 =	sld [smem:$0x3FFE];
	[sflag:s23] =	ssyncadd.s32 $0xFFFFFFFF  }
0xab: {  	s26 =	simm.s32 $execute0_lowered;
	[smem:$0x3FD2] =	sst s25  }
0xac: {  	s5 =	sshll.u32 s26, $0x1;
	_ =	strace $0x80000046;
	[dreg:$0x1] =	wrdreg $0xFFFFFFFF  }
0xad: {  	s28 =	simm.s32 $_size_execute0_lowered;
	s3 =	sadd.s32 s3, s5;
	[dreg:$0x0] =	wrdreg $0x0  }
0xae: {  	s5 =	sshll.u32 s28, $0x1;
	[dreg:$0x2] =	wrdreg s3  }
0xaf: {  	[dreg:$0x3] =	wrdreg s5  }
0xb0: {  	[dreg:$0x4] =	wrdreg $0xC0  }
0xb1: {  	_ =	task [dreg:s7], $0x5FFFF  }
0xb2: {  	[dreg:$0x1] =	wrdreg $0xFFFFFFFF  }
0xb3: {  	[dreg:$0x0] =	wrdreg $0x60  }
0xb4: {  	[dreg:$0x2] =	wrdreg s24  }
0xb5: {  	[dreg:$0x3] =	wrdreg s16  }
0xb6: {  	[dreg:$0x4] =	wrdreg $0xA0080  }
0xb7: {  	[dreg:$0x5] =	wrdreg $0x1D8C80  }
0xb8: {  	[dreg:$0x6] =	wrdreg $0x9  }
0xb9: {  	_ =	task.clear_ibuf [dreg:s7], $0x7FFFF;
	_ =	strace $0x90000046  }
0xba: {  	s29 =	simm.s32 $0x9;
	_ =	strace $0x80000048  }
0xbb: {  	_ =	swait.ge [sflag:s29], $0x1  }
0xbc: {  	[sflag:s29] =	ssyncadd.s32 $0xFFFFFFFF  }
0xbd: {  	_ =	strace $0x90000048  }
0xbe: {  	_ =	sfence  }
0xbf: {  	s30 =	sld [smem:$0x0];
	_ =	sdelay $0x2  }
0xc0: {  	s31 =	sshll.u32 s1, $0xD;
	s1 =	sshrl.u32 s1, $0x2  }
0xc1: {  	s3 =	sand.u32 $0x4000, s31;
	s1 =	sadd.s32 s1, s30  }
0xc2: {  	s0 =	sor.u32 s3, s0;
	s1 =	sshll.u32 s1, $0x11  }
0xc3: {  	s0 =	sor.u32 s1, s0  }
0xc4: {  	s0 =	sadd.s32 $0x8F2B, s0  }
0xc5: {  	[sflag:s0] =	ssyncadd.remote.s32 $0x1  }
0xc6: {  	_ =	sfence.sel $0xFFFF  }
0xc7: {  	[dreg:$0x0] =	wrdreg $0xFFFFFFFF;
	(pc) =	sbr.abs _section_cstart, $3  }
0xc8: {  	[dreg:$0x1] =	wrdreg $0xFFFFFFFF  }
0xc9: {  	_ =	task.clear_ibuf [dreg:s7], $0x2FFFF;
	_ =	strace $0x9FFFFFFF  }
0xca: {  	(tm) =	ssettm $0x7FFFFFFF  }
0xcb: {  	_ =	shalt  }
tec
execute0_lowered:
.L_overlay_start_1:
0x0: {  	(tag) =	ssettag $0x1  }
0x1: {  	s0 =	srdreg.scid  }
0x2: {  	s30 =	stileid.u32;
	s6 =	rddreg [dreg:$0x0]  }
0x3: {  	s16 =	rddreg [dreg:$0x1];
	s2 =	smul.u32 $0x270, s30  }
0x4: {  	s1 =	simm.s32 $0x0;
	s3 =	sand.u32 $0x1, s0;
	s11 =	smul.u32 $0x13800, s30  }
0x5: {  	[smem:$0x7FF] =	sst s1;
	s10 =	sadd.s32 $0x69C00, s6;
	s13 =	smul.u32 $0x1380, s30  }
0x6: {  	p0 =	sne.s32 s30, $0xF;
	s0 =	sshll.u32 s3, $0x4;
	s12 =	smul.u32 $0x138800, s3  }
0x7: {  	s18 =	ssub.s32 $0x2, s3;
	s17 =	smul.u32 $0x13880, s3;
	s0 =	sor.u32 s30, s0  }
0x8: {  	s4 =	sshrl.u32 s18, $0x1;
	s14 =	sadd.s32 $0x80, s2;
	s7 =	sadd.s32 $0x100, s2  }
0x9: {  	s30 =	simm.s32 $0x0;
	s15 =	smul.u32 $0x500, s0;
	s0 =	ssub.s32 s18, s4  }
0xa: {  	s8 =	sshll.u32 s14, $0x7;
	s4 =	sadd.s32 $0x180, s2;
	s2 =	sadd.s32 $0x200, s2  }
0xb: {  	s9 =	sshll.u32 s7, $0x7;
	s18 =	sadd.s32 s11, s12;
	s19 =	sadd.s32 s13, s17  }
0xc: {  	s21 =	sadd.s32 s16, s14;
	s5 =	sshll.u32 s4, $0x7;
	s3 =	sshll.u32 s2, $0x7  }
0xd: {  	s20 =	sadd.s32 s12, s8;
	s18 =	sshrl.u32 s18, $0x3;
	s19 =	sshrl.u32 s19, $0x3  }
0xe: {  	s22 =	sadd.s32 s12, s9;
	s0 =	smax.u32 s0, $0x1;
	s20 =	sshrl.u32 s20, $0x3  }
0xf: {  	v0 =	vlaneseq.u32;
	s18 =	sadd.s32 s10, s18;
	s19 =	sadd.s32 s16, s19;
	s23 =	sshrl.u32 s22, $0x3  }
0x10: {  	v1 =	vmul.u32 $0x8, v0;
	s24 =	sadd.s32 s12, s5;
	s26 =	sadd.s32 s12, s3;
	s12 =	sshrl.u32 s12, $0x3  }
0x11: {  	s22 =	sadd.s32 s16, s4;
	s4 =	sshll.u32 s4, $0x3;
	[dreg:$0x5] =	wrdreg s18  }
0x12: {  	v2 =	vor.u32 $0x4, v1;
	[dreg:$0x6] =	wrdreg s19;
	s20 =	sadd.s32 s10, s20;
	s18 =	sshrl.u32 s17, $0x3  }
0x13: {  	[tilespmem:$0x1FF30] =	vst v2;
	v2 =	vor.u32 $0x5, v1;
	s25 =	sshrl.u32 s24, $0x3;
	s24 =	sadd.s32 s15, s6;
	s15 =	sadd.s32 $0x2800, s6  }
0x14: {  	[tilespmem:$0x1FF40] =	vst v2;
	v2 =	vor.u32 $0x6, v1;
	[dreg:$0x7] =	wrdreg s20;
	s17 =	sadd.s32 s18, s21;
	s20 =	sshrl.u32 s26, $0x3  }
0x15: {  	[tilespmem:$0x1FF50] =	vst v2;
	v2 =	vor.u32 $0x7, v1;
	s21 =	sadd.s32 s16, s7;
	[dreg:$0x8] =	wrdreg s17;
	s17 =	sadd.s32 s10, s23  }
0x16: {  	v3 =	vor.u32 $0x1, v1;
	[tilespmem:$0x1FF60] =	vst v2;
	v2 =	vor.u32 $0x84, v1;
	s23 =	sadd.s32 s16, s2;
	[dreg:$0x9] =	wrdreg s17;
	s17 =	sadd.s32 s10, s25  }
0x17: {  	v5 =	vor.u32 $0x2, v1;
	v7 =	vor.u32 $0x3, v1;
	[tilespmem:$0x1FF70] =	vst v2;
	v2 =	vor.u32 $0x85, v1;
	s26 =	sshll.u32 s14, $0x3;
	s19 =	sadd.s32 s18, s23;
	[dreg:$0xa] =	wrdreg s17  }
0x18: {  	v9 =	vor.u32 $0x80, v1;
	v11 =	vor.u32 $0x81, v1;
	s14 =	sadd.s32 $0x36200, s24;
	[tilespmem:$0x1FF80] =	vst v2;
	v2 =	vor.u32 $0x86, v1;
	s17 =	sadd.s32 s10, s20;
	[dreg:$0xe] =	wrdreg s19  }
0x19: {  	v13 =	vor.u32 $0x82, v1;
	v15 =	vor.u32 $0x83, v1;
	[tilespmem:$0x1FF90] =	vst v2;
	v2 =	vor.u32 $0x87, v1;
	[dreg:$0xb] =	wrdreg s17;
	s17 =	sadd.s32 s10, s12;
	s10 =	sadd.s32 s18, s21  }
0x1a: {  	v17 =	vor.u32 $0x100, v1;
	v19 =	vor.u32 $0x101, v1;
	s2 =	sshll.u32 s2, $0x3;
	s25 =	sadd.s32 $0x42A00, s6;
	[tilespmem:$0x1FFA0] =	vst v2;
	v2 =	vor.u32 $0x104, v1;
	[dreg:$0xc] =	wrdreg s10  }
0x1b: {  	v21 =	vor.u32 $0x102, v1;
	v23 =	vor.u32 $0x103, v1;
	[tilespmem:$0x1FFB0] =	vst v2;
	s12 =	sadd.s32 s18, s22;
	v2 =	vor.u32 $0x105, v1;
	s18 =	sadd.s32 s16, s18;
	s10 =	rddreg [dreg:$0x2]  }
0x1c: {  	v25 =	vor.u32 $0x180, v1;
	v27 =	vor.u32 $0x181, v1;
	s16 =	sadd.s32 $0x29A00, s6;
	s6 =	sadd.s32 $0x40200, s6;
	[dreg:$0xd] =	wrdreg s12;
	[tilespmem:$0x1FFC0] =	vst v2;
	v2 =	vor.u32 $0x106, v1  }
0x1d: {  	v28 =	vor.u32 $0x185, v1;
	v29 =	vor.u32 $0x182, v1;
	s22 =	sadd.s32 $0x2C200, s24;
	s12 =	rddreg [dreg:$0x3];
	s23 =	sadd.s32 $0x27000, s17;
	[tilespmem:$0x1FFD0] =	vst v2;
	v2 =	vor.u32 $0x107, v1  }
0x1e: {  	v30 =	vor.u32 $0x186, v1;
	v31 =	vor.u32 $0x183, v1;
	v32 =	vor.u32 $0x187, v1;
	s24 =	sadd.s32 $0x2700, s18;
	s17 =	simm.s32 $0x9C00;
	s18 =	simm.s32 $0x2;
	[tilespmem:$0x1FFE0] =	vst v2  }
0x1f: {  	v33 =	vor.u32 $0x200, v1;
	v34 =	vor.u32 $0x204, v1;
	v35 =	vor.u32 $0x201, v1;
	s20 =	sadd.s32 s11, s10;
	_ =	strace $0x80000047;
	[dreg:$0xf] =	wrdreg s25  }
0x20: {  	v36 =	vor.u32 $0x205, v1;
	v37 =	vor.u32 $0x202, v1;
	v38 =	vor.u32 $0x206, v1;
	s31 =	sadd.s32 s13, s12;
	s8 =	sadd.s32 s8, s10;
	[dreg:$0x10] =	wrdreg s6  }
0x21: {  	v39 =	vor.u32 $0x203, v1;
	v40 =	vor.u32 $0x207, v1;
	v41 =	vor.u32 $0x280, v1;
	s13 =	sadd.s32 s26, s12;
	s11 =	sshll.u32 s7, $0x3;
	[dreg:$0x13] =	wrdreg s14  }
0x22: {  	v42 =	vor.u32 $0x284, v1;
	v43 =	vor.u32 $0x281, v1;
	v44 =	vor.u32 $0x285, v1;
	s28 =	sadd.s32 s5, s10;
	s21 =	sadd.s32 s4, s12;
	[dreg:$0x14] =	wrdreg s22  }
0x23: {  	v45 =	vor.u32 $0x282, v1;
	v46 =	vor.u32 $0x286, v1;
	v47 =	vor.u32 $0x283, v1;
	s3 =	sadd.s32 s3, s10;
	s4 =	sadd.s32 s2, s12;
	[dreg:$0x15] =	wrdreg s23  }
0x24: {  	v48 =	vor.u32 $0x287, v1;
	v49 =	vor.u32 $0x300, v1;
	v50 =	vor.u32 $0x304, v1;
	s29 =	sadd.s32 $0x138000, s10;
	s5 =	simm.s32 $0x5000;
	[dreg:$0x16] =	wrdreg s24  }
0x25: {  	v51 =	vor.u32 $0x301, v1;
	v52 =	vor.u32 $0x305, v1;
	v53 =	vor.u32 $0x302, v1;
	s7 =	simm.s32 $0x9800;
	s26 =	sadd.s32 s11, s12;
	[dreg:$0x17] =	wrdreg s0  }
0x26: {  	v54 =	vor.u32 $0x306, v1;
	v55 =	vor.u32 $0x303, v1;
	v56 =	vor.u32 $0x307, v1;
	s19 =	smov.u32 s8;
	s8 =	simm.s32 $0x80;
	[dreg:$0x11] =	wrdreg s21  }
0x27: {  	v57 =	vor.u32 $0x380, v1;
	v58 =	vor.u32 $0x384, v1;
	v59 =	vor.u32 $0x381, v1;
	s11 =	simm.s32 $0x9400;
	s25 =	sadd.s32 s9, s10;
	[dreg:$0x12] =	wrdreg s28  }
0x28: {  	v60 =	vor.u32 $0x385, v1;
	v61 =	vor.u32 $0x382, v1;
	v2 =	vor.u32 $0x184, v1;
	s23 =	sadd.s32 $0x13800, s12;
	s6 =	simm.s32 $0x3;
	[dreg:$0x18] =	wrdreg s26  }
0x29: {  	v62 =	vor.u32 $0x386, v1;
	v63 =	vor.u32 $0x383, v1;
	[tilespmem:$0x1FFF0] =	vst v2;
	s9 =	simm.s32 $0x9000;
	s14 =	simm.s32 $0x1;
	v2 =	vor.u32 $0x387, v1;
	[dreg:$0x19] =	wrdreg s23  }
.LBB2_1:
0x2a: {  	s0 =	rddreg [dreg:$0xf]  }
0x2b: {  	[tilespmem:s5], [sflag:$0x3] =	stream.linear.gather [hbm4b:s0+s1], $0x4000, $0x38;
	[tilespmem:$0x1EC58] =	vst v63  }
0x2c: {  	_ =	swait.ge [sflag:s6], $0x4000  }
0x2d: {  	[sflag:s6] =	ssyncset.done $0x0  }
0x2e: {  	s24 =	rddreg [dreg:$0x10];
	[sflag:s6] =	ssyncadd.s32 $0xFFFFC000  }
0x2f: {  	[tilespmem:s7], [sflag:$0x3] =	stream.linear.gather [hbm4b:s24+s1], $0x400, $0x38;
	[tilespmem:$0x1EC58] =	vst v63  }
0x30: {  	_ =	swait.ge [sflag:s6], $0x400  }
0x31: {  	[sflag:s6] =	ssyncset.done $0x0  }
0x32: {  	[sflag:s6] =	ssyncadd.s32 $0xFFFFFC00  }
0x33: {  	[spmem:s20] =	stream.linear.scatter [tilespmem:s5], [sflag:$0x3], $0x4000, $0x38;
	[tilespmem:$0x1EC58] =	vst v63  }
0x34: {  	_ =	swait.ge [sflag:s6], $0x4000  }
0x35: {  	[sflag:s6] =	ssyncset.done $0x0  }
0x36: {  	[sflag:s6] =	ssyncadd.s32 $0xFFFFC000  }
0x37: {  	[spmem:s31] =	stream.linear.scatter [tilespmem:s7], [sflag:$0x3], $0x400, $0x38;
	[tilespmem:$0x1EC58] =	vst v63  }
0x38: {  	_ =	swait.ge [sflag:s6], $0x400  }
0x39: {  	[sflag:s6] =	ssyncset.done $0x0  }
0x3a: {  	[sflag:s6] =	ssyncadd.s32 $0xFFFFFC00  }
0x3b: {  	[spmem:s19] =	stream.linear.scatter [tilespmem:s5], [sflag:$0x3], $0x4000, $0x38;
	[tilespmem:$0x1EC58] =	vst v63  }
0x3c: {  	_ =	swait.ge [sflag:s6], $0x4000  }
0x3d: {  	[sflag:s6] =	ssyncset.done $0x0  }
0x3e: {  	[sflag:s6] =	ssyncadd.s32 $0xFFFFC000  }
0x3f: {  	[spmem:s13] =	stream.linear.scatter [tilespmem:s7], [sflag:$0x3], $0x400, $0x38;
	[tilespmem:$0x1EC58] =	vst v63  }
0x40: {  	_ =	swait.ge [sflag:s6], $0x400  }
0x41: {  	[sflag:s6] =	ssyncset.done $0x0  }
0x42: {  	[sflag:s6] =	ssyncadd.s32 $0xFFFFFC00  }
0x43: {  	[spmem:s25] =	stream.linear.scatter [tilespmem:s5], [sflag:$0x3], $0x4000, $0x38;
	[tilespmem:$0x1EC58] =	vst v63  }
0x44: {  	_ =	swait.ge [sflag:s6], $0x4000  }
0x45: {  	[sflag:s6] =	ssyncset.done $0x0  }
0x46: {  	s2 =	smov.u32 s26;
	[sflag:s6] =	ssyncadd.s32 $0xFFFFC000  }
0x47: {  	[spmem:s2] =	stream.linear.scatter [tilespmem:s7], [sflag:$0x3], $0x400, $0x38;
	[tilespmem:$0x1EC58] =	vst v63  }
0x48: {  	_ =	swait.ge [sflag:s6], $0x400  }
0x49: {  	[sflag:s6] =	ssyncset.done $0x0  }
0x4a: {  	[sflag:s6] =	ssyncadd.s32 $0xFFFFFC00  }
0x4b: {  	[spmem:s28] =	stream.linear.scatter [tilespmem:s5], [sflag:$0x3], $0x4000, $0x38;
	[tilespmem:$0x1EC58] =	vst v63  }
0x4c: {  	_ =	swait.ge [sflag:s6], $0x4000  }
0x4d: {  	[sflag:s6] =	ssyncset.done $0x0  }
0x4e: {  	s0 =	smov.u32 s21;
	[sflag:s6] =	ssyncadd.s32 $0xFFFFC000  }
0x4f: {  	[spmem:s0] =	stream.linear.scatter [tilespmem:s7], [sflag:$0x3], $0x400, $0x38;
	[tilespmem:$0x1EC58] =	vst v63  }
0x50: {  	s24 =	smov.u32 s29;
	_ =	swait.ge [sflag:s6], $0x400  }
0x51: {  	s29 =	smov.u32 s4;
	s4 =	smov.u32 s3;
	[sflag:s6] =	ssyncset.done $0x0  }
0x52: {  	s3 =	smov.u32 s4;
	[sflag:s6] =	ssyncadd.s32 $0xFFFFFC00  }
0x53: {  	[spmem:s3] =	stream.linear.scatter [tilespmem:s5], [sflag:$0x3], $0x3800, $0x38;
	[tilespmem:$0x1EC58] =	vst v63  }
0x54: {  	_ =	swait.ge [sflag:s6], $0x3800  }
0x55: {  	[sflag:s6] =	ssyncset.done $0x0  }
0x56: {  	s4 =	smov.u32 s29;
	[sflag:s6] =	ssyncadd.s32 $0xFFFFC800  }
0x57: {  	[spmem:s4] =	stream.linear.scatter [tilespmem:s7], [sflag:$0x3], $0x380, $0x38;
	[tilespmem:$0x1EC58] =	vst v63  }
0x58: {  	_ =	swait.ge [sflag:s6], $0x380  }
0x59: {  	[sflag:s6] =	ssyncset.done $0x0  }
0x5a: {  	s0 =	simm.s32 @!p0 $0x5000;
	[sflag:s6] =	ssyncadd.s32 $0xFFFFFC80  }
0x5b: {  	[spmem:s24] =	stream.linear.scatter @!p0 [tilespmem:s0], [sflag:$0x3], $0x800, $0x38;
	[tilespmem:$0x1EC58] =	vst v63  }
0x5c: {  	s0 =	simm.s32 @!p0 $0x3  }
0x5d: {  	_ =	swait.ge @!p0 [sflag:s0], $0x800  }
0x5e: {  	s21 =	smov.u32 s20;
	[sflag:s0] =	ssyncset.done @!p0 $0x0  }
0x5f: {  	s20 =	smov.u32 s23;
	s2 =	simm.s32 @!p0 $0x9800;
	[sflag:s0] =	ssyncadd.s32 @!p0 $0xFFFFF800  }
0x60: {  	[spmem:s20] =	stream.linear.scatter @!p0 [tilespmem:s2], [sflag:$0x3], $0x80, $0x38;
	[tilespmem:$0x1EC58] =	vst v63  }
0x61: {  	_ =	swait.ge @!p0 [sflag:s0], $0x80  }
0x62: {  	[sflag:s0] =	ssyncset.done @!p0 $0x0  }
0x63: {  	s20 =	rddreg [dreg:$0x13];
	[sflag:s0] =	ssyncadd.s32 @!p0 $0xFFFFFF80  }
0x64: {  	[tilespmem:s1], [sflag:$0x3] =	stream.linear.gather [hbm4b:s20+s1], $0x2800, $0x38;
	[tilespmem:$0x1EC58] =	vst v63  }
0x65: {  	_ =	swait.ge [sflag:s6], $0x2800  }
0x66: {  	s29 =	smov.u32 s24;
	[sflag:s6] =	ssyncset.done $0x0  }
0x67: {  	s28 =	simm.s32 $0x2800;
	s24 =	rddreg [dreg:$0x14];
	[sflag:s6] =	ssyncadd.s32 $0xFFFFD800  }
0x68: {  	[tilespmem:s28], [sflag:$0x3] =	stream.linear.gather [hbm4b:s24+s1], $0x2800, $0x38;
	[tilespmem:$0x1EC58] =	vst v63  }
0x69: {  	_ =	swait.ge [sflag:s6], $0x2800  }
0x6a: {  	[sflag:s6] =	ssyncset.done $0x0  }
0x6b: {  	s22 =	smov.u32 s31;
	s26 =	smov.u32 s13;
	[sflag:s6] =	ssyncadd.s32 $0xFFFFD800  }
0x6c: {  	s23 =	smov.u32 s19;
	s31 =	simm.s32 $0x0;
	[bflag:$0x0] =	sbarrier.arrive $0xFFFF  }
.LBB2_2:
0x6d: {  	s0 =	sshll.u32 s31, $0x7  }
0x6e: {  	[tilespmem:s9], [sflag:$0x1] =	stream.indirect.gather [hbm4b:s16+s8], $0x8, s0, s8, $0xb8;
	[tilespmem:$0x1EC58] =	vst v63  }
0x6f: {  	s13 =	sadd.s32 $0x2800, s0  }
0x70: {  	[tilespmem:s11], [sflag:$0x1] =	stream.indirect.gather [hbm4b:s16+s8], $0x8, s13, s8, $0xb8;
	[tilespmem:$0x1EC58] =	vst v63  }
0x71: {  	_ = 	snop  }
0x72: {  	[tilespmem:s5], [sflag:$0x2] =	stream.indirect.gather [hbm4b:s15+s8], $0x80, s0, s8, $0xb8;
	[tilespmem:$0x1EC58] =	vst v63  }
0x73: {  	_ =	swait.ge [sflag:s14], $0x400  }
0x74: {  	[sflag:s14] =	ssyncset.done $0x0  }
0x75: {  	[sflag:s14] =	ssyncadd.s32 $0xFFFFFC00  }
0x76: {  	_ =	swait.ge [sflag:s14], $0x400  }
0x77: {  	v6 =	vld [tilespmem:$0x1FF30];
	_ =	sdelay $0x4  }
0x78: {  	[sflag:s14] =	ssyncset.done $0x0  }
0x79: {  	[sflag:s14] =	ssyncadd.s32 $0xFFFFFC00  }
0x7a: {  	v4 =	vld.idx.msk [tilespmem:v1+s9+$0x0], $0xffff  }
0x7b: {  	v6 =	vld.idx.msk [tilespmem:v6+s11+$0x0], $0xffff;
	_ =	sdelay $0x4  }
0x7c: {  	v4 =	vadd.f32 v6, v4;
	_ =	sdelay $0x1  }
0x7d: {  	v6 =	vmul.f32 $2.000000030e-01, v4  }
0x7e: {  	vm0 =	vge.f32 v4, $0.0e+00  }
0x7f: {  	v4 =	vsel vm0, v4, v6  }
0x80: {  	v4 =	vmul.f32 $1.442695020e+00, v4;
	_ =	sdelay $0x1  }
0x81: {  	(erf) = vpow2.f32 v4;
	_ =	sdelay $0x4  }
0x82: {  	v6 =	vld [tilespmem:$0x1FF40];
	_ =	sdelay $0x3  }
0x83: {  	v4 =	vpop (erf)  }
0x84: {  	[tilespmem:v1+s7+$0x0] =	vst.idx.msk $0xffff, v4  }
0x85: {  	[tilespmem:v1+s17+$0x0] =	vst.idx.msk $0xffff, v4  }
0x86: {  	v4 =	vld.idx.msk [tilespmem:v3+s9+$0x0], $0xffff  }
0x87: {  	v6 =	vld.idx.msk [tilespmem:v6+s11+$0x0], $0xffff;
	_ =	sdelay $0x4  }
0x88: {  	v4 =	vadd.f32 v6, v4;
	_ =	sdelay $0x1  }
0x89: {  	v6 =	vmul.f32 $2.000000030e-01, v4  }
0x8a: {  	vm9 =	vge.f32 v4, $0.0e+00  }
0x8b: {  	v4 =	vsel vm9, v4, v6  }
0x8c: {  	v4 =	vmul.f32 $1.442695020e+00, v4;
	_ =	sdelay $0x1  }
0x8d: {  	(erf) = vpow2.f32 v4;
	_ =	sdelay $0x4  }
0x8e: {  	v6 =	vld [tilespmem:$0x1FF50];
	_ =	sdelay $0x3  }
0x8f: {  	v4 =	vpop (erf)  }
0x90: {  	[tilespmem:v3+s7+$0x0] =	vst.idx.msk $0xffff, v4  }
0x91: {  	[tilespmem:v3+s17+$0x0] =	vst.idx.msk $0xffff, v4  }
0x92: {  	v4 =	vld.idx.msk [tilespmem:v5+s9+$0x0], $0xffff  }
0x93: {  	v6 =	vld.idx.msk [tilespmem:v6+s11+$0x0], $0xffff;
	_ =	sdelay $0x4  }
0x94: {  	v4 =	vadd.f32 v6, v4;
	_ =	sdelay $0x1  }
0x95: {  	v6 =	vmul.f32 $2.000000030e-01, v4  }
0x96: {  	vm10 =	vge.f32 v4, $0.0e+00  }
0x97: {  	v4 =	vsel vm10, v4, v6  }
0x98: {  	v4 =	vmul.f32 $1.442695020e+00, v4;
	_ =	sdelay $0x1  }
0x99: {  	(erf) = vpow2.f32 v4;
	_ =	sdelay $0x4  }
0x9a: {  	v6 =	vld [tilespmem:$0x1FF60];
	_ =	sdelay $0x3  }
0x9b: {  	v4 =	vpop (erf)  }
0x9c: {  	[tilespmem:v5+s7+$0x0] =	vst.idx.msk $0xffff, v4  }
0x9d: {  	[tilespmem:v5+s17+$0x0] =	vst.idx.msk $0xffff, v4  }
0x9e: {  	v4 =	vld.idx.msk [tilespmem:v7+s9+$0x0], $0xffff  }
0x9f: {  	v6 =	vld.idx.msk [tilespmem:v6+s11+$0x0], $0xffff;
	_ =	sdelay $0x4  }
0xa0: {  	v4 =	vadd.f32 v6, v4;
	_ =	sdelay $0x1  }
0xa1: {  	v6 =	vmul.f32 $2.000000030e-01, v4  }
0xa2: {  	vm11 =	vge.f32 v4, $0.0e+00  }
0xa3: {  	v4 =	vsel vm11, v4, v6  }
0xa4: {  	v4 =	vmul.f32 $1.442695020e+00, v4;
	_ =	sdelay $0x1  }
0xa5: {  	(erf) = vpow2.f32 v4;
	_ =	sdelay $0x4  }
0xa6: {  	v6 =	vld [tilespmem:$0x1FF70];
	_ =	sdelay $0x3  }
0xa7: {  	v4 =	vpop (erf)  }
0xa8: {  	[tilespmem:v7+s7+$0x0] =	vst.idx.msk $0xffff, v4  }
0xa9: {  	[tilespmem:v7+s17+$0x0] =	vst.idx.msk $0xffff, v4  }
0xaa: {  	v4 =	vld.idx.msk [tilespmem:v9+s9+$0x0], $0xffff  }
0xab: {  	v6 =	vld.idx.msk [tilespmem:v6+s11+$0x0], $0xffff;
	_ =	sdelay $0x4  }
0xac: {  	v4 =	vadd.f32 v6, v4;
	_ =	sdelay $0x1  }
0xad: {  	v6 =	vmul.f32 $2.000000030e-01, v4  }
0xae: {  	vm12 =	vge.f32 v4, $0.0e+00  }
0xaf: {  	v4 =	vsel vm12, v4, v6  }
0xb0: {  	v4 =	vmul.f32 $1.442695020e+00, v4;
	_ =	sdelay $0x1  }
0xb1: {  	(erf) = vpow2.f32 v4;
	_ =	sdelay $0x4  }
0xb2: {  	v6 =	vld [tilespmem:$0x1FF80];
	_ =	sdelay $0x3  }
0xb3: {  	v4 =	vpop (erf)  }
0xb4: {  	[tilespmem:v9+s7+$0x0] =	vst.idx.msk $0xffff, v4  }
0xb5: {  	[tilespmem:v9+s17+$0x0] =	vst.idx.msk $0xffff, v4  }
0xb6: {  	v4 =	vld.idx.msk [tilespmem:v11+s9+$0x0], $0xffff  }
0xb7: {  	v6 =	vld.idx.msk [tilespmem:v6+s11+$0x0], $0xffff;
	_ =	sdelay $0x4  }
0xb8: {  	v4 =	vadd.f32 v6, v4;
	_ =	sdelay $0x1  }
0xb9: {  	v6 =	vmul.f32 $2.000000030e-01, v4  }
0xba: {  	vm13 =	vge.f32 v4, $0.0e+00  }
0xbb: {  	v4 =	vsel vm13, v4, v6  }
0xbc: {  	v4 =	vmul.f32 $1.442695020e+00, v4;
	_ =	sdelay $0x1  }
0xbd: {  	(erf) = vpow2.f32 v4;
	_ =	sdelay $0x4  }
0xbe: {  	v6 =	vld [tilespmem:$0x1FF90];
	_ =	sdelay $0x3  }
0xbf: {  	v4 =	vpop (erf)  }
0xc0: {  	[tilespmem:v11+s7+$0x0] =	vst.idx.msk $0xffff, v4  }
0xc1: {  	[tilespmem:v11+s17+$0x0] =	vst.idx.msk $0xffff, v4  }
0xc2: {  	v4 =	vld.idx.msk [tilespmem:v13+s9+$0x0], $0xffff  }
0xc3: {  	v6 =	vld.idx.msk [tilespmem:v6+s11+$0x0], $0xffff;
	_ =	sdelay $0x4  }
0xc4: {  	v4 =	vadd.f32 v6, v4;
	_ =	sdelay $0x1  }
0xc5: {  	v6 =	vmul.f32 $2.000000030e-01, v4  }
0xc6: {  	vm14 =	vge.f32 v4, $0.0e+00  }
0xc7: {  	v4 =	vsel vm14, v4, v6  }
0xc8: {  	v4 =	vmul.f32 $1.442695020e+00, v4;
	_ =	sdelay $0x1  }
0xc9: {  	(erf) = vpow2.f32 v4;
	_ =	sdelay $0x4  }
0xca: {  	v6 =	vld [tilespmem:$0x1FFA0];
	_ =	sdelay $0x3  }
0xcb: {  	v4 =	vpop (erf)  }
0xcc: {  	[tilespmem:v13+s7+$0x0] =	vst.idx.msk $0xffff, v4  }
0xcd: {  	[tilespmem:v13+s17+$0x0] =	vst.idx.msk $0xffff, v4  }
0xce: {  	v4 =	vld.idx.msk [tilespmem:v15+s9+$0x0], $0xffff  }
0xcf: {  	v6 =	vld.idx.msk [tilespmem:v6+s11+$0x0], $0xffff;
	_ =	sdelay $0x4  }
0xd0: {  	v4 =	vadd.f32 v6, v4;
	_ =	sdelay $0x1  }
0xd1: {  	v6 =	vmul.f32 $2.000000030e-01, v4  }
0xd2: {  	vm15 =	vge.f32 v4, $0.0e+00  }
0xd3: {  	v4 =	vsel vm15, v4, v6  }
0xd4: {  	v4 =	vmul.f32 $1.442695020e+00, v4;
	_ =	sdelay $0x1  }
0xd5: {  	(erf) = vpow2.f32 v4;
	_ =	sdelay $0x4  }
0xd6: {  	v6 =	vld [tilespmem:$0x1FFB0];
	_ =	sdelay $0x3  }
0xd7: {  	v4 =	vpop (erf)  }
0xd8: {  	[tilespmem:v15+s7+$0x0] =	vst.idx.msk $0xffff, v4  }
0xd9: {  	[tilespmem:v15+s17+$0x0] =	vst.idx.msk $0xffff, v4  }
0xda: {  	v4 =	vld.idx.msk [tilespmem:v17+s9+$0x0], $0xffff  }
0xdb: {  	v6 =	vld.idx.msk [tilespmem:v6+s11+$0x0], $0xffff;
	_ =	sdelay $0x4  }
0xdc: {  	v4 =	vadd.f32 v6, v4;
	_ =	sdelay $0x1  }
0xdd: {  	v6 =	vmul.f32 $2.000000030e-01, v4  }
0xde: {  	vm4 =	vge.f32 v4, $0.0e+00  }
0xdf: {  	v4 =	vsel vm4, v4, v6  }
0xe0: {  	v4 =	vmul.f32 $1.442695020e+00, v4;
	_ =	sdelay $0x1  }
0xe1: {  	(erf) = vpow2.f32 v4;
	_ =	sdelay $0x4  }
0xe2: {  	v6 =	vld [tilespmem:$0x1FFC0];
	_ =	sdelay $0x3  }
0xe3: {  	v4 =	vpop (erf)  }
0xe4: {  	[tilespmem:v17+s7+$0x0] =	vst.idx.msk $0xffff, v4  }
0xe5: {  	[tilespmem:v17+s17+$0x0] =	vst.idx.msk $0xffff, v4  }
0xe6: {  	v4 =	vld.idx.msk [tilespmem:v19+s9+$0x0], $0xffff  }
0xe7: {  	v6 =	vld.idx.msk [tilespmem:v6+s11+$0x0], $0xffff;
	_ =	sdelay $0x4  }
0xe8: {  	v4 =	vadd.f32 v6, v4;
	_ =	sdelay $0x1  }
0xe9: {  	v6 =	vmul.f32 $2.000000030e-01, v4  }
0xea: {  	vm5 =	vge.f32 v4, $0.0e+00  }
0xeb: {  	v4 =	vsel vm5, v4, v6  }
0xec: {  	v4 =	vmul.f32 $1.442695020e+00, v4;
	_ =	sdelay $0x1  }
0xed: {  	(erf) = vpow2.f32 v4;
	_ =	sdelay $0x4  }
0xee: {  	v6 =	vld [tilespmem:$0x1FFD0];
	_ =	sdelay $0x3  }
0xef: {  	v4 =	vpop (erf)  }
0xf0: {  	[tilespmem:v19+s7+$0x0] =	vst.idx.msk $0xffff, v4  }
0xf1: {  	[tilespmem:v19+s17+$0x0] =	vst.idx.msk $0xffff, v4  }
0xf2: {  	v4 =	vld.idx.msk [tilespmem:v21+s9+$0x0], $0xffff  }
0xf3: {  	v6 =	vld.idx.msk [tilespmem:v6+s11+$0x0], $0xffff;
	_ =	sdelay $0x4  }
0xf4: {  	v4 =	vadd.f32 v6, v4;
	_ =	sdelay $0x1  }
0xf5: {  	v6 =	vmul.f32 $2.000000030e-01, v4  }
0xf6: {  	vm6 =	vge.f32 v4, $0.0e+00  }
0xf7: {  	v4 =	vsel vm6, v4, v6  }
0xf8: {  	v4 =	vmul.f32 $1.442695020e+00, v4;
	_ =	sdelay $0x1  }
0xf9: {  	(erf) = vpow2.f32 v4;
	_ =	sdelay $0x4  }
0xfa: {  	v6 =	vld [tilespmem:$0x1FFE0];
	_ =	sdelay $0x3  }
0xfb: {  	v4 =	vpop (erf)  }
0xfc: {  	[tilespmem:v21+s7+$0x0] =	vst.idx.msk $0xffff, v4  }
0xfd: {  	[tilespmem:v21+s17+$0x0] =	vst.idx.msk $0xffff, v4  }
0xfe: {  	v4 =	vld.idx.msk [tilespmem:v23+s9+$0x0], $0xffff  }
0xff: {  	v6 =	vld.idx.msk [tilespmem:v6+s11+$0x0], $0xffff;
	_ =	sdelay $0x4  }
0x100: {  	v4 =	vadd.f32 v6, v4;
	_ =	sdelay $0x1  }
0x101: {  	v6 =	vmul.f32 $2.000000030e-01, v4  }
0x102: {  	vm7 =	vge.f32 v4, $0.0e+00  }
0x103: {  	v4 =	vsel vm7, v4, v6  }
0x104: {  	v4 =	vmul.f32 $1.442695020e+00, v4;
	_ =	sdelay $0x1  }
0x105: {  	(erf) = vpow2.f32 v4;
	_ =	sdelay $0x4  }
0x106: {  	v6 =	vld [tilespmem:$0x1FFF0];
	_ =	sdelay $0x3  }
0x107: {  	v4 =	vpop (erf)  }
0x108: {  	[tilespmem:v23+s7+$0x0] =	vst.idx.msk $0xffff, v4  }
0x109: {  	[tilespmem:v23+s17+$0x0] =	vst.idx.msk $0xffff, v4  }
0x10a: {  	v4 =	vld.idx.msk [tilespmem:v25+s9+$0x0], $0xffff  }
0x10b: {  	v6 =	vld.idx.msk [tilespmem:v6+s11+$0x0], $0xffff;
	_ =	sdelay $0x4  }
0x10c: {  	v4 =	vadd.f32 v6, v4;
	_ =	sdelay $0x1  }
0x10d: {  	v6 =	vmul.f32 $2.000000030e-01, v4  }
0x10e: {  	vm8 =	vge.f32 v4, $0.0e+00  }
0x10f: {  	v4 =	vsel vm8, v4, v6  }
0x110: {  	v4 =	vmul.f32 $1.442695020e+00, v4;
	_ =	sdelay $0x1  }
0x111: {  	(erf) = vpow2.f32 v4;
	_ =	sdelay $0x8  }
0x112: {  	v4 =	vpop (erf)  }
0x113: {  	[tilespmem:v25+s7+$0x0] =	vst.idx.msk $0xffff, v4  }
0x114: {  	[tilespmem:v25+s17+$0x0] =	vst.idx.msk $0xffff, v4  }
0x115: {  	v4 =	vld.idx.msk [tilespmem:v27+s9+$0x0], $0xffff  }
0x116: {  	v6 =	vld.idx.msk [tilespmem:v28+s11+$0x0], $0xffff;
	_ =	sdelay $0x4  }
0x117: {  	v4 =	vadd.f32 v6, v4;
	_ =	sdelay $0x1  }
0x118: {  	v6 =	vmul.f32 $2.000000030e-01, v4  }
0x119: {  	vm9 =	vge.f32 v4, $0.0e+00  }
0x11a: {  	v4 =	vsel vm9, v4, v6  }
0x11b: {  	v4 =	vmul.f32 $1.442695020e+00, v4;
	_ =	sdelay $0x1  }
0x11c: {  	(erf) = vpow2.f32 v4;
	_ =	sdelay $0x8  }
0x11d: {  	v4 =	vpop (erf)  }
0x11e: {  	[tilespmem:v27+s7+$0x0] =	vst.idx.msk $0xffff, v4  }
0x11f: {  	[tilespmem:v27+s17+$0x0] =	vst.idx.msk $0xffff, v4  }
0x120: {  	v4 =	vld.idx.msk [tilespmem:v29+s9+$0x0], $0xffff  }
0x121: {  	v6 =	vld.idx.msk [tilespmem:v30+s11+$0x0], $0xffff;
	_ =	sdelay $0x4  }
0x122: {  	v4 =	vadd.f32 v6, v4;
	_ =	sdelay $0x1  }
0x123: {  	v6 =	vmul.f32 $2.000000030e-01, v4  }
0x124: {  	vm10 =	vge.f32 v4, $0.0e+00  }
0x125: {  	v4 =	vsel vm10, v4, v6  }
0x126: {  	v4 =	vmul.f32 $1.442695020e+00, v4;
	_ =	sdelay $0x1  }
0x127: {  	(erf) = vpow2.f32 v4;
	_ =	sdelay $0x8  }
0x128: {  	v4 =	vpop (erf)  }
0x129: {  	[tilespmem:v29+s7+$0x0] =	vst.idx.msk $0xffff, v4  }
0x12a: {  	[tilespmem:v29+s17+$0x0] =	vst.idx.msk $0xffff, v4  }
0x12b: {  	v4 =	vld.idx.msk [tilespmem:v31+s9+$0x0], $0xffff  }
0x12c: {  	v6 =	vld.idx.msk [tilespmem:v32+s11+$0x0], $0xffff;
	_ =	sdelay $0x4  }
0x12d: {  	v4 =	vadd.f32 v6, v4;
	_ =	sdelay $0x1  }
0x12e: {  	v6 =	vmul.f32 $2.000000030e-01, v4  }
0x12f: {  	vm11 =	vge.f32 v4, $0.0e+00  }
0x130: {  	v4 =	vsel vm11, v4, v6  }
0x131: {  	v4 =	vmul.f32 $1.442695020e+00, v4;
	_ =	sdelay $0x1  }
0x132: {  	(erf) = vpow2.f32 v4;
	_ =	sdelay $0x8  }
0x133: {  	v4 =	vpop (erf)  }
0x134: {  	[tilespmem:v31+s7+$0x0] =	vst.idx.msk $0xffff, v4  }
0x135: {  	[tilespmem:v31+s17+$0x0] =	vst.idx.msk $0xffff, v4  }
0x136: {  	v4 =	vld.idx.msk [tilespmem:v33+s9+$0x0], $0xffff  }
0x137: {  	v6 =	vld.idx.msk [tilespmem:v34+s11+$0x0], $0xffff;
	_ =	sdelay $0x4  }
0x138: {  	v4 =	vadd.f32 v6, v4;
	_ =	sdelay $0x1  }
0x139: {  	v6 =	vmul.f32 $2.000000030e-01, v4  }
0x13a: {  	vm12 =	vge.f32 v4, $0.0e+00  }
0x13b: {  	v4 =	vsel vm12, v4, v6  }
0x13c: {  	v4 =	vmul.f32 $1.442695020e+00, v4;
	_ =	sdelay $0x1  }
0x13d: {  	(erf) = vpow2.f32 v4;
	_ =	sdelay $0x8  }
0x13e: {  	v4 =	vpop (erf)  }
0x13f: {  	[tilespmem:v33+s7+$0x0] =	vst.idx.msk $0xffff, v4  }
0x140: {  	[tilespmem:v33+s17+$0x0] =	vst.idx.msk $0xffff, v4  }
0x141: {  	v4 =	vld.idx.msk [tilespmem:v35+s9+$0x0], $0xffff  }
0x142: {  	v6 =	vld.idx.msk [tilespmem:v36+s11+$0x0], $0xffff;
	_ =	sdelay $0x4  }
0x143: {  	v4 =	vadd.f32 v6, v4;
	_ =	sdelay $0x1  }
0x144: {  	v6 =	vmul.f32 $2.000000030e-01, v4  }
0x145: {  	vm13 =	vge.f32 v4, $0.0e+00  }
0x146: {  	v4 =	vsel vm13, v4, v6  }
0x147: {  	v4 =	vmul.f32 $1.442695020e+00, v4;
	_ =	sdelay $0x1  }
0x148: {  	(erf) = vpow2.f32 v4;
	_ =	sdelay $0x8  }
0x149: {  	v4 =	vpop (erf)  }
0x14a: {  	[tilespmem:v35+s7+$0x0] =	vst.idx.msk $0xffff, v4  }
0x14b: {  	[tilespmem:v35+s17+$0x0] =	vst.idx.msk $0xffff, v4  }
0x14c: {  	v4 =	vld.idx.msk [tilespmem:v37+s9+$0x0], $0xffff  }
0x14d: {  	v6 =	vld.idx.msk [tilespmem:v38+s11+$0x0], $0xffff;
	_ =	sdelay $0x4  }
0x14e: {  	v4 =	vadd.f32 v6, v4;
	_ =	sdelay $0x1  }
0x14f: {  	v6 =	vmul.f32 $2.000000030e-01, v4  }
0x150: {  	vm14 =	vge.f32 v4, $0.0e+00  }
0x151: {  	v4 =	vsel vm14, v4, v6  }
0x152: {  	v4 =	vmul.f32 $1.442695020e+00, v4;
	_ =	sdelay $0x1  }
0x153: {  	(erf) = vpow2.f32 v4;
	_ =	sdelay $0x8  }
0x154: {  	v4 =	vpop (erf)  }
0x155: {  	[tilespmem:v37+s7+$0x0] =	vst.idx.msk $0xffff, v4  }
0x156: {  	[tilespmem:v37+s17+$0x0] =	vst.idx.msk $0xffff, v4  }
0x157: {  	v4 =	vld.idx.msk [tilespmem:v39+s9+$0x0], $0xffff  }
0x158: {  	v6 =	vld.idx.msk [tilespmem:v40+s11+$0x0], $0xffff;
	_ =	sdelay $0x4  }
0x159: {  	v4 =	vadd.f32 v6, v4;
	_ =	sdelay $0x1  }
0x15a: {  	v6 =	vmul.f32 $2.000000030e-01, v4  }
0x15b: {  	vm15 =	vge.f32 v4, $0.0e+00  }
0x15c: {  	v4 =	vsel vm15, v4, v6  }
0x15d: {  	v4 =	vmul.f32 $1.442695020e+00, v4;
	_ =	sdelay $0x1  }
0x15e: {  	(erf) = vpow2.f32 v4;
	_ =	sdelay $0x8  }
0x15f: {  	v4 =	vpop (erf)  }
0x160: {  	[tilespmem:v39+s7+$0x0] =	vst.idx.msk $0xffff, v4  }
0x161: {  	[tilespmem:v39+s17+$0x0] =	vst.idx.msk $0xffff, v4  }
0x162: {  	v4 =	vld.idx.msk [tilespmem:v41+s9+$0x0], $0xffff  }
0x163: {  	v6 =	vld.idx.msk [tilespmem:v42+s11+$0x0], $0xffff;
	_ =	sdelay $0x4  }
0x164: {  	v4 =	vadd.f32 v6, v4;
	_ =	sdelay $0x1  }
0x165: {  	v6 =	vmul.f32 $2.000000030e-01, v4  }
0x166: {  	vm4 =	vge.f32 v4, $0.0e+00  }
0x167: {  	v4 =	vsel vm4, v4, v6  }
0x168: {  	v4 =	vmul.f32 $1.442695020e+00, v4;
	_ =	sdelay $0x1  }
0x169: {  	(erf) = vpow2.f32 v4;
	_ =	sdelay $0x8  }
0x16a: {  	v4 =	vpop (erf)  }
0x16b: {  	[tilespmem:v41+s7+$0x0] =	vst.idx.msk $0xffff, v4  }
0x16c: {  	[tilespmem:v41+s17+$0x0] =	vst.idx.msk $0xffff, v4  }
0x16d: {  	v4 =	vld.idx.msk [tilespmem:v43+s9+$0x0], $0xffff  }
0x16e: {  	v6 =	vld.idx.msk [tilespmem:v44+s11+$0x0], $0xffff;
	_ =	sdelay $0x4  }
0x16f: {  	v4 =	vadd.f32 v6, v4;
	_ =	sdelay $0x1  }
0x170: {  	v6 =	vmul.f32 $2.000000030e-01, v4  }
0x171: {  	vm5 =	vge.f32 v4, $0.0e+00  }
0x172: {  	v4 =	vsel vm5, v4, v6  }
0x173: {  	v4 =	vmul.f32 $1.442695020e+00, v4;
	_ =	sdelay $0x1  }
0x174: {  	(erf) = vpow2.f32 v4;
	_ =	sdelay $0x8  }
0x175: {  	v4 =	vpop (erf)  }
0x176: {  	[tilespmem:v43+s7+$0x0] =	vst.idx.msk $0xffff, v4  }
0x177: {  	[tilespmem:v43+s17+$0x0] =	vst.idx.msk $0xffff, v4  }
0x178: {  	v4 =	vld.idx.msk [tilespmem:v45+s9+$0x0], $0xffff  }
0x179: {  	v6 =	vld.idx.msk [tilespmem:v46+s11+$0x0], $0xffff;
	_ =	sdelay $0x4  }
0x17a: {  	v4 =	vadd.f32 v6, v4;
	_ =	sdelay $0x1  }
0x17b: {  	v6 =	vmul.f32 $2.000000030e-01, v4  }
0x17c: {  	vm6 =	vge.f32 v4, $0.0e+00  }
0x17d: {  	v4 =	vsel vm6, v4, v6  }
0x17e: {  	v4 =	vmul.f32 $1.442695020e+00, v4;
	_ =	sdelay $0x1  }
0x17f: {  	(erf) = vpow2.f32 v4;
	_ =	sdelay $0x8  }
0x180: {  	v4 =	vpop (erf)  }
0x181: {  	[tilespmem:v45+s7+$0x0] =	vst.idx.msk $0xffff, v4  }
0x182: {  	[tilespmem:v45+s17+$0x0] =	vst.idx.msk $0xffff, v4  }
0x183: {  	v4 =	vld.idx.msk [tilespmem:v47+s9+$0x0], $0xffff  }
0x184: {  	v6 =	vld.idx.msk [tilespmem:v48+s11+$0x0], $0xffff;
	_ =	sdelay $0x4  }
0x185: {  	v4 =	vadd.f32 v6, v4;
	_ =	sdelay $0x1  }
0x186: {  	v6 =	vmul.f32 $2.000000030e-01, v4  }
0x187: {  	vm7 =	vge.f32 v4, $0.0e+00  }
0x188: {  	v4 =	vsel vm7, v4, v6  }
0x189: {  	v4 =	vmul.f32 $1.442695020e+00, v4;
	_ =	sdelay $0x1  }
0x18a: {  	(erf) = vpow2.f32 v4;
	_ =	sdelay $0x8  }
0x18b: {  	v4 =	vpop (erf)  }
0x18c: {  	[tilespmem:v47+s7+$0x0] =	vst.idx.msk $0xffff, v4  }
0x18d: {  	[tilespmem:v47+s17+$0x0] =	vst.idx.msk $0xffff, v4  }
0x18e: {  	v4 =	vld.idx.msk [tilespmem:v49+s9+$0x0], $0xffff  }
0x18f: {  	v6 =	vld.idx.msk [tilespmem:v50+s11+$0x0], $0xffff;
	_ =	sdelay $0x4  }
0x190: {  	v4 =	vadd.f32 v6, v4;
	_ =	sdelay $0x1  }
0x191: {  	v6 =	vmul.f32 $2.000000030e-01, v4  }
0x192: {  	vm8 =	vge.f32 v4, $0.0e+00  }
0x193: {  	v4 =	vsel vm8, v4, v6  }
0x194: {  	v4 =	vmul.f32 $1.442695020e+00, v4;
	_ =	sdelay $0x1  }
0x195: {  	(erf) = vpow2.f32 v4;
	_ =	sdelay $0x8  }
0x196: {  	v4 =	vpop (erf)  }
0x197: {  	[tilespmem:v49+s7+$0x0] =	vst.idx.msk $0xffff, v4  }
0x198: {  	[tilespmem:v49+s17+$0x0] =	vst.idx.msk $0xffff, v4  }
0x199: {  	v4 =	vld.idx.msk [tilespmem:v51+s9+$0x0], $0xffff  }
0x19a: {  	v6 =	vld.idx.msk [tilespmem:v52+s11+$0x0], $0xffff;
	_ =	sdelay $0x4  }
0x19b: {  	v4 =	vadd.f32 v6, v4;
	_ =	sdelay $0x1  }
0x19c: {  	v6 =	vmul.f32 $2.000000030e-01, v4  }
0x19d: {  	vm9 =	vge.f32 v4, $0.0e+00  }
0x19e: {  	v4 =	vsel vm9, v4, v6  }
0x19f: {  	v4 =	vmul.f32 $1.442695020e+00, v4;
	_ =	sdelay $0x1  }
0x1a0: {  	(erf) = vpow2.f32 v4;
	_ =	sdelay $0x8  }
0x1a1: {  	v4 =	vpop (erf)  }
0x1a2: {  	[tilespmem:v51+s7+$0x0] =	vst.idx.msk $0xffff, v4  }
0x1a3: {  	[tilespmem:v51+s17+$0x0] =	vst.idx.msk $0xffff, v4  }
0x1a4: {  	v4 =	vld.idx.msk [tilespmem:v53+s9+$0x0], $0xffff  }
0x1a5: {  	v6 =	vld.idx.msk [tilespmem:v54+s11+$0x0], $0xffff;
	_ =	sdelay $0x4  }
0x1a6: {  	v4 =	vadd.f32 v6, v4;
	_ =	sdelay $0x1  }
0x1a7: {  	v6 =	vmul.f32 $2.000000030e-01, v4  }
0x1a8: {  	vm10 =	vge.f32 v4, $0.0e+00  }
0x1a9: {  	v4 =	vsel vm10, v4, v6  }
0x1aa: {  	v4 =	vmul.f32 $1.442695020e+00, v4;
	_ =	sdelay $0x1  }
0x1ab: {  	(erf) = vpow2.f32 v4;
	_ =	sdelay $0x8  }
0x1ac: {  	v4 =	vpop (erf)  }
0x1ad: {  	[tilespmem:v53+s7+$0x0] =	vst.idx.msk $0xffff, v4  }
0x1ae: {  	[tilespmem:v53+s17+$0x0] =	vst.idx.msk $0xffff, v4  }
0x1af: {  	v4 =	vld.idx.msk [tilespmem:v55+s9+$0x0], $0xffff  }
0x1b0: {  	v6 =	vld.idx.msk [tilespmem:v56+s11+$0x0], $0xffff;
	_ =	sdelay $0x4  }
0x1b1: {  	v4 =	vadd.f32 v6, v4;
	_ =	sdelay $0x1  }
0x1b2: {  	v6 =	vmul.f32 $2.000000030e-01, v4  }
0x1b3: {  	vm11 =	vge.f32 v4, $0.0e+00  }
0x1b4: {  	v4 =	vsel vm11, v4, v6  }
0x1b5: {  	v4 =	vmul.f32 $1.442695020e+00, v4;
	_ =	sdelay $0x1  }
0x1b6: {  	(erf) = vpow2.f32 v4;
	_ =	sdelay $0x8  }
0x1b7: {  	v4 =	vpop (erf)  }
0x1b8: {  	[tilespmem:v55+s7+$0x0] =	vst.idx.msk $0xffff, v4  }
0x1b9: {  	[tilespmem:v55+s17+$0x0] =	vst.idx.msk $0xffff, v4  }
0x1ba: {  	v4 =	vld.idx.msk [tilespmem:v57+s9+$0x0], $0xffff  }
0x1bb: {  	v6 =	vld.idx.msk [tilespmem:v58+s11+$0x0], $0xffff;
	_ =	sdelay $0x4  }
0x1bc: {  	v4 =	vadd.f32 v6, v4;
	_ =	sdelay $0x1  }
0x1bd: {  	v6 =	vmul.f32 $2.000000030e-01, v4  }
0x1be: {  	vm12 =	vge.f32 v4, $0.0e+00  }
0x1bf: {  	v4 =	vsel vm12, v4, v6  }
0x1c0: {  	v4 =	vmul.f32 $1.442695020e+00, v4;
	_ =	sdelay $0x1  }
0x1c1: {  	(erf) = vpow2.f32 v4;
	_ =	sdelay $0x8  }
0x1c2: {  	v4 =	vpop (erf)  }
0x1c3: {  	[tilespmem:v57+s7+$0x0] =	vst.idx.msk $0xffff, v4  }
0x1c4: {  	[tilespmem:v57+s17+$0x0] =	vst.idx.msk $0xffff, v4  }
0x1c5: {  	v4 =	vld.idx.msk [tilespmem:v59+s9+$0x0], $0xffff  }
0x1c6: {  	v6 =	vld.idx.msk [tilespmem:v60+s11+$0x0], $0xffff;
	_ =	sdelay $0x4  }
0x1c7: {  	v4 =	vadd.f32 v6, v4;
	_ =	sdelay $0x1  }
0x1c8: {  	v6 =	vmul.f32 $2.000000030e-01, v4  }
0x1c9: {  	vm13 =	vge.f32 v4, $0.0e+00  }
0x1ca: {  	v4 =	vsel vm13, v4, v6  }
0x1cb: {  	v4 =	vmul.f32 $1.442695020e+00, v4;
	_ =	sdelay $0x1  }
0x1cc: {  	(erf) = vpow2.f32 v4;
	_ =	sdelay $0x8  }
0x1cd: {  	v4 =	vpop (erf)  }
0x1ce: {  	[tilespmem:v59+s7+$0x0] =	vst.idx.msk $0xffff, v4  }
0x1cf: {  	[tilespmem:v59+s17+$0x0] =	vst.idx.msk $0xffff, v4  }
0x1d0: {  	v4 =	vld.idx.msk [tilespmem:v61+s9+$0x0], $0xffff  }
0x1d1: {  	v6 =	vld.idx.msk [tilespmem:v62+s11+$0x0], $0xffff;
	_ =	sdelay $0x4  }
0x1d2: {  	v4 =	vadd.f32 v6, v4;
	_ =	sdelay $0x1  }
0x1d3: {  	v6 =	vmul.f32 $2.000000030e-01, v4  }
0x1d4: {  	vm14 =	vge.f32 v4, $0.0e+00  }
0x1d5: {  	v4 =	vsel vm14, v4, v6  }
0x1d6: {  	v4 =	vmul.f32 $1.442695020e+00, v4;
	_ =	sdelay $0x1  }
0x1d7: {  	(erf) = vpow2.f32 v4;
	_ =	sdelay $0x8  }
0x1d8: {  	v4 =	vpop (erf)  }
0x1d9: {  	[tilespmem:v61+s7+$0x0] =	vst.idx.msk $0xffff, v4  }
0x1da: {  	[tilespmem:v61+s17+$0x0] =	vst.idx.msk $0xffff, v4  }
0x1db: {  	v4 =	vld.idx.msk [tilespmem:v63+s9+$0x0], $0xffff  }
0x1dc: {  	v6 =	vld.idx.msk [tilespmem:v2+s11+$0x0], $0xffff;
	_ =	sdelay $0x4  }
0x1dd: {  	v4 =	vadd.f32 v6, v4;
	_ =	sdelay $0x1  }
0x1de: {  	v6 =	vmul.f32 $2.000000030e-01, v4  }
0x1df: {  	vm15 =	vge.f32 v4, $0.0e+00  }
0x1e0: {  	v4 =	vsel vm15, v4, v6  }
0x1e1: {  	v4 =	vmul.f32 $1.442695020e+00, v4;
	_ =	sdelay $0x1  }
0x1e2: {  	(erf) = vpow2.f32 v4;
	_ =	sdelay $0x8  }
0x1e3: {  	v4 =	vpop (erf)  }
0x1e4: {  	[tilespmem:v63+s7+$0x0] =	vst.idx.msk $0xffff, v4  }
0x1e5: {  	[tilespmem:v63+s17+$0x0] =	vst.idx.msk $0xffff, v4  }
0x1e6: {  	_ =	swait.ge [sflag:s18], $0x4000  }
0x1e7: {  	[sflag:s18] =	ssyncset.done $0x0  }
0x1e8: {  	s2 =	simm.s32 $0x9C10;
	s0 =	simm.s32 $0x0;
	[sflag:s18] =	ssyncadd.s32 $0xFFFFC000  }
.LBB2_3:
0x1e9: {  	s19 =	sshll.u32 s0, $0x7  }
0x1ea: {  	v4 =	vor.u32 s19, v0;
	_ =	sdelay $0x2  }
0x1eb: {  	v6 =	vld [tilespmem:s2+$0xFFFFFFF0];
	_ =	sdelay $0x1  }
0x1ec: {  	v8 =	vld.idx.msk [tilespmem:v4+s5+$0x0], $0xffff;
	_ =	sdelay $0x1  }
0x1ed: {  	v10 =	vor.u32 $0x10, v0  }
0x1ee: {  	v14 =	vor.u32 s19, v10;
	v12 =	vbroadcast v6, $0x0;
	_ =	sdelay $0x1  }
0x1ef: {  	v8 =	vmul.f32 v12, v8;
	_ =	sdelay $0x1  }
0x1f0: {  	[tilespmem:v4+s5+$0x0] =	vst.idx.msk $0xffff, v8  }
0x1f1: {  	v4 =	vld.idx.msk [tilespmem:v14+s5+$0x0], $0xffff;
	_ =	sdelay $0x1  }
0x1f2: {  	v8 =	vor.u32 $0x20, v0  }
0x1f3: {  	v16 =	vor.u32 s19, v8;
	_ =	sdelay $0x1  }
0x1f4: {  	v4 =	vmul.f32 v4, v12;
	_ =	sdelay $0x1  }
0x1f5: {  	[tilespmem:v14+s5+$0x0] =	vst.idx.msk $0xffff, v4  }
0x1f6: {  	v4 =	vld.idx.msk [tilespmem:v16+s5+$0x0], $0xffff;
	_ =	sdelay $0x1  }
0x1f7: {  	v12 =	vor.u32 $0x30, v0  }
0x1f8: {  	v18 =	vor.u32 s19, v12;
	v14 =	vbroadcast v6, $0x1;
	_ =	sdelay $0x1  }
0x1f9: {  	v4 =	vmul.f32 v4, v14;
	_ =	sdelay $0x1  }
0x1fa: {  	[tilespmem:v16+s5+$0x0] =	vst.idx.msk $0xffff, v4  }
0x1fb: {  	v4 =	vld.idx.msk [tilespmem:v18+s5+$0x0], $0xffff;
	_ =	sdelay $0x1  }
0x1fc: {  	v16 =	vor.u32 $0x40, v0  }
0x1fd: {  	v20 =	vor.u32 s19, v16;
	_ =	sdelay $0x1  }
0x1fe: {  	v4 =	vmul.f32 v4, v14;
	_ =	sdelay $0x1  }
0x1ff: {  	[tilespmem:v18+s5+$0x0] =	vst.idx.msk $0xffff, v4  }
0x200: {  	v4 =	vld.idx.msk [tilespmem:v20+s5+$0x0], $0xffff;
	_ =	sdelay $0x1  }
0x201: {  	v14 =	vor.u32 $0x50, v0  }
0x202: {  	v22 =	vor.u32 s19, v14;
	v18 =	vbroadcast v6, $0x2;
	_ =	sdelay $0x1  }
0x203: {  	v4 =	vmul.f32 v4, v18;
	_ =	sdelay $0x1  }
0x204: {  	[tilespmem:v20+s5+$0x0] =	vst.idx.msk $0xffff, v4  }
0x205: {  	v4 =	vld.idx.msk [tilespmem:v22+s5+$0x0], $0xffff;
	_ =	sdelay $0x1  }
0x206: {  	v20 =	vor.u32 $0x60, v0  }
0x207: {  	v24 =	vor.u32 s19, v20;
	_ =	sdelay $0x1  }
0x208: {  	v4 =	vmul.f32 v4, v18;
	_ =	sdelay $0x1  }
0x209: {  	[tilespmem:v22+s5+$0x0] =	vst.idx.msk $0xffff, v4  }
0x20a: {  	v4 =	vld.idx.msk [tilespmem:v24+s5+$0x0], $0xffff;
	_ =	sdelay $0x1  }
0x20b: {  	v18 =	vor.u32 $0x70, v0  }
0x20c: {  	v6 =	vbroadcast v6, $0x3;
	v22 =	vor.u32 s19, v18;
	_ =	sdelay $0x1  }
0x20d: {  	v4 =	vmul.f32 v4, v6;
	_ =	sdelay $0x1  }
0x20e: {  	[tilespmem:v24+s5+$0x0] =	vst.idx.msk $0xffff, v4  }
0x20f: {  	v4 =	vld.idx.msk [tilespmem:v22+s5+$0x0], $0xffff;
	_ =	sdelay $0x3  }
0x210: {  	s20 =	sadd.s32 $0x80, s19  }
0x211: {  	v4 =	vmul.f32 v4, v6;
	v6 =	vor.u32 s20, v0;
	_ =	sdelay $0x1  }
0x212: {  	[tilespmem:v22+s5+$0x0] =	vst.idx.msk $0xffff, v4  }
0x213: {  	v4 =	vld [tilespmem:s2+$0xFFFFFFF8];
	_ =	sdelay $0x1  }
0x214: {  	v22 =	vld.idx.msk [tilespmem:v6+s5+$0x0], $0xffff;
	_ =	sdelay $0x2  }
0x215: {  	v26 =	vor.u32 s20, v10;
	v24 =	vbroadcast v4, $0x0;
	_ =	sdelay $0x1  }
0x216: {  	v22 =	vmul.f32 v24, v22;
	_ =	sdelay $0x1  }
0x217: {  	[tilespmem:v6+s5+$0x0] =	vst.idx.msk $0xffff, v22  }
0x218: {  	v6 =	vld.idx.msk [tilespmem:v26+s5+$0x0], $0xffff;
	_ =	sdelay $0x2  }
0x219: {  	v22 =	vor.u32 s20, v8;
	_ =	sdelay $0x1  }
0x21a: {  	v6 =	vmul.f32 v6, v24;
	_ =	sdelay $0x1  }
0x21b: {  	[tilespmem:v26+s5+$0x0] =	vst.idx.msk $0xffff, v6  }
0x21c: {  	v6 =	vld.idx.msk [tilespmem:v22+s5+$0x0], $0xffff;
	_ =	sdelay $0x2  }
0x21d: {  	v24 =	vbroadcast v4, $0x1;
	v26 =	vor.u32 s20, v12;
	_ =	sdelay $0x1  }
0x21e: {  	v6 =	vmul.f32 v6, v24;
	_ =	sdelay $0x1  }
0x21f: {  	[tilespmem:v22+s5+$0x0] =	vst.idx.msk $0xffff, v6  }
0x220: {  	v6 =	vld.idx.msk [tilespmem:v26+s5+$0x0], $0xffff;
	_ =	sdelay $0x2  }
0x221: {  	v22 =	vor.u32 s20, v16;
	_ =	sdelay $0x1  }
0x222: {  	v6 =	vmul.f32 v6, v24;
	_ =	sdelay $0x1  }
0x223: {  	[tilespmem:v26+s5+$0x0] =	vst.idx.msk $0xffff, v6  }
0x224: {  	v6 =	vld.idx.msk [tilespmem:v22+s5+$0x0], $0xffff;
	_ =	sdelay $0x2  }
0x225: {  	v24 =	vbroadcast v4, $0x2;
	v26 =	vor.u32 s20, v14;
	_ =	sdelay $0x1  }
0x226: {  	v6 =	vmul.f32 v6, v24;
	_ =	sdelay $0x1  }
0x227: {  	[tilespmem:v22+s5+$0x0] =	vst.idx.msk $0xffff, v6  }
0x228: {  	v6 =	vld.idx.msk [tilespmem:v26+s5+$0x0], $0xffff;
	_ =	sdelay $0x2  }
0x229: {  	v22 =	vor.u32 s20, v20;
	_ =	sdelay $0x1  }
0x22a: {  	v6 =	vmul.f32 v6, v24;
	_ =	sdelay $0x1  }
0x22b: {  	[tilespmem:v26+s5+$0x0] =	vst.idx.msk $0xffff, v6  }
0x22c: {  	v6 =	vld.idx.msk [tilespmem:v22+s5+$0x0], $0xffff;
	_ =	sdelay $0x2  }
0x22d: {  	v4 =	vbroadcast v4, $0x3;
	v24 =	vor.u32 s20, v18;
	_ =	sdelay $0x1  }
0x22e: {  	v6 =	vmul.f32 v6, v4;
	_ =	sdelay $0x1  }
0x22f: {  	[tilespmem:v22+s5+$0x0] =	vst.idx.msk $0xffff, v6  }
0x230: {  	v6 =	vld.idx.msk [tilespmem:v24+s5+$0x0], $0xffff;
	_ =	sdelay $0x3  }
0x231: {  	s28 =	sadd.s32 $0x100, s19  }
0x232: {  	v4 =	vmul.f32 v6, v4;
	v6 =	vor.u32 s28, v0;
	_ =	sdelay $0x1  }
0x233: {  	[tilespmem:v24+s5+$0x0] =	vst.idx.msk $0xffff, v4  }
0x234: {  	v4 =	vld [tilespmem:s2+$0x0];
	_ =	sdelay $0x1  }
0x235: {  	v22 =	vld.idx.msk [tilespmem:v6+s5+$0x0], $0xffff;
	_ =	sdelay $0x2  }
0x236: {  	v26 =	vor.u32 s28, v10;
	v24 =	vbroadcast v4, $0x0;
	_ =	sdelay $0x1  }
0x237: {  	v22 =	vmul.f32 v24, v22;
	_ =	sdelay $0x1  }
0x238: {  	[tilespmem:v6+s5+$0x0] =	vst.idx.msk $0xffff, v22  }
0x239: {  	v6 =	vld.idx.msk [tilespmem:v26+s5+$0x0], $0xffff;
	_ =	sdelay $0x2  }
0x23a: {  	v22 =	vor.u32 s28, v8;
	_ =	sdelay $0x1  }
0x23b: {  	v6 =	vmul.f32 v6, v24;
	_ =	sdelay $0x1  }
0x23c: {  	[tilespmem:v26+s5+$0x0] =	vst.idx.msk $0xffff, v6  }
0x23d: {  	v6 =	vld.idx.msk [tilespmem:v22+s5+$0x0], $0xffff;
	_ =	sdelay $0x2  }
0x23e: {  	v24 =	vbroadcast v4, $0x1;
	v26 =	vor.u32 s28, v12;
	_ =	sdelay $0x1  }
0x23f: {  	v6 =	vmul.f32 v6, v24;
	_ =	sdelay $0x1  }
0x240: {  	[tilespmem:v22+s5+$0x0] =	vst.idx.msk $0xffff, v6  }
0x241: {  	v6 =	vld.idx.msk [tilespmem:v26+s5+$0x0], $0xffff;
	_ =	sdelay $0x2  }
0x242: {  	v22 =	vor.u32 s28, v16;
	_ =	sdelay $0x1  }
0x243: {  	v6 =	vmul.f32 v6, v24;
	_ =	sdelay $0x1  }
0x244: {  	[tilespmem:v26+s5+$0x0] =	vst.idx.msk $0xffff, v6  }
0x245: {  	v6 =	vld.idx.msk [tilespmem:v22+s5+$0x0], $0xffff;
	_ =	sdelay $0x2  }
0x246: {  	v24 =	vbroadcast v4, $0x2;
	v26 =	vor.u32 s28, v14;
	_ =	sdelay $0x1  }
0x247: {  	v6 =	vmul.f32 v6, v24;
	_ =	sdelay $0x1  }
0x248: {  	[tilespmem:v22+s5+$0x0] =	vst.idx.msk $0xffff, v6  }
0x249: {  	v6 =	vld.idx.msk [tilespmem:v26+s5+$0x0], $0xffff;
	_ =	sdelay $0x2  }
0x24a: {  	v22 =	vor.u32 s28, v20;
	_ =	sdelay $0x1  }
0x24b: {  	v6 =	vmul.f32 v6, v24;
	_ =	sdelay $0x1  }
0x24c: {  	[tilespmem:v26+s5+$0x0] =	vst.idx.msk $0xffff, v6  }
0x24d: {  	v6 =	vld.idx.msk [tilespmem:v22+s5+$0x0], $0xffff;
	_ =	sdelay $0x2  }
0x24e: {  	v4 =	vbroadcast v4, $0x3;
	v24 =	vor.u32 s28, v18;
	_ =	sdelay $0x1  }
0x24f: {  	v6 =	vmul.f32 v6, v4;
	_ =	sdelay $0x1  }
0x250: {  	[tilespmem:v22+s5+$0x0] =	vst.idx.msk $0xffff, v6  }
0x251: {  	v6 =	vld.idx.msk [tilespmem:v24+s5+$0x0], $0xffff;
	_ =	sdelay $0x3  }
0x252: {  	s19 =	sadd.s32 $0x180, s19  }
0x253: {  	v4 =	vmul.f32 v6, v4;
	v6 =	vor.u32 s19, v0;
	_ =	sdelay $0x1  }
0x254: {  	[tilespmem:v24+s5+$0x0] =	vst.idx.msk $0xffff, v4  }
0x255: {  	v4 =	vld [tilespmem:s2+$0x8];
	_ =	sdelay $0x1  }
0x256: {  	v22 =	vld.idx.msk [tilespmem:v6+s5+$0x0], $0xffff;
	_ =	sdelay $0x2  }
0x257: {  	v10 =	vor.u32 s19, v10;
	v24 =	vbroadcast v4, $0x0;
	_ =	sdelay $0x1  }
0x258: {  	v22 =	vmul.f32 v24, v22;
	_ =	sdelay $0x1  }
0x259: {  	[tilespmem:v6+s5+$0x0] =	vst.idx.msk $0xffff, v22  }
0x25a: {  	v6 =	vld.idx.msk [tilespmem:v10+s5+$0x0], $0xffff;
	_ =	sdelay $0x2  }
0x25b: {  	v8 =	vor.u32 s19, v8;
	_ =	sdelay $0x1  }
0x25c: {  	v6 =	vmul.f32 v6, v24;
	_ =	sdelay $0x1  }
0x25d: {  	[tilespmem:v10+s5+$0x0] =	vst.idx.msk $0xffff, v6  }
0x25e: {  	v6 =	vld.idx.msk [tilespmem:v8+s5+$0x0], $0xffff;
	_ =	sdelay $0x2  }
0x25f: {  	v12 =	vor.u32 s19, v12;
	v10 =	vbroadcast v4, $0x1;
	_ =	sdelay $0x1  }
0x260: {  	v6 =	vmul.f32 v6, v10;
	_ =	sdelay $0x1  }
0x261: {  	[tilespmem:v8+s5+$0x0] =	vst.idx.msk $0xffff, v6  }
0x262: {  	v6 =	vld.idx.msk [tilespmem:v12+s5+$0x0], $0xffff;
	_ =	sdelay $0x2  }
0x263: {  	v8 =	vor.u32 s19, v16;
	_ =	sdelay $0x1  }
0x264: {  	v6 =	vmul.f32 v6, v10;
	_ =	sdelay $0x1  }
0x265: {  	[tilespmem:v12+s5+$0x0] =	vst.idx.msk $0xffff, v6  }
0x266: {  	v6 =	vld.idx.msk [tilespmem:v8+s5+$0x0], $0xffff;
	_ =	sdelay $0x2  }
0x267: {  	v10 =	vbroadcast v4, $0x2;
	v12 =	vor.u32 s19, v14;
	_ =	sdelay $0x1  }
0x268: {  	v6 =	vmul.f32 v6, v10;
	_ =	sdelay $0x1  }
0x269: {  	[tilespmem:v8+s5+$0x0] =	vst.idx.msk $0xffff, v6  }
0x26a: {  	v6 =	vld.idx.msk [tilespmem:v12+s5+$0x0], $0xffff;
	_ =	sdelay $0x2  }
0x26b: {  	v8 =	vor.u32 s19, v20;
	_ =	sdelay $0x1  }
0x26c: {  	v6 =	vmul.f32 v6, v10;
	_ =	sdelay $0x1  }
0x26d: {  	[tilespmem:v12+s5+$0x0] =	vst.idx.msk $0xffff, v6  }
0x26e: {  	v6 =	vld.idx.msk [tilespmem:v8+s5+$0x0], $0xffff;
	_ =	sdelay $0x2  }
0x26f: {  	v4 =	vbroadcast v4, $0x3;
	v10 =	vor.u32 s19, v18;
	_ =	sdelay $0x1  }
0x270: {  	v6 =	vmul.f32 v6, v4;
	_ =	sdelay $0x1  }
0x271: {  	[tilespmem:v8+s5+$0x0] =	vst.idx.msk $0xffff, v6  }
0x272: {  	v6 =	vld.idx.msk [tilespmem:v10+s5+$0x0], $0xffff;
	_ =	sdelay $0x1  }
0x273: {  	p1 =	slt.u32 s0, $0x7C  }
.Ltmp0:
0x274: {  	_ = 	snop;
	(pc) =	sbr.rel @p1 .LBB2_3-.Ltmp0, $3  }
0x275: {  	_ = 	snop  }
0x276: {  	v4 =	vmul.f32 v6, v4;
	_ =	sdelay $0x1  }
0x277: {  	s0 =	sadd.s32 $0x4, s0;
	s2 =	sadd.s32 $0x20, s2;
	[tilespmem:v10+s5+$0x0] =	vst.idx.msk $0xffff, v4  }
0x278: {  	[spmem:s10] =	stream.indirect.scatter.add.f32 [tilespmem:s5], [sflag:$0x3], $0x80, s13, s8, $0xb8;
	[tilespmem:$0x1EC58] =	vst v63  }
0x279: {  	s31 =	sadd.s32 $0x1, s31;
	_ =	swait.ge [sflag:s6], $0x4000  }
0x27a: {  	p1 =	sne.s32 s31, $0x50;
	[sflag:s6] =	ssyncset.done $0x0  }
.Ltmp1:
0x27b: {  	[sflag:s6] =	ssyncadd.s32 $0xFFFFC000;
	(pc) =	sbr.rel @p1 .LBB2_2-.Ltmp1, $4  }
0x27c: {  	[spmem:s12] =	stream.indirect.scatter.add.f32 [tilespmem:s7], [sflag:$0x3], $0x8, s13, s8, $0xb8;
	[tilespmem:$0x1EC58] =	vst v63  }
0x27d: {  	_ =	swait.ge [sflag:s6], $0x400  }
0x27e: {  	[sflag:s6] =	ssyncset.done $0x0  }
0x27f: {  	[sflag:s6] =	ssyncadd.s32 $0xFFFFFC00  }
0x280: {  	[bflag:$0x0] =	sbarrier.arrive $0xFFFF  }
0x281: {  	[tilespmem:s5], [sflag:$0x3] =	stream.linear.gather [spmem:s21], $0x4000, $0x38;
	[tilespmem:$0x1EC58] =	vst v63  }
0x282: {  	_ =	swait.ge [sflag:s6], $0x4000  }
0x283: {  	[sflag:s6] =	ssyncset.done $0x0  }
0x284: {  	s0 =	rddreg [dreg:$0x5];
	[sflag:s6] =	ssyncadd.s32 $0xFFFFC000  }
0x285: {  	[hbm4b:s0+s1] =	stream.linear.scatter [tilespmem:s5], [sflag:$0x3], $0x4000, $0x38;
	[tilespmem:$0x1EC58] =	vst v63  }
0x286: {  	_ =	swait.ge [sflag:s6], $0x4000  }
0x287: {  	[sflag:s6] =	ssyncset.done $0x0  }
0x288: {  	[sflag:s6] =	ssyncadd.s32 $0xFFFFC000  }
0x289: {  	[tilespmem:s7], [sflag:$0x3] =	stream.linear.gather [spmem:s22], $0x400, $0x38;
	[tilespmem:$0x1EC58] =	vst v63  }
0x28a: {  	_ =	swait.ge [sflag:s6], $0x400  }
0x28b: {  	[sflag:s6] =	ssyncset.done $0x0  }
0x28c: {  	s2 =	rddreg [dreg:$0x6];
	[sflag:s6] =	ssyncadd.s32 $0xFFFFFC00  }
0x28d: {  	[hbm4b:s2+s1] =	stream.linear.scatter [tilespmem:s7], [sflag:$0x3], $0x400, $0x38;
	[tilespmem:$0x1EC58] =	vst v63  }
0x28e: {  	_ =	swait.ge [sflag:s6], $0x400  }
0x28f: {  	[sflag:s6] =	ssyncset.done $0x0  }
0x290: {  	[sflag:s6] =	ssyncadd.s32 $0xFFFFFC00  }
0x291: {  	[tilespmem:s5], [sflag:$0x3] =	stream.linear.gather [spmem:s23], $0x4000, $0x38;
	[tilespmem:$0x1EC58] =	vst v63  }
0x292: {  	_ =	swait.ge [sflag:s6], $0x4000  }
0x293: {  	[sflag:s6] =	ssyncset.done $0x0  }
0x294: {  	s13 =	rddreg [dreg:$0x7];
	[sflag:s6] =	ssyncadd.s32 $0xFFFFC000  }
0x295: {  	[hbm4b:s13+s1] =	stream.linear.scatter [tilespmem:s5], [sflag:$0x3], $0x4000, $0x38;
	[tilespmem:$0x1EC58] =	vst v63  }
0x296: {  	_ =	swait.ge [sflag:s6], $0x4000  }
0x297: {  	[sflag:s6] =	ssyncset.done $0x0  }
0x298: {  	[sflag:s6] =	ssyncadd.s32 $0xFFFFC000  }
0x299: {  	[tilespmem:s7], [sflag:$0x3] =	stream.linear.gather [spmem:s26], $0x400, $0x38;
	[tilespmem:$0x1EC58] =	vst v63  }
0x29a: {  	_ =	swait.ge [sflag:s6], $0x400  }
0x29b: {  	[sflag:s6] =	ssyncset.done $0x0  }
0x29c: {  	s20 =	smov.u32 s21;
	s21 =	rddreg [dreg:$0x8];
	[sflag:s6] =	ssyncadd.s32 $0xFFFFFC00  }
0x29d: {  	[hbm4b:s21+s1] =	stream.linear.scatter [tilespmem:s7], [sflag:$0x3], $0x400, $0x38;
	[tilespmem:$0x1EC58] =	vst v63  }
0x29e: {  	_ =	swait.ge [sflag:s6], $0x400  }
0x29f: {  	[sflag:s6] =	ssyncset.done $0x0  }
0x2a0: {  	[sflag:s6] =	ssyncadd.s32 $0xFFFFFC00  }
0x2a1: {  	[tilespmem:s5], [sflag:$0x3] =	stream.linear.gather [spmem:s25], $0x4000, $0x38;
	[tilespmem:$0x1EC58] =	vst v63  }
0x2a2: {  	_ =	swait.ge [sflag:s6], $0x4000  }
0x2a3: {  	[sflag:s6] =	ssyncset.done $0x0  }
0x2a4: {  	s31 =	smov.u32 s22;
	s22 =	rddreg [dreg:$0x9];
	[sflag:s6] =	ssyncadd.s32 $0xFFFFC000  }
0x2a5: {  	[hbm4b:s22+s1] =	stream.linear.scatter [tilespmem:s5], [sflag:$0x3], $0x4000, $0x38;
	[tilespmem:$0x1EC58] =	vst v63  }
0x2a6: {  	_ =	swait.ge [sflag:s6], $0x4000  }
0x2a7: {  	[sflag:s6] =	ssyncset.done $0x0  }
0x2a8: {  	s24 =	smov.u32 s26;
	s26 =	rddreg [dreg:$0x18];
	[sflag:s6] =	ssyncadd.s32 $0xFFFFC000  }
0x2a9: {  	[tilespmem:s7], [sflag:$0x3] =	stream.linear.gather [spmem:s26], $0x400, $0x38;
	[tilespmem:$0x1EC58] =	vst v63  }
0x2aa: {  	_ =	swait.ge [sflag:s6], $0x400  }
0x2ab: {  	[sflag:s6] =	ssyncset.done $0x0  }
0x2ac: {  	s19 =	smov.u32 s23;
	s23 =	rddreg [dreg:$0xc];
	[sflag:s6] =	ssyncadd.s32 $0xFFFFFC00  }
0x2ad: {  	[hbm4b:s23+s1] =	stream.linear.scatter [tilespmem:s7], [sflag:$0x3], $0x400, $0x38;
	[tilespmem:$0x1EC58] =	vst v63  }
0x2ae: {  	_ =	swait.ge [sflag:s6], $0x400  }
0x2af: {  	[sflag:s6] =	ssyncset.done $0x0  }
0x2b0: {  	s28 =	rddreg [dreg:$0x12];
	[sflag:s6] =	ssyncadd.s32 $0xFFFFFC00  }
0x2b1: {  	[tilespmem:s5], [sflag:$0x3] =	stream.linear.gather [spmem:s28], $0x4000, $0x38;
	[tilespmem:$0x1EC58] =	vst v63  }
0x2b2: {  	_ =	swait.ge [sflag:s6], $0x4000  }
0x2b3: {  	[sflag:s6] =	ssyncset.done $0x0  }
0x2b4: {  	s2 =	rddreg [dreg:$0xa];
	[sflag:s6] =	ssyncadd.s32 $0xFFFFC000  }
0x2b5: {  	[hbm4b:s2+s1] =	stream.linear.scatter [tilespmem:s5], [sflag:$0x3], $0x4000, $0x38;
	[tilespmem:$0x1EC58] =	vst v63  }
0x2b6: {  	_ =	swait.ge [sflag:s6], $0x4000  }
0x2b7: {  	[sflag:s6] =	ssyncset.done $0x0  }
0x2b8: {  	s21 =	rddreg [dreg:$0x11];
	[sflag:s6] =	ssyncadd.s32 $0xFFFFC000  }
0x2b9: {  	[tilespmem:s7], [sflag:$0x3] =	stream.linear.gather [spmem:s21], $0x400, $0x38;
	[tilespmem:$0x1EC58] =	vst v63  }
0x2ba: {  	_ =	swait.ge [sflag:s6], $0x400  }
0x2bb: {  	[sflag:s6] =	ssyncset.done $0x0  }
0x2bc: {  	s13 =	rddreg [dreg:$0xd];
	[sflag:s6] =	ssyncadd.s32 $0xFFFFFC00  }
0x2bd: {  	[hbm4b:s13+s1] =	stream.linear.scatter [tilespmem:s7], [sflag:$0x3], $0x400, $0x38;
	[tilespmem:$0x1EC58] =	vst v63  }
0x2be: {  	_ =	swait.ge [sflag:s6], $0x400  }
0x2bf: {  	[sflag:s6] =	ssyncset.done $0x0  }
0x2c0: {  	[sflag:s6] =	ssyncadd.s32 $0xFFFFFC00  }
0x2c1: {  	[tilespmem:s5], [sflag:$0x3] =	stream.linear.gather [spmem:s3], $0x3800, $0x38;
	[tilespmem:$0x1EC58] =	vst v63  }
0x2c2: {  	_ =	swait.ge [sflag:s6], $0x3800  }
0x2c3: {  	[sflag:s6] =	ssyncset.done $0x0  }
0x2c4: {  	s22 =	rddreg [dreg:$0xb];
	[sflag:s6] =	ssyncadd.s32 $0xFFFFC800  }
0x2c5: {  	[hbm4b:s22+s1] =	stream.linear.scatter [tilespmem:s5], [sflag:$0x3], $0x3800, $0x38;
	[tilespmem:$0x1EC58] =	vst v63  }
0x2c6: {  	_ =	swait.ge [sflag:s6], $0x3800  }
0x2c7: {  	[sflag:s6] =	ssyncset.done $0x0  }
0x2c8: {  	[sflag:s6] =	ssyncadd.s32 $0xFFFFC800  }
0x2c9: {  	[tilespmem:s7], [sflag:$0x3] =	stream.linear.gather [spmem:s4], $0x380, $0x38;
	[tilespmem:$0x1EC58] =	vst v63  }
0x2ca: {  	_ =	swait.ge [sflag:s6], $0x380  }
0x2cb: {  	[sflag:s6] =	ssyncset.done $0x0  }
0x2cc: {  	s23 =	rddreg [dreg:$0xe];
	[sflag:s6] =	ssyncadd.s32 $0xFFFFFC80  }
0x2cd: {  	[hbm4b:s23+s1] =	stream.linear.scatter [tilespmem:s7], [sflag:$0x3], $0x380, $0x38;
	[tilespmem:$0x1EC58] =	vst v63  }
0x2ce: {  	_ =	swait.ge [sflag:s6], $0x380  }
0x2cf: {  	[sflag:s6] =	ssyncset.done $0x0  }
0x2d0: {  	s0 =	simm.s32 @!p0 $0x5000;
	s2 =	simm.s32 @!p0 $0x3;
	[sflag:s6] =	ssyncadd.s32 $0xFFFFFC80  }
0x2d1: {  	[tilespmem:s0], [sflag:$0x3] =	stream.linear.gather @!p0 [spmem:s29], $0x800, $0x38;
	[tilespmem:$0x1EC58] =	vst v63  }
0x2d2: {  	_ =	swait.ge @!p0 [sflag:s2], $0x800  }
0x2d3: {  	[sflag:s2] =	ssyncset.done @!p0 $0x0  }
0x2d4: {  	s13 =	simm.s32 @!p0 $0x0;
	s22 =	rddreg [dreg:$0x15];
	[sflag:s2] =	ssyncadd.s32 @!p0 $0xFFFFF800  }
0x2d5: {  	[hbm4b:s22+s13] =	stream.linear.scatter @!p0 [tilespmem:s0], [sflag:$0x3], $0x800, $0x38;
	[tilespmem:$0x1EC58] =	vst v63  }
0x2d6: {  	_ =	swait.ge @!p0 [sflag:s2], $0x800  }
0x2d7: {  	[sflag:s2] =	ssyncset.done @!p0 $0x0  }
0x2d8: {  	s0 =	simm.s32 @!p0 $0x9800;
	s23 =	rddreg [dreg:$0x19];
	[sflag:s2] =	ssyncadd.s32 @!p0 $0xFFFFF800  }
0x2d9: {  	[tilespmem:s0], [sflag:$0x3] =	stream.linear.gather @!p0 [spmem:s23], $0x80, $0x38;
	[tilespmem:$0x1EC58] =	vst v63  }
0x2da: {  	_ =	swait.ge @!p0 [sflag:s2], $0x80  }
0x2db: {  	[sflag:s2] =	ssyncset.done @!p0 $0x0  }
0x2dc: {  	s22 =	rddreg [dreg:$0x16];
	[sflag:s2] =	ssyncadd.s32 @!p0 $0xFFFFFF80  }
0x2dd: {  	[hbm4b:s22+s13] =	stream.linear.scatter @!p0 [tilespmem:s0], [sflag:$0x3], $0x80, $0x38;
	[tilespmem:$0x1EC58] =	vst v63  }
0x2de: {  	_ =	swait.ge @!p0 [sflag:s2], $0x80  }
0x2df: {  	s30 =	sadd.s32 $0x1, s30;
	s13 =	smov.u32 s24;
	s24 =	rddreg [dreg:$0x17]  }
0x2e0: {  	p1 =	sne.s32 s30, s24  }
.Ltmp2:
0x2e1: {  	_ = 	snop;
	(pc) =	sbr.rel @p1 .LBB2_1-.Ltmp2, $3  }
0x2e2: {  	_ =	sdelay $0x1  }
0x2e3: {  	[sflag:s2] =	ssyncset.done @!p0 $0x0  }
0x2e4: {  	[sflag:s2] =	ssyncadd.s32 @!p0 $0xFFFFFF80  }
0x2e5: {  	_ =	sfence.sel $0x180000  }
0x2e6: {  	[bflag:$0x0] =	sbarrier.arrive $0xFFFF  }
0x2e7: {  	_ =	strace $0x90000047  }
0x2e8: {  	s0 =	stileid.u32;
	[bflag:$0x2] =	sbarrier.arrive $0xFFFF  }
0x2e9: {  	p0 =	sne.s32 s0, $0x0;
	s0 =	rddreg [dreg:$0x4]  }
0x2ea: {  	s0 =	sadd.s32 @!p0 $0x100000, s0  }
0x2eb: {  	[sflag:s0] =	ssyncadd.tile.s32 @!p0 $0x1;
	_ =	shalt  }
.Lfunc_end2:
_tile_overlayer_lowered:
.L_overlay_start_2:
0x2ec: {  	(tag) =	ssettag $0x2  }
0x2ed: {  	s0 =	rddreg [dreg:$0x0];
	s2 =	stileid.u32  }
0x2ee: {  	s1 =	rddreg [dreg:$0x1];
	p0 =	sne.s32 s2, $0x0  }
0x2ef: {  	s3 =	rddreg [dreg:$0x2];
	[bflag:$0x3] =	sbarrier.arrive $0xFFFF;
	s2 =	simm.s32 @!p0 $0x1C03  }
0x2f0: {  	[timem:s3], [sflag:s2] =	dma.local @!p0 [hbm:s0], s1  }
0x2f1: {  	s0 =	simm.s32 @!p0 $0x3  }
0x2f2: {  	_ =	swait.ge @!p0 [sflag:s0], s1  }
0x2f3: {  	s1 =	ssub.s32 @!p0 $0x0, s1;
	[sflag:s0] =	ssyncset.done @!p0 $0x0  }
0x2f4: {  	[sflag:s0] =	ssyncadd.s32 @!p0 s1  }
0x2f5: {  	[bflag:$0x3] =	sbarrier.arrive $0xFFFF  }
0x2f6: {  	_ =	shalt  }

</sc_bundles>
